<compile_context>
chip_gen: v7x
topology: tpu7x:2x2x1
jax: 0.10.2.dev20260603
libtpu: 0.0.44.dev20260713+nightly
codegen_flags: <defaults>
</compile_context>

<pallas_src>
import functools

import jax
import jax.numpy as jnp
from jax import lax
from jax.experimental import pallas as pl
from jax.experimental.pallas import tpu as pltpu
from jax.experimental.pallas import tpu_sc as plsc

N_PAD = 10240
ROW_BLK = 512
SC_CORES = 2
SC_SUBCORES = 16
EDGE_BLK = 64



def _node_body(x_ref, w_ref, b_ref, out_ref):
    z = jnp.dot(x_ref[...], w_ref[...], preferred_element_type=jnp.float32,
                precision=lax.Precision.HIGHEST)
    z = jnp.maximum(z + b_ref[...], 0.0)
    out_ref[0] = z[:, :128]
    out_ref[1] = z[:, 128:]


def _node_proj(x_pad, node_w, node_b):
    grid = (N_PAD // ROW_BLK,)
    return pl.pallas_call(
        _node_body,
        grid=grid,
        in_specs=[
            pl.BlockSpec((ROW_BLK, 128), lambda i: (i, 0)),
            pl.BlockSpec((128, 256), lambda i: (0, 0)),
            pl.BlockSpec((1, 256), lambda i: (0, 0)),
        ],
        out_specs=pl.BlockSpec((2, ROW_BLK, 128), lambda i: (0, i, 0)),
        out_shape=jax.ShapeDtypeStruct((2, N_PAD, 128), jnp.float32),
    )(x_pad, node_w, node_b.reshape(1, 256))


def _gin_body(h_ref, a_ref, s_ref, w1_ref, b1_ref, w2_ref, b2_ref, out_ref):
    h = jnp.concatenate([h_ref[0], h_ref[1]], axis=1)
    agg = jnp.concatenate([a_ref[0], a_ref[1]], axis=1)
    z = h * s_ref[...] + agg
    z = jnp.dot(z, w1_ref[...], preferred_element_type=jnp.float32,
                precision=lax.Precision.HIGHEST)
    z = jnp.maximum(z + b1_ref[...], 0.0)
    z = jnp.dot(z, w2_ref[...], preferred_element_type=jnp.float32,
                precision=lax.Precision.HIGHEST)
    z = jnp.maximum(z + b2_ref[...], 0.0)
    out_ref[0] = z[:, :128]
    out_ref[1] = z[:, 128:]


def _gin_mlp(h_split, agg_split, scale_row, w1, b1, w2, b2):
    grid = (N_PAD // ROW_BLK,)
    return pl.pallas_call(
        _gin_body,
        grid=grid,
        in_specs=[
            pl.BlockSpec((2, ROW_BLK, 128), lambda i: (0, i, 0)),
            pl.BlockSpec((2, ROW_BLK, 128), lambda i: (0, i, 0)),
            pl.BlockSpec((1, 256), lambda i: (0, 0)),
            pl.BlockSpec((256, 256), lambda i: (0, 0)),
            pl.BlockSpec((1, 256), lambda i: (0, 0)),
            pl.BlockSpec((256, 256), lambda i: (0, 0)),
            pl.BlockSpec((1, 256), lambda i: (0, 0)),
        ],
        out_specs=pl.BlockSpec((2, ROW_BLK, 128), lambda i: (0, i, 0)),
        out_shape=jax.ShapeDtypeStruct((2, N_PAD, 128), jnp.float32),
    )(h_split, agg_split, scale_row, w1, b1.reshape(1, 256), w2,
      b2.reshape(1, 256))


def _pool_body(h_ref, batch_ref, w1_ref, b1_ref, w2_ref, b2_ref, out_ref,
               sums_ref, counts_ref):
    i = pl.program_id(0)
    nblk = pl.num_programs(0)

    @pl.when(i == 0)
    def _():
        sums_ref[...] = jnp.zeros_like(sums_ref)
        counts_ref[...] = jnp.zeros_like(counts_ref)

    h = jnp.concatenate([h_ref[0], h_ref[1]], axis=1)
    b = batch_ref[0, 0, :]
    gids = lax.broadcasted_iota(jnp.int32, (16, ROW_BLK), 0)
    mask = (b[None, :] == gids).astype(jnp.float32)
    sums_ref[...] += jnp.dot(mask, h, preferred_element_type=jnp.float32,
                             precision=lax.Precision.HIGHEST)
    counts_ref[...] += jnp.sum(mask, axis=1, keepdims=True)

    @pl.when(i == nblk - 1)
    def _():
        cnt = jnp.maximum(counts_ref[...][:, :1], 1.0)
        hg = sums_ref[...] / cnt
        y = jnp.dot(hg, w1_ref[...], preferred_element_type=jnp.float32,
                    precision=lax.Precision.HIGHEST)
        y = jnp.maximum(y + b1_ref[...], 0.0)
        y = jnp.dot(y, w2_ref[...], preferred_element_type=jnp.float32,
                    precision=lax.Precision.HIGHEST)
        out_ref[...] = y + b2_ref[...]


def _pool_out(h_split, batch3, out_w1, out_b1, out_w2, out_b2):
    grid = (N_PAD // ROW_BLK,)
    return pl.pallas_call(
        _pool_body,
        grid=grid,
        in_specs=[
            pl.BlockSpec((2, ROW_BLK, 128), lambda i: (0, i, 0)),
            pl.BlockSpec((1, 1, ROW_BLK), lambda i: (i, 0, 0)),
            pl.BlockSpec((256, 256), lambda i: (0, 0)),
            pl.BlockSpec((1, 256), lambda i: (0, 0)),
            pl.BlockSpec((256, 512), lambda i: (0, 0)),
            pl.BlockSpec((1, 512), lambda i: (0, 0)),
        ],
        out_specs=pl.BlockSpec((16, 512), lambda i: (0, 0)),
        out_shape=jax.ShapeDtypeStruct((16, 512), jnp.float32),
        scratch_shapes=[
            pltpu.VMEM((16, 256), jnp.float32),
            pltpu.VMEM((16, 128), jnp.float32),
        ],
    )(h_split, batch3, out_w1, out_b1.reshape(1, 256), out_w2,
      out_b2.reshape(1, 512))



BLK_CHUNK = 10
RING = 5


def _seg_sum(h_split, src3, dst3, chunks_per_sub):
    rows_per_sub = N_PAD // SC_SUBCORES
    mesh = plsc.VectorSubcoreMesh(core_axis_name="c", subcore_axis_name="s")

    @functools.partial(
        pl.kernel,
        out_type=jax.ShapeDtypeStruct((2, N_PAD, 128), jnp.float32),
        mesh=mesh,
        scratch_types=[
            pltpu.VMEM((BLK_CHUNK, EDGE_BLK), jnp.int32),
            pltpu.VMEM((BLK_CHUNK, EDGE_BLK), jnp.int32),
        ]
        + [pltpu.VMEM((EDGE_BLK, 128), jnp.float32)] * RING
        + [pltpu.VMEM_SHARED((N_PAD, 128), jnp.float32)]
        + [pltpu.SemaphoreType.DMA] * (2 * RING),
    )
    def k(h_hbm, src_hbm, dst_hbm, out_hbm, src_v, dst_v, *rest):
        bufs = rest[:RING]
        agg_sh = rest[RING]
        gsem = rest[RING + 1:RING + 1 + RING]
        ssem = rest[RING + 1 + RING:]
        c = lax.axis_index("c")
        s = lax.axis_index("s")
        table = h_hbm.at[c]

        @pl.loop(0, EDGE_BLK)
        def _(r):
            @pl.loop(0, 128, step=16)
            def _(cg):
                bufs[0][r, pl.ds(cg, 16)] = jnp.zeros((16,), jnp.float32)

        @pl.loop(0, rows_per_sub // EDGE_BLK)
        def _(i):
            pltpu.sync_copy(
                bufs[0], agg_sh.at[pl.ds(s * rows_per_sub + i * EDGE_BLK,
                                         EDGE_BLK)])
        plsc.subcore_barrier()

        @pl.loop(0, chunks_per_sub)
        def _(ch):
            pltpu.sync_copy(src_hbm.at[s].at[ch], src_v)
            pltpu.sync_copy(dst_hbm.at[s].at[ch], dst_v)
            g = [
                pltpu.async_copy(table.at[src_v.at[r]], bufs[r], gsem[r])
                for r in range(RING)
            ]
            scat = [None] * RING
            for j in range(BLK_CHUNK):
                b = j % RING
                g[b].wait()
                scat[b] = pltpu.async_copy(bufs[b], agg_sh.at[dst_v.at[j]],
                                           ssem[b], add=True)
                if j + RING < BLK_CHUNK:
                    scat[b].wait()
                    g[b] = pltpu.async_copy(table.at[src_v.at[j + RING]],
                                            bufs[b], gsem[b])
            for j in range(BLK_CHUNK - RING, BLK_CHUNK):
                scat[j % RING].wait()

        plsc.subcore_barrier()

        base = s * rows_per_sub
        pltpu.sync_copy(agg_sh.at[pl.ds(base, rows_per_sub)],
                        out_hbm.at[c].at[pl.ds(base, rows_per_sub)])

    return k(h_split, src3, dst3)



def kernel(x, edge_index, batch, node_w, node_b, gin_w1, gin_b1, gin_w2,
           gin_b2, eps, out_w1, out_b1, out_w2, out_b2):
    n, _ = x.shape
    e = edge_index.shape[1]
    num_layers = gin_w1.shape[0]

    x_pad = jnp.pad(x, ((0, N_PAD - n), (0, 0)))
    batch_pad = jnp.pad(batch, (0, N_PAD - n), constant_values=16)
    batch3 = batch_pad.reshape(N_PAD // ROW_BLK, 1, ROW_BLK)

    chunk_edges = BLK_CHUNK * EDGE_BLK
    per_sub = -(-e // (SC_SUBCORES * chunk_edges)) * chunk_edges
    e_pad = per_sub * SC_SUBCORES
    src = jnp.pad(edge_index[0], (0, e_pad - e), constant_values=0)
    dst = jnp.pad(edge_index[1], (0, e_pad - e), constant_values=n)
    src3 = src.reshape(SC_SUBCORES, per_sub // chunk_edges, BLK_CHUNK,
                       EDGE_BLK)
    dst3 = dst.reshape(SC_SUBCORES, per_sub // chunk_edges, BLK_CHUNK,
                       EDGE_BLK)

    h = _node_proj(x_pad, node_w, node_b)
    for i in range(num_layers):
        agg = _seg_sum(h, src3, dst3, per_sub // chunk_edges)
        scale_row = jnp.full((1, 256), 1.0, jnp.float32) + eps[i]
        h = _gin_mlp(h, agg, scale_row, gin_w1[i], gin_b1[i], gin_w2[i],
                     gin_b2[i])
    return _pool_out(h, batch3, out_w1, out_b1, out_w2, out_b2)

# --- scband reference (transcript-rebuilt; emitter-appended) ---
"""Pipeline reference for scband-dispatch-graph-encoder-39874476376560 (READ-ONLY COPY).

The authoritative reference and input builder live on the scoring server;
editing this copy changes nothing except your own understanding.
"""

import jax, jax.numpy as jnp
import numpy as np

N = 10000
E = 320000
NODE_DIM = 128
HID = 256
OUT = 512
L = 4
G = 16


def setup_inputs(seed: int = 0) -> dict:
    key = jax.random.key(seed)
    ks = jax.random.split(key, 20)
    x = jax.random.normal(ks[0], (N, NODE_DIM), dtype=jnp.float32)
    edge_index = jax.random.randint(ks[1], (2, E), 0, N, dtype=jnp.int32)
    batch = jnp.sort(jax.random.randint(ks[2], (N,), 0, G, dtype=jnp.int32))
    node_w = jax.random.normal(ks[3], (NODE_DIM, HID), dtype=jnp.float32) / np.sqrt(NODE_DIM)
    node_b = jnp.zeros((HID,), dtype=jnp.float32)
    gin_w1 = jax.random.normal(ks[4], (L, HID, HID), dtype=jnp.float32) / np.sqrt(HID)
    gin_b1 = jnp.zeros((L, HID), dtype=jnp.float32)
    gin_w2 = jax.random.normal(ks[5], (L, HID, HID), dtype=jnp.float32) / np.sqrt(HID)
    gin_b2 = jnp.zeros((L, HID), dtype=jnp.float32)
    eps = jnp.zeros((L,), dtype=jnp.float32)
    out_w1 = jax.random.normal(ks[6], (HID, HID), dtype=jnp.float32) / np.sqrt(HID)
    out_b1 = jnp.zeros((HID,), dtype=jnp.float32)
    out_w2 = jax.random.normal(ks[7], (HID, OUT), dtype=jnp.float32) / np.sqrt(HID)
    out_b2 = jnp.zeros((OUT,), dtype=jnp.float32)
    return {
        "x": x, "edge_index": edge_index, "batch": batch,
        "node_w": node_w, "node_b": node_b,
        "gin_w1": gin_w1, "gin_b1": gin_b1, "gin_w2": gin_w2, "gin_b2": gin_b2,
        "eps": eps,
        "out_w1": out_w1, "out_b1": out_b1, "out_w2": out_w2, "out_b2": out_b2,
    }


def reference(x, edge_index, batch, node_w, node_b, gin_w1, gin_b1, gin_w2, gin_b2, eps, out_w1, out_b1, out_w2, out_b2):
    # node_proj + relu
    h = jax.nn.relu(x @ node_w + node_b)
    src = edge_index[0]
    dst = edge_index[1]
    # GIN layers: h' = MLP((1+eps)*h + sum_{j->i} h_j), then outer relu
    for i in range(L):
        msgs = jnp.take(h, src, axis=0)                     # gather (memory-bound)
        agg = jax.ops.segment_sum(msgs, dst, num_segments=N)  # scatter-add
        z = (1.0 + eps[i]) * h + agg
        z = jax.nn.relu(z @ gin_w1[i] + gin_b1[i])
        z = z @ gin_w2[i] + gin_b2[i]
        h = jax.nn.relu(z)
    # global mean pool per graph
    counts = jax.ops.segment_sum(jnp.ones((N, 1), jnp.float32), batch, num_segments=G)
    sums = jax.ops.segment_sum(h, batch, num_segments=G)
    h_graph = sums / jnp.maximum(counts, 1.0)
    # output_proj
    out = jax.nn.relu(h_graph @ out_w1 + out_b1) @ out_w2 + out_b2
    return out

if __name__ == "__main__":
    import jax
    _d = setup_inputs()
    print(jax.jit(kernel)(*tuple(_d.values())))

</pallas_src>

<mosaic_0001>
#map = affine_map<(d0, d1) -> (0, 0, 0)>
#map1 = affine_map<(d0, d1) -> (0, 0, 0, 0)>
module attributes {stable_mosaic.version = 14 : i64} {
  func.func @k(%arg0: i32, %arg1: i32, %arg2: memref<2x10240x128xf32, #tpu.memory_space<hbm>>, %arg3: memref<16x32x10x64xi32, #tpu.memory_space<hbm>>, %arg4: memref<16x32x10x64xi32, #tpu.memory_space<hbm>>, %arg5: memref<2x10240x128xf32, #tpu.memory_space<hbm>>, %arg6: memref<10x64xi32, #tpu.memory_space<vmem>>, %arg7: memref<10x64xi32, #tpu.memory_space<vmem>>, %arg8: memref<64x128xf32, #tpu.memory_space<vmem>>, %arg9: memref<64x128xf32, #tpu.memory_space<vmem>>, %arg10: memref<64x128xf32, #tpu.memory_space<vmem>>, %arg11: memref<64x128xf32, #tpu.memory_space<vmem>>, %arg12: memref<64x128xf32, #tpu.memory_space<vmem>>, %arg13: memref<10240x128xf32, #tpu.memory_space<vmem_shared>>, %arg14: memref<!tpu.dma_semaphore, #tpu.memory_space<semaphore_mem>>, %arg15: memref<!tpu.dma_semaphore, #tpu.memory_space<semaphore_mem>>, %arg16: memref<!tpu.dma_semaphore, #tpu.memory_space<semaphore_mem>>, %arg17: memref<!tpu.dma_semaphore, #tpu.memory_space<semaphore_mem>>, %arg18: memref<!tpu.dma_semaphore, #tpu.memory_space<semaphore_mem>>, %arg19: memref<!tpu.dma_semaphore, #tpu.memory_space<semaphore_mem>>, %arg20: memref<!tpu.dma_semaphore, #tpu.memory_space<semaphore_mem>>, %arg21: memref<!tpu.dma_semaphore, #tpu.memory_space<semaphore_mem>>, %arg22: memref<!tpu.dma_semaphore, #tpu.memory_space<semaphore_mem>>, %arg23: memref<!tpu.dma_semaphore, #tpu.memory_space<semaphore_mem>>) attributes {dimension_semantics = [#tpu.dimension_semantics<core_parallel>, #tpu.dimension_semantics<subcore_parallel>], iteration_bounds = array<i64: 2, 16>, scalar_prefetch = 0 : i64, scratch_operands = 18 : i64, tpu.core_type = #tpu.core_type<sc_vector_subcore>, window_params = [{transform_indices = #map}, {transform_indices = #map1}, {transform_indices = #map1}, {transform_indices = #map}]} {
    %scan3A = arith.constant 0 : i32
    %scan3A_0 = arith.constant 64 : i32
    %scan3A_1 = arith.addi %scan3A, %scan3A_0 : i32
    %scan3A_2 = arith.constant 1 : i32
    scf.for %scan3A_16 = %scan3A to %scan3A_1 step %scan3A_2  : i32 {
      %mul3A_17 = arith.constant 1 : i32
      %mul3A_18 = arith.muli %scan3A_16, %mul3A_17 : i32
      %add3A = arith.constant 0 : i32
      %add3A_19 = arith.addi %add3A, %mul3A_18 : i32
      %scan3A_20 = arith.constant 0 : i32
      %scan3A_21 = arith.constant 8 : i32
      %scan3A_22 = arith.addi %scan3A_20, %scan3A_21 : i32
      %scan3A_23 = arith.constant 1 : i32
      scf.for %scan3A_25 = %scan3A_20 to %scan3A_22 step %scan3A_23  : i32 {
        %mul3A_26 = arith.constant 16 : i32
        %mul3A_27 = arith.muli %scan3A_25, %mul3A_26 : i32
        %add3A_28 = arith.constant 0 : i32
        %add3A_29 = arith.addi %add3A_28, %mul3A_27 : i32
        %broadcast_in_dim3A = arith.constant 0.000000e+00 : f32
        %broadcast_in_dim3A_30 = vector.broadcast %broadcast_in_dim3A : f32 to vector<16xf32>
        %swap3A = arith.index_cast %add3A_19 : i32 to index
        %swap3A_31 = arith.index_cast %add3A_29 : i32 to index
        %swap3A_32 = tpu.vector_load %arg8[%swap3A, %swap3A_31] {strides = array<i32>} : memref<64x128xf32, #tpu.memory_space<vmem>>, vector<1x16xf32>,
        %swap3A_33 = vector.shape_cast %swap3A_32 : vector<1x16xf32> to vector<16xf32>
        %swap3A_34 = vector.shape_cast %broadcast_in_dim3A_30 : vector<16xf32> to vector<1x16xf32>
        tpu.vector_store %arg8[%swap3A, %swap3A_31], %swap3A_34 {strides = array<i32>} : memref<64x128xf32, #tpu.memory_space<vmem>>, vector<1x16xf32>,
      }
      %scan3A_24 = arith.constant 8 : i32
    }
    %scan3A_3 = arith.constant 64 : i32
    %scan3A_4 = arith.constant 0 : i32
    %scan3A_5 = arith.constant 10 : i32
    %scan3A_6 = arith.addi %scan3A_4, %scan3A_5 : i32
    %scan3A_7 = arith.constant 1 : i32
    scf.for %scan3A_16 = %scan3A_4 to %scan3A_6 step %scan3A_7  : i32 {
      %mul3A_17 = arith.constant 1 : i32
      %mul3A_18 = arith.muli %scan3A_16, %mul3A_17 : i32
      %add3A = arith.constant 0 : i32
      %add3A_19 = arith.addi %add3A, %mul3A_18 : i32
      %mul3A_20 = arith.constant 640 : i32
      %mul3A_21 = arith.muli %arg1, %mul3A_20 : i32
      %mul3A_22 = arith.constant 64 : i32
      %mul3A_23 = arith.muli %add3A_19, %mul3A_22 : i32
      %add3A_24 = arith.addi %mul3A_21, %mul3A_23 : i32
      "tpu.region"() ({
        %run_scoped3A = tpu.sem_alloc : memref<!tpu.dma_semaphore, #tpu.memory_space<semaphore_mem>>
        %dma_start3A = arith.constant 0 : i32
        %dma_start3A_25 = tpu.memref_slice %arg13[%add3A_24, %dma_start3A] : memref<10240x128xf32, #tpu.memory_space<vmem_shared>> -> memref<64x128xf32, #tpu.memory_space<vmem_shared>>
        %dma_start3A_26 = arith.constant 0 : i32
        %dma_start3A_27 = tpu.memref_slice %arg13[%add3A_24, %dma_start3A_26] : memref<10240x128xf32, #tpu.memory_space<vmem_shared>> -> memref<64x128xf32, #tpu.memory_space<vmem_shared>>
        tpu.enqueue_dma source(%arg8 : memref<64x128xf32, #tpu.memory_space<vmem>>) target(%dma_start3A_27 : memref<64x128xf32, #tpu.memory_space<vmem_shared>>) target_semaphore(%run_scoped3A : memref<!tpu.dma_semaphore, #tpu.memory_space<semaphore_mem>>)
        %dma_wait3A = arith.constant 0 : i32
        %dma_wait3A_28 = tpu.memref_slice %arg13[%add3A_24, %dma_wait3A] : memref<10240x128xf32, #tpu.memory_space<vmem_shared>> -> memref<64x128xf32, #tpu.memory_space<vmem_shared>>
        %dma_wait3A_29 = arith.constant 0 : i32
        %dma_wait3A_30 = tpu.memref_slice %arg13[%add3A_24, %dma_wait3A_29] : memref<10240x128xf32, #tpu.memory_space<vmem_shared>> -> memref<64x128xf32, #tpu.memory_space<vmem_shared>>
        tpu.wait_dma2 semaphore(%run_scoped3A : memref<!tpu.dma_semaphore, #tpu.memory_space<semaphore_mem>>) src(%arg8 : memref<64x128xf32, #tpu.memory_space<vmem>>) dst(%dma_wait3A_30 : memref<64x128xf32, #tpu.memory_space<vmem_shared>>)
        tpu.yield
      }) : () -> ()
    }
    %scan3A_8 = arith.constant 10 : i32
    %barrier3A = arith.constant 0 : index
    tpu.barrier barrier_id(%barrier3A)
    %scan3A_9 = arith.constant 0 : i32
    %scan3A_10 = arith.constant 32 : i32
    %scan3A_11 = arith.addi %scan3A_9, %scan3A_10 : i32
    %scan3A_12 = arith.constant 1 : i32
    scf.for %scan3A_16 = %scan3A_9 to %scan3A_11 step %scan3A_12  : i32 {
      %mul3A_17 = arith.constant 1 : i32
      %mul3A_18 = arith.muli %scan3A_16, %mul3A_17 : i32
      %add3A = arith.constant 0 : i32
      %add3A_19 = arith.addi %add3A, %mul3A_18 : i32
      "tpu.region"() ({
        %run_scoped3A = tpu.sem_alloc : memref<!tpu.dma_semaphore, #tpu.memory_space<semaphore_mem>>
        %dma_start3A_378 = arith.constant 0 : i32
        %dma_start3A_379 = arith.constant 0 : i32
        %dma_start3A_380 = arith.constant 0 : i32
        %dma_start3A_381 = tpu.memref_slice %arg3[%arg1, %dma_start3A_378, %dma_start3A_379, %dma_start3A_380] : memref<16x32x10x64xi32, #tpu.memory_space<hbm>> -> memref<1x32x10x64xi32, #tpu.memory_space<hbm>>
        %dma_start3A_382 = tpu.memref_squeeze %dma_start3A_381 : memref<1x32x10x64xi32, #tpu.memory_space<hbm>> -> memref<32x10x64xi32, #tpu.memory_space<hbm>>
        %dma_start3A_383 = arith.constant 0 : i32
        %dma_start3A_384 = arith.constant 0 : i32
        %dma_start3A_385 = tpu.memref_slice %dma_start3A_382[%add3A_19, %dma_start3A_383, %dma_start3A_384] : memref<32x10x64xi32, #tpu.memory_space<hbm>> -> memref<1x10x64xi32, #tpu.memory_space<hbm>>
        %dma_start3A_386 = tpu.memref_squeeze %dma_start3A_385 : memref<1x10x64xi32, #tpu.memory_space<hbm>> -> memref<10x64xi32, #tpu.memory_space<hbm>>
        %dma_start3A_387 = arith.constant 0 : i32
        %dma_start3A_388 = arith.constant 0 : i32
        %dma_start3A_389 = arith.constant 0 : i32
        %dma_start3A_390 = tpu.memref_slice %arg3[%arg1, %dma_start3A_387, %dma_start3A_388, %dma_start3A_389] : memref<16x32x10x64xi32, #tpu.memory_space<hbm>> -> memref<1x32x10x64xi32, #tpu.memory_space<hbm>>
        %dma_start3A_391 = tpu.memref_squeeze %dma_start3A_390 : memref<1x32x10x64xi32, #tpu.memory_space<hbm>> -> memref<32x10x64xi32, #tpu.memory_space<hbm>>
        %dma_start3A_392 = arith.constant 0 : i32
        %dma_start3A_393 = arith.constant 0 : i32
        %dma_start3A_394 = tpu.memref_slice %dma_start3A_391[%add3A_19, %dma_start3A_392, %dma_start3A_393] : memref<32x10x64xi32, #tpu.memory_space<hbm>> -> memref<1x10x64xi32, #tpu.memory_space<hbm>>
        %dma_start3A_395 = tpu.memref_squeeze %dma_start3A_394 : memref<1x10x64xi32, #tpu.memory_space<hbm>> -> memref<10x64xi32, #tpu.memory_space<hbm>>
        tpu.enqueue_dma source(%dma_start3A_395 : memref<10x64xi32, #tpu.memory_space<hbm>>) target(%arg6 : memref<10x64xi32, #tpu.memory_space<vmem>>) target_semaphore(%run_scoped3A : memref<!tpu.dma_semaphore, #tpu.memory_space<semaphore_mem>>)
        %dma_wait3A_396 = arith.constant 0 : i32
        %dma_wait3A_397 = arith.constant 0 : i32
        %dma_wait3A_398 = arith.constant 0 : i32
        %dma_wait3A_399 = tpu.memref_slice %arg3[%arg1, %dma_wait3A_396, %dma_wait3A_397, %dma_wait3A_398] : memref<16x32x10x64xi32, #tpu.memory_space<hbm>> -> memref<1x32x10x64xi32, #tpu.memory_space<hbm>>
        %dma_wait3A_400 = tpu.memref_squeeze %dma_wait3A_399 : memref<1x32x10x64xi32, #tpu.memory_space<hbm>> -> memref<32x10x64xi32, #tpu.memory_space<hbm>>
        %dma_wait3A_401 = arith.constant 0 : i32
        %dma_wait3A_402 = arith.constant 0 : i32
        %dma_wait3A_403 = tpu.memref_slice %dma_wait3A_400[%add3A_19, %dma_wait3A_401, %dma_wait3A_402] : memref<32x10x64xi32, #tpu.memory_space<hbm>> -> memref<1x10x64xi32, #tpu.memory_space<hbm>>
        %dma_wait3A_404 = tpu.memref_squeeze %dma_wait3A_403 : memref<1x10x64xi32, #tpu.memory_space<hbm>> -> memref<10x64xi32, #tpu.memory_space<hbm>>
        %dma_wait3A_405 = arith.constant 0 : i32
        %dma_wait3A_406 = arith.constant 0 : i32
        %dma_wait3A_407 = arith.constant 0 : i32
        %dma_wait3A_408 = tpu.memref_slice %arg3[%arg1, %dma_wait3A_405, %dma_wait3A_406, %dma_wait3A_407] : memref<16x32x10x64xi32, #tpu.memory_space<hbm>> -> memref<1x32x10x64xi32, #tpu.memory_space<hbm>>
        %dma_wait3A_409 = tpu.memref_squeeze %dma_wait3A_408 : memref<1x32x10x64xi32, #tpu.memory_space<hbm>> -> memref<32x10x64xi32, #tpu.memory_space<hbm>>
        %dma_wait3A_410 = arith.constant 0 : i32
        %dma_wait3A_411 = arith.constant 0 : i32
        %dma_wait3A_412 = tpu.memref_slice %dma_wait3A_409[%add3A_19, %dma_wait3A_410, %dma_wait3A_411] : memref<32x10x64xi32, #tpu.memory_space<hbm>> -> memref<1x10x64xi32, #tpu.memory_space<hbm>>
        %dma_wait3A_413 = tpu.memref_squeeze %dma_wait3A_412 : memref<1x10x64xi32, #tpu.memory_space<hbm>> -> memref<10x64xi32, #tpu.memory_space<hbm>>
        tpu.wait_dma2 semaphore(%run_scoped3A : memref<!tpu.dma_semaphore, #tpu.memory_space<semaphore_mem>>) src(%dma_wait3A_413 : memref<10x64xi32, #tpu.memory_space<hbm>>) dst(%arg6 : memref<10x64xi32, #tpu.memory_space<vmem>>)
        tpu.yield
      }) : () -> ()
      "tpu.region"() ({
        %run_scoped3A = tpu.sem_alloc : memref<!tpu.dma_semaphore, #tpu.memory_space<semaphore_mem>>
        %dma_start3A_378 = arith.constant 0 : i32
        %dma_start3A_379 = arith.constant 0 : i32
        %dma_start3A_380 = arith.constant 0 : i32
        %dma_start3A_381 = tpu.memref_slice %arg4[%arg1, %dma_start3A_378, %dma_start3A_379, %dma_start3A_380] : memref<16x32x10x64xi32, #tpu.memory_space<hbm>> -> memref<1x32x10x64xi32, #tpu.memory_space<hbm>>
        %dma_start3A_382 = tpu.memref_squeeze %dma_start3A_381 : memref<1x32x10x64xi32, #tpu.memory_space<hbm>> -> memref<32x10x64xi32, #tpu.memory_space<hbm>>
        %dma_start3A_383 = arith.constant 0 : i32
        %dma_start3A_384 = arith.constant 0 : i32
        %dma_start3A_385 = tpu.memref_slice %dma_start3A_382[%add3A_19, %dma_start3A_383, %dma_start3A_384] : memref<32x10x64xi32, #tpu.memory_space<hbm>> -> memref<1x10x64xi32, #tpu.memory_space<hbm>>
        %dma_start3A_386 = tpu.memref_squeeze %dma_start3A_385 : memref<1x10x64xi32, #tpu.memory_space<hbm>> -> memref<10x64xi32, #tpu.memory_space<hbm>>
        %dma_start3A_387 = arith.constant 0 : i32
        %dma_start3A_388 = arith.constant 0 : i32
        %dma_start3A_389 = arith.constant 0 : i32
        %dma_start3A_390 = tpu.memref_slice %arg4[%arg1, %dma_start3A_387, %dma_start3A_388, %dma_start3A_389] : memref<16x32x10x64xi32, #tpu.memory_space<hbm>> -> memref<1x32x10x64xi32, #tpu.memory_space<hbm>>
        %dma_start3A_391 = tpu.memref_squeeze %dma_start3A_390 : memref<1x32x10x64xi32, #tpu.memory_space<hbm>> -> memref<32x10x64xi32, #tpu.memory_space<hbm>>
        %dma_start3A_392 = arith.constant 0 : i32
        %dma_start3A_393 = arith.constant 0 : i32
        %dma_start3A_394 = tpu.memref_slice %dma_start3A_391[%add3A_19, %dma_start3A_392, %dma_start3A_393] : memref<32x10x64xi32, #tpu.memory_space<hbm>> -> memref<1x10x64xi32, #tpu.memory_space<hbm>>
        %dma_start3A_395 = tpu.memref_squeeze %dma_start3A_394 : memref<1x10x64xi32, #tpu.memory_space<hbm>> -> memref<10x64xi32, #tpu.memory_space<hbm>>
        tpu.enqueue_dma source(%dma_start3A_395 : memref<10x64xi32, #tpu.memory_space<hbm>>) target(%arg7 : memref<10x64xi32, #tpu.memory_space<vmem>>) target_semaphore(%run_scoped3A : memref<!tpu.dma_semaphore, #tpu.memory_space<semaphore_mem>>)
        %dma_wait3A_396 = arith.constant 0 : i32
        %dma_wait3A_397 = arith.constant 0 : i32
        %dma_wait3A_398 = arith.constant 0 : i32
        %dma_wait3A_399 = tpu.memref_slice %arg4[%arg1, %dma_wait3A_396, %dma_wait3A_397, %dma_wait3A_398] : memref<16x32x10x64xi32, #tpu.memory_space<hbm>> -> memref<1x32x10x64xi32, #tpu.memory_space<hbm>>
        %dma_wait3A_400 = tpu.memref_squeeze %dma_wait3A_399 : memref<1x32x10x64xi32, #tpu.memory_space<hbm>> -> memref<32x10x64xi32, #tpu.memory_space<hbm>>
        %dma_wait3A_401 = arith.constant 0 : i32
        %dma_wait3A_402 = arith.constant 0 : i32
        %dma_wait3A_403 = tpu.memref_slice %dma_wait3A_400[%add3A_19, %dma_wait3A_401, %dma_wait3A_402] : memref<32x10x64xi32, #tpu.memory_space<hbm>> -> memref<1x10x64xi32, #tpu.memory_space<hbm>>
        %dma_wait3A_404 = tpu.memref_squeeze %dma_wait3A_403 : memref<1x10x64xi32, #tpu.memory_space<hbm>> -> memref<10x64xi32, #tpu.memory_space<hbm>>
        %dma_wait3A_405 = arith.constant 0 : i32
        %dma_wait3A_406 = arith.constant 0 : i32
        %dma_wait3A_407 = arith.constant 0 : i32
        %dma_wait3A_408 = tpu.memref_slice %arg4[%arg1, %dma_wait3A_405, %dma_wait3A_406, %dma_wait3A_407] : memref<16x32x10x64xi32, #tpu.memory_space<hbm>> -> memref<1x32x10x64xi32, #tpu.memory_space<hbm>>
        %dma_wait3A_409 = tpu.memref_squeeze %dma_wait3A_408 : memref<1x32x10x64xi32, #tpu.memory_space<hbm>> -> memref<32x10x64xi32, #tpu.memory_space<hbm>>
        %dma_wait3A_410 = arith.constant 0 : i32
        %dma_wait3A_411 = arith.constant 0 : i32
        %dma_wait3A_412 = tpu.memref_slice %dma_wait3A_409[%add3A_19, %dma_wait3A_410, %dma_wait3A_411] : memref<32x10x64xi32, #tpu.memory_space<hbm>> -> memref<1x10x64xi32, #tpu.memory_space<hbm>>
        %dma_wait3A_413 = tpu.memref_squeeze %dma_wait3A_412 : memref<1x10x64xi32, #tpu.memory_space<hbm>> -> memref<10x64xi32, #tpu.memory_space<hbm>>
        tpu.wait_dma2 semaphore(%run_scoped3A : memref<!tpu.dma_semaphore, #tpu.memory_space<semaphore_mem>>) src(%dma_wait3A_413 : memref<10x64xi32, #tpu.memory_space<hbm>>) dst(%arg7 : memref<10x64xi32, #tpu.memory_space<vmem>>)
        tpu.yield
      }) : () -> ()
      %dma_start3A = arith.constant 0 : i32
      %dma_start3A_20 = arith.constant 0 : i32
      %dma_start3A_21 = tpu.memref_slice %arg6[%dma_start3A, %dma_start3A_20] : memref<10x64xi32, #tpu.memory_space<vmem>> -> memref<1x64xi32, #tpu.memory_space<vmem>>
      %dma_start3A_22 = tpu.memref_squeeze %dma_start3A_21 : memref<1x64xi32, #tpu.memory_space<vmem>> -> memref<64xi32, #tpu.memory_space<vmem>>
      %dma_start3A_23 = arith.constant 0 : i32
      %dma_start3A_24 = arith.constant 0 : i32
      %dma_start3A_25 = tpu.memref_slice %arg2[%arg0, %dma_start3A_23, %dma_start3A_24] : memref<2x10240x128xf32, #tpu.memory_space<hbm>> -> memref<1x10240x128xf32, #tpu.memory_space<hbm>>
      %dma_start3A_26 = tpu.memref_squeeze %dma_start3A_25 : memref<1x10240x128xf32, #tpu.memory_space<hbm>> -> memref<10240x128xf32, #tpu.memory_space<hbm>>
      %dma_start3A_27 = arith.constant 0 : i32
      %dma_start3A_28 = arith.constant 0 : i32
      %dma_start3A_29 = tpu.memref_slice %dma_start3A_26[%dma_start3A_27, %dma_start3A_28] : memref<10240x128xf32, #tpu.memory_space<hbm>> -> memref<10240x128xf32, #tpu.memory_space<hbm>>
      tpu.enqueue_indirect_dma source(%dma_start3A_29 : memref<10240x128xf32, #tpu.memory_space<hbm>>) target(%arg8 : memref<64x128xf32, #tpu.memory_space<vmem>>) offsets(%dma_start3A_22 : memref<64xi32, #tpu.memory_space<vmem>>) semaphore(%arg14 : memref<!tpu.dma_semaphore, #tpu.memory_space<semaphore_mem>>)
      %dma_start3A_30 = arith.constant 1 : i32
      %dma_start3A_31 = arith.constant 0 : i32
      %dma_start3A_32 = tpu.memref_slice %arg6[%dma_start3A_30, %dma_start3A_31] : memref<10x64xi32, #tpu.memory_space<vmem>> -> memref<1x64xi32, #tpu.memory_space<vmem>>
      %dma_start3A_33 = tpu.memref_squeeze %dma_start3A_32 : memref<1x64xi32, #tpu.memory_space<vmem>> -> memref<64xi32, #tpu.memory_space<vmem>>
      %dma_start3A_34 = arith.constant 0 : i32
      %dma_start3A_35 = arith.constant 0 : i32
      %dma_start3A_36 = tpu.memref_slice %arg2[%arg0, %dma_start3A_34, %dma_start3A_35] : memref<2x10240x128xf32, #tpu.memory_space<hbm>> -> memref<1x10240x128xf32, #tpu.memory_space<hbm>>
      %dma_start3A_37 = tpu.memref_squeeze %dma_start3A_36 : memref<1x10240x128xf32, #tpu.memory_space<hbm>> -> memref<10240x128xf32, #tpu.memory_space<hbm>>
      %dma_start3A_38 = arith.constant 0 : i32
      %dma_start3A_39 = arith.constant 0 : i32
      %dma_start3A_40 = tpu.memref_slice %dma_start3A_37[%dma_start3A_38, %dma_start3A_39] : memref<10240x128xf32, #tpu.memory_space<hbm>> -> memref<10240x128xf32, #tpu.memory_space<hbm>>
      tpu.enqueue_indirect_dma source(%dma_start3A_40 : memref<10240x128xf32, #tpu.memory_space<hbm>>) target(%arg9 : memref<64x128xf32, #tpu.memory_space<vmem>>) offsets(%dma_start3A_33 : memref<64xi32, #tpu.memory_space<vmem>>) semaphore(%arg15 : memref<!tpu.dma_semaphore, #tpu.memory_space<semaphore_mem>>)
      %dma_start3A_41 = arith.constant 2 : i32
      %dma_start3A_42 = arith.constant 0 : i32
      %dma_start3A_43 = tpu.memref_slice %arg6[%dma_start3A_41, %dma_start3A_42] : memref<10x64xi32, #tpu.memory_space<vmem>> -> memref<1x64xi32, #tpu.memory_space<vmem>>
      %dma_start3A_44 = tpu.memref_squeeze %dma_start3A_43 : memref<1x64xi32, #tpu.memory_space<vmem>> -> memref<64xi32, #tpu.memory_space<vmem>>
      %dma_start3A_45 = arith.constant 0 : i32
      %dma_start3A_46 = arith.constant 0 : i32
      %dma_start3A_47 = tpu.memref_slice %arg2[%arg0, %dma_start3A_45, %dma_start3A_46] : memref<2x10240x128xf32, #tpu.memory_space<hbm>> -> memref<1x10240x128xf32, #tpu.memory_space<hbm>>
      %dma_start3A_48 = tpu.memref_squeeze %dma_start3A_47 : memref<1x10240x128xf32, #tpu.memory_space<hbm>> -> memref<10240x128xf32, #tpu.memory_space<hbm>>
      %dma_start3A_49 = arith.constant 0 : i32
      %dma_start3A_50 = arith.constant 0 : i32
      %dma_start3A_51 = tpu.memref_slice %dma_start3A_48[%dma_start3A_49, %dma_start3A_50] : memref<10240x128xf32, #tpu.memory_space<hbm>> -> memref<10240x128xf32, #tpu.memory_space<hbm>>
      tpu.enqueue_indirect_dma source(%dma_start3A_51 : memref<10240x128xf32, #tpu.memory_space<hbm>>) target(%arg10 : memref<64x128xf32, #tpu.memory_space<vmem>>) offsets(%dma_start3A_44 : memref<64xi32, #tpu.memory_space<vmem>>) semaphore(%arg16 : memref<!tpu.dma_semaphore, #tpu.memory_space<semaphore_mem>>)
      %dma_start3A_52 = arith.constant 3 : i32
      %dma_start3A_53 = arith.constant 0 : i32
      %dma_start3A_54 = tpu.memref_slice %arg6[%dma_start3A_52, %dma_start3A_53] : memref<10x64xi32, #tpu.memory_space<vmem>> -> memref<1x64xi32, #tpu.memory_space<vmem>>
      %dma_start3A_55 = tpu.memref_squeeze %dma_start3A_54 : memref<1x64xi32, #tpu.memory_space<vmem>> -> memref<64xi32, #tpu.memory_space<vmem>>
      %dma_start3A_56 = arith.constant 0 : i32
      %dma_start3A_57 = arith.constant 0 : i32
      %dma_start3A_58 = tpu.memref_slice %arg2[%arg0, %dma_start3A_56, %dma_start3A_57] : memref<2x10240x128xf32, #tpu.memory_space<hbm>> -> memref<1x10240x128xf32, #tpu.memory_space<hbm>>
      %dma_start3A_59 = tpu.memref_squeeze %dma_start3A_58 : memref<1x10240x128xf32, #tpu.memory_space<hbm>> -> memref<10240x128xf32, #tpu.memory_space<hbm>>
      %dma_start3A_60 = arith.constant 0 : i32
      %dma_start3A_61 = arith.constant 0 : i32
      %dma_start3A_62 = tpu.memref_slice %dma_start3A_59[%dma_start3A_60, %dma_start3A_61] : memref<10240x128xf32, #tpu.memory_space<hbm>> -> memref<10240x128xf32, #tpu.memory_space<hbm>>
      tpu.enqueue_indirect_dma source(%dma_start3A_62 : memref<10240x128xf32, #tpu.memory_space<hbm>>) target(%arg11 : memref<64x128xf32, #tpu.memory_space<vmem>>) offsets(%dma_start3A_55 : memref<64xi32, #tpu.memory_space<vmem>>) semaphore(%arg17 : memref<!tpu.dma_semaphore, #tpu.memory_space<semaphore_mem>>)
      %dma_start3A_63 = arith.constant 4 : i32
      %dma_start3A_64 = arith.constant 0 : i32
      %dma_start3A_65 = tpu.memref_slice %arg6[%dma_start3A_63, %dma_start3A_64] : memref<10x64xi32, #tpu.memory_space<vmem>> -> memref<1x64xi32, #tpu.memory_space<vmem>>
      %dma_start3A_66 = tpu.memref_squeeze %dma_start3A_65 : memref<1x64xi32, #tpu.memory_space<vmem>> -> memref<64xi32, #tpu.memory_space<vmem>>
      %dma_start3A_67 = arith.constant 0 : i32
      %dma_start3A_68 = arith.constant 0 : i32
      %dma_start3A_69 = tpu.memref_slice %arg2[%arg0, %dma_start3A_67, %dma_start3A_68] : memref<2x10240x128xf32, #tpu.memory_space<hbm>> -> memref<1x10240x128xf32, #tpu.memory_space<hbm>>
      %dma_start3A_70 = tpu.memref_squeeze %dma_start3A_69 : memref<1x10240x128xf32, #tpu.memory_space<hbm>> -> memref<10240x128xf32, #tpu.memory_space<hbm>>
      %dma_start3A_71 = arith.constant 0 : i32
      %dma_start3A_72 = arith.constant 0 : i32
      %dma_start3A_73 = tpu.memref_slice %dma_start3A_70[%dma_start3A_71, %dma_start3A_72] : memref<10240x128xf32, #tpu.memory_space<hbm>> -> memref<10240x128xf32, #tpu.memory_space<hbm>>
      tpu.enqueue_indirect_dma source(%dma_start3A_73 : memref<10240x128xf32, #tpu.memory_space<hbm>>) target(%arg12 : memref<64x128xf32, #tpu.memory_space<vmem>>) offsets(%dma_start3A_66 : memref<64xi32, #tpu.memory_space<vmem>>) semaphore(%arg18 : memref<!tpu.dma_semaphore, #tpu.memory_space<semaphore_mem>>)
      %dma_wait3A = arith.constant 0 : i32
      %dma_wait3A_74 = arith.constant 0 : i32
      %dma_wait3A_75 = tpu.memref_slice %arg6[%dma_wait3A, %dma_wait3A_74] : memref<10x64xi32, #tpu.memory_space<vmem>> -> memref<1x64xi32, #tpu.memory_space<vmem>>
      %dma_wait3A_76 = tpu.memref_squeeze %dma_wait3A_75 : memref<1x64xi32, #tpu.memory_space<vmem>> -> memref<64xi32, #tpu.memory_space<vmem>>
      %dma_wait3A_77 = arith.constant 0 : i32
      %dma_wait3A_78 = arith.constant 0 : i32
      %dma_wait3A_79 = tpu.memref_slice %arg2[%arg0, %dma_wait3A_77, %dma_wait3A_78] : memref<2x10240x128xf32, #tpu.memory_space<hbm>> -> memref<1x10240x128xf32, #tpu.memory_space<hbm>>
      %dma_wait3A_80 = tpu.memref_squeeze %dma_wait3A_79 : memref<1x10240x128xf32, #tpu.memory_space<hbm>> -> memref<10240x128xf32, #tpu.memory_space<hbm>>
      %dma_wait3A_81 = arith.constant 0 : i32
      %dma_wait3A_82 = arith.constant 0 : i32
      %dma_wait3A_83 = tpu.memref_slice %dma_wait3A_80[%dma_wait3A_81, %dma_wait3A_82] : memref<10240x128xf32, #tpu.memory_space<hbm>> -> memref<10240x128xf32, #tpu.memory_space<hbm>>
      tpu.wait_indirect_dma semaphore(%arg14 : memref<!tpu.dma_semaphore, #tpu.memory_space<semaphore_mem>>) src(%dma_wait3A_83 : memref<10240x128xf32, #tpu.memory_space<hbm>>) dst(%arg8 : memref<64x128xf32, #tpu.memory_space<vmem>>)
      %dma_start3A_84 = arith.constant 0 : i32
      %dma_start3A_85 = arith.constant 0 : i32
      %dma_start3A_86 = tpu.memref_slice %arg7[%dma_start3A_84, %dma_start3A_85] : memref<10x64xi32, #tpu.memory_space<vmem>> -> memref<1x64xi32, #tpu.memory_space<vmem>>
      %dma_start3A_87 = tpu.memref_squeeze %dma_start3A_86 : memref<1x64xi32, #tpu.memory_space<vmem>> -> memref<64xi32, #tpu.memory_space<vmem>>
      %dma_start3A_88 = arith.constant 0 : i32
      %dma_start3A_89 = arith.constant 0 : i32
      %dma_start3A_90 = tpu.memref_slice %arg13[%dma_start3A_88, %dma_start3A_89] : memref<10240x128xf32, #tpu.memory_space<vmem_shared>> -> memref<10240x128xf32, #tpu.memory_space<vmem_shared>>
      tpu.enqueue_indirect_dma source(%arg8 : memref<64x128xf32, #tpu.memory_space<vmem>>) target(%dma_start3A_90 : memref<10240x128xf32, #tpu.memory_space<vmem_shared>>) offsets(%dma_start3A_87 : memref<64xi32, #tpu.memory_space<vmem>>) semaphore(%arg19 : memref<!tpu.dma_semaphore, #tpu.memory_space<semaphore_mem>>) {add = true}
      %dma_wait3A_91 = arith.constant 0 : i32
      %dma_wait3A_92 = arith.constant 0 : i32
      %dma_wait3A_93 = tpu.memref_slice %arg7[%dma_wait3A_91, %dma_wait3A_92] : memref<10x64xi32, #tpu.memory_space<vmem>> -> memref<1x64xi32, #tpu.memory_space<vmem>>
      %dma_wait3A_94 = tpu.memref_squeeze %dma_wait3A_93 : memref<1x64xi32, #tpu.memory_space<vmem>> -> memref<64xi32, #tpu.memory_space<vmem>>
      %dma_wait3A_95 = arith.constant 0 : i32
      %dma_wait3A_96 = arith.constant 0 : i32
      %dma_wait3A_97 = tpu.memref_slice %arg13[%dma_wait3A_95, %dma_wait3A_96] : memref<10240x128xf32, #tpu.memory_space<vmem_shared>> -> memref<10240x128xf32, #tpu.memory_space<vmem_shared>>
      tpu.wait_indirect_dma semaphore(%arg19 : memref<!tpu.dma_semaphore, #tpu.memory_space<semaphore_mem>>) src(%arg8 : memref<64x128xf32, #tpu.memory_space<vmem>>) dst(%dma_wait3A_97 : memref<10240x128xf32, #tpu.memory_space<vmem_shared>>)
      %dma_start3A_98 = arith.constant 5 : i32
      %dma_start3A_99 = arith.constant 0 : i32
      %dma_start3A_100 = tpu.memref_slice %arg6[%dma_start3A_98, %dma_start3A_99] : memref<10x64xi32, #tpu.memory_space<vmem>> -> memref<1x64xi32, #tpu.memory_space<vmem>>
      %dma_start3A_101 = tpu.memref_squeeze %dma_start3A_100 : memref<1x64xi32, #tpu.memory_space<vmem>> -> memref<64xi32, #tpu.memory_space<vmem>>
      %dma_start3A_102 = arith.constant 0 : i32
      %dma_start3A_103 = arith.constant 0 : i32
      %dma_start3A_104 = tpu.memref_slice %arg2[%arg0, %dma_start3A_102, %dma_start3A_103] : memref<2x10240x128xf32, #tpu.memory_space<hbm>> -> memref<1x10240x128xf32, #tpu.memory_space<hbm>>
      %dma_start3A_105 = tpu.memref_squeeze %dma_start3A_104 : memref<1x10240x128xf32, #tpu.memory_space<hbm>> -> memref<10240x128xf32, #tpu.memory_space<hbm>>
      %dma_start3A_106 = arith.constant 0 : i32
      %dma_start3A_107 = arith.constant 0 : i32
      %dma_start3A_108 = tpu.memref_slice %dma_start3A_105[%dma_start3A_106, %dma_start3A_107] : memref<10240x128xf32, #tpu.memory_space<hbm>> -> memref<10240x128xf32, #tpu.memory_space<hbm>>
      tpu.enqueue_indirect_dma source(%dma_start3A_108 : memref<10240x128xf32, #tpu.memory_space<hbm>>) target(%arg8 : memref<64x128xf32, #tpu.memory_space<vmem>>) offsets(%dma_start3A_101 : memref<64xi32, #tpu.memory_space<vmem>>) semaphore(%arg14 : memref<!tpu.dma_semaphore, #tpu.memory_space<semaphore_mem>>)
      %dma_wait3A_109 = arith.constant 1 : i32
      %dma_wait3A_110 = arith.constant 0 : i32
      %dma_wait3A_111 = tpu.memref_slice %arg6[%dma_wait3A_109, %dma_wait3A_110] : memref<10x64xi32, #tpu.memory_space<vmem>> -> memref<1x64xi32, #tpu.memory_space<vmem>>
      %dma_wait3A_112 = tpu.memref_squeeze %dma_wait3A_111 : memref<1x64xi32, #tpu.memory_space<vmem>> -> memref<64xi32, #tpu.memory_space<vmem>>
      %dma_wait3A_113 = arith.constant 0 : i32
      %dma_wait3A_114 = arith.constant 0 : i32
      %dma_wait3A_115 = tpu.memref_slice %arg2[%arg0, %dma_wait3A_113, %dma_wait3A_114] : memref<2x10240x128xf32, #tpu.memory_space<hbm>> -> memref<1x10240x128xf32, #tpu.memory_space<hbm>>
      %dma_wait3A_116 = tpu.memref_squeeze %dma_wait3A_115 : memref<1x10240x128xf32, #tpu.memory_space<hbm>> -> memref<10240x128xf32, #tpu.memory_space<hbm>>
      %dma_wait3A_117 = arith.constant 0 : i32
      %dma_wait3A_118 = arith.constant 0 : i32
      %dma_wait3A_119 = tpu.memref_slice %dma_wait3A_116[%dma_wait3A_117, %dma_wait3A_118] : memref<10240x128xf32, #tpu.memory_space<hbm>> -> memref<10240x128xf32, #tpu.memory_space<hbm>>
      tpu.wait_indirect_dma semaphore(%arg15 : memref<!tpu.dma_semaphore, #tpu.memory_space<semaphore_mem>>) src(%dma_wait3A_119 : memref<10240x128xf32, #tpu.memory_space<hbm>>) dst(%arg9 : memref<64x128xf32, #tpu.memory_space<vmem>>)
      %dma_start3A_120 = arith.constant 1 : i32
      %dma_start3A_121 = arith.constant 0 : i32
      %dma_start3A_122 = tpu.memref_slice %arg7[%dma_start3A_120, %dma_start3A_121] : memref<10x64xi32, #tpu.memory_space<vmem>> -> memref<1x64xi32, #tpu.memory_space<vmem>>
      %dma_start3A_123 = tpu.memref_squeeze %dma_start3A_122 : memref<1x64xi32, #tpu.memory_space<vmem>> -> memref<64xi32, #tpu.memory_space<vmem>>
      %dma_start3A_124 = arith.constant 0 : i32
      %dma_start3A_125 = arith.constant 0 : i32
      %dma_start3A_126 = tpu.memref_slice %arg13[%dma_start3A_124, %dma_start3A_125] : memref<10240x128xf32, #tpu.memory_space<vmem_shared>> -> memref<10240x128xf32, #tpu.memory_space<vmem_shared>>
      tpu.enqueue_indirect_dma source(%arg9 : memref<64x128xf32, #tpu.memory_space<vmem>>) target(%dma_start3A_126 : memref<10240x128xf32, #tpu.memory_space<vmem_shared>>) offsets(%dma_start3A_123 : memref<64xi32, #tpu.memory_space<vmem>>) semaphore(%arg20 : memref<!tpu.dma_semaphore, #tpu.memory_space<semaphore_mem>>) {add = true}
      %dma_wait3A_127 = arith.constant 1 : i32
      %dma_wait3A_128 = arith.constant 0 : i32
      %dma_wait3A_129 = tpu.memref_slice %arg7[%dma_wait3A_127, %dma_wait3A_128] : memref<10x64xi32, #tpu.memory_space<vmem>> -> memref<1x64xi32, #tpu.memory_space<vmem>>
      %dma_wait3A_130 = tpu.memref_squeeze %dma_wait3A_129 : memref<1x64xi32, #tpu.memory_space<vmem>> -> memref<64xi32, #tpu.memory_space<vmem>>
      %dma_wait3A_131 = arith.constant 0 : i32
      %dma_wait3A_132 = arith.constant 0 : i32
      %dma_wait3A_133 = tpu.memref_slice %arg13[%dma_wait3A_131, %dma_wait3A_132] : memref<10240x128xf32, #tpu.memory_space<vmem_shared>> -> memref<10240x128xf32, #tpu.memory_space<vmem_shared>>
      tpu.wait_indirect_dma semaphore(%arg20 : memref<!tpu.dma_semaphore, #tpu.memory_space<semaphore_mem>>) src(%arg9 : memref<64x128xf32, #tpu.memory_space<vmem>>) dst(%dma_wait3A_133 : memref<10240x128xf32, #tpu.memory_space<vmem_shared>>)
      %dma_start3A_134 = arith.constant 6 : i32
      %dma_start3A_135 = arith.constant 0 : i32
      %dma_start3A_136 = tpu.memref_slice %arg6[%dma_start3A_134, %dma_start3A_135] : memref<10x64xi32, #tpu.memory_space<vmem>> -> memref<1x64xi32, #tpu.memory_space<vmem>>
      %dma_start3A_137 = tpu.memref_squeeze %dma_start3A_136 : memref<1x64xi32, #tpu.memory_space<vmem>> -> memref<64xi32, #tpu.memory_space<vmem>>
      %dma_start3A_138 = arith.constant 0 : i32
      %dma_start3A_139 = arith.constant 0 : i32
      %dma_start3A_140 = tpu.memref_slice %arg2[%arg0, %dma_start3A_138, %dma_start3A_139] : memref<2x10240x128xf32, #tpu.memory_space<hbm>> -> memref<1x10240x128xf32, #tpu.memory_space<hbm>>
      %dma_start3A_141 = tpu.memref_squeeze %dma_start3A_140 : memref<1x10240x128xf32, #tpu.memory_space<hbm>> -> memref<10240x128xf32, #tpu.memory_space<hbm>>
      %dma_start3A_142 = arith.constant 0 : i32
      %dma_start3A_143 = arith.constant 0 : i32
      %dma_start3A_144 = tpu.memref_slice %dma_start3A_141[%dma_start3A_142, %dma_start3A_143] : memref<10240x128xf32, #tpu.memory_space<hbm>> -> memref<10240x128xf32, #tpu.memory_space<hbm>>
      tpu.enqueue_indirect_dma source(%dma_start3A_144 : memref<10240x128xf32, #tpu.memory_space<hbm>>) target(%arg9 : memref<64x128xf32, #tpu.memory_space<vmem>>) offsets(%dma_start3A_137 : memref<64xi32, #tpu.memory_space<vmem>>) semaphore(%arg15 : memref<!tpu.dma_semaphore, #tpu.memory_space<semaphore_mem>>)
      %dma_wait3A_145 = arith.constant 2 : i32
      %dma_wait3A_146 = arith.constant 0 : i32
      %dma_wait3A_147 = tpu.memref_slice %arg6[%dma_wait3A_145, %dma_wait3A_146] : memref<10x64xi32, #tpu.memory_space<vmem>> -> memref<1x64xi32, #tpu.memory_space<vmem>>
      %dma_wait3A_148 = tpu.memref_squeeze %dma_wait3A_147 : memref<1x64xi32, #tpu.memory_space<vmem>> -> memref<64xi32, #tpu.memory_space<vmem>>
      %dma_wait3A_149 = arith.constant 0 : i32
      %dma_wait3A_150 = arith.constant 0 : i32
      %dma_wait3A_151 = tpu.memref_slice %arg2[%arg0, %dma_wait3A_149, %dma_wait3A_150] : memref<2x10240x128xf32, #tpu.memory_space<hbm>> -> memref<1x10240x128xf32, #tpu.memory_space<hbm>>
      %dma_wait3A_152 = tpu.memref_squeeze %dma_wait3A_151 : memref<1x10240x128xf32, #tpu.memory_space<hbm>> -> memref<10240x128xf32, #tpu.memory_space<hbm>>
      %dma_wait3A_153 = arith.constant 0 : i32
      %dma_wait3A_154 = arith.constant 0 : i32
      %dma_wait3A_155 = tpu.memref_slice %dma_wait3A_152[%dma_wait3A_153, %dma_wait3A_154] : memref<10240x128xf32, #tpu.memory_space<hbm>> -> memref<10240x128xf32, #tpu.memory_space<hbm>>
      tpu.wait_indirect_dma semaphore(%arg16 : memref<!tpu.dma_semaphore, #tpu.memory_space<semaphore_mem>>) src(%dma_wait3A_155 : memref<10240x128xf32, #tpu.memory_space<hbm>>) dst(%arg10 : memref<64x128xf32, #tpu.memory_space<vmem>>)
      %dma_start3A_156 = arith.constant 2 : i32
      %dma_start3A_157 = arith.constant 0 : i32
      %dma_start3A_158 = tpu.memref_slice %arg7[%dma_start3A_156, %dma_start3A_157] : memref<10x64xi32, #tpu.memory_space<vmem>> -> memref<1x64xi32, #tpu.memory_space<vmem>>
      %dma_start3A_159 = tpu.memref_squeeze %dma_start3A_158 : memref<1x64xi32, #tpu.memory_space<vmem>> -> memref<64xi32, #tpu.memory_space<vmem>>
      %dma_start3A_160 = arith.constant 0 : i32
      %dma_start3A_161 = arith.constant 0 : i32
      %dma_start3A_162 = tpu.memref_slice %arg13[%dma_start3A_160, %dma_start3A_161] : memref<10240x128xf32, #tpu.memory_space<vmem_shared>> -> memref<10240x128xf32, #tpu.memory_space<vmem_shared>>
      tpu.enqueue_indirect_dma source(%arg10 : memref<64x128xf32, #tpu.memory_space<vmem>>) target(%dma_start3A_162 : memref<10240x128xf32, #tpu.memory_space<vmem_shared>>) offsets(%dma_start3A_159 : memref<64xi32, #tpu.memory_space<vmem>>) semaphore(%arg21 : memref<!tpu.dma_semaphore, #tpu.memory_space<semaphore_mem>>) {add = true}
      %dma_wait3A_163 = arith.constant 2 : i32
      %dma_wait3A_164 = arith.constant 0 : i32
      %dma_wait3A_165 = tpu.memref_slice %arg7[%dma_wait3A_163, %dma_wait3A_164] : memref<10x64xi32, #tpu.memory_space<vmem>> -> memref<1x64xi32, #tpu.memory_space<vmem>>
      %dma_wait3A_166 = tpu.memref_squeeze %dma_wait3A_165 : memref<1x64xi32, #tpu.memory_space<vmem>> -> memref<64xi32, #tpu.memory_space<vmem>>
      %dma_wait3A_167 = arith.constant 0 : i32
      %dma_wait3A_168 = arith.constant 0 : i32
      %dma_wait3A_169 = tpu.memref_slice %arg13[%dma_wait3A_167, %dma_wait3A_168] : memref<10240x128xf32, #tpu.memory_space<vmem_shared>> -> memref<10240x128xf32, #tpu.memory_space<vmem_shared>>
      tpu.wait_indirect_dma semaphore(%arg21 : memref<!tpu.dma_semaphore, #tpu.memory_space<semaphore_mem>>) src(%arg10 : memref<64x128xf32, #tpu.memory_space<vmem>>) dst(%dma_wait3A_169 : memref<10240x128xf32, #tpu.memory_space<vmem_shared>>)
      %dma_start3A_170 = arith.constant 7 : i32
      %dma_start3A_171 = arith.constant 0 : i32
      %dma_start3A_172 = tpu.memref_slice %arg6[%dma_start3A_170, %dma_start3A_171] : memref<10x64xi32, #tpu.memory_space<vmem>> -> memref<1x64xi32, #tpu.memory_space<vmem>>
      %dma_start3A_173 = tpu.memref_squeeze %dma_start3A_172 : memref<1x64xi32, #tpu.memory_space<vmem>> -> memref<64xi32, #tpu.memory_space<vmem>>
      %dma_start3A_174 = arith.constant 0 : i32
      %dma_start3A_175 = arith.constant 0 : i32
      %dma_start3A_176 = tpu.memref_slice %arg2[%arg0, %dma_start3A_174, %dma_start3A_175] : memref<2x10240x128xf32, #tpu.memory_space<hbm>> -> memref<1x10240x128xf32, #tpu.memory_space<hbm>>
      %dma_start3A_177 = tpu.memref_squeeze %dma_start3A_176 : memref<1x10240x128xf32, #tpu.memory_space<hbm>> -> memref<10240x128xf32, #tpu.memory_space<hbm>>
      %dma_start3A_178 = arith.constant 0 : i32
      %dma_start3A_179 = arith.constant 0 : i32
      %dma_start3A_180 = tpu.memref_slice %dma_start3A_177[%dma_start3A_178, %dma_start3A_179] : memref<10240x128xf32, #tpu.memory_space<hbm>> -> memref<10240x128xf32, #tpu.memory_space<hbm>>
      tpu.enqueue_indirect_dma source(%dma_start3A_180 : memref<10240x128xf32, #tpu.memory_space<hbm>>) target(%arg10 : memref<64x128xf32, #tpu.memory_space<vmem>>) offsets(%dma_start3A_173 : memref<64xi32, #tpu.memory_space<vmem>>) semaphore(%arg16 : memref<!tpu.dma_semaphore, #tpu.memory_space<semaphore_mem>>)
      %dma_wait3A_181 = arith.constant 3 : i32
      %dma_wait3A_182 = arith.constant 0 : i32
      %dma_wait3A_183 = tpu.memref_slice %arg6[%dma_wait3A_181, %dma_wait3A_182] : memref<10x64xi32, #tpu.memory_space<vmem>> -> memref<1x64xi32, #tpu.memory_space<vmem>>
      %dma_wait3A_184 = tpu.memref_squeeze %dma_wait3A_183 : memref<1x64xi32, #tpu.memory_space<vmem>> -> memref<64xi32, #tpu.memory_space<vmem>>
      %dma_wait3A_185 = arith.constant 0 : i32
      %dma_wait3A_186 = arith.constant 0 : i32
      %dma_wait3A_187 = tpu.memref_slice %arg2[%arg0, %dma_wait3A_185, %dma_wait3A_186] : memref<2x10240x128xf32, #tpu.memory_space<hbm>> -> memref<1x10240x128xf32, #tpu.memory_space<hbm>>
      %dma_wait3A_188 = tpu.memref_squeeze %dma_wait3A_187 : memref<1x10240x128xf32, #tpu.memory_space<hbm>> -> memref<10240x128xf32, #tpu.memory_space<hbm>>
      %dma_wait3A_189 = arith.constant 0 : i32
      %dma_wait3A_190 = arith.constant 0 : i32
      %dma_wait3A_191 = tpu.memref_slice %dma_wait3A_188[%dma_wait3A_189, %dma_wait3A_190] : memref<10240x128xf32, #tpu.memory_space<hbm>> -> memref<10240x128xf32, #tpu.memory_space<hbm>>
      tpu.wait_indirect_dma semaphore(%arg17 : memref<!tpu.dma_semaphore, #tpu.memory_space<semaphore_mem>>) src(%dma_wait3A_191 : memref<10240x128xf32, #tpu.memory_space<hbm>>) dst(%arg11 : memref<64x128xf32, #tpu.memory_space<vmem>>)
      %dma_start3A_192 = arith.constant 3 : i32
      %dma_start3A_193 = arith.constant 0 : i32
      %dma_start3A_194 = tpu.memref_slice %arg7[%dma_start3A_192, %dma_start3A_193] : memref<10x64xi32, #tpu.memory_space<vmem>> -> memref<1x64xi32, #tpu.memory_space<vmem>>
      %dma_start3A_195 = tpu.memref_squeeze %dma_start3A_194 : memref<1x64xi32, #tpu.memory_space<vmem>> -> memref<64xi32, #tpu.memory_space<vmem>>
      %dma_start3A_196 = arith.constant 0 : i32
      %dma_start3A_197 = arith.constant 0 : i32
      %dma_start3A_198 = tpu.memref_slice %arg13[%dma_start3A_196, %dma_start3A_197] : memref<10240x128xf32, #tpu.memory_space<vmem_shared>> -> memref<10240x128xf32, #tpu.memory_space<vmem_shared>>
      tpu.enqueue_indirect_dma source(%arg11 : memref<64x128xf32, #tpu.memory_space<vmem>>) target(%dma_start3A_198 : memref<10240x128xf32, #tpu.memory_space<vmem_shared>>) offsets(%dma_start3A_195 : memref<64xi32, #tpu.memory_space<vmem>>) semaphore(%arg22 : memref<!tpu.dma_semaphore, #tpu.memory_space<semaphore_mem>>) {add = true}
      %dma_wait3A_199 = arith.constant 3 : i32
      %dma_wait3A_200 = arith.constant 0 : i32
      %dma_wait3A_201 = tpu.memref_slice %arg7[%dma_wait3A_199, %dma_wait3A_200] : memref<10x64xi32, #tpu.memory_space<vmem>> -> memref<1x64xi32, #tpu.memory_space<vmem>>
      %dma_wait3A_202 = tpu.memref_squeeze %dma_wait3A_201 : memref<1x64xi32, #tpu.memory_space<vmem>> -> memref<64xi32, #tpu.memory_space<vmem>>
      %dma_wait3A_203 = arith.constant 0 : i32
      %dma_wait3A_204 = arith.constant 0 : i32
      %dma_wait3A_205 = tpu.memref_slice %arg13[%dma_wait3A_203, %dma_wait3A_204] : memref<10240x128xf32, #tpu.memory_space<vmem_shared>> -> memref<10240x128xf32, #tpu.memory_space<vmem_shared>>
      tpu.wait_indirect_dma semaphore(%arg22 : memref<!tpu.dma_semaphore, #tpu.memory_space<semaphore_mem>>) src(%arg11 : memref<64x128xf32, #tpu.memory_space<vmem>>) dst(%dma_wait3A_205 : memref<10240x128xf32, #tpu.memory_space<vmem_shared>>)
      %dma_start3A_206 = arith.constant 8 : i32
      %dma_start3A_207 = arith.constant 0 : i32
      %dma_start3A_208 = tpu.memref_slice %arg6[%dma_start3A_206, %dma_start3A_207] : memref<10x64xi32, #tpu.memory_space<vmem>> -> memref<1x64xi32, #tpu.memory_space<vmem>>
      %dma_start3A_209 = tpu.memref_squeeze %dma_start3A_208 : memref<1x64xi32, #tpu.memory_space<vmem>> -> memref<64xi32, #tpu.memory_space<vmem>>
      %dma_start3A_210 = arith.constant 0 : i32
      %dma_start3A_211 = arith.constant 0 : i32
      %dma_start3A_212 = tpu.memref_slice %arg2[%arg0, %dma_start3A_210, %dma_start3A_211] : memref<2x10240x128xf32, #tpu.memory_space<hbm>> -> memref<1x10240x128xf32, #tpu.memory_space<hbm>>
      %dma_start3A_213 = tpu.memref_squeeze %dma_start3A_212 : memref<1x10240x128xf32, #tpu.memory_space<hbm>> -> memref<10240x128xf32, #tpu.memory_space<hbm>>
      %dma_start3A_214 = arith.constant 0 : i32
      %dma_start3A_215 = arith.constant 0 : i32
      %dma_start3A_216 = tpu.memref_slice %dma_start3A_213[%dma_start3A_214, %dma_start3A_215] : memref<10240x128xf32, #tpu.memory_space<hbm>> -> memref<10240x128xf32, #tpu.memory_space<hbm>>
      tpu.enqueue_indirect_dma source(%dma_start3A_216 : memref<10240x128xf32, #tpu.memory_space<hbm>>) target(%arg11 : memref<64x128xf32, #tpu.memory_space<vmem>>) offsets(%dma_start3A_209 : memref<64xi32, #tpu.memory_space<vmem>>) semaphore(%arg17 : memref<!tpu.dma_semaphore, #tpu.memory_space<semaphore_mem>>)
      %dma_wait3A_217 = arith.constant 4 : i32
      %dma_wait3A_218 = arith.constant 0 : i32
      %dma_wait3A_219 = tpu.memref_slice %arg6[%dma_wait3A_217, %dma_wait3A_218] : memref<10x64xi32, #tpu.memory_space<vmem>> -> memref<1x64xi32, #tpu.memory_space<vmem>>
      %dma_wait3A_220 = tpu.memref_squeeze %dma_wait3A_219 : memref<1x64xi32, #tpu.memory_space<vmem>> -> memref<64xi32, #tpu.memory_space<vmem>>
      %dma_wait3A_221 = arith.constant 0 : i32
      %dma_wait3A_222 = arith.constant 0 : i32
      %dma_wait3A_223 = tpu.memref_slice %arg2[%arg0, %dma_wait3A_221, %dma_wait3A_222] : memref<2x10240x128xf32, #tpu.memory_space<hbm>> -> memref<1x10240x128xf32, #tpu.memory_space<hbm>>
      %dma_wait3A_224 = tpu.memref_squeeze %dma_wait3A_223 : memref<1x10240x128xf32, #tpu.memory_space<hbm>> -> memref<10240x128xf32, #tpu.memory_space<hbm>>
      %dma_wait3A_225 = arith.constant 0 : i32
      %dma_wait3A_226 = arith.constant 0 : i32
      %dma_wait3A_227 = tpu.memref_slice %dma_wait3A_224[%dma_wait3A_225, %dma_wait3A_226] : memref<10240x128xf32, #tpu.memory_space<hbm>> -> memref<10240x128xf32, #tpu.memory_space<hbm>>
      tpu.wait_indirect_dma semaphore(%arg18 : memref<!tpu.dma_semaphore, #tpu.memory_space<semaphore_mem>>) src(%dma_wait3A_227 : memref<10240x128xf32, #tpu.memory_space<hbm>>) dst(%arg12 : memref<64x128xf32, #tpu.memory_space<vmem>>)
      %dma_start3A_228 = arith.constant 4 : i32
      %dma_start3A_229 = arith.constant 0 : i32
      %dma_start3A_230 = tpu.memref_slice %arg7[%dma_start3A_228, %dma_start3A_229] : memref<10x64xi32, #tpu.memory_space<vmem>> -> memref<1x64xi32, #tpu.memory_space<vmem>>
      %dma_start3A_231 = tpu.memref_squeeze %dma_start3A_230 : memref<1x64xi32, #tpu.memory_space<vmem>> -> memref<64xi32, #tpu.memory_space<vmem>>
      %dma_start3A_232 = arith.constant 0 : i32
      %dma_start3A_233 = arith.constant 0 : i32
      %dma_start3A_234 = tpu.memref_slice %arg13[%dma_start3A_232, %dma_start3A_233] : memref<10240x128xf32, #tpu.memory_space<vmem_shared>> -> memref<10240x128xf32, #tpu.memory_space<vmem_shared>>
      tpu.enqueue_indirect_dma source(%arg12 : memref<64x128xf32, #tpu.memory_space<vmem>>) target(%dma_start3A_234 : memref<10240x128xf32, #tpu.memory_space<vmem_shared>>) offsets(%dma_start3A_231 : memref<64xi32, #tpu.memory_space<vmem>>) semaphore(%arg23 : memref<!tpu.dma_semaphore, #tpu.memory_space<semaphore_mem>>) {add = true}
      %dma_wait3A_235 = arith.constant 4 : i32
      %dma_wait3A_236 = arith.constant 0 : i32
      %dma_wait3A_237 = tpu.memref_slice %arg7[%dma_wait3A_235, %dma_wait3A_236] : memref<10x64xi32, #tpu.memory_space<vmem>> -> memref<1x64xi32, #tpu.memory_space<vmem>>
      %dma_wait3A_238 = tpu.memref_squeeze %dma_wait3A_237 : memref<1x64xi32, #tpu.memory_space<vmem>> -> memref<64xi32, #tpu.memory_space<vmem>>
      %dma_wait3A_239 = arith.constant 0 : i32
      %dma_wait3A_240 = arith.constant 0 : i32
      %dma_wait3A_241 = tpu.memref_slice %arg13[%dma_wait3A_239, %dma_wait3A_240] : memref<10240x128xf32, #tpu.memory_space<vmem_shared>> -> memref<10240x128xf32, #tpu.memory_space<vmem_shared>>
      tpu.wait_indirect_dma semaphore(%arg23 : memref<!tpu.dma_semaphore, #tpu.memory_space<semaphore_mem>>) src(%arg12 : memref<64x128xf32, #tpu.memory_space<vmem>>) dst(%dma_wait3A_241 : memref<10240x128xf32, #tpu.memory_space<vmem_shared>>)
      %dma_start3A_242 = arith.constant 9 : i32
      %dma_start3A_243 = arith.constant 0 : i32
      %dma_start3A_244 = tpu.memref_slice %arg6[%dma_start3A_242, %dma_start3A_243] : memref<10x64xi32, #tpu.memory_space<vmem>> -> memref<1x64xi32, #tpu.memory_space<vmem>>
      %dma_start3A_245 = tpu.memref_squeeze %dma_start3A_244 : memref<1x64xi32, #tpu.memory_space<vmem>> -> memref<64xi32, #tpu.memory_space<vmem>>
      %dma_start3A_246 = arith.constant 0 : i32
      %dma_start3A_247 = arith.constant 0 : i32
      %dma_start3A_248 = tpu.memref_slice %arg2[%arg0, %dma_start3A_246, %dma_start3A_247] : memref<2x10240x128xf32, #tpu.memory_space<hbm>> -> memref<1x10240x128xf32, #tpu.memory_space<hbm>>
      %dma_start3A_249 = tpu.memref_squeeze %dma_start3A_248 : memref<1x10240x128xf32, #tpu.memory_space<hbm>> -> memref<10240x128xf32, #tpu.memory_space<hbm>>
      %dma_start3A_250 = arith.constant 0 : i32
      %dma_start3A_251 = arith.constant 0 : i32
      %dma_start3A_252 = tpu.memref_slice %dma_start3A_249[%dma_start3A_250, %dma_start3A_251] : memref<10240x128xf32, #tpu.memory_space<hbm>> -> memref<10240x128xf32, #tpu.memory_space<hbm>>
      tpu.enqueue_indirect_dma source(%dma_start3A_252 : memref<10240x128xf32, #tpu.memory_space<hbm>>) target(%arg12 : memref<64x128xf32, #tpu.memory_space<vmem>>) offsets(%dma_start3A_245 : memref<64xi32, #tpu.memory_space<vmem>>) semaphore(%arg18 : memref<!tpu.dma_semaphore, #tpu.memory_space<semaphore_mem>>)
      %dma_wait3A_253 = arith.constant 5 : i32
      %dma_wait3A_254 = arith.constant 0 : i32
      %dma_wait3A_255 = tpu.memref_slice %arg6[%dma_wait3A_253, %dma_wait3A_254] : memref<10x64xi32, #tpu.memory_space<vmem>> -> memref<1x64xi32, #tpu.memory_space<vmem>>
      %dma_wait3A_256 = tpu.memref_squeeze %dma_wait3A_255 : memref<1x64xi32, #tpu.memory_space<vmem>> -> memref<64xi32, #tpu.memory_space<vmem>>
      %dma_wait3A_257 = arith.constant 0 : i32
      %dma_wait3A_258 = arith.constant 0 : i32
      %dma_wait3A_259 = tpu.memref_slice %arg2[%arg0, %dma_wait3A_257, %dma_wait3A_258] : memref<2x10240x128xf32, #tpu.memory_space<hbm>> -> memref<1x10240x128xf32, #tpu.memory_space<hbm>>
      %dma_wait3A_260 = tpu.memref_squeeze %dma_wait3A_259 : memref<1x10240x128xf32, #tpu.memory_space<hbm>> -> memref<10240x128xf32, #tpu.memory_space<hbm>>
      %dma_wait3A_261 = arith.constant 0 : i32
      %dma_wait3A_262 = arith.constant 0 : i32
      %dma_wait3A_263 = tpu.memref_slice %dma_wait3A_260[%dma_wait3A_261, %dma_wait3A_262] : memref<10240x128xf32, #tpu.memory_space<hbm>> -> memref<10240x128xf32, #tpu.memory_space<hbm>>
      tpu.wait_indirect_dma semaphore(%arg14 : memref<!tpu.dma_semaphore, #tpu.memory_space<semaphore_mem>>) src(%dma_wait3A_263 : memref<10240x128xf32, #tpu.memory_space<hbm>>) dst(%arg8 : memref<64x128xf32, #tpu.memory_space<vmem>>)
      %dma_start3A_264 = arith.constant 5 : i32
      %dma_start3A_265 = arith.constant 0 : i32
      %dma_start3A_266 = tpu.memref_slice %arg7[%dma_start3A_264, %dma_start3A_265] : memref<10x64xi32, #tpu.memory_space<vmem>> -> memref<1x64xi32, #tpu.memory_space<vmem>>
      %dma_start3A_267 = tpu.memref_squeeze %dma_start3A_266 : memref<1x64xi32, #tpu.memory_space<vmem>> -> memref<64xi32, #tpu.memory_space<vmem>>
      %dma_start3A_268 = arith.constant 0 : i32
      %dma_start3A_269 = arith.constant 0 : i32
      %dma_start3A_270 = tpu.memref_slice %arg13[%dma_start3A_268, %dma_start3A_269] : memref<10240x128xf32, #tpu.memory_space<vmem_shared>> -> memref<10240x128xf32, #tpu.memory_space<vmem_shared>>
      tpu.enqueue_indirect_dma source(%arg8 : memref<64x128xf32, #tpu.memory_space<vmem>>) target(%dma_start3A_270 : memref<10240x128xf32, #tpu.memory_space<vmem_shared>>) offsets(%dma_start3A_267 : memref<64xi32, #tpu.memory_space<vmem>>) semaphore(%arg19 : memref<!tpu.dma_semaphore, #tpu.memory_space<semaphore_mem>>) {add = true}
      %dma_wait3A_271 = arith.constant 6 : i32
      %dma_wait3A_272 = arith.constant 0 : i32
      %dma_wait3A_273 = tpu.memref_slice %arg6[%dma_wait3A_271, %dma_wait3A_272] : memref<10x64xi32, #tpu.memory_space<vmem>> -> memref<1x64xi32, #tpu.memory_space<vmem>>
      %dma_wait3A_274 = tpu.memref_squeeze %dma_wait3A_273 : memref<1x64xi32, #tpu.memory_space<vmem>> -> memref<64xi32, #tpu.memory_space<vmem>>
      %dma_wait3A_275 = arith.constant 0 : i32
      %dma_wait3A_276 = arith.constant 0 : i32
      %dma_wait3A_277 = tpu.memref_slice %arg2[%arg0, %dma_wait3A_275, %dma_wait3A_276] : memref<2x10240x128xf32, #tpu.memory_space<hbm>> -> memref<1x10240x128xf32, #tpu.memory_space<hbm>>
      %dma_wait3A_278 = tpu.memref_squeeze %dma_wait3A_277 : memref<1x10240x128xf32, #tpu.memory_space<hbm>> -> memref<10240x128xf32, #tpu.memory_space<hbm>>
      %dma_wait3A_279 = arith.constant 0 : i32
      %dma_wait3A_280 = arith.constant 0 : i32
      %dma_wait3A_281 = tpu.memref_slice %dma_wait3A_278[%dma_wait3A_279, %dma_wait3A_280] : memref<10240x128xf32, #tpu.memory_space<hbm>> -> memref<10240x128xf32, #tpu.memory_space<hbm>>
      tpu.wait_indirect_dma semaphore(%arg15 : memref<!tpu.dma_semaphore, #tpu.memory_space<semaphore_mem>>) src(%dma_wait3A_281 : memref<10240x128xf32, #tpu.memory_space<hbm>>) dst(%arg9 : memref<64x128xf32, #tpu.memory_space<vmem>>)
      %dma_start3A_282 = arith.constant 6 : i32
      %dma_start3A_283 = arith.constant 0 : i32
      %dma_start3A_284 = tpu.memref_slice %arg7[%dma_start3A_282, %dma_start3A_283] : memref<10x64xi32, #tpu.memory_space<vmem>> -> memref<1x64xi32, #tpu.memory_space<vmem>>
      %dma_start3A_285 = tpu.memref_squeeze %dma_start3A_284 : memref<1x64xi32, #tpu.memory_space<vmem>> -> memref<64xi32, #tpu.memory_space<vmem>>
      %dma_start3A_286 = arith.constant 0 : i32
      %dma_start3A_287 = arith.constant 0 : i32
      %dma_start3A_288 = tpu.memref_slice %arg13[%dma_start3A_286, %dma_start3A_287] : memref<10240x128xf32, #tpu.memory_space<vmem_shared>> -> memref<10240x128xf32, #tpu.memory_space<vmem_shared>>
      tpu.enqueue_indirect_dma source(%arg9 : memref<64x128xf32, #tpu.memory_space<vmem>>) target(%dma_start3A_288 : memref<10240x128xf32, #tpu.memory_space<vmem_shared>>) offsets(%dma_start3A_285 : memref<64xi32, #tpu.memory_space<vmem>>) semaphore(%arg20 : memref<!tpu.dma_semaphore, #tpu.memory_space<semaphore_mem>>) {add = true}
      %dma_wait3A_289 = arith.constant 7 : i32
      %dma_wait3A_290 = arith.constant 0 : i32
      %dma_wait3A_291 = tpu.memref_slice %arg6[%dma_wait3A_289, %dma_wait3A_290] : memref<10x64xi32, #tpu.memory_space<vmem>> -> memref<1x64xi32, #tpu.memory_space<vmem>>
      %dma_wait3A_292 = tpu.memref_squeeze %dma_wait3A_291 : memref<1x64xi32, #tpu.memory_space<vmem>> -> memref<64xi32, #tpu.memory_space<vmem>>
      %dma_wait3A_293 = arith.constant 0 : i32
      %dma_wait3A_294 = arith.constant 0 : i32
      %dma_wait3A_295 = tpu.memref_slice %arg2[%arg0, %dma_wait3A_293, %dma_wait3A_294] : memref<2x10240x128xf32, #tpu.memory_space<hbm>> -> memref<1x10240x128xf32, #tpu.memory_space<hbm>>
      %dma_wait3A_296 = tpu.memref_squeeze %dma_wait3A_295 : memref<1x10240x128xf32, #tpu.memory_space<hbm>> -> memref<10240x128xf32, #tpu.memory_space<hbm>>
      %dma_wait3A_297 = arith.constant 0 : i32
      %dma_wait3A_298 = arith.constant 0 : i32
      %dma_wait3A_299 = tpu.memref_slice %dma_wait3A_296[%dma_wait3A_297, %dma_wait3A_298] : memref<10240x128xf32, #tpu.memory_space<hbm>> -> memref<10240x128xf32, #tpu.memory_space<hbm>>
      tpu.wait_indirect_dma semaphore(%arg16 : memref<!tpu.dma_semaphore, #tpu.memory_space<semaphore_mem>>) src(%dma_wait3A_299 : memref<10240x128xf32, #tpu.memory_space<hbm>>) dst(%arg10 : memref<64x128xf32, #tpu.memory_space<vmem>>)
      %dma_start3A_300 = arith.constant 7 : i32
      %dma_start3A_301 = arith.constant 0 : i32
      %dma_start3A_302 = tpu.memref_slice %arg7[%dma_start3A_300, %dma_start3A_301] : memref<10x64xi32, #tpu.memory_space<vmem>> -> memref<1x64xi32, #tpu.memory_space<vmem>>
      %dma_start3A_303 = tpu.memref_squeeze %dma_start3A_302 : memref<1x64xi32, #tpu.memory_space<vmem>> -> memref<64xi32, #tpu.memory_space<vmem>>
      %dma_start3A_304 = arith.constant 0 : i32
      %dma_start3A_305 = arith.constant 0 : i32
      %dma_start3A_306 = tpu.memref_slice %arg13[%dma_start3A_304, %dma_start3A_305] : memref<10240x128xf32, #tpu.memory_space<vmem_shared>> -> memref<10240x128xf32, #tpu.memory_space<vmem_shared>>
      tpu.enqueue_indirect_dma source(%arg10 : memref<64x128xf32, #tpu.memory_space<vmem>>) target(%dma_start3A_306 : memref<10240x128xf32, #tpu.memory_space<vmem_shared>>) offsets(%dma_start3A_303 : memref<64xi32, #tpu.memory_space<vmem>>) semaphore(%arg21 : memref<!tpu.dma_semaphore, #tpu.memory_space<semaphore_mem>>) {add = true}
      %dma_wait3A_307 = arith.constant 8 : i32
      %dma_wait3A_308 = arith.constant 0 : i32
      %dma_wait3A_309 = tpu.memref_slice %arg6[%dma_wait3A_307, %dma_wait3A_308] : memref<10x64xi32, #tpu.memory_space<vmem>> -> memref<1x64xi32, #tpu.memory_space<vmem>>
      %dma_wait3A_310 = tpu.memref_squeeze %dma_wait3A_309 : memref<1x64xi32, #tpu.memory_space<vmem>> -> memref<64xi32, #tpu.memory_space<vmem>>
      %dma_wait3A_311 = arith.constant 0 : i32
      %dma_wait3A_312 = arith.constant 0 : i32
      %dma_wait3A_313 = tpu.memref_slice %arg2[%arg0, %dma_wait3A_311, %dma_wait3A_312] : memref<2x10240x128xf32, #tpu.memory_space<hbm>> -> memref<1x10240x128xf32, #tpu.memory_space<hbm>>
      %dma_wait3A_314 = tpu.memref_squeeze %dma_wait3A_313 : memref<1x10240x128xf32, #tpu.memory_space<hbm>> -> memref<10240x128xf32, #tpu.memory_space<hbm>>
      %dma_wait3A_315 = arith.constant 0 : i32
      %dma_wait3A_316 = arith.constant 0 : i32
      %dma_wait3A_317 = tpu.memref_slice %dma_wait3A_314[%dma_wait3A_315, %dma_wait3A_316] : memref<10240x128xf32, #tpu.memory_space<hbm>> -> memref<10240x128xf32, #tpu.memory_space<hbm>>
      tpu.wait_indirect_dma semaphore(%arg17 : memref<!tpu.dma_semaphore, #tpu.memory_space<semaphore_mem>>) src(%dma_wait3A_317 : memref<10240x128xf32, #tpu.memory_space<hbm>>) dst(%arg11 : memref<64x128xf32, #tpu.memory_space<vmem>>)
      %dma_start3A_318 = arith.constant 8 : i32
      %dma_start3A_319 = arith.constant 0 : i32
      %dma_start3A_320 = tpu.memref_slice %arg7[%dma_start3A_318, %dma_start3A_319] : memref<10x64xi32, #tpu.memory_space<vmem>> -> memref<1x64xi32, #tpu.memory_space<vmem>>
      %dma_start3A_321 = tpu.memref_squeeze %dma_start3A_320 : memref<1x64xi32, #tpu.memory_space<vmem>> -> memref<64xi32, #tpu.memory_space<vmem>>
      %dma_start3A_322 = arith.constant 0 : i32
      %dma_start3A_323 = arith.constant 0 : i32
      %dma_start3A_324 = tpu.memref_slice %arg13[%dma_start3A_322, %dma_start3A_323] : memref<10240x128xf32, #tpu.memory_space<vmem_shared>> -> memref<10240x128xf32, #tpu.memory_space<vmem_shared>>
      tpu.enqueue_indirect_dma source(%arg11 : memref<64x128xf32, #tpu.memory_space<vmem>>) target(%dma_start3A_324 : memref<10240x128xf32, #tpu.memory_space<vmem_shared>>) offsets(%dma_start3A_321 : memref<64xi32, #tpu.memory_space<vmem>>) semaphore(%arg22 : memref<!tpu.dma_semaphore, #tpu.memory_space<semaphore_mem>>) {add = true}
      %dma_wait3A_325 = arith.constant 9 : i32
      %dma_wait3A_326 = arith.constant 0 : i32
      %dma_wait3A_327 = tpu.memref_slice %arg6[%dma_wait3A_325, %dma_wait3A_326] : memref<10x64xi32, #tpu.memory_space<vmem>> -> memref<1x64xi32, #tpu.memory_space<vmem>>
      %dma_wait3A_328 = tpu.memref_squeeze %dma_wait3A_327 : memref<1x64xi32, #tpu.memory_space<vmem>> -> memref<64xi32, #tpu.memory_space<vmem>>
      %dma_wait3A_329 = arith.constant 0 : i32
      %dma_wait3A_330 = arith.constant 0 : i32
      %dma_wait3A_331 = tpu.memref_slice %arg2[%arg0, %dma_wait3A_329, %dma_wait3A_330] : memref<2x10240x128xf32, #tpu.memory_space<hbm>> -> memref<1x10240x128xf32, #tpu.memory_space<hbm>>
      %dma_wait3A_332 = tpu.memref_squeeze %dma_wait3A_331 : memref<1x10240x128xf32, #tpu.memory_space<hbm>> -> memref<10240x128xf32, #tpu.memory_space<hbm>>
      %dma_wait3A_333 = arith.constant 0 : i32
      %dma_wait3A_334 = arith.constant 0 : i32
      %dma_wait3A_335 = tpu.memref_slice %dma_wait3A_332[%dma_wait3A_333, %dma_wait3A_334] : memref<10240x128xf32, #tpu.memory_space<hbm>> -> memref<10240x128xf32, #tpu.memory_space<hbm>>
      tpu.wait_indirect_dma semaphore(%arg18 : memref<!tpu.dma_semaphore, #tpu.memory_space<semaphore_mem>>) src(%dma_wait3A_335 : memref<10240x128xf32, #tpu.memory_space<hbm>>) dst(%arg12 : memref<64x128xf32, #tpu.memory_space<vmem>>)
      %dma_start3A_336 = arith.constant 9 : i32
      %dma_start3A_337 = arith.constant 0 : i32
      %dma_start3A_338 = tpu.memref_slice %arg7[%dma_start3A_336, %dma_start3A_337] : memref<10x64xi32, #tpu.memory_space<vmem>> -> memref<1x64xi32, #tpu.memory_space<vmem>>
      %dma_start3A_339 = tpu.memref_squeeze %dma_start3A_338 : memref<1x64xi32, #tpu.memory_space<vmem>> -> memref<64xi32, #tpu.memory_space<vmem>>
      %dma_start3A_340 = arith.constant 0 : i32
      %dma_start3A_341 = arith.constant 0 : i32
      %dma_start3A_342 = tpu.memref_slice %arg13[%dma_start3A_340, %dma_start3A_341] : memref<10240x128xf32, #tpu.memory_space<vmem_shared>> -> memref<10240x128xf32, #tpu.memory_space<vmem_shared>>
      tpu.enqueue_indirect_dma source(%arg12 : memref<64x128xf32, #tpu.memory_space<vmem>>) target(%dma_start3A_342 : memref<10240x128xf32, #tpu.memory_space<vmem_shared>>) offsets(%dma_start3A_339 : memref<64xi32, #tpu.memory_space<vmem>>) semaphore(%arg23 : memref<!tpu.dma_semaphore, #tpu.memory_space<semaphore_mem>>) {add = true}
      %dma_wait3A_343 = arith.constant 5 : i32
      %dma_wait3A_344 = arith.constant 0 : i32
      %dma_wait3A_345 = tpu.memref_slice %arg7[%dma_wait3A_343, %dma_wait3A_344] : memref<10x64xi32, #tpu.memory_space<vmem>> -> memref<1x64xi32, #tpu.memory_space<vmem>>
      %dma_wait3A_346 = tpu.memref_squeeze %dma_wait3A_345 : memref<1x64xi32, #tpu.memory_space<vmem>> -> memref<64xi32, #tpu.memory_space<vmem>>
      %dma_wait3A_347 = arith.constant 0 : i32
      %dma_wait3A_348 = arith.constant 0 : i32
      %dma_wait3A_349 = tpu.memref_slice %arg13[%dma_wait3A_347, %dma_wait3A_348] : memref<10240x128xf32, #tpu.memory_space<vmem_shared>> -> memref<10240x128xf32, #tpu.memory_space<vmem_shared>>
      tpu.wait_indirect_dma semaphore(%arg19 : memref<!tpu.dma_semaphore, #tpu.memory_space<semaphore_mem>>) src(%arg8 : memref<64x128xf32, #tpu.memory_space<vmem>>) dst(%dma_wait3A_349 : memref<10240x128xf32, #tpu.memory_space<vmem_shared>>)
      %dma_wait3A_350 = arith.constant 6 : i32
      %dma_wait3A_351 = arith.constant 0 : i32
      %dma_wait3A_352 = tpu.memref_slice %arg7[%dma_wait3A_350, %dma_wait3A_351] : memref<10x64xi32, #tpu.memory_space<vmem>> -> memref<1x64xi32, #tpu.memory_space<vmem>>
      %dma_wait3A_353 = tpu.memref_squeeze %dma_wait3A_352 : memref<1x64xi32, #tpu.memory_space<vmem>> -> memref<64xi32, #tpu.memory_space<vmem>>
      %dma_wait3A_354 = arith.constant 0 : i32
      %dma_wait3A_355 = arith.constant 0 : i32
      %dma_wait3A_356 = tpu.memref_slice %arg13[%dma_wait3A_354, %dma_wait3A_355] : memref<10240x128xf32, #tpu.memory_space<vmem_shared>> -> memref<10240x128xf32, #tpu.memory_space<vmem_shared>>
      tpu.wait_indirect_dma semaphore(%arg20 : memref<!tpu.dma_semaphore, #tpu.memory_space<semaphore_mem>>) src(%arg9 : memref<64x128xf32, #tpu.memory_space<vmem>>) dst(%dma_wait3A_356 : memref<10240x128xf32, #tpu.memory_space<vmem_shared>>)
      %dma_wait3A_357 = arith.constant 7 : i32
      %dma_wait3A_358 = arith.constant 0 : i32
      %dma_wait3A_359 = tpu.memref_slice %arg7[%dma_wait3A_357, %dma_wait3A_358] : memref<10x64xi32, #tpu.memory_space<vmem>> -> memref<1x64xi32, #tpu.memory_space<vmem>>
      %dma_wait3A_360 = tpu.memref_squeeze %dma_wait3A_359 : memref<1x64xi32, #tpu.memory_space<vmem>> -> memref<64xi32, #tpu.memory_space<vmem>>
      %dma_wait3A_361 = arith.constant 0 : i32
      %dma_wait3A_362 = arith.constant 0 : i32
      %dma_wait3A_363 = tpu.memref_slice %arg13[%dma_wait3A_361, %dma_wait3A_362] : memref<10240x128xf32, #tpu.memory_space<vmem_shared>> -> memref<10240x128xf32, #tpu.memory_space<vmem_shared>>
      tpu.wait_indirect_dma semaphore(%arg21 : memref<!tpu.dma_semaphore, #tpu.memory_space<semaphore_mem>>) src(%arg10 : memref<64x128xf32, #tpu.memory_space<vmem>>) dst(%dma_wait3A_363 : memref<10240x128xf32, #tpu.memory_space<vmem_shared>>)
      %dma_wait3A_364 = arith.constant 8 : i32
      %dma_wait3A_365 = arith.constant 0 : i32
      %dma_wait3A_366 = tpu.memref_slice %arg7[%dma_wait3A_364, %dma_wait3A_365] : memref<10x64xi32, #tpu.memory_space<vmem>> -> memref<1x64xi32, #tpu.memory_space<vmem>>
      %dma_wait3A_367 = tpu.memref_squeeze %dma_wait3A_366 : memref<1x64xi32, #tpu.memory_space<vmem>> -> memref<64xi32, #tpu.memory_space<vmem>>
      %dma_wait3A_368 = arith.constant 0 : i32
      %dma_wait3A_369 = arith.constant 0 : i32
      %dma_wait3A_370 = tpu.memref_slice %arg13[%dma_wait3A_368, %dma_wait3A_369] : memref<10240x128xf32, #tpu.memory_space<vmem_shared>> -> memref<10240x128xf32, #tpu.memory_space<vmem_shared>>
      tpu.wait_indirect_dma semaphore(%arg22 : memref<!tpu.dma_semaphore, #tpu.memory_space<semaphore_mem>>) src(%arg11 : memref<64x128xf32, #tpu.memory_space<vmem>>) dst(%dma_wait3A_370 : memref<10240x128xf32, #tpu.memory_space<vmem_shared>>)
      %dma_wait3A_371 = arith.constant 9 : i32
      %dma_wait3A_372 = arith.constant 0 : i32
      %dma_wait3A_373 = tpu.memref_slice %arg7[%dma_wait3A_371, %dma_wait3A_372] : memref<10x64xi32, #tpu.memory_space<vmem>> -> memref<1x64xi32, #tpu.memory_space<vmem>>
      %dma_wait3A_374 = tpu.memref_squeeze %dma_wait3A_373 : memref<1x64xi32, #tpu.memory_space<vmem>> -> memref<64xi32, #tpu.memory_space<vmem>>
      %dma_wait3A_375 = arith.constant 0 : i32
      %dma_wait3A_376 = arith.constant 0 : i32
      %dma_wait3A_377 = tpu.memref_slice %arg13[%dma_wait3A_375, %dma_wait3A_376] : memref<10240x128xf32, #tpu.memory_space<vmem_shared>> -> memref<10240x128xf32, #tpu.memory_space<vmem_shared>>
      tpu.wait_indirect_dma semaphore(%arg23 : memref<!tpu.dma_semaphore, #tpu.memory_space<semaphore_mem>>) src(%arg12 : memref<64x128xf32, #tpu.memory_space<vmem>>) dst(%dma_wait3A_377 : memref<10240x128xf32, #tpu.memory_space<vmem_shared>>)
    }
    %scan3A_13 = arith.constant 32 : i32
    %barrier3A_14 = arith.constant 0 : index
    tpu.barrier barrier_id(%barrier3A_14)
    %mul3A = arith.constant 640 : i32
    %mul3A_15 = arith.muli %arg1, %mul3A : i32
    "tpu.region"() ({
      %run_scoped3A = tpu.sem_alloc : memref<!tpu.dma_semaphore, #tpu.memory_space<semaphore_mem>>
      %dma_start3A = arith.constant 0 : i32
      %dma_start3A_16 = arith.constant 0 : i32
      %dma_start3A_17 = tpu.memref_slice %arg5[%arg0, %dma_start3A, %dma_start3A_16] : memref<2x10240x128xf32, #tpu.memory_space<hbm>> -> memref<1x10240x128xf32, #tpu.memory_space<hbm>>
      %dma_start3A_18 = tpu.memref_squeeze %dma_start3A_17 : memref<1x10240x128xf32, #tpu.memory_space<hbm>> -> memref<10240x128xf32, #tpu.memory_space<hbm>>
      %dma_start3A_19 = arith.constant 0 : i32
      %dma_start3A_20 = tpu.memref_slice %dma_start3A_18[%mul3A_15, %dma_start3A_19] : memref<10240x128xf32, #tpu.memory_space<hbm>> -> memref<640x128xf32, #tpu.memory_space<hbm>>
      %dma_start3A_21 = arith.constant 0 : i32
      %dma_start3A_22 = tpu.memref_slice %arg13[%mul3A_15, %dma_start3A_21] : memref<10240x128xf32, #tpu.memory_space<vmem_shared>> -> memref<640x128xf32, #tpu.memory_space<vmem_shared>>
      tpu.enqueue_dma source(%dma_start3A_22 : memref<640x128xf32, #tpu.memory_space<vmem_shared>>) target(%dma_start3A_20 : memref<640x128xf32, #tpu.memory_space<hbm>>) target_semaphore(%run_scoped3A : memref<!tpu.dma_semaphore, #tpu.memory_space<semaphore_mem>>)
      %dma_wait3A = arith.constant 0 : i32
      %dma_wait3A_23 = arith.constant 0 : i32
      %dma_wait3A_24 = tpu.memref_slice %arg5[%arg0, %dma_wait3A, %dma_wait3A_23] : memref<2x10240x128xf32, #tpu.memory_space<hbm>> -> memref<1x10240x128xf32, #tpu.memory_space<hbm>>
      %dma_wait3A_25 = tpu.memref_squeeze %dma_wait3A_24 : memref<1x10240x128xf32, #tpu.memory_space<hbm>> -> memref<10240x128xf32, #tpu.memory_space<hbm>>
      %dma_wait3A_26 = arith.constant 0 : i32
      %dma_wait3A_27 = tpu.memref_slice %dma_wait3A_25[%mul3A_15, %dma_wait3A_26] : memref<10240x128xf32, #tpu.memory_space<hbm>> -> memref<640x128xf32, #tpu.memory_space<hbm>>
      %dma_wait3A_28 = arith.constant 0 : i32
      %dma_wait3A_29 = tpu.memref_slice %arg13[%mul3A_15, %dma_wait3A_28] : memref<10240x128xf32, #tpu.memory_space<vmem_shared>> -> memref<640x128xf32, #tpu.memory_space<vmem_shared>>
      tpu.wait_dma2 semaphore(%run_scoped3A : memref<!tpu.dma_semaphore, #tpu.memory_space<semaphore_mem>>) src(%dma_wait3A_29 : memref<640x128xf32, #tpu.memory_space<vmem_shared>>) dst(%dma_wait3A_27 : memref<640x128xf32, #tpu.memory_space<hbm>>)
      tpu.yield
    }) : () -> ()
    return
  }
}

#map = affine_map<(d0, d1) -> (0, 0, 0)>
#map1 = affine_map<(d0, d1) -> (0, 0, 0, 0)>
module attributes {stable_mosaic.version = 14 : i64} {
  func.func @k(%arg0: i32, %arg1: i32, %arg2: memref<2x10240x128xf32, #tpu.memory_space<hbm>>, %arg3: memref<16x32x10x64xi32, #tpu.memory_space<hbm>>, %arg4: memref<16x32x10x64xi32, #tpu.memory_space<hbm>>, %arg5: memref<2x10240x128xf32, #tpu.memory_space<hbm>>, %arg6: memref<10x64xi32, #tpu.memory_space<vmem>>, %arg7: memref<10x64xi32, #tpu.memory_space<vmem>>, %arg8: memref<64x128xf32, #tpu.memory_space<vmem>>, %arg9: memref<64x128xf32, #tpu.memory_space<vmem>>, %arg10: memref<64x128xf32, #tpu.memory_space<vmem>>, %arg11: memref<64x128xf32, #tpu.memory_space<vmem>>, %arg12: memref<64x128xf32, #tpu.memory_space<vmem>>, %arg13: memref<10240x128xf32, #tpu.memory_space<vmem_shared>>, %arg14: memref<!tpu.dma_semaphore, #tpu.memory_space<semaphore_mem>>, %arg15: memref<!tpu.dma_semaphore, #tpu.memory_space<semaphore_mem>>, %arg16: memref<!tpu.dma_semaphore, #tpu.memory_space<semaphore_mem>>, %arg17: memref<!tpu.dma_semaphore, #tpu.memory_space<semaphore_mem>>, %arg18: memref<!tpu.dma_semaphore, #tpu.memory_space<semaphore_mem>>, %arg19: memref<!tpu.dma_semaphore, #tpu.memory_space<semaphore_mem>>, %arg20: memref<!tpu.dma_semaphore, #tpu.memory_space<semaphore_mem>>, %arg21: memref<!tpu.dma_semaphore, #tpu.memory_space<semaphore_mem>>, %arg22: memref<!tpu.dma_semaphore, #tpu.memory_space<semaphore_mem>>, %arg23: memref<!tpu.dma_semaphore, #tpu.memory_space<semaphore_mem>>) attributes {dimension_semantics = [#tpu.dimension_semantics<core_parallel>, #tpu.dimension_semantics<subcore_parallel>], iteration_bounds = array<i64: 2, 16>, scalar_prefetch = 0 : i64, scratch_operands = 18 : i64, tpu.core_type = #tpu.core_type<sc_vector_subcore>, window_params = [{transform_indices = #map}, {transform_indices = #map1}, {transform_indices = #map1}, {transform_indices = #map}]} {
    %scan3A = arith.constant 0 : i32
    %scan3A_0 = arith.constant 64 : i32
    %scan3A_1 = arith.addi %scan3A, %scan3A_0 : i32
    %scan3A_2 = arith.constant 1 : i32
    scf.for %scan3A_16 = %scan3A to %scan3A_1 step %scan3A_2  : i32 {
      %mul3A_17 = arith.constant 1 : i32
      %mul3A_18 = arith.muli %scan3A_16, %mul3A_17 : i32
      %add3A = arith.constant 0 : i32
      %add3A_19 = arith.addi %add3A, %mul3A_18 : i32
      %scan3A_20 = arith.constant 0 : i32
      %scan3A_21 = arith.constant 8 : i32
      %scan3A_22 = arith.addi %scan3A_20, %scan3A_21 : i32
      %scan3A_23 = arith.constant 1 : i32
      scf.for %scan3A_25 = %scan3A_20 to %scan3A_22 step %scan3A_23  : i32 {
        %mul3A_26 = arith.constant 16 : i32
        %mul3A_27 = arith.muli %scan3A_25, %mul3A_26 : i32
        %add3A_28 = arith.constant 0 : i32
        %add3A_29 = arith.addi %add3A_28, %mul3A_27 : i32
        %broadcast_in_dim3A = arith.constant 0.000000e+00 : f32
        %broadcast_in_dim3A_30 = vector.broadcast %broadcast_in_dim3A : f32 to vector<16xf32>
        %swap3A = arith.index_cast %add3A_19 : i32 to index
        %swap3A_31 = arith.index_cast %add3A_29 : i32 to index
        %swap3A_32 = tpu.vector_load %arg8[%swap3A, %swap3A_31] {strides = array<i32>} : memref<64x128xf32, #tpu.memory_space<vmem>>, vector<1x16xf32>,
        %swap3A_33 = vector.shape_cast %swap3A_32 : vector<1x16xf32> to vector<16xf32>
        %swap3A_34 = vector.shape_cast %broadcast_in_dim3A_30 : vector<16xf32> to vector<1x16xf32>
        tpu.vector_store %arg8[%swap3A, %swap3A_31], %swap3A_34 {strides = array<i32>} : memref<64x128xf32, #tpu.memory_space<vmem>>, vector<1x16xf32>,
      }
      %scan3A_24 = arith.constant 8 : i32
    }
    %scan3A_3 = arith.constant 64 : i32
    %scan3A_4 = arith.constant 0 : i32
    %scan3A_5 = arith.constant 10 : i32
    %scan3A_6 = arith.addi %scan3A_4, %scan3A_5 : i32
    %scan3A_7 = arith.constant 1 : i32
    scf.for %scan3A_16 = %scan3A_4 to %scan3A_6 step %scan3A_7  : i32 {
      %mul3A_17 = arith.constant 1 : i32
      %mul3A_18 = arith.muli %scan3A_16, %mul3A_17 : i32
      %add3A = arith.constant 0 : i32
      %add3A_19 = arith.addi %add3A, %mul3A_18 : i32
      %mul3A_20 = arith.constant 640 : i32
      %mul3A_21 = arith.muli %arg1, %mul3A_20 : i32
      %mul3A_22 = arith.constant 64 : i32
      %mul3A_23 = arith.muli %add3A_19, %mul3A_22 : i32
      %add3A_24 = arith.addi %mul3A_21, %mul3A_23 : i32
      "tpu.region"() ({
        %run_scoped3A = tpu.sem_alloc : memref<!tpu.dma_semaphore, #tpu.memory_space<semaphore_mem>>
        %dma_start3A = arith.constant 0 : i32
        %dma_start3A_25 = tpu.memref_slice %arg13[%add3A_24, %dma_start3A] : memref<10240x128xf32, #tpu.memory_space<vmem_shared>> -> memref<64x128xf32, #tpu.memory_space<vmem_shared>>
        %dma_start3A_26 = arith.constant 0 : i32
        %dma_start3A_27 = tpu.memref_slice %arg13[%add3A_24, %dma_start3A_26] : memref<10240x128xf32, #tpu.memory_space<vmem_shared>> -> memref<64x128xf32, #tpu.memory_space<vmem_shared>>
        tpu.enqueue_dma source(%arg8 : memref<64x128xf32, #tpu.memory_space<vmem>>) target(%dma_start3A_27 : memref<64x128xf32, #tpu.memory_space<vmem_shared>>) target_semaphore(%run_scoped3A : memref<!tpu.dma_semaphore, #tpu.memory_space<semaphore_mem>>)
        %dma_wait3A = arith.constant 0 : i32
        %dma_wait3A_28 = tpu.memref_slice %arg13[%add3A_24, %dma_wait3A] : memref<10240x128xf32, #tpu.memory_space<vmem_shared>> -> memref<64x128xf32, #tpu.memory_space<vmem_shared>>
        %dma_wait3A_29 = arith.constant 0 : i32
        %dma_wait3A_30 = tpu.memref_slice %arg13[%add3A_24, %dma_wait3A_29] : memref<10240x128xf32, #tpu.memory_space<vmem_shared>> -> memref<64x128xf32, #tpu.memory_space<vmem_shared>>
        tpu.wait_dma2 semaphore(%run_scoped3A : memref<!tpu.dma_semaphore, #tpu.memory_space<semaphore_mem>>) src(%arg8 : memref<64x128xf32, #tpu.memory_space<vmem>>) dst(%dma_wait3A_30 : memref<64x128xf32, #tpu.memory_space<vmem_shared>>)
        tpu.yield
      }) : () -> ()
    }
    %scan3A_8 = arith.constant 10 : i32
    %barrier3A = arith.constant 0 : index
    tpu.barrier barrier_id(%barrier3A)
    %scan3A_9 = arith.constant 0 : i32
    %scan3A_10 = arith.constant 32 : i32
    %scan3A_11 = arith.addi %scan3A_9, %scan3A_10 : i32
    %scan3A_12 = arith.constant 1 : i32
    scf.for %scan3A_16 = %scan3A_9 to %scan3A_11 step %scan3A_12  : i32 {
      %mul3A_17 = arith.constant 1 : i32
      %mul3A_18 = arith.muli %scan3A_16, %mul3A_17 : i32
      %add3A = arith.constant 0 : i32
      %add3A_19 = arith.addi %add3A, %mul3A_18 : i32
      "tpu.region"() ({
        %run_scoped3A = tpu.sem_alloc : memref<!tpu.dma_semaphore, #tpu.memory_space<semaphore_mem>>
        %dma_start3A_378 = arith.constant 0 : i32
        %dma_start3A_379 = arith.constant 0 : i32
        %dma_start3A_380 = arith.constant 0 : i32
        %dma_start3A_381 = tpu.memref_slice %arg3[%arg1, %dma_start3A_378, %dma_start3A_379, %dma_start3A_380] : memref<16x32x10x64xi32, #tpu.memory_space<hbm>> -> memref<1x32x10x64xi32, #tpu.memory_space<hbm>>
        %dma_start3A_382 = tpu.memref_squeeze %dma_start3A_381 : memref<1x32x10x64xi32, #tpu.memory_space<hbm>> -> memref<32x10x64xi32, #tpu.memory_space<hbm>>
        %dma_start3A_383 = arith.constant 0 : i32
        %dma_start3A_384 = arith.constant 0 : i32
        %dma_start3A_385 = tpu.memref_slice %dma_start3A_382[%add3A_19, %dma_start3A_383, %dma_start3A_384] : memref<32x10x64xi32, #tpu.memory_space<hbm>> -> memref<1x10x64xi32, #tpu.memory_space<hbm>>
        %dma_start3A_386 = tpu.memref_squeeze %dma_start3A_385 : memref<1x10x64xi32, #tpu.memory_space<hbm>> -> memref<10x64xi32, #tpu.memory_space<hbm>>
        %dma_start3A_387 = arith.constant 0 : i32
        %dma_start3A_388 = arith.constant 0 : i32
        %dma_start3A_389 = arith.constant 0 : i32
        %dma_start3A_390 = tpu.memref_slice %arg3[%arg1, %dma_start3A_387, %dma_start3A_388, %dma_start3A_389] : memref<16x32x10x64xi32, #tpu.memory_space<hbm>> -> memref<1x32x10x64xi32, #tpu.memory_space<hbm>>
        %dma_start3A_391 = tpu.memref_squeeze %dma_start3A_390 : memref<1x32x10x64xi32, #tpu.memory_space<hbm>> -> memref<32x10x64xi32, #tpu.memory_space<hbm>>
        %dma_start3A_392 = arith.constant 0 : i32
        %dma_start3A_393 = arith.constant 0 : i32
        %dma_start3A_394 = tpu.memref_slice %dma_start3A_391[%add3A_19, %dma_start3A_392, %dma_start3A_393] : memref<32x10x64xi32, #tpu.memory_space<hbm>> -> memref<1x10x64xi32, #tpu.memory_space<hbm>>
        %dma_start3A_395 = tpu.memref_squeeze %dma_start3A_394 : memref<1x10x64xi32, #tpu.memory_space<hbm>> -> memref<10x64xi32, #tpu.memory_space<hbm>>
        tpu.enqueue_dma source(%dma_start3A_395 : memref<10x64xi32, #tpu.memory_space<hbm>>) target(%arg6 : memref<10x64xi32, #tpu.memory_space<vmem>>) target_semaphore(%run_scoped3A : memref<!tpu.dma_semaphore, #tpu.memory_space<semaphore_mem>>)
        %dma_wait3A_396 = arith.constant 0 : i32
        %dma_wait3A_397 = arith.constant 0 : i32
        %dma_wait3A_398 = arith.constant 0 : i32
        %dma_wait3A_399 = tpu.memref_slice %arg3[%arg1, %dma_wait3A_396, %dma_wait3A_397, %dma_wait3A_398] : memref<16x32x10x64xi32, #tpu.memory_space<hbm>> -> memref<1x32x10x64xi32, #tpu.memory_space<hbm>>
        %dma_wait3A_400 = tpu.memref_squeeze %dma_wait3A_399 : memref<1x32x10x64xi32, #tpu.memory_space<hbm>> -> memref<32x10x64xi32, #tpu.memory_space<hbm>>
        %dma_wait3A_401 = arith.constant 0 : i32
        %dma_wait3A_402 = arith.constant 0 : i32
        %dma_wait3A_403 = tpu.memref_slice %dma_wait3A_400[%add3A_19, %dma_wait3A_401, %dma_wait3A_402] : memref<32x10x64xi32, #tpu.memory_space<hbm>> -> memref<1x10x64xi32, #tpu.memory_space<hbm>>
        %dma_wait3A_404 = tpu.memref_squeeze %dma_wait3A_403 : memref<1x10x64xi32, #tpu.memory_space<hbm>> -> memref<10x64xi32, #tpu.memory_space<hbm>>
        %dma_wait3A_405 = arith.constant 0 : i32
        %dma_wait3A_406 = arith.constant 0 : i32
        %dma_wait3A_407 = arith.constant 0 : i32
        %dma_wait3A_408 = tpu.memref_slice %arg3[%arg1, %dma_wait3A_405, %dma_wait3A_406, %dma_wait3A_407] : memref<16x32x10x64xi32, #tpu.memory_space<hbm>> -> memref<1x32x10x64xi32, #tpu.memory_space<hbm>>
        %dma_wait3A_409 = tpu.memref_squeeze %dma_wait3A_408 : memref<1x32x10x64xi32, #tpu.memory_space<hbm>> -> memref<32x10x64xi32, #tpu.memory_space<hbm>>
        %dma_wait3A_410 = arith.constant 0 : i32
        %dma_wait3A_411 = arith.constant 0 : i32
        %dma_wait3A_412 = tpu.memref_slice %dma_wait3A_409[%add3A_19, %dma_wait3A_410, %dma_wait3A_411] : memref<32x10x64xi32, #tpu.memory_space<hbm>> -> memref<1x10x64xi32, #tpu.memory_space<hbm>>
        %dma_wait3A_413 = tpu.memref_squeeze %dma_wait3A_412 : memref<1x10x64xi32, #tpu.memory_space<hbm>> -> memref<10x64xi32, #tpu.memory_space<hbm>>
        tpu.wait_dma2 semaphore(%run_scoped3A : memref<!tpu.dma_semaphore, #tpu.memory_space<semaphore_mem>>) src(%dma_wait3A_413 : memref<10x64xi32, #tpu.memory_space<hbm>>) dst(%arg6 : memref<10x64xi32, #tpu.memory_space<vmem>>)
        tpu.yield
      }) : () -> ()
      "tpu.region"() ({
        %run_scoped3A = tpu.sem_alloc : memref<!tpu.dma_semaphore, #tpu.memory_space<semaphore_mem>>
        %dma_start3A_378 = arith.constant 0 : i32
        %dma_start3A_379 = arith.constant 0 : i32
        %dma_start3A_380 = arith.constant 0 : i32
        %dma_start3A_381 = tpu.memref_slice %arg4[%arg1, %dma_start3A_378, %dma_start3A_379, %dma_start3A_380] : memref<16x32x10x64xi32, #tpu.memory_space<hbm>> -> memref<1x32x10x64xi32, #tpu.memory_space<hbm>>
        %dma_start3A_382 = tpu.memref_squeeze %dma_start3A_381 : memref<1x32x10x64xi32, #tpu.memory_space<hbm>> -> memref<32x10x64xi32, #tpu.memory_space<hbm>>
        %dma_start3A_383 = arith.constant 0 : i32
        %dma_start3A_384 = arith.constant 0 : i32
        %dma_start3A_385 = tpu.memref_slice %dma_start3A_382[%add3A_19, %dma_start3A_383, %dma_start3A_384] : memref<32x10x64xi32, #tpu.memory_space<hbm>> -> memref<1x10x64xi32, #tpu.memory_space<hbm>>
        %dma_start3A_386 = tpu.memref_squeeze %dma_start3A_385 : memref<1x10x64xi32, #tpu.memory_space<hbm>> -> memref<10x64xi32, #tpu.memory_space<hbm>>
        %dma_start3A_387 = arith.constant 0 : i32
        %dma_start3A_388 = arith.constant 0 : i32
        %dma_start3A_389 = arith.constant 0 : i32
        %dma_start3A_390 = tpu.memref_slice %arg4[%arg1, %dma_start3A_387, %dma_start3A_388, %dma_start3A_389] : memref<16x32x10x64xi32, #tpu.memory_space<hbm>> -> memref<1x32x10x64xi32, #tpu.memory_space<hbm>>
        %dma_start3A_391 = tpu.memref_squeeze %dma_start3A_390 : memref<1x32x10x64xi32, #tpu.memory_space<hbm>> -> memref<32x10x64xi32, #tpu.memory_space<hbm>>
        %dma_start3A_392 = arith.constant 0 : i32
        %dma_start3A_393 = arith.constant 0 : i32
        %dma_start3A_394 = tpu.memref_slice %dma_start3A_391[%add3A_19, %dma_start3A_392, %dma_start3A_393] : memref<32x10x64xi32, #tpu.memory_space<hbm>> -> memref<1x10x64xi32, #tpu.memory_space<hbm>>
        %dma_start3A_395 = tpu.memref_squeeze %dma_start3A_394 : memref<1x10x64xi32, #tpu.memory_space<hbm>> -> memref<10x64xi32, #tpu.memory_space<hbm>>
        tpu.enqueue_dma source(%dma_start3A_395 : memref<10x64xi32, #tpu.memory_space<hbm>>) target(%arg7 : memref<10x64xi32, #tpu.memory_space<vmem>>) target_semaphore(%run_scoped3A : memref<!tpu.dma_semaphore, #tpu.memory_space<semaphore_mem>>)
        %dma_wait3A_396 = arith.constant 0 : i32
        %dma_wait3A_397 = arith.constant 0 : i32
        %dma_wait3A_398 = arith.constant 0 : i32
        %dma_wait3A_399 = tpu.memref_slice %arg4[%arg1, %dma_wait3A_396, %dma_wait3A_397, %dma_wait3A_398] : memref<16x32x10x64xi32, #tpu.memory_space<hbm>> -> memref<1x32x10x64xi32, #tpu.memory_space<hbm>>
        %dma_wait3A_400 = tpu.memref_squeeze %dma_wait3A_399 : memref<1x32x10x64xi32, #tpu.memory_space<hbm>> -> memref<32x10x64xi32, #tpu.memory_space<hbm>>
        %dma_wait3A_401 = arith.constant 0 : i32
        %dma_wait3A_402 = arith.constant 0 : i32
        %dma_wait3A_403 = tpu.memref_slice %dma_wait3A_400[%add3A_19, %dma_wait3A_401, %dma_wait3A_402] : memref<32x10x64xi32, #tpu.memory_space<hbm>> -> memref<1x10x64xi32, #tpu.memory_space<hbm>>
        %dma_wait3A_404 = tpu.memref_squeeze %dma_wait3A_403 : memref<1x10x64xi32, #tpu.memory_space<hbm>> -> memref<10x64xi32, #tpu.memory_space<hbm>>
        %dma_wait3A_405 = arith.constant 0 : i32
        %dma_wait3A_406 = arith.constant 0 : i32
        %dma_wait3A_407 = arith.constant 0 : i32
        %dma_wait3A_408 = tpu.memref_slice %arg4[%arg1, %dma_wait3A_405, %dma_wait3A_406, %dma_wait3A_407] : memref<16x32x10x64xi32, #tpu.memory_space<hbm>> -> memref<1x32x10x64xi32, #tpu.memory_space<hbm>>
        %dma_wait3A_409 = tpu.memref_squeeze %dma_wait3A_408 : memref<1x32x10x64xi32, #tpu.memory_space<hbm>> -> memref<32x10x64xi32, #tpu.memory_space<hbm>>
        %dma_wait3A_410 = arith.constant 0 : i32
        %dma_wait3A_411 = arith.constant 0 : i32
        %dma_wait3A_412 = tpu.memref_slice %dma_wait3A_409[%add3A_19, %dma_wait3A_410, %dma_wait3A_411] : memref<32x10x64xi32, #tpu.memory_space<hbm>> -> memref<1x10x64xi32, #tpu.memory_space<hbm>>
        %dma_wait3A_413 = tpu.memref_squeeze %dma_wait3A_412 : memref<1x10x64xi32, #tpu.memory_space<hbm>> -> memref<10x64xi32, #tpu.memory_space<hbm>>
        tpu.wait_dma2 semaphore(%run_scoped3A : memref<!tpu.dma_semaphore, #tpu.memory_space<semaphore_mem>>) src(%dma_wait3A_413 : memref<10x64xi32, #tpu.memory_space<hbm>>) dst(%arg7 : memref<10x64xi32, #tpu.memory_space<vmem>>)
        tpu.yield
      }) : () -> ()
      %dma_start3A = arith.constant 0 : i32
      %dma_start3A_20 = arith.constant 0 : i32
      %dma_start3A_21 = tpu.memref_slice %arg6[%dma_start3A, %dma_start3A_20] : memref<10x64xi32, #tpu.memory_space<vmem>> -> memref<1x64xi32, #tpu.memory_space<vmem>>
      %dma_start3A_22 = tpu.memref_squeeze %dma_start3A_21 : memref<1x64xi32, #tpu.memory_space<vmem>> -> memref<64xi32, #tpu.memory_space<vmem>>
      %dma_start3A_23 = arith.constant 0 : i32
      %dma_start3A_24 = arith.constant 0 : i32
      %dma_start3A_25 = tpu.memref_slice %arg2[%arg0, %dma_start3A_23, %dma_start3A_24] : memref<2x10240x128xf32, #tpu.memory_space<hbm>> -> memref<1x10240x128xf32, #tpu.memory_space<hbm>>
      %dma_start3A_26 = tpu.memref_squeeze %dma_start3A_25 : memref<1x10240x128xf32, #tpu.memory_space<hbm>> -> memref<10240x128xf32, #tpu.memory_space<hbm>>
      %dma_start3A_27 = arith.constant 0 : i32
      %dma_start3A_28 = arith.constant 0 : i32
      %dma_start3A_29 = tpu.memref_slice %dma_start3A_26[%dma_start3A_27, %dma_start3A_28] : memref<10240x128xf32, #tpu.memory_space<hbm>> -> memref<10240x128xf32, #tpu.memory_space<hbm>>
      tpu.enqueue_indirect_dma source(%dma_start3A_29 : memref<10240x128xf32, #tpu.memory_space<hbm>>) target(%arg8 : memref<64x128xf32, #tpu.memory_space<vmem>>) offsets(%dma_start3A_22 : memref<64xi32, #tpu.memory_space<vmem>>) semaphore(%arg14 : memref<!tpu.dma_semaphore, #tpu.memory_space<semaphore_mem>>)
      %dma_start3A_30 = arith.constant 1 : i32
      %dma_start3A_31 = arith.constant 0 : i32
      %dma_start3A_32 = tpu.memref_slice %arg6[%dma_start3A_30, %dma_start3A_31] : memref<10x64xi32, #tpu.memory_space<vmem>> -> memref<1x64xi32, #tpu.memory_space<vmem>>
      %dma_start3A_33 = tpu.memref_squeeze %dma_start3A_32 : memref<1x64xi32, #tpu.memory_space<vmem>> -> memref<64xi32, #tpu.memory_space<vmem>>
      %dma_start3A_34 = arith.constant 0 : i32
      %dma_start3A_35 = arith.constant 0 : i32
      %dma_start3A_36 = tpu.memref_slice %arg2[%arg0, %dma_start3A_34, %dma_start3A_35] : memref<2x10240x128xf32, #tpu.memory_space<hbm>> -> memref<1x10240x128xf32, #tpu.memory_space<hbm>>
      %dma_start3A_37 = tpu.memref_squeeze %dma_start3A_36 : memref<1x10240x128xf32, #tpu.memory_space<hbm>> -> memref<10240x128xf32, #tpu.memory_space<hbm>>
      %dma_start3A_38 = arith.constant 0 : i32
      %dma_start3A_39 = arith.constant 0 : i32
      %dma_start3A_40 = tpu.memref_slice %dma_start3A_37[%dma_start3A_38, %dma_start3A_39] : memref<10240x128xf32, #tpu.memory_space<hbm>> -> memref<10240x128xf32, #tpu.memory_space<hbm>>
      tpu.enqueue_indirect_dma source(%dma_start3A_40 : memref<10240x128xf32, #tpu.memory_space<hbm>>) target(%arg9 : memref<64x128xf32, #tpu.memory_space<vmem>>) offsets(%dma_start3A_33 : memref<64xi32, #tpu.memory_space<vmem>>) semaphore(%arg15 : memref<!tpu.dma_semaphore, #tpu.memory_space<semaphore_mem>>)
      %dma_start3A_41 = arith.constant 2 : i32
      %dma_start3A_42 = arith.constant 0 : i32
      %dma_start3A_43 = tpu.memref_slice %arg6[%dma_start3A_41, %dma_start3A_42] : memref<10x64xi32, #tpu.memory_space<vmem>> -> memref<1x64xi32, #tpu.memory_space<vmem>>
      %dma_start3A_44 = tpu.memref_squeeze %dma_start3A_43 : memref<1x64xi32, #tpu.memory_space<vmem>> -> memref<64xi32, #tpu.memory_space<vmem>>
      %dma_start3A_45 = arith.constant 0 : i32
      %dma_start3A_46 = arith.constant 0 : i32
      %dma_start3A_47 = tpu.memref_slice %arg2[%arg0, %dma_start3A_45, %dma_start3A_46] : memref<2x10240x128xf32, #tpu.memory_space<hbm>> -> memref<1x10240x128xf32, #tpu.memory_space<hbm>>
      %dma_start3A_48 = tpu.memref_squeeze %dma_start3A_47 : memref<1x10240x128xf32, #tpu.memory_space<hbm>> -> memref<10240x128xf32, #tpu.memory_space<hbm>>
      %dma_start3A_49 = arith.constant 0 : i32
      %dma_start3A_50 = arith.constant 0 : i32
      %dma_start3A_51 = tpu.memref_slice %dma_start3A_48[%dma_start3A_49, %dma_start3A_50] : memref<10240x128xf32, #tpu.memory_space<hbm>> -> memref<10240x128xf32, #tpu.memory_space<hbm>>
      tpu.enqueue_indirect_dma source(%dma_start3A_51 : memref<10240x128xf32, #tpu.memory_space<hbm>>) target(%arg10 : memref<64x128xf32, #tpu.memory_space<vmem>>) offsets(%dma_start3A_44 : memref<64xi32, #tpu.memory_space<vmem>>) semaphore(%arg16 : memref<!tpu.dma_semaphore, #tpu.memory_space<semaphore_mem>>)
      %dma_start3A_52 = arith.constant 3 : i32
      %dma_start3A_53 = arith.constant 0 : i32
      %dma_start3A_54 = tpu.memref_slice %arg6[%dma_start3A_52, %dma_start3A_53] : memref<10x64xi32, #tpu.memory_space<vmem>> -> memref<1x64xi32, #tpu.memory_space<vmem>>
      %dma_start3A_55 = tpu.memref_squeeze %dma_start3A_54 : memref<1x64xi32, #tpu.memory_space<vmem>> -> memref<64xi32, #tpu.memory_space<vmem>>
      %dma_start3A_56 = arith.constant 0 : i32
      %dma_start3A_57 = arith.constant 0 : i32
      %dma_start3A_58 = tpu.memref_slice %arg2[%arg0, %dma_start3A_56, %dma_start3A_57] : memref<2x10240x128xf32, #tpu.memory_space<hbm>> -> memref<1x10240x128xf32, #tpu.memory_space<hbm>>
      %dma_start3A_59 = tpu.memref_squeeze %dma_start3A_58 : memref<1x10240x128xf32, #tpu.memory_space<hbm>> -> memref<10240x128xf32, #tpu.memory_space<hbm>>
      %dma_start3A_60 = arith.constant 0 : i32
      %dma_start3A_61 = arith.constant 0 : i32
      %dma_start3A_62 = tpu.memref_slice %dma_start3A_59[%dma_start3A_60, %dma_start3A_61] : memref<10240x128xf32, #tpu.memory_space<hbm>> -> memref<10240x128xf32, #tpu.memory_space<hbm>>
      tpu.enqueue_indirect_dma source(%dma_start3A_62 : memref<10240x128xf32, #tpu.memory_space<hbm>>) target(%arg11 : memref<64x128xf32, #tpu.memory_space<vmem>>) offsets(%dma_start3A_55 : memref<64xi32, #tpu.memory_space<vmem>>) semaphore(%arg17 : memref<!tpu.dma_semaphore, #tpu.memory_space<semaphore_mem>>)
      %dma_start3A_63 = arith.constant 4 : i32
      %dma_start3A_64 = arith.constant 0 : i32
      %dma_start3A_65 = tpu.memref_slice %arg6[%dma_start3A_63, %dma_start3A_64] : memref<10x64xi32, #tpu.memory_space<vmem>> -> memref<1x64xi32, #tpu.memory_space<vmem>>
      %dma_start3A_66 = tpu.memref_squeeze %dma_start3A_65 : memref<1x64xi32, #tpu.memory_space<vmem>> -> memref<64xi32, #tpu.memory_space<vmem>>
      %dma_start3A_67 = arith.constant 0 : i32
      %dma_start3A_68 = arith.constant 0 : i32
      %dma_start3A_69 = tpu.memref_slice %arg2[%arg0, %dma_start3A_67, %dma_start3A_68] : memref<2x10240x128xf32, #tpu.memory_space<hbm>> -> memref<1x10240x128xf32, #tpu.memory_space<hbm>>
      %dma_start3A_70 = tpu.memref_squeeze %dma_start3A_69 : memref<1x10240x128xf32, #tpu.memory_space<hbm>> -> memref<10240x128xf32, #tpu.memory_space<hbm>>
      %dma_start3A_71 = arith.constant 0 : i32
      %dma_start3A_72 = arith.constant 0 : i32
      %dma_start3A_73 = tpu.memref_slice %dma_start3A_70[%dma_start3A_71, %dma_start3A_72] : memref<10240x128xf32, #tpu.memory_space<hbm>> -> memref<10240x128xf32, #tpu.memory_space<hbm>>
      tpu.enqueue_indirect_dma source(%dma_start3A_73 : memref<10240x128xf32, #tpu.memory_space<hbm>>) target(%arg12 : memref<64x128xf32, #tpu.memory_space<vmem>>) offsets(%dma_start3A_66 : memref<64xi32, #tpu.memory_space<vmem>>) semaphore(%arg18 : memref<!tpu.dma_semaphore, #tpu.memory_space<semaphore_mem>>)
      %dma_wait3A = arith.constant 0 : i32
      %dma_wait3A_74 = arith.constant 0 : i32
      %dma_wait3A_75 = tpu.memref_slice %arg6[%dma_wait3A, %dma_wait3A_74] : memref<10x64xi32, #tpu.memory_space<vmem>> -> memref<1x64xi32, #tpu.memory_space<vmem>>
      %dma_wait3A_76 = tpu.memref_squeeze %dma_wait3A_75 : memref<1x64xi32, #tpu.memory_space<vmem>> -> memref<64xi32, #tpu.memory_space<vmem>>
      %dma_wait3A_77 = arith.constant 0 : i32
      %dma_wait3A_78 = arith.constant 0 : i32
      %dma_wait3A_79 = tpu.memref_slice %arg2[%arg0, %dma_wait3A_77, %dma_wait3A_78] : memref<2x10240x128xf32, #tpu.memory_space<hbm>> -> memref<1x10240x128xf32, #tpu.memory_space<hbm>>
      %dma_wait3A_80 = tpu.memref_squeeze %dma_wait3A_79 : memref<1x10240x128xf32, #tpu.memory_space<hbm>> -> memref<10240x128xf32, #tpu.memory_space<hbm>>
      %dma_wait3A_81 = arith.constant 0 : i32
      %dma_wait3A_82 = arith.constant 0 : i32
      %dma_wait3A_83 = tpu.memref_slice %dma_wait3A_80[%dma_wait3A_81, %dma_wait3A_82] : memref<10240x128xf32, #tpu.memory_space<hbm>> -> memref<10240x128xf32, #tpu.memory_space<hbm>>
      tpu.wait_indirect_dma semaphore(%arg14 : memref<!tpu.dma_semaphore, #tpu.memory_space<semaphore_mem>>) src(%dma_wait3A_83 : memref<10240x128xf32, #tpu.memory_space<hbm>>) dst(%arg8 : memref<64x128xf32, #tpu.memory_space<vmem>>)
      %dma_start3A_84 = arith.constant 0 : i32
      %dma_start3A_85 = arith.constant 0 : i32
      %dma_start3A_86 = tpu.memref_slice %arg7[%dma_start3A_84, %dma_start3A_85] : memref<10x64xi32, #tpu.memory_space<vmem>> -> memref<1x64xi32, #tpu.memory_space<vmem>>
      %dma_start3A_87 = tpu.memref_squeeze %dma_start3A_86 : memref<1x64xi32, #tpu.memory_space<vmem>> -> memref<64xi32, #tpu.memory_space<vmem>>
      %dma_start3A_88 = arith.constant 0 : i32
      %dma_start3A_89 = arith.constant 0 : i32
      %dma_start3A_90 = tpu.memref_slice %arg13[%dma_start3A_88, %dma_start3A_89] : memref<10240x128xf32, #tpu.memory_space<vmem_shared>> -> memref<10240x128xf32, #tpu.memory_space<vmem_shared>>
      tpu.enqueue_indirect_dma source(%arg8 : memref<64x128xf32, #tpu.memory_space<vmem>>) target(%dma_start3A_90 : memref<10240x128xf32, #tpu.memory_space<vmem_shared>>) offsets(%dma_start3A_87 : memref<64xi32, #tpu.memory_space<vmem>>) semaphore(%arg19 : memref<!tpu.dma_semaphore, #tpu.memory_space<semaphore_mem>>) {add = true}
      %dma_wait3A_91 = arith.constant 0 : i32
      %dma_wait3A_92 = arith.constant 0 : i32
      %dma_wait3A_93 = tpu.memref_slice %arg7[%dma_wait3A_91, %dma_wait3A_92] : memref<10x64xi32, #tpu.memory_space<vmem>> -> memref<1x64xi32, #tpu.memory_space<vmem>>
      %dma_wait3A_94 = tpu.memref_squeeze %dma_wait3A_93 : memref<1x64xi32, #tpu.memory_space<vmem>> -> memref<64xi32, #tpu.memory_space<vmem>>
      %dma_wait3A_95 = arith.constant 0 : i32
      %dma_wait3A_96 = arith.constant 0 : i32
      %dma_wait3A_97 = tpu.memref_slice %arg13[%dma_wait3A_95, %dma_wait3A_96] : memref<10240x128xf32, #tpu.memory_space<vmem_shared>> -> memref<10240x128xf32, #tpu.memory_space<vmem_shared>>
      tpu.wait_indirect_dma semaphore(%arg19 : memref<!tpu.dma_semaphore, #tpu.memory_space<semaphore_mem>>) src(%arg8 : memref<64x128xf32, #tpu.memory_space<vmem>>) dst(%dma_wait3A_97 : memref<10240x128xf32, #tpu.memory_space<vmem_shared>>)
      %dma_start3A_98 = arith.constant 5 : i32
      %dma_start3A_99 = arith.constant 0 : i32
      %dma_start3A_100 = tpu.memref_slice %arg6[%dma_start3A_98, %dma_start3A_99] : memref<10x64xi32, #tpu.memory_space<vmem>> -> memref<1x64xi32, #tpu.memory_space<vmem>>
      %dma_start3A_101 = tpu.memref_squeeze %dma_start3A_100 : memref<1x64xi32, #tpu.memory_space<vmem>> -> memref<64xi32, #tpu.memory_space<vmem>>
      %dma_start3A_102 = arith.constant 0 : i32
      %dma_start3A_103 = arith.constant 0 : i32
      %dma_start3A_104 = tpu.memref_slice %arg2[%arg0, %dma_start3A_102, %dma_start3A_103] : memref<2x10240x128xf32, #tpu.memory_space<hbm>> -> memref<1x10240x128xf32, #tpu.memory_space<hbm>>
      %dma_start3A_105 = tpu.memref_squeeze %dma_start3A_104 : memref<1x10240x128xf32, #tpu.memory_space<hbm>> -> memref<10240x128xf32, #tpu.memory_space<hbm>>
      %dma_start3A_106 = arith.constant 0 : i32
      %dma_start3A_107 = arith.constant 0 : i32
      %dma_start3A_108 = tpu.memref_slice %dma_start3A_105[%dma_start3A_106, %dma_start3A_107] : memref<10240x128xf32, #tpu.memory_space<hbm>> -> memref<10240x128xf32, #tpu.memory_space<hbm>>
      tpu.enqueue_indirect_dma source(%dma_start3A_108 : memref<10240x128xf32, #tpu.memory_space<hbm>>) target(%arg8 : memref<64x128xf32, #tpu.memory_space<vmem>>) offsets(%dma_start3A_101 : memref<64xi32, #tpu.memory_space<vmem>>) semaphore(%arg14 : memref<!tpu.dma_semaphore, #tpu.memory_space<semaphore_mem>>)
      %dma_wait3A_109 = arith.constant 1 : i32
      %dma_wait3A_110 = arith.constant 0 : i32
      %dma_wait3A_111 = tpu.memref_slice %arg6[%dma_wait3A_109, %dma_wait3A_110] : memref<10x64xi32, #tpu.memory_space<vmem>> -> memref<1x64xi32, #tpu.memory_space<vmem>>
      %dma_wait3A_112 = tpu.memref_squeeze %dma_wait3A_111 : memref<1x64xi32, #tpu.memory_space<vmem>> -> memref<64xi32, #tpu.memory_space<vmem>>
      %dma_wait3A_113 = arith.constant 0 : i32
      %dma_wait3A_114 = arith.constant 0 : i32
      %dma_wait3A_115 = tpu.memref_slice %arg2[%arg0, %dma_wait3A_113, %dma_wait3A_114] : memref<2x10240x128xf32, #tpu.memory_space<hbm>> -> memref<1x10240x128xf32, #tpu.memory_space<hbm>>
      %dma_wait3A_116 = tpu.memref_squeeze %dma_wait3A_115 : memref<1x10240x128xf32, #tpu.memory_space<hbm>> -> memref<10240x128xf32, #tpu.memory_space<hbm>>
      %dma_wait3A_117 = arith.constant 0 : i32
      %dma_wait3A_118 = arith.constant 0 : i32
      %dma_wait3A_119 = tpu.memref_slice %dma_wait3A_116[%dma_wait3A_117, %dma_wait3A_118] : memref<10240x128xf32, #tpu.memory_space<hbm>> -> memref<10240x128xf32, #tpu.memory_space<hbm>>
      tpu.wait_indirect_dma semaphore(%arg15 : memref<!tpu.dma_semaphore, #tpu.memory_space<semaphore_mem>>) src(%dma_wait3A_119 : memref<10240x128xf32, #tpu.memory_space<hbm>>) dst(%arg9 : memref<64x128xf32, #tpu.memory_space<vmem>>)
      %dma_start3A_120 = arith.constant 1 : i32
      %dma_start3A_121 = arith.constant 0 : i32
      %dma_start3A_122 = tpu.memref_slice %arg7[%dma_start3A_120, %dma_start3A_121] : memref<10x64xi32, #tpu.memory_space<vmem>> -> memref<1x64xi32, #tpu.memory_space<vmem>>
      %dma_start3A_123 = tpu.memref_squeeze %dma_start3A_122 : memref<1x64xi32, #tpu.memory_space<vmem>> -> memref<64xi32, #tpu.memory_space<vmem>>
      %dma_start3A_124 = arith.constant 0 : i32
      %dma_start3A_125 = arith.constant 0 : i32
      %dma_start3A_126 = tpu.memref_slice %arg13[%dma_start3A_124, %dma_start3A_125] : memref<10240x128xf32, #tpu.memory_space<vmem_shared>> -> memref<10240x128xf32, #tpu.memory_space<vmem_shared>>
      tpu.enqueue_indirect_dma source(%arg9 : memref<64x128xf32, #tpu.memory_space<vmem>>) target(%dma_start3A_126 : memref<10240x128xf32, #tpu.memory_space<vmem_shared>>) offsets(%dma_start3A_123 : memref<64xi32, #tpu.memory_space<vmem>>) semaphore(%arg20 : memref<!tpu.dma_semaphore, #tpu.memory_space<semaphore_mem>>) {add = true}
      %dma_wait3A_127 = arith.constant 1 : i32
      %dma_wait3A_128 = arith.constant 0 : i32
      %dma_wait3A_129 = tpu.memref_slice %arg7[%dma_wait3A_127, %dma_wait3A_128] : memref<10x64xi32, #tpu.memory_space<vmem>> -> memref<1x64xi32, #tpu.memory_space<vmem>>
      %dma_wait3A_130 = tpu.memref_squeeze %dma_wait3A_129 : memref<1x64xi32, #tpu.memory_space<vmem>> -> memref<64xi32, #tpu.memory_space<vmem>>
      %dma_wait3A_131 = arith.constant 0 : i32
      %dma_wait3A_132 = arith.constant 0 : i32
      %dma_wait3A_133 = tpu.memref_slice %arg13[%dma_wait3A_131, %dma_wait3A_132] : memref<10240x128xf32, #tpu.memory_space<vmem_shared>> -> memref<10240x128xf32, #tpu.memory_space<vmem_shared>>
      tpu.wait_indirect_dma semaphore(%arg20 : memref<!tpu.dma_semaphore, #tpu.memory_space<semaphore_mem>>) src(%arg9 : memref<64x128xf32, #tpu.memory_space<vmem>>) dst(%dma_wait3A_133 : memref<10240x128xf32, #tpu.memory_space<vmem_shared>>)
      %dma_start3A_134 = arith.constant 6 : i32
      %dma_start3A_135 = arith.constant 0 : i32
      %dma_start3A_136 = tpu.memref_slice %arg6[%dma_start3A_134, %dma_start3A_135] : memref<10x64xi32, #tpu.memory_space<vmem>> -> memref<1x64xi32, #tpu.memory_space<vmem>>
      %dma_start3A_137 = tpu.memref_squeeze %dma_start3A_136 : memref<1x64xi32, #tpu.memory_space<vmem>> -> memref<64xi32, #tpu.memory_space<vmem>>
      %dma_start3A_138 = arith.constant 0 : i32
      %dma_start3A_139 = arith.constant 0 : i32
      %dma_start3A_140 = tpu.memref_slice %arg2[%arg0, %dma_start3A_138, %dma_start3A_139] : memref<2x10240x128xf32, #tpu.memory_space<hbm>> -> memref<1x10240x128xf32, #tpu.memory_space<hbm>>
      %dma_start3A_141 = tpu.memref_squeeze %dma_start3A_140 : memref<1x10240x128xf32, #tpu.memory_space<hbm>> -> memref<10240x128xf32, #tpu.memory_space<hbm>>
      %dma_start3A_142 = arith.constant 0 : i32
      %dma_start3A_143 = arith.constant 0 : i32
      %dma_start3A_144 = tpu.memref_slice %dma_start3A_141[%dma_start3A_142, %dma_start3A_143] : memref<10240x128xf32, #tpu.memory_space<hbm>> -> memref<10240x128xf32, #tpu.memory_space<hbm>>
      tpu.enqueue_indirect_dma source(%dma_start3A_144 : memref<10240x128xf32, #tpu.memory_space<hbm>>) target(%arg9 : memref<64x128xf32, #tpu.memory_space<vmem>>) offsets(%dma_start3A_137 : memref<64xi32, #tpu.memory_space<vmem>>) semaphore(%arg15 : memref<!tpu.dma_semaphore, #tpu.memory_space<semaphore_mem>>)
      %dma_wait3A_145 = arith.constant 2 : i32
      %dma_wait3A_146 = arith.constant 0 : i32
      %dma_wait3A_147 = tpu.memref_slice %arg6[%dma_wait3A_145, %dma_wait3A_146] : memref<10x64xi32, #tpu.memory_space<vmem>> -> memref<1x64xi32, #tpu.memory_space<vmem>>
      %dma_wait3A_148 = tpu.memref_squeeze %dma_wait3A_147 : memref<1x64xi32, #tpu.memory_space<vmem>> -> memref<64xi32, #tpu.memory_space<vmem>>
      %dma_wait3A_149 = arith.constant 0 : i32
      %dma_wait3A_150 = arith.constant 0 : i32
      %dma_wait3A_151 = tpu.memref_slice %arg2[%arg0, %dma_wait3A_149, %dma_wait3A_150] : memref<2x10240x128xf32, #tpu.memory_space<hbm>> -> memref<1x10240x128xf32, #tpu.memory_space<hbm>>
      %dma_wait3A_152 = tpu.memref_squeeze %dma_wait3A_151 : memref<1x10240x128xf32, #tpu.memory_space<hbm>> -> memref<10240x128xf32, #tpu.memory_space<hbm>>
      %dma_wait3A_153 = arith.constant 0 : i32
      %dma_wait3A_154 = arith.constant 0 : i32
      %dma_wait3A_155 = tpu.memref_slice %dma_wait3A_152[%dma_wait3A_153, %dma_wait3A_154] : memref<10240x128xf32, #tpu.memory_space<hbm>> -> memref<10240x128xf32, #tpu.memory_space<hbm>>
      tpu.wait_indirect_dma semaphore(%arg16 : memref<!tpu.dma_semaphore, #tpu.memory_space<semaphore_mem>>) src(%dma_wait3A_155 : memref<10240x128xf32, #tpu.memory_space<hbm>>) dst(%arg10 : memref<64x128xf32, #tpu.memory_space<vmem>>)
      %dma_start3A_156 = arith.constant 2 : i32
      %dma_start3A_157 = arith.constant 0 : i32
      %dma_start3A_158 = tpu.memref_slice %arg7[%dma_start3A_156, %dma_start3A_157] : memref<10x64xi32, #tpu.memory_space<vmem>> -> memref<1x64xi32, #tpu.memory_space<vmem>>
      %dma_start3A_159 = tpu.memref_squeeze %dma_start3A_158 : memref<1x64xi32, #tpu.memory_space<vmem>> -> memref<64xi32, #tpu.memory_space<vmem>>
      %dma_start3A_160 = arith.constant 0 : i32
      %dma_start3A_161 = arith.constant 0 : i32
      %dma_start3A_162 = tpu.memref_slice %arg13[%dma_start3A_160, %dma_start3A_161] : memref<10240x128xf32, #tpu.memory_space<vmem_shared>> -> memref<10240x128xf32, #tpu.memory_space<vmem_shared>>
      tpu.enqueue_indirect_dma source(%arg10 : memref<64x128xf32, #tpu.memory_space<vmem>>) target(%dma_start3A_162 : memref<10240x128xf32, #tpu.memory_space<vmem_shared>>) offsets(%dma_start3A_159 : memref<64xi32, #tpu.memory_space<vmem>>) semaphore(%arg21 : memref<!tpu.dma_semaphore, #tpu.memory_space<semaphore_mem>>) {add = true}
      %dma_wait3A_163 = arith.constant 2 : i32
      %dma_wait3A_164 = arith.constant 0 : i32
      %dma_wait3A_165 = tpu.memref_slice %arg7[%dma_wait3A_163, %dma_wait3A_164] : memref<10x64xi32, #tpu.memory_space<vmem>> -> memref<1x64xi32, #tpu.memory_space<vmem>>
      %dma_wait3A_166 = tpu.memref_squeeze %dma_wait3A_165 : memref<1x64xi32, #tpu.memory_space<vmem>> -> memref<64xi32, #tpu.memory_space<vmem>>
      %dma_wait3A_167 = arith.constant 0 : i32
      %dma_wait3A_168 = arith.constant 0 : i32
      %dma_wait3A_169 = tpu.memref_slice %arg13[%dma_wait3A_167, %dma_wait3A_168] : memref<10240x128xf32, #tpu.memory_space<vmem_shared>> -> memref<10240x128xf32, #tpu.memory_space<vmem_shared>>
      tpu.wait_indirect_dma semaphore(%arg21 : memref<!tpu.dma_semaphore, #tpu.memory_space<semaphore_mem>>) src(%arg10 : memref<64x128xf32, #tpu.memory_space<vmem>>) dst(%dma_wait3A_169 : memref<10240x128xf32, #tpu.memory_space<vmem_shared>>)
      %dma_start3A_170 = arith.constant 7 : i32
      %dma_start3A_171 = arith.constant 0 : i32
      %dma_start3A_172 = tpu.memref_slice %arg6[%dma_start3A_170, %dma_start3A_171] : memref<10x64xi32, #tpu.memory_space<vmem>> -> memref<1x64xi32, #tpu.memory_space<vmem>>
      %dma_start3A_173 = tpu.memref_squeeze %dma_start3A_172 : memref<1x64xi32, #tpu.memory_space<vmem>> -> memref<64xi32, #tpu.memory_space<vmem>>
      %dma_start3A_174 = arith.constant 0 : i32
      %dma_start3A_175 = arith.constant 0 : i32
      %dma_start3A_176 = tpu.memref_slice %arg2[%arg0, %dma_start3A_174, %dma_start3A_175] : memref<2x10240x128xf32, #tpu.memory_space<hbm>> -> memref<1x10240x128xf32, #tpu.memory_space<hbm>>
      %dma_start3A_177 = tpu.memref_squeeze %dma_start3A_176 : memref<1x10240x128xf32, #tpu.memory_space<hbm>> -> memref<10240x128xf32, #tpu.memory_space<hbm>>
      %dma_start3A_178 = arith.constant 0 : i32
      %dma_start3A_179 = arith.constant 0 : i32
      %dma_start3A_180 = tpu.memref_slice %dma_start3A_177[%dma_start3A_178, %dma_start3A_179] : memref<10240x128xf32, #tpu.memory_space<hbm>> -> memref<10240x128xf32, #tpu.memory_space<hbm>>
      tpu.enqueue_indirect_dma source(%dma_start3A_180 : memref<10240x128xf32, #tpu.memory_space<hbm>>) target(%arg10 : memref<64x128xf32, #tpu.memory_space<vmem>>) offsets(%dma_start3A_173 : memref<64xi32, #tpu.memory_space<vmem>>) semaphore(%arg16 : memref<!tpu.dma_semaphore, #tpu.memory_space<semaphore_mem>>)
      %dma_wait3A_181 = arith.constant 3 : i32
      %dma_wait3A_182 = arith.constant 0 : i32
      %dma_wait3A_183 = tpu.memref_slice %arg6[%dma_wait3A_181, %dma_wait3A_182] : memref<10x64xi32, #tpu.memory_space<vmem>> -> memref<1x64xi32, #tpu.memory_space<vmem>>
      %dma_wait3A_184 = tpu.memref_squeeze %dma_wait3A_183 : memref<1x64xi32, #tpu.memory_space<vmem>> -> memref<64xi32, #tpu.memory_space<vmem>>
      %dma_wait3A_185 = arith.constant 0 : i32
      %dma_wait3A_186 = arith.constant 0 : i32
      %dma_wait3A_187 = tpu.memref_slice %arg2[%arg0, %dma_wait3A_185, %dma_wait3A_186] : memref<2x10240x128xf32, #tpu.memory_space<hbm>> -> memref<1x10240x128xf32, #tpu.memory_space<hbm>>
      %dma_wait3A_188 = tpu.memref_squeeze %dma_wait3A_187 : memref<1x10240x128xf32, #tpu.memory_space<hbm>> -> memref<10240x128xf32, #tpu.memory_space<hbm>>
      %dma_wait3A_189 = arith.constant 0 : i32
      %dma_wait3A_190 = arith.constant 0 : i32
      %dma_wait3A_191 = tpu.memref_slice %dma_wait3A_188[%dma_wait3A_189, %dma_wait3A_190] : memref<10240x128xf32, #tpu.memory_space<hbm>> -> memref<10240x128xf32, #tpu.memory_space<hbm>>
      tpu.wait_indirect_dma semaphore(%arg17 : memref<!tpu.dma_semaphore, #tpu.memory_space<semaphore_mem>>) src(%dma_wait3A_191 : memref<10240x128xf32, #tpu.memory_space<hbm>>) dst(%arg11 : memref<64x128xf32, #tpu.memory_space<vmem>>)
      %dma_start3A_192 = arith.constant 3 : i32
      %dma_start3A_193 = arith.constant 0 : i32
      %dma_start3A_194 = tpu.memref_slice %arg7[%dma_start3A_192, %dma_start3A_193] : memref<10x64xi32, #tpu.memory_space<vmem>> -> memref<1x64xi32, #tpu.memory_space<vmem>>
      %dma_start3A_195 = tpu.memref_squeeze %dma_start3A_194 : memref<1x64xi32, #tpu.memory_space<vmem>> -> memref<64xi32, #tpu.memory_space<vmem>>
      %dma_start3A_196 = arith.constant 0 : i32
      %dma_start3A_197 = arith.constant 0 : i32
      %dma_start3A_198 = tpu.memref_slice %arg13[%dma_start3A_196, %dma_start3A_197] : memref<10240x128xf32, #tpu.memory_space<vmem_shared>> -> memref<10240x128xf32, #tpu.memory_space<vmem_shared>>
      tpu.enqueue_indirect_dma source(%arg11 : memref<64x128xf32, #tpu.memory_space<vmem>>) target(%dma_start3A_198 : memref<10240x128xf32, #tpu.memory_space<vmem_shared>>) offsets(%dma_start3A_195 : memref<64xi32, #tpu.memory_space<vmem>>) semaphore(%arg22 : memref<!tpu.dma_semaphore, #tpu.memory_space<semaphore_mem>>) {add = true}
      %dma_wait3A_199 = arith.constant 3 : i32
      %dma_wait3A_200 = arith.constant 0 : i32
      %dma_wait3A_201 = tpu.memref_slice %arg7[%dma_wait3A_199, %dma_wait3A_200] : memref<10x64xi32, #tpu.memory_space<vmem>> -> memref<1x64xi32, #tpu.memory_space<vmem>>
      %dma_wait3A_202 = tpu.memref_squeeze %dma_wait3A_201 : memref<1x64xi32, #tpu.memory_space<vmem>> -> memref<64xi32, #tpu.memory_space<vmem>>
      %dma_wait3A_203 = arith.constant 0 : i32
      %dma_wait3A_204 = arith.constant 0 : i32
      %dma_wait3A_205 = tpu.memref_slice %arg13[%dma_wait3A_203, %dma_wait3A_204] : memref<10240x128xf32, #tpu.memory_space<vmem_shared>> -> memref<10240x128xf32, #tpu.memory_space<vmem_shared>>
      tpu.wait_indirect_dma semaphore(%arg22 : memref<!tpu.dma_semaphore, #tpu.memory_space<semaphore_mem>>) src(%arg11 : memref<64x128xf32, #tpu.memory_space<vmem>>) dst(%dma_wait3A_205 : memref<10240x128xf32, #tpu.memory_space<vmem_shared>>)
      %dma_start3A_206 = arith.constant 8 : i32
      %dma_start3A_207 = arith.constant 0 : i32
      %dma_start3A_208 = tpu.memref_slice %arg6[%dma_start3A_206, %dma_start3A_207] : memref<10x64xi32, #tpu.memory_space<vmem>> -> memref<1x64xi32, #tpu.memory_space<vmem>>
      %dma_start3A_209 = tpu.memref_squeeze %dma_start3A_208 : memref<1x64xi32, #tpu.memory_space<vmem>> -> memref<64xi32, #tpu.memory_space<vmem>>
      %dma_start3A_210 = arith.constant 0 : i32
      %dma_start3A_211 = arith.constant 0 : i32
      %dma_start3A_212 = tpu.memref_slice %arg2[%arg0, %dma_start3A_210, %dma_start3A_211] : memref<2x10240x128xf32, #tpu.memory_space<hbm>> -> memref<1x10240x128xf32, #tpu.memory_space<hbm>>
      %dma_start3A_213 = tpu.memref_squeeze %dma_start3A_212 : memref<1x10240x128xf32, #tpu.memory_space<hbm>> -> memref<10240x128xf32, #tpu.memory_space<hbm>>
      %dma_start3A_214 = arith.constant 0 : i32
      %dma_start3A_215 = arith.constant 0 : i32
      %dma_start3A_216 = tpu.memref_slice %dma_start3A_213[%dma_start3A_214, %dma_start3A_215] : memref<10240x128xf32, #tpu.memory_space<hbm>> -> memref<10240x128xf32, #tpu.memory_space<hbm>>
      tpu.enqueue_indirect_dma source(%dma_start3A_216 : memref<10240x128xf32, #tpu.memory_space<hbm>>) target(%arg11 : memref<64x128xf32, #tpu.memory_space<vmem>>) offsets(%dma_start3A_209 : memref<64xi32, #tpu.memory_space<vmem>>) semaphore(%arg17 : memref<!tpu.dma_semaphore, #tpu.memory_space<semaphore_mem>>)
      %dma_wait3A_217 = arith.constant 4 : i32
      %dma_wait3A_218 = arith.constant 0 : i32
      %dma_wait3A_219 = tpu.memref_slice %arg6[%dma_wait3A_217, %dma_wait3A_218] : memref<10x64xi32, #tpu.memory_space<vmem>> -> memref<1x64xi32, #tpu.memory_space<vmem>>
      %dma_wait3A_220 = tpu.memref_squeeze %dma_wait3A_219 : memref<1x64xi32, #tpu.memory_space<vmem>> -> memref<64xi32, #tpu.memory_space<vmem>>
      %dma_wait3A_221 = arith.constant 0 : i32
      %dma_wait3A_222 = arith.constant 0 : i32
      %dma_wait3A_223 = tpu.memref_slice %arg2[%arg0, %dma_wait3A_221, %dma_wait3A_222] : memref<2x10240x128xf32, #tpu.memory_space<hbm>> -> memref<1x10240x128xf32, #tpu.memory_space<hbm>>
      %dma_wait3A_224 = tpu.memref_squeeze %dma_wait3A_223 : memref<1x10240x128xf32, #tpu.memory_space<hbm>> -> memref<10240x128xf32, #tpu.memory_space<hbm>>
      %dma_wait3A_225 = arith.constant 0 : i32
      %dma_wait3A_226 = arith.constant 0 : i32
      %dma_wait3A_227 = tpu.memref_slice %dma_wait3A_224[%dma_wait3A_225, %dma_wait3A_226] : memref<10240x128xf32, #tpu.memory_space<hbm>> -> memref<10240x128xf32, #tpu.memory_space<hbm>>
      tpu.wait_indirect_dma semaphore(%arg18 : memref<!tpu.dma_semaphore, #tpu.memory_space<semaphore_mem>>) src(%dma_wait3A_227 : memref<10240x128xf32, #tpu.memory_space<hbm>>) dst(%arg12 : memref<64x128xf32, #tpu.memory_space<vmem>>)
      %dma_start3A_228 = arith.constant 4 : i32
      %dma_start3A_229 = arith.constant 0 : i32
      %dma_start3A_230 = tpu.memref_slice %arg7[%dma_start3A_228, %dma_start3A_229] : memref<10x64xi32, #tpu.memory_space<vmem>> -> memref<1x64xi32, #tpu.memory_space<vmem>>
      %dma_start3A_231 = tpu.memref_squeeze %dma_start3A_230 : memref<1x64xi32, #tpu.memory_space<vmem>> -> memref<64xi32, #tpu.memory_space<vmem>>
      %dma_start3A_232 = arith.constant 0 : i32
      %dma_start3A_233 = arith.constant 0 : i32
      %dma_start3A_234 = tpu.memref_slice %arg13[%dma_start3A_232, %dma_start3A_233] : memref<10240x128xf32, #tpu.memory_space<vmem_shared>> -> memref<10240x128xf32, #tpu.memory_space<vmem_shared>>
      tpu.enqueue_indirect_dma source(%arg12 : memref<64x128xf32, #tpu.memory_space<vmem>>) target(%dma_start3A_234 : memref<10240x128xf32, #tpu.memory_space<vmem_shared>>) offsets(%dma_start3A_231 : memref<64xi32, #tpu.memory_space<vmem>>) semaphore(%arg23 : memref<!tpu.dma_semaphore, #tpu.memory_space<semaphore_mem>>) {add = true}
      %dma_wait3A_235 = arith.constant 4 : i32
      %dma_wait3A_236 = arith.constant 0 : i32
      %dma_wait3A_237 = tpu.memref_slice %arg7[%dma_wait3A_235, %dma_wait3A_236] : memref<10x64xi32, #tpu.memory_space<vmem>> -> memref<1x64xi32, #tpu.memory_space<vmem>>
      %dma_wait3A_238 = tpu.memref_squeeze %dma_wait3A_237 : memref<1x64xi32, #tpu.memory_space<vmem>> -> memref<64xi32, #tpu.memory_space<vmem>>
      %dma_wait3A_239 = arith.constant 0 : i32
      %dma_wait3A_240 = arith.constant 0 : i32
      %dma_wait3A_241 = tpu.memref_slice %arg13[%dma_wait3A_239, %dma_wait3A_240] : memref<10240x128xf32, #tpu.memory_space<vmem_shared>> -> memref<10240x128xf32, #tpu.memory_space<vmem_shared>>
      tpu.wait_indirect_dma semaphore(%arg23 : memref<!tpu.dma_semaphore, #tpu.memory_space<semaphore_mem>>) src(%arg12 : memref<64x128xf32, #tpu.memory_space<vmem>>) dst(%dma_wait3A_241 : memref<10240x128xf32, #tpu.memory_space<vmem_shared>>)
      %dma_start3A_242 = arith.constant 9 : i32
      %dma_start3A_243 = arith.constant 0 : i32
      %dma_start3A_244 = tpu.memref_slice %arg6[%dma_start3A_242, %dma_start3A_243] : memref<10x64xi32, #tpu.memory_space<vmem>> -> memref<1x64xi32, #tpu.memory_space<vmem>>
      %dma_start3A_245 = tpu.memref_squeeze %dma_start3A_244 : memref<1x64xi32, #tpu.memory_space<vmem>> -> memref<64xi32, #tpu.memory_space<vmem>>
      %dma_start3A_246 = arith.constant 0 : i32
      %dma_start3A_247 = arith.constant 0 : i32
      %dma_start3A_248 = tpu.memref_slice %arg2[%arg0, %dma_start3A_246, %dma_start3A_247] : memref<2x10240x128xf32, #tpu.memory_space<hbm>> -> memref<1x10240x128xf32, #tpu.memory_space<hbm>>
      %dma_start3A_249 = tpu.memref_squeeze %dma_start3A_248 : memref<1x10240x128xf32, #tpu.memory_space<hbm>> -> memref<10240x128xf32, #tpu.memory_space<hbm>>
      %dma_start3A_250 = arith.constant 0 : i32
      %dma_start3A_251 = arith.constant 0 : i32
      %dma_start3A_252 = tpu.memref_slice %dma_start3A_249[%dma_start3A_250, %dma_start3A_251] : memref<10240x128xf32, #tpu.memory_space<hbm>> -> memref<10240x128xf32, #tpu.memory_space<hbm>>
      tpu.enqueue_indirect_dma source(%dma_start3A_252 : memref<10240x128xf32, #tpu.memory_space<hbm>>) target(%arg12 : memref<64x128xf32, #tpu.memory_space<vmem>>) offsets(%dma_start3A_245 : memref<64xi32, #tpu.memory_space<vmem>>) semaphore(%arg18 : memref<!tpu.dma_semaphore, #tpu.memory_space<semaphore_mem>>)
      %dma_wait3A_253 = arith.constant 5 : i32
      %dma_wait3A_254 = arith.constant 0 : i32
      %dma_wait3A_255 = tpu.memref_slice %arg6[%dma_wait3A_253, %dma_wait3A_254] : memref<10x64xi32, #tpu.memory_space<vmem>> -> memref<1x64xi32, #tpu.memory_space<vmem>>
      %dma_wait3A_256 = tpu.memref_squeeze %dma_wait3A_255 : memref<1x64xi32, #tpu.memory_space<vmem>> -> memref<64xi32, #tpu.memory_space<vmem>>
      %dma_wait3A_257 = arith.constant 0 : i32
      %dma_wait3A_258 = arith.constant 0 : i32
      %dma_wait3A_259 = tpu.memref_slice %arg2[%arg0, %dma_wait3A_257, %dma_wait3A_258] : memref<2x10240x128xf32, #tpu.memory_space<hbm>> -> memref<1x10240x128xf32, #tpu.memory_space<hbm>>
      %dma_wait3A_260 = tpu.memref_squeeze %dma_wait3A_259 : memref<1x10240x128xf32, #tpu.memory_space<hbm>> -> memref<10240x128xf32, #tpu.memory_space<hbm>>
      %dma_wait3A_261 = arith.constant 0 : i32
      %dma_wait3A_262 = arith.constant 0 : i32
      %dma_wait3A_263 = tpu.memref_slice %dma_wait3A_260[%dma_wait3A_261, %dma_wait3A_262] : memref<10240x128xf32, #tpu.memory_space<hbm>> -> memref<10240x128xf32, #tpu.memory_space<hbm>>
      tpu.wait_indirect_dma semaphore(%arg14 : memref<!tpu.dma_semaphore, #tpu.memory_space<semaphore_mem>>) src(%dma_wait3A_263 : memref<10240x128xf32, #tpu.memory_space<hbm>>) dst(%arg8 : memref<64x128xf32, #tpu.memory_space<vmem>>)
      %dma_start3A_264 = arith.constant 5 : i32
      %dma_start3A_265 = arith.constant 0 : i32
      %dma_start3A_266 = tpu.memref_slice %arg7[%dma_start3A_264, %dma_start3A_265] : memref<10x64xi32, #tpu.memory_space<vmem>> -> memref<1x64xi32, #tpu.memory_space<vmem>>
      %dma_start3A_267 = tpu.memref_squeeze %dma_start3A_266 : memref<1x64xi32, #tpu.memory_space<vmem>> -> memref<64xi32, #tpu.memory_space<vmem>>
      %dma_start3A_268 = arith.constant 0 : i32
      %dma_start3A_269 = arith.constant 0 : i32
      %dma_start3A_270 = tpu.memref_slice %arg13[%dma_start3A_268, %dma_start3A_269] : memref<10240x128xf32, #tpu.memory_space<vmem_shared>> -> memref<10240x128xf32, #tpu.memory_space<vmem_shared>>
      tpu.enqueue_indirect_dma source(%arg8 : memref<64x128xf32, #tpu.memory_space<vmem>>) target(%dma_start3A_270 : memref<10240x128xf32, #tpu.memory_space<vmem_shared>>) offsets(%dma_start3A_267 : memref<64xi32, #tpu.memory_space<vmem>>) semaphore(%arg19 : memref<!tpu.dma_semaphore, #tpu.memory_space<semaphore_mem>>) {add = true}
      %dma_wait3A_271 = arith.constant 6 : i32
      %dma_wait3A_272 = arith.constant 0 : i32
      %dma_wait3A_273 = tpu.memref_slice %arg6[%dma_wait3A_271, %dma_wait3A_272] : memref<10x64xi32, #tpu.memory_space<vmem>> -> memref<1x64xi32, #tpu.memory_space<vmem>>
      %dma_wait3A_274 = tpu.memref_squeeze %dma_wait3A_273 : memref<1x64xi32, #tpu.memory_space<vmem>> -> memref<64xi32, #tpu.memory_space<vmem>>
      %dma_wait3A_275 = arith.constant 0 : i32
      %dma_wait3A_276 = arith.constant 0 : i32
      %dma_wait3A_277 = tpu.memref_slice %arg2[%arg0, %dma_wait3A_275, %dma_wait3A_276] : memref<2x10240x128xf32, #tpu.memory_space<hbm>> -> memref<1x10240x128xf32, #tpu.memory_space<hbm>>
      %dma_wait3A_278 = tpu.memref_squeeze %dma_wait3A_277 : memref<1x10240x128xf32, #tpu.memory_space<hbm>> -> memref<10240x128xf32, #tpu.memory_space<hbm>>
      %dma_wait3A_279 = arith.constant 0 : i32
      %dma_wait3A_280 = arith.constant 0 : i32
      %dma_wait3A_281 = tpu.memref_slice %dma_wait3A_278[%dma_wait3A_279, %dma_wait3A_280] : memref<10240x128xf32, #tpu.memory_space<hbm>> -> memref<10240x128xf32, #tpu.memory_space<hbm>>
      tpu.wait_indirect_dma semaphore(%arg15 : memref<!tpu.dma_semaphore, #tpu.memory_space<semaphore_mem>>) src(%dma_wait3A_281 : memref<10240x128xf32, #tpu.memory_space<hbm>>) dst(%arg9 : memref<64x128xf32, #tpu.memory_space<vmem>>)
      %dma_start3A_282 = arith.constant 6 : i32
      %dma_start3A_283 = arith.constant 0 : i32
      %dma_start3A_284 = tpu.memref_slice %arg7[%dma_start3A_282, %dma_start3A_283] : memref<10x64xi32, #tpu.memory_space<vmem>> -> memref<1x64xi32, #tpu.memory_space<vmem>>
      %dma_start3A_285 = tpu.memref_squeeze %dma_start3A_284 : memref<1x64xi32, #tpu.memory_space<vmem>> -> memref<64xi32, #tpu.memory_space<vmem>>
      %dma_start3A_286 = arith.constant 0 : i32
      %dma_start3A_287 = arith.constant 0 : i32
      %dma_start3A_288 = tpu.memref_slice %arg13[%dma_start3A_286, %dma_start3A_287] : memref<10240x128xf32, #tpu.memory_space<vmem_shared>> -> memref<10240x128xf32, #tpu.memory_space<vmem_shared>>
      tpu.enqueue_indirect_dma source(%arg9 : memref<64x128xf32, #tpu.memory_space<vmem>>) target(%dma_start3A_288 : memref<10240x128xf32, #tpu.memory_space<vmem_shared>>) offsets(%dma_start3A_285 : memref<64xi32, #tpu.memory_space<vmem>>) semaphore(%arg20 : memref<!tpu.dma_semaphore, #tpu.memory_space<semaphore_mem>>) {add = true}
      %dma_wait3A_289 = arith.constant 7 : i32
      %dma_wait3A_290 = arith.constant 0 : i32
      %dma_wait3A_291 = tpu.memref_slice %arg6[%dma_wait3A_289, %dma_wait3A_290] : memref<10x64xi32, #tpu.memory_space<vmem>> -> memref<1x64xi32, #tpu.memory_space<vmem>>
      %dma_wait3A_292 = tpu.memref_squeeze %dma_wait3A_291 : memref<1x64xi32, #tpu.memory_space<vmem>> -> memref<64xi32, #tpu.memory_space<vmem>>
      %dma_wait3A_293 = arith.constant 0 : i32
      %dma_wait3A_294 = arith.constant 0 : i32
      %dma_wait3A_295 = tpu.memref_slice %arg2[%arg0, %dma_wait3A_293, %dma_wait3A_294] : memref<2x10240x128xf32, #tpu.memory_space<hbm>> -> memref<1x10240x128xf32, #tpu.memory_space<hbm>>
      %dma_wait3A_296 = tpu.memref_squeeze %dma_wait3A_295 : memref<1x10240x128xf32, #tpu.memory_space<hbm>> -> memref<10240x128xf32, #tpu.memory_space<hbm>>
      %dma_wait3A_297 = arith.constant 0 : i32
      %dma_wait3A_298 = arith.constant 0 : i32
      %dma_wait3A_299 = tpu.memref_slice %dma_wait3A_296[%dma_wait3A_297, %dma_wait3A_298] : memref<10240x128xf32, #tpu.memory_space<hbm>> -> memref<10240x128xf32, #tpu.memory_space<hbm>>
      tpu.wait_indirect_dma semaphore(%arg16 : memref<!tpu.dma_semaphore, #tpu.memory_space<semaphore_mem>>) src(%dma_wait3A_299 : memref<10240x128xf32, #tpu.memory_space<hbm>>) dst(%arg10 : memref<64x128xf32, #tpu.memory_space<vmem>>)
      %dma_start3A_300 = arith.constant 7 : i32
      %dma_start3A_301 = arith.constant 0 : i32
      %dma_start3A_302 = tpu.memref_slice %arg7[%dma_start3A_300, %dma_start3A_301] : memref<10x64xi32, #tpu.memory_space<vmem>> -> memref<1x64xi32, #tpu.memory_space<vmem>>
      %dma_start3A_303 = tpu.memref_squeeze %dma_start3A_302 : memref<1x64xi32, #tpu.memory_space<vmem>> -> memref<64xi32, #tpu.memory_space<vmem>>
      %dma_start3A_304 = arith.constant 0 : i32
      %dma_start3A_305 = arith.constant 0 : i32
      %dma_start3A_306 = tpu.memref_slice %arg13[%dma_start3A_304, %dma_start3A_305] : memref<10240x128xf32, #tpu.memory_space<vmem_shared>> -> memref<10240x128xf32, #tpu.memory_space<vmem_shared>>
      tpu.enqueue_indirect_dma source(%arg10 : memref<64x128xf32, #tpu.memory_space<vmem>>) target(%dma_start3A_306 : memref<10240x128xf32, #tpu.memory_space<vmem_shared>>) offsets(%dma_start3A_303 : memref<64xi32, #tpu.memory_space<vmem>>) semaphore(%arg21 : memref<!tpu.dma_semaphore, #tpu.memory_space<semaphore_mem>>) {add = true}
      %dma_wait3A_307 = arith.constant 8 : i32
      %dma_wait3A_308 = arith.constant 0 : i32
      %dma_wait3A_309 = tpu.memref_slice %arg6[%dma_wait3A_307, %dma_wait3A_308] : memref<10x64xi32, #tpu.memory_space<vmem>> -> memref<1x64xi32, #tpu.memory_space<vmem>>
      %dma_wait3A_310 = tpu.memref_squeeze %dma_wait3A_309 : memref<1x64xi32, #tpu.memory_space<vmem>> -> memref<64xi32, #tpu.memory_space<vmem>>
      %dma_wait3A_311 = arith.constant 0 : i32
      %dma_wait3A_312 = arith.constant 0 : i32
      %dma_wait3A_313 = tpu.memref_slice %arg2[%arg0, %dma_wait3A_311, %dma_wait3A_312] : memref<2x10240x128xf32, #tpu.memory_space<hbm>> -> memref<1x10240x128xf32, #tpu.memory_space<hbm>>
      %dma_wait3A_314 = tpu.memref_squeeze %dma_wait3A_313 : memref<1x10240x128xf32, #tpu.memory_space<hbm>> -> memref<10240x128xf32, #tpu.memory_space<hbm>>
      %dma_wait3A_315 = arith.constant 0 : i32
      %dma_wait3A_316 = arith.constant 0 : i32
      %dma_wait3A_317 = tpu.memref_slice %dma_wait3A_314[%dma_wait3A_315, %dma_wait3A_316] : memref<10240x128xf32, #tpu.memory_space<hbm>> -> memref<10240x128xf32, #tpu.memory_space<hbm>>
      tpu.wait_indirect_dma semaphore(%arg17 : memref<!tpu.dma_semaphore, #tpu.memory_space<semaphore_mem>>) src(%dma_wait3A_317 : memref<10240x128xf32, #tpu.memory_space<hbm>>) dst(%arg11 : memref<64x128xf32, #tpu.memory_space<vmem>>)
      %dma_start3A_318 = arith.constant 8 : i32
      %dma_start3A_319 = arith.constant 0 : i32
      %dma_start3A_320 = tpu.memref_slice %arg7[%dma_start3A_318, %dma_start3A_319] : memref<10x64xi32, #tpu.memory_space<vmem>> -> memref<1x64xi32, #tpu.memory_space<vmem>>
      %dma_start3A_321 = tpu.memref_squeeze %dma_start3A_320 : memref<1x64xi32, #tpu.memory_space<vmem>> -> memref<64xi32, #tpu.memory_space<vmem>>
      %dma_start3A_322 = arith.constant 0 : i32
      %dma_start3A_323 = arith.constant 0 : i32
      %dma_start3A_324 = tpu.memref_slice %arg13[%dma_start3A_322, %dma_start3A_323] : memref<10240x128xf32, #tpu.memory_space<vmem_shared>> -> memref<10240x128xf32, #tpu.memory_space<vmem_shared>>
      tpu.enqueue_indirect_dma source(%arg11 : memref<64x128xf32, #tpu.memory_space<vmem>>) target(%dma_start3A_324 : memref<10240x128xf32, #tpu.memory_space<vmem_shared>>) offsets(%dma_start3A_321 : memref<64xi32, #tpu.memory_space<vmem>>) semaphore(%arg22 : memref<!tpu.dma_semaphore, #tpu.memory_space<semaphore_mem>>) {add = true}
      %dma_wait3A_325 = arith.constant 9 : i32
      %dma_wait3A_326 = arith.constant 0 : i32
      %dma_wait3A_327 = tpu.memref_slice %arg6[%dma_wait3A_325, %dma_wait3A_326] : memref<10x64xi32, #tpu.memory_space<vmem>> -> memref<1x64xi32, #tpu.memory_space<vmem>>
      %dma_wait3A_328 = tpu.memref_squeeze %dma_wait3A_327 : memref<1x64xi32, #tpu.memory_space<vmem>> -> memref<64xi32, #tpu.memory_space<vmem>>
      %dma_wait3A_329 = arith.constant 0 : i32
      %dma_wait3A_330 = arith.constant 0 : i32
      %dma_wait3A_331 = tpu.memref_slice %arg2[%arg0, %dma_wait3A_329, %dma_wait3A_330] : memref<2x10240x128xf32, #tpu.memory_space<hbm>> -> memref<1x10240x128xf32, #tpu.memory_space<hbm>>
      %dma_wait3A_332 = tpu.memref_squeeze %dma_wait3A_331 : memref<1x10240x128xf32, #tpu.memory_space<hbm>> -> memref<10240x128xf32, #tpu.memory_space<hbm>>
      %dma_wait3A_333 = arith.constant 0 : i32
      %dma_wait3A_334 = arith.constant 0 : i32
      %dma_wait3A_335 = tpu.memref_slice %dma_wait3A_332[%dma_wait3A_333, %dma_wait3A_334] : memref<10240x128xf32, #tpu.memory_space<hbm>> -> memref<10240x128xf32, #tpu.memory_space<hbm>>
      tpu.wait_indirect_dma semaphore(%arg18 : memref<!tpu.dma_semaphore, #tpu.memory_space<semaphore_mem>>) src(%dma_wait3A_335 : memref<10240x128xf32, #tpu.memory_space<hbm>>) dst(%arg12 : memref<64x128xf32, #tpu.memory_space<vmem>>)
      %dma_start3A_336 = arith.constant 9 : i32
      %dma_start3A_337 = arith.constant 0 : i32
      %dma_start3A_338 = tpu.memref_slice %arg7[%dma_start3A_336, %dma_start3A_337] : memref<10x64xi32, #tpu.memory_space<vmem>> -> memref<1x64xi32, #tpu.memory_space<vmem>>
      %dma_start3A_339 = tpu.memref_squeeze %dma_start3A_338 : memref<1x64xi32, #tpu.memory_space<vmem>> -> memref<64xi32, #tpu.memory_space<vmem>>
      %dma_start3A_340 = arith.constant 0 : i32
      %dma_start3A_341 = arith.constant 0 : i32
      %dma_start3A_342 = tpu.memref_slice %arg13[%dma_start3A_340, %dma_start3A_341] : memref<10240x128xf32, #tpu.memory_space<vmem_shared>> -> memref<10240x128xf32, #tpu.memory_space<vmem_shared>>
      tpu.enqueue_indirect_dma source(%arg12 : memref<64x128xf32, #tpu.memory_space<vmem>>) target(%dma_start3A_342 : memref<10240x128xf32, #tpu.memory_space<vmem_shared>>) offsets(%dma_start3A_339 : memref<64xi32, #tpu.memory_space<vmem>>) semaphore(%arg23 : memref<!tpu.dma_semaphore, #tpu.memory_space<semaphore_mem>>) {add = true}
      %dma_wait3A_343 = arith.constant 5 : i32
      %dma_wait3A_344 = arith.constant 0 : i32
      %dma_wait3A_345 = tpu.memref_slice %arg7[%dma_wait3A_343, %dma_wait3A_344] : memref<10x64xi32, #tpu.memory_space<vmem>> -> memref<1x64xi32, #tpu.memory_space<vmem>>
      %dma_wait3A_346 = tpu.memref_squeeze %dma_wait3A_345 : memref<1x64xi32, #tpu.memory_space<vmem>> -> memref<64xi32, #tpu.memory_space<vmem>>
      %dma_wait3A_347 = arith.constant 0 : i32
      %dma_wait3A_348 = arith.constant 0 : i32
      %dma_wait3A_349 = tpu.memref_slice %arg13[%dma_wait3A_347, %dma_wait3A_348] : memref<10240x128xf32, #tpu.memory_space<vmem_shared>> -> memref<10240x128xf32, #tpu.memory_space<vmem_shared>>
      tpu.wait_indirect_dma semaphore(%arg19 : memref<!tpu.dma_semaphore, #tpu.memory_space<semaphore_mem>>) src(%arg8 : memref<64x128xf32, #tpu.memory_space<vmem>>) dst(%dma_wait3A_349 : memref<10240x128xf32, #tpu.memory_space<vmem_shared>>)
      %dma_wait3A_350 = arith.constant 6 : i32
      %dma_wait3A_351 = arith.constant 0 : i32
      %dma_wait3A_352 = tpu.memref_slice %arg7[%dma_wait3A_350, %dma_wait3A_351] : memref<10x64xi32, #tpu.memory_space<vmem>> -> memref<1x64xi32, #tpu.memory_space<vmem>>
      %dma_wait3A_353 = tpu.memref_squeeze %dma_wait3A_352 : memref<1x64xi32, #tpu.memory_space<vmem>> -> memref<64xi32, #tpu.memory_space<vmem>>
      %dma_wait3A_354 = arith.constant 0 : i32
      %dma_wait3A_355 = arith.constant 0 : i32
      %dma_wait3A_356 = tpu.memref_slice %arg13[%dma_wait3A_354, %dma_wait3A_355] : memref<10240x128xf32, #tpu.memory_space<vmem_shared>> -> memref<10240x128xf32, #tpu.memory_space<vmem_shared>>
      tpu.wait_indirect_dma semaphore(%arg20 : memref<!tpu.dma_semaphore, #tpu.memory_space<semaphore_mem>>) src(%arg9 : memref<64x128xf32, #tpu.memory_space<vmem>>) dst(%dma_wait3A_356 : memref<10240x128xf32, #tpu.memory_space<vmem_shared>>)
      %dma_wait3A_357 = arith.constant 7 : i32
      %dma_wait3A_358 = arith.constant 0 : i32
      %dma_wait3A_359 = tpu.memref_slice %arg7[%dma_wait3A_357, %dma_wait3A_358] : memref<10x64xi32, #tpu.memory_space<vmem>> -> memref<1x64xi32, #tpu.memory_space<vmem>>
      %dma_wait3A_360 = tpu.memref_squeeze %dma_wait3A_359 : memref<1x64xi32, #tpu.memory_space<vmem>> -> memref<64xi32, #tpu.memory_space<vmem>>
      %dma_wait3A_361 = arith.constant 0 : i32
      %dma_wait3A_362 = arith.constant 0 : i32
      %dma_wait3A_363 = tpu.memref_slice %arg13[%dma_wait3A_361, %dma_wait3A_362] : memref<10240x128xf32, #tpu.memory_space<vmem_shared>> -> memref<10240x128xf32, #tpu.memory_space<vmem_shared>>
      tpu.wait_indirect_dma semaphore(%arg21 : memref<!tpu.dma_semaphore, #tpu.memory_space<semaphore_mem>>) src(%arg10 : memref<64x128xf32, #tpu.memory_space<vmem>>) dst(%dma_wait3A_363 : memref<10240x128xf32, #tpu.memory_space<vmem_shared>>)
      %dma_wait3A_364 = arith.constant 8 : i32
      %dma_wait3A_365 = arith.constant 0 : i32
      %dma_wait3A_366 = tpu.memref_slice %arg7[%dma_wait3A_364, %dma_wait3A_365] : memref<10x64xi32, #tpu.memory_space<vmem>> -> memref<1x64xi32, #tpu.memory_space<vmem>>
      %dma_wait3A_367 = tpu.memref_squeeze %dma_wait3A_366 : memref<1x64xi32, #tpu.memory_space<vmem>> -> memref<64xi32, #tpu.memory_space<vmem>>
      %dma_wait3A_368 = arith.constant 0 : i32
      %dma_wait3A_369 = arith.constant 0 : i32
      %dma_wait3A_370 = tpu.memref_slice %arg13[%dma_wait3A_368, %dma_wait3A_369] : memref<10240x128xf32, #tpu.memory_space<vmem_shared>> -> memref<10240x128xf32, #tpu.memory_space<vmem_shared>>
      tpu.wait_indirect_dma semaphore(%arg22 : memref<!tpu.dma_semaphore, #tpu.memory_space<semaphore_mem>>) src(%arg11 : memref<64x128xf32, #tpu.memory_space<vmem>>) dst(%dma_wait3A_370 : memref<10240x128xf32, #tpu.memory_space<vmem_shared>>)
      %dma_wait3A_371 = arith.constant 9 : i32
      %dma_wait3A_372 = arith.constant 0 : i32
      %dma_wait3A_373 = tpu.memref_slice %arg7[%dma_wait3A_371, %dma_wait3A_372] : memref<10x64xi32, #tpu.memory_space<vmem>> -> memref<1x64xi32, #tpu.memory_space<vmem>>
      %dma_wait3A_374 = tpu.memref_squeeze %dma_wait3A_373 : memref<1x64xi32, #tpu.memory_space<vmem>> -> memref<64xi32, #tpu.memory_space<vmem>>
      %dma_wait3A_375 = arith.constant 0 : i32
      %dma_wait3A_376 = arith.constant 0 : i32
      %dma_wait3A_377 = tpu.memref_slice %arg13[%dma_wait3A_375, %dma_wait3A_376] : memref<10240x128xf32, #tpu.memory_space<vmem_shared>> -> memref<10240x128xf32, #tpu.memory_space<vmem_shared>>
      tpu.wait_indirect_dma semaphore(%arg23 : memref<!tpu.dma_semaphore, #tpu.memory_space<semaphore_mem>>) src(%arg12 : memref<64x128xf32, #tpu.memory_space<vmem>>) dst(%dma_wait3A_377 : memref<10240x128xf32, #tpu.memory_space<vmem_shared>>)
    }
    %scan3A_13 = arith.constant 32 : i32
    %barrier3A_14 = arith.constant 0 : index
    tpu.barrier barrier_id(%barrier3A_14)
    %mul3A = arith.constant 640 : i32
    %mul3A_15 = arith.muli %arg1, %mul3A : i32
    "tpu.region"() ({
      %run_scoped3A = tpu.sem_alloc : memref<!tpu.dma_semaphore, #tpu.memory_space<semaphore_mem>>
      %dma_start3A = arith.constant 0 : i32
      %dma_start3A_16 = arith.constant 0 : i32
      %dma_start3A_17 = tpu.memref_slice %arg5[%arg0, %dma_start3A, %dma_start3A_16] : memref<2x10240x128xf32, #tpu.memory_space<hbm>> -> memref<1x10240x128xf32, #tpu.memory_space<hbm>>
      %dma_start3A_18 = tpu.memref_squeeze %dma_start3A_17 : memref<1x10240x128xf32, #tpu.memory_space<hbm>> -> memref<10240x128xf32, #tpu.memory_space<hbm>>
      %dma_start3A_19 = arith.constant 0 : i32
      %dma_start3A_20 = tpu.memref_slice %dma_start3A_18[%mul3A_15, %dma_start3A_19] : memref<10240x128xf32, #tpu.memory_space<hbm>> -> memref<640x128xf32, #tpu.memory_space<hbm>>
      %dma_start3A_21 = arith.constant 0 : i32
      %dma_start3A_22 = tpu.memref_slice %arg13[%mul3A_15, %dma_start3A_21] : memref<10240x128xf32, #tpu.memory_space<vmem_shared>> -> memref<640x128xf32, #tpu.memory_space<vmem_shared>>
      tpu.enqueue_dma source(%dma_start3A_22 : memref<640x128xf32, #tpu.memory_space<vmem_shared>>) target(%dma_start3A_20 : memref<640x128xf32, #tpu.memory_space<hbm>>) target_semaphore(%run_scoped3A : memref<!tpu.dma_semaphore, #tpu.memory_space<semaphore_mem>>)
      %dma_wait3A = arith.constant 0 : i32
      %dma_wait3A_23 = arith.constant 0 : i32
      %dma_wait3A_24 = tpu.memref_slice %arg5[%arg0, %dma_wait3A, %dma_wait3A_23] : memref<2x10240x128xf32, #tpu.memory_space<hbm>> -> memref<1x10240x128xf32, #tpu.memory_space<hbm>>
      %dma_wait3A_25 = tpu.memref_squeeze %dma_wait3A_24 : memref<1x10240x128xf32, #tpu.memory_space<hbm>> -> memref<10240x128xf32, #tpu.memory_space<hbm>>
      %dma_wait3A_26 = arith.constant 0 : i32
      %dma_wait3A_27 = tpu.memref_slice %dma_wait3A_25[%mul3A_15, %dma_wait3A_26] : memref<10240x128xf32, #tpu.memory_space<hbm>> -> memref<640x128xf32, #tpu.memory_space<hbm>>
      %dma_wait3A_28 = arith.constant 0 : i32
      %dma_wait3A_29 = tpu.memref_slice %arg13[%mul3A_15, %dma_wait3A_28] : memref<10240x128xf32, #tpu.memory_space<vmem_shared>> -> memref<640x128xf32, #tpu.memory_space<vmem_shared>>
      tpu.wait_dma2 semaphore(%run_scoped3A : memref<!tpu.dma_semaphore, #tpu.memory_space<semaphore_mem>>) src(%dma_wait3A_29 : memref<640x128xf32, #tpu.memory_space<vmem_shared>>) dst(%dma_wait3A_27 : memref<640x128xf32, #tpu.memory_space<hbm>>)
      tpu.yield
    }) : () -> ()
    return
  }
}

#map = affine_map<(d0, d1) -> (0, 0, 0)>
#map1 = affine_map<(d0, d1) -> (0, 0, 0, 0)>
module attributes {stable_mosaic.version = 14 : i64} {
  func.func @k(%arg0: i32, %arg1: i32, %arg2: memref<2x10240x128xf32, #tpu.memory_space<hbm>>, %arg3: memref<16x32x10x64xi32, #tpu.memory_space<hbm>>, %arg4: memref<16x32x10x64xi32, #tpu.memory_space<hbm>>, %arg5: memref<2x10240x128xf32, #tpu.memory_space<hbm>>, %arg6: memref<10x64xi32, #tpu.memory_space<vmem>>, %arg7: memref<10x64xi32, #tpu.memory_space<vmem>>, %arg8: memref<64x128xf32, #tpu.memory_space<vmem>>, %arg9: memref<64x128xf32, #tpu.memory_space<vmem>>, %arg10: memref<64x128xf32, #tpu.memory_space<vmem>>, %arg11: memref<64x128xf32, #tpu.memory_space<vmem>>, %arg12: memref<64x128xf32, #tpu.memory_space<vmem>>, %arg13: memref<10240x128xf32, #tpu.memory_space<vmem_shared>>, %arg14: memref<!tpu.dma_semaphore, #tpu.memory_space<semaphore_mem>>, %arg15: memref<!tpu.dma_semaphore, #tpu.memory_space<semaphore_mem>>, %arg16: memref<!tpu.dma_semaphore, #tpu.memory_space<semaphore_mem>>, %arg17: memref<!tpu.dma_semaphore, #tpu.memory_space<semaphore_mem>>, %arg18: memref<!tpu.dma_semaphore, #tpu.memory_space<semaphore_mem>>, %arg19: memref<!tpu.dma_semaphore, #tpu.memory_space<semaphore_mem>>, %arg20: memref<!tpu.dma_semaphore, #tpu.memory_space<semaphore_mem>>, %arg21: memref<!tpu.dma_semaphore, #tpu.memory_space<semaphore_mem>>, %arg22: memref<!tpu.dma_semaphore, #tpu.memory_space<semaphore_mem>>, %arg23: memref<!tpu.dma_semaphore, #tpu.memory_space<semaphore_mem>>) attributes {dimension_semantics = [#tpu.dimension_semantics<core_parallel>, #tpu.dimension_semantics<subcore_parallel>], iteration_bounds = array<i64: 2, 16>, scalar_prefetch = 0 : i64, scratch_operands = 18 : i64, tpu.core_type = #tpu.core_type<sc_vector_subcore>, window_params = [{transform_indices = #map}, {transform_indices = #map1}, {transform_indices = #map1}, {transform_indices = #map}]} {
    %scan3A = arith.constant 0 : i32
    %scan3A_0 = arith.constant 64 : i32
    %scan3A_1 = arith.addi %scan3A, %scan3A_0 : i32
    %scan3A_2 = arith.constant 1 : i32
    scf.for %scan3A_16 = %scan3A to %scan3A_1 step %scan3A_2  : i32 {
      %mul3A_17 = arith.constant 1 : i32
      %mul3A_18 = arith.muli %scan3A_16, %mul3A_17 : i32
      %add3A = arith.constant 0 : i32
      %add3A_19 = arith.addi %add3A, %mul3A_18 : i32
      %scan3A_20 = arith.constant 0 : i32
      %scan3A_21 = arith.constant 8 : i32
      %scan3A_22 = arith.addi %scan3A_20, %scan3A_21 : i32
      %scan3A_23 = arith.constant 1 : i32
      scf.for %scan3A_25 = %scan3A_20 to %scan3A_22 step %scan3A_23  : i32 {
        %mul3A_26 = arith.constant 16 : i32
        %mul3A_27 = arith.muli %scan3A_25, %mul3A_26 : i32
        %add3A_28 = arith.constant 0 : i32
        %add3A_29 = arith.addi %add3A_28, %mul3A_27 : i32
        %broadcast_in_dim3A = arith.constant 0.000000e+00 : f32
        %broadcast_in_dim3A_30 = vector.broadcast %broadcast_in_dim3A : f32 to vector<16xf32>
        %swap3A = arith.index_cast %add3A_19 : i32 to index
        %swap3A_31 = arith.index_cast %add3A_29 : i32 to index
        %swap3A_32 = tpu.vector_load %arg8[%swap3A, %swap3A_31] {strides = array<i32>} : memref<64x128xf32, #tpu.memory_space<vmem>>, vector<1x16xf32>,
        %swap3A_33 = vector.shape_cast %swap3A_32 : vector<1x16xf32> to vector<16xf32>
        %swap3A_34 = vector.shape_cast %broadcast_in_dim3A_30 : vector<16xf32> to vector<1x16xf32>
        tpu.vector_store %arg8[%swap3A, %swap3A_31], %swap3A_34 {strides = array<i32>} : memref<64x128xf32, #tpu.memory_space<vmem>>, vector<1x16xf32>,
      }
      %scan3A_24 = arith.constant 8 : i32
    }
    %scan3A_3 = arith.constant 64 : i32
    %scan3A_4 = arith.constant 0 : i32
    %scan3A_5 = arith.constant 10 : i32
    %scan3A_6 = arith.addi %scan3A_4, %scan3A_5 : i32
    %scan3A_7 = arith.constant 1 : i32
    scf.for %scan3A_16 = %scan3A_4 to %scan3A_6 step %scan3A_7  : i32 {
      %mul3A_17 = arith.constant 1 : i32
      %mul3A_18 = arith.muli %scan3A_16, %mul3A_17 : i32
      %add3A = arith.constant 0 : i32
      %add3A_19 = arith.addi %add3A, %mul3A_18 : i32
      %mul3A_20 = arith.constant 640 : i32
      %mul3A_21 = arith.muli %arg1, %mul3A_20 : i32
      %mul3A_22 = arith.constant 64 : i32
      %mul3A_23 = arith.muli %add3A_19, %mul3A_22 : i32
      %add3A_24 = arith.addi %mul3A_21, %mul3A_23 : i32
      "tpu.region"() ({
        %run_scoped3A = tpu.sem_alloc : memref<!tpu.dma_semaphore, #tpu.memory_space<semaphore_mem>>
        %dma_start3A = arith.constant 0 : i32
        %dma_start3A_25 = tpu.memref_slice %arg13[%add3A_24, %dma_start3A] : memref<10240x128xf32, #tpu.memory_space<vmem_shared>> -> memref<64x128xf32, #tpu.memory_space<vmem_shared>>
        %dma_start3A_26 = arith.constant 0 : i32
        %dma_start3A_27 = tpu.memref_slice %arg13[%add3A_24, %dma_start3A_26] : memref<10240x128xf32, #tpu.memory_space<vmem_shared>> -> memref<64x128xf32, #tpu.memory_space<vmem_shared>>
        tpu.enqueue_dma source(%arg8 : memref<64x128xf32, #tpu.memory_space<vmem>>) target(%dma_start3A_27 : memref<64x128xf32, #tpu.memory_space<vmem_shared>>) target_semaphore(%run_scoped3A : memref<!tpu.dma_semaphore, #tpu.memory_space<semaphore_mem>>)
        %dma_wait3A = arith.constant 0 : i32
        %dma_wait3A_28 = tpu.memref_slice %arg13[%add3A_24, %dma_wait3A] : memref<10240x128xf32, #tpu.memory_space<vmem_shared>> -> memref<64x128xf32, #tpu.memory_space<vmem_shared>>
        %dma_wait3A_29 = arith.constant 0 : i32
        %dma_wait3A_30 = tpu.memref_slice %arg13[%add3A_24, %dma_wait3A_29] : memref<10240x128xf32, #tpu.memory_space<vmem_shared>> -> memref<64x128xf32, #tpu.memory_space<vmem_shared>>
        tpu.wait_dma2 semaphore(%run_scoped3A : memref<!tpu.dma_semaphore, #tpu.memory_space<semaphore_mem>>) src(%arg8 : memref<64x128xf32, #tpu.memory_space<vmem>>) dst(%dma_wait3A_30 : memref<64x128xf32, #tpu.memory_space<vmem_shared>>)
        tpu.yield
      }) : () -> ()
    }
    %scan3A_8 = arith.constant 10 : i32
    %barrier3A = arith.constant 0 : index
    tpu.barrier barrier_id(%barrier3A)
    %scan3A_9 = arith.constant 0 : i32
    %scan3A_10 = arith.constant 32 : i32
    %scan3A_11 = arith.addi %scan3A_9, %scan3A_10 : i32
    %scan3A_12 = arith.constant 1 : i32
    scf.for %scan3A_16 = %scan3A_9 to %scan3A_11 step %scan3A_12  : i32 {
      %mul3A_17 = arith.constant 1 : i32
      %mul3A_18 = arith.muli %scan3A_16, %mul3A_17 : i32
      %add3A = arith.constant 0 : i32
      %add3A_19 = arith.addi %add3A, %mul3A_18 : i32
      "tpu.region"() ({
        %run_scoped3A = tpu.sem_alloc : memref<!tpu.dma_semaphore, #tpu.memory_space<semaphore_mem>>
        %dma_start3A_378 = arith.constant 0 : i32
        %dma_start3A_379 = arith.constant 0 : i32
        %dma_start3A_380 = arith.constant 0 : i32
        %dma_start3A_381 = tpu.memref_slice %arg3[%arg1, %dma_start3A_378, %dma_start3A_379, %dma_start3A_380] : memref<16x32x10x64xi32, #tpu.memory_space<hbm>> -> memref<1x32x10x64xi32, #tpu.memory_space<hbm>>
        %dma_start3A_382 = tpu.memref_squeeze %dma_start3A_381 : memref<1x32x10x64xi32, #tpu.memory_space<hbm>> -> memref<32x10x64xi32, #tpu.memory_space<hbm>>
        %dma_start3A_383 = arith.constant 0 : i32
        %dma_start3A_384 = arith.constant 0 : i32
        %dma_start3A_385 = tpu.memref_slice %dma_start3A_382[%add3A_19, %dma_start3A_383, %dma_start3A_384] : memref<32x10x64xi32, #tpu.memory_space<hbm>> -> memref<1x10x64xi32, #tpu.memory_space<hbm>>
        %dma_start3A_386 = tpu.memref_squeeze %dma_start3A_385 : memref<1x10x64xi32, #tpu.memory_space<hbm>> -> memref<10x64xi32, #tpu.memory_space<hbm>>
        %dma_start3A_387 = arith.constant 0 : i32
        %dma_start3A_388 = arith.constant 0 : i32
        %dma_start3A_389 = arith.constant 0 : i32
        %dma_start3A_390 = tpu.memref_slice %arg3[%arg1, %dma_start3A_387, %dma_start3A_388, %dma_start3A_389] : memref<16x32x10x64xi32, #tpu.memory_space<hbm>> -> memref<1x32x10x64xi32, #tpu.memory_space<hbm>>
        %dma_start3A_391 = tpu.memref_squeeze %dma_start3A_390 : memref<1x32x10x64xi32, #tpu.memory_space<hbm>> -> memref<32x10x64xi32, #tpu.memory_space<hbm>>
        %dma_start3A_392 = arith.constant 0 : i32
        %dma_start3A_393 = arith.constant 0 : i32
        %dma_start3A_394 = tpu.memref_slice %dma_start3A_391[%add3A_19, %dma_start3A_392, %dma_start3A_393] : memref<32x10x64xi32, #tpu.memory_space<hbm>> -> memref<1x10x64xi32, #tpu.memory_space<hbm>>
        %dma_start3A_395 = tpu.memref_squeeze %dma_start3A_394 : memref<1x10x64xi32, #tpu.memory_space<hbm>> -> memref<10x64xi32, #tpu.memory_space<hbm>>
        tpu.enqueue_dma source(%dma_start3A_395 : memref<10x64xi32, #tpu.memory_space<hbm>>) target(%arg6 : memref<10x64xi32, #tpu.memory_space<vmem>>) target_semaphore(%run_scoped3A : memref<!tpu.dma_semaphore, #tpu.memory_space<semaphore_mem>>)
        %dma_wait3A_396 = arith.constant 0 : i32
        %dma_wait3A_397 = arith.constant 0 : i32
        %dma_wait3A_398 = arith.constant 0 : i32
        %dma_wait3A_399 = tpu.memref_slice %arg3[%arg1, %dma_wait3A_396, %dma_wait3A_397, %dma_wait3A_398] : memref<16x32x10x64xi32, #tpu.memory_space<hbm>> -> memref<1x32x10x64xi32, #tpu.memory_space<hbm>>
        %dma_wait3A_400 = tpu.memref_squeeze %dma_wait3A_399 : memref<1x32x10x64xi32, #tpu.memory_space<hbm>> -> memref<32x10x64xi32, #tpu.memory_space<hbm>>
        %dma_wait3A_401 = arith.constant 0 : i32
        %dma_wait3A_402 = arith.constant 0 : i32
        %dma_wait3A_403 = tpu.memref_slice %dma_wait3A_400[%add3A_19, %dma_wait3A_401, %dma_wait3A_402] : memref<32x10x64xi32, #tpu.memory_space<hbm>> -> memref<1x10x64xi32, #tpu.memory_space<hbm>>
        %dma_wait3A_404 = tpu.memref_squeeze %dma_wait3A_403 : memref<1x10x64xi32, #tpu.memory_space<hbm>> -> memref<10x64xi32, #tpu.memory_space<hbm>>
        %dma_wait3A_405 = arith.constant 0 : i32
        %dma_wait3A_406 = arith.constant 0 : i32
        %dma_wait3A_407 = arith.constant 0 : i32
        %dma_wait3A_408 = tpu.memref_slice %arg3[%arg1, %dma_wait3A_405, %dma_wait3A_406, %dma_wait3A_407] : memref<16x32x10x64xi32, #tpu.memory_space<hbm>> -> memref<1x32x10x64xi32, #tpu.memory_space<hbm>>
        %dma_wait3A_409 = tpu.memref_squeeze %dma_wait3A_408 : memref<1x32x10x64xi32, #tpu.memory_space<hbm>> -> memref<32x10x64xi32, #tpu.memory_space<hbm>>
        %dma_wait3A_410 = arith.constant 0 : i32
        %dma_wait3A_411 = arith.constant 0 : i32
        %dma_wait3A_412 = tpu.memref_slice %dma_wait3A_409[%add3A_19, %dma_wait3A_410, %dma_wait3A_411] : memref<32x10x64xi32, #tpu.memory_space<hbm>> -> memref<1x10x64xi32, #tpu.memory_space<hbm>>
        %dma_wait3A_413 = tpu.memref_squeeze %dma_wait3A_412 : memref<1x10x64xi32, #tpu.memory_space<hbm>> -> memref<10x64xi32, #tpu.memory_space<hbm>>
        tpu.wait_dma2 semaphore(%run_scoped3A : memref<!tpu.dma_semaphore, #tpu.memory_space<semaphore_mem>>) src(%dma_wait3A_413 : memref<10x64xi32, #tpu.memory_space<hbm>>) dst(%arg6 : memref<10x64xi32, #tpu.memory_space<vmem>>)
        tpu.yield
      }) : () -> ()
      "tpu.region"() ({
        %run_scoped3A = tpu.sem_alloc : memref<!tpu.dma_semaphore, #tpu.memory_space<semaphore_mem>>
        %dma_start3A_378 = arith.constant 0 : i32
        %dma_start3A_379 = arith.constant 0 : i32
        %dma_start3A_380 = arith.constant 0 : i32
        %dma_start3A_381 = tpu.memref_slice %arg4[%arg1, %dma_start3A_378, %dma_start3A_379, %dma_start3A_380] : memref<16x32x10x64xi32, #tpu.memory_space<hbm>> -> memref<1x32x10x64xi32, #tpu.memory_space<hbm>>
        %dma_start3A_382 = tpu.memref_squeeze %dma_start3A_381 : memref<1x32x10x64xi32, #tpu.memory_space<hbm>> -> memref<32x10x64xi32, #tpu.memory_space<hbm>>
        %dma_start3A_383 = arith.constant 0 : i32
        %dma_start3A_384 = arith.constant 0 : i32
        %dma_start3A_385 = tpu.memref_slice %dma_start3A_382[%add3A_19, %dma_start3A_383, %dma_start3A_384] : memref<32x10x64xi32, #tpu.memory_space<hbm>> -> memref<1x10x64xi32, #tpu.memory_space<hbm>>
        %dma_start3A_386 = tpu.memref_squeeze %dma_start3A_385 : memref<1x10x64xi32, #tpu.memory_space<hbm>> -> memref<10x64xi32, #tpu.memory_space<hbm>>
        %dma_start3A_387 = arith.constant 0 : i32
        %dma_start3A_388 = arith.constant 0 : i32
        %dma_start3A_389 = arith.constant 0 : i32
        %dma_start3A_390 = tpu.memref_slice %arg4[%arg1, %dma_start3A_387, %dma_start3A_388, %dma_start3A_389] : memref<16x32x10x64xi32, #tpu.memory_space<hbm>> -> memref<1x32x10x64xi32, #tpu.memory_space<hbm>>
        %dma_start3A_391 = tpu.memref_squeeze %dma_start3A_390 : memref<1x32x10x64xi32, #tpu.memory_space<hbm>> -> memref<32x10x64xi32, #tpu.memory_space<hbm>>
        %dma_start3A_392 = arith.constant 0 : i32
        %dma_start3A_393 = arith.constant 0 : i32
        %dma_start3A_394 = tpu.memref_slice %dma_start3A_391[%add3A_19, %dma_start3A_392, %dma_start3A_393] : memref<32x10x64xi32, #tpu.memory_space<hbm>> -> memref<1x10x64xi32, #tpu.memory_space<hbm>>
        %dma_start3A_395 = tpu.memref_squeeze %dma_start3A_394 : memref<1x10x64xi32, #tpu.memory_space<hbm>> -> memref<10x64xi32, #tpu.memory_space<hbm>>
        tpu.enqueue_dma source(%dma_start3A_395 : memref<10x64xi32, #tpu.memory_space<hbm>>) target(%arg7 : memref<10x64xi32, #tpu.memory_space<vmem>>) target_semaphore(%run_scoped3A : memref<!tpu.dma_semaphore, #tpu.memory_space<semaphore_mem>>)
        %dma_wait3A_396 = arith.constant 0 : i32
        %dma_wait3A_397 = arith.constant 0 : i32
        %dma_wait3A_398 = arith.constant 0 : i32
        %dma_wait3A_399 = tpu.memref_slice %arg4[%arg1, %dma_wait3A_396, %dma_wait3A_397, %dma_wait3A_398] : memref<16x32x10x64xi32, #tpu.memory_space<hbm>> -> memref<1x32x10x64xi32, #tpu.memory_space<hbm>>
        %dma_wait3A_400 = tpu.memref_squeeze %dma_wait3A_399 : memref<1x32x10x64xi32, #tpu.memory_space<hbm>> -> memref<32x10x64xi32, #tpu.memory_space<hbm>>
        %dma_wait3A_401 = arith.constant 0 : i32
        %dma_wait3A_402 = arith.constant 0 : i32
        %dma_wait3A_403 = tpu.memref_slice %dma_wait3A_400[%add3A_19, %dma_wait3A_401, %dma_wait3A_402] : memref<32x10x64xi32, #tpu.memory_space<hbm>> -> memref<1x10x64xi32, #tpu.memory_space<hbm>>
        %dma_wait3A_404 = tpu.memref_squeeze %dma_wait3A_403 : memref<1x10x64xi32, #tpu.memory_space<hbm>> -> memref<10x64xi32, #tpu.memory_space<hbm>>
        %dma_wait3A_405 = arith.constant 0 : i32
        %dma_wait3A_406 = arith.constant 0 : i32
        %dma_wait3A_407 = arith.constant 0 : i32
        %dma_wait3A_408 = tpu.memref_slice %arg4[%arg1, %dma_wait3A_405, %dma_wait3A_406, %dma_wait3A_407] : memref<16x32x10x64xi32, #tpu.memory_space<hbm>> -> memref<1x32x10x64xi32, #tpu.memory_space<hbm>>
        %dma_wait3A_409 = tpu.memref_squeeze %dma_wait3A_408 : memref<1x32x10x64xi32, #tpu.memory_space<hbm>> -> memref<32x10x64xi32, #tpu.memory_space<hbm>>
        %dma_wait3A_410 = arith.constant 0 : i32
        %dma_wait3A_411 = arith.constant 0 : i32
        %dma_wait3A_412 = tpu.memref_slice %dma_wait3A_409[%add3A_19, %dma_wait3A_410, %dma_wait3A_411] : memref<32x10x64xi32, #tpu.memory_space<hbm>> -> memref<1x10x64xi32, #tpu.memory_space<hbm>>
        %dma_wait3A_413 = tpu.memref_squeeze %dma_wait3A_412 : memref<1x10x64xi32, #tpu.memory_space<hbm>> -> memref<10x64xi32, #tpu.memory_space<hbm>>
        tpu.wait_dma2 semaphore(%run_scoped3A : memref<!tpu.dma_semaphore, #tpu.memory_space<semaphore_mem>>) src(%dma_wait3A_413 : memref<10x64xi32, #tpu.memory_space<hbm>>) dst(%arg7 : memref<10x64xi32, #tpu.memory_space<vmem>>)
        tpu.yield
      }) : () -> ()
      %dma_start3A = arith.constant 0 : i32
      %dma_start3A_20 = arith.constant 0 : i32
      %dma_start3A_21 = tpu.memref_slice %arg6[%dma_start3A, %dma_start3A_20] : memref<10x64xi32, #tpu.memory_space<vmem>> -> memref<1x64xi32, #tpu.memory_space<vmem>>
      %dma_start3A_22 = tpu.memref_squeeze %dma_start3A_21 : memref<1x64xi32, #tpu.memory_space<vmem>> -> memref<64xi32, #tpu.memory_space<vmem>>
      %dma_start3A_23 = arith.constant 0 : i32
      %dma_start3A_24 = arith.constant 0 : i32
      %dma_start3A_25 = tpu.memref_slice %arg2[%arg0, %dma_start3A_23, %dma_start3A_24] : memref<2x10240x128xf32, #tpu.memory_space<hbm>> -> memref<1x10240x128xf32, #tpu.memory_space<hbm>>
      %dma_start3A_26 = tpu.memref_squeeze %dma_start3A_25 : memref<1x10240x128xf32, #tpu.memory_space<hbm>> -> memref<10240x128xf32, #tpu.memory_space<hbm>>
      %dma_start3A_27 = arith.constant 0 : i32
      %dma_start3A_28 = arith.constant 0 : i32
      %dma_start3A_29 = tpu.memref_slice %dma_start3A_26[%dma_start3A_27, %dma_start3A_28] : memref<10240x128xf32, #tpu.memory_space<hbm>> -> memref<10240x128xf32, #tpu.memory_space<hbm>>
      tpu.enqueue_indirect_dma source(%dma_start3A_29 : memref<10240x128xf32, #tpu.memory_space<hbm>>) target(%arg8 : memref<64x128xf32, #tpu.memory_space<vmem>>) offsets(%dma_start3A_22 : memref<64xi32, #tpu.memory_space<vmem>>) semaphore(%arg14 : memref<!tpu.dma_semaphore, #tpu.memory_space<semaphore_mem>>)
      %dma_start3A_30 = arith.constant 1 : i32
      %dma_start3A_31 = arith.constant 0 : i32
      %dma_start3A_32 = tpu.memref_slice %arg6[%dma_start3A_30, %dma_start3A_31] : memref<10x64xi32, #tpu.memory_space<vmem>> -> memref<1x64xi32, #tpu.memory_space<vmem>>
      %dma_start3A_33 = tpu.memref_squeeze %dma_start3A_32 : memref<1x64xi32, #tpu.memory_space<vmem>> -> memref<64xi32, #tpu.memory_space<vmem>>
      %dma_start3A_34 = arith.constant 0 : i32
      %dma_start3A_35 = arith.constant 0 : i32
      %dma_start3A_36 = tpu.memref_slice %arg2[%arg0, %dma_start3A_34, %dma_start3A_35] : memref<2x10240x128xf32, #tpu.memory_space<hbm>> -> memref<1x10240x128xf32, #tpu.memory_space<hbm>>
      %dma_start3A_37 = tpu.memref_squeeze %dma_start3A_36 : memref<1x10240x128xf32, #tpu.memory_space<hbm>> -> memref<10240x128xf32, #tpu.memory_space<hbm>>
      %dma_start3A_38 = arith.constant 0 : i32
      %dma_start3A_39 = arith.constant 0 : i32
      %dma_start3A_40 = tpu.memref_slice %dma_start3A_37[%dma_start3A_38, %dma_start3A_39] : memref<10240x128xf32, #tpu.memory_space<hbm>> -> memref<10240x128xf32, #tpu.memory_space<hbm>>
      tpu.enqueue_indirect_dma source(%dma_start3A_40 : memref<10240x128xf32, #tpu.memory_space<hbm>>) target(%arg9 : memref<64x128xf32, #tpu.memory_space<vmem>>) offsets(%dma_start3A_33 : memref<64xi32, #tpu.memory_space<vmem>>) semaphore(%arg15 : memref<!tpu.dma_semaphore, #tpu.memory_space<semaphore_mem>>)
      %dma_start3A_41 = arith.constant 2 : i32
      %dma_start3A_42 = arith.constant 0 : i32
      %dma_start3A_43 = tpu.memref_slice %arg6[%dma_start3A_41, %dma_start3A_42] : memref<10x64xi32, #tpu.memory_space<vmem>> -> memref<1x64xi32, #tpu.memory_space<vmem>>
      %dma_start3A_44 = tpu.memref_squeeze %dma_start3A_43 : memref<1x64xi32, #tpu.memory_space<vmem>> -> memref<64xi32, #tpu.memory_space<vmem>>
      %dma_start3A_45 = arith.constant 0 : i32
      %dma_start3A_46 = arith.constant 0 : i32
      %dma_start3A_47 = tpu.memref_slice %arg2[%arg0, %dma_start3A_45, %dma_start3A_46] : memref<2x10240x128xf32, #tpu.memory_space<hbm>> -> memref<1x10240x128xf32, #tpu.memory_space<hbm>>
      %dma_start3A_48 = tpu.memref_squeeze %dma_start3A_47 : memref<1x10240x128xf32, #tpu.memory_space<hbm>> -> memref<10240x128xf32, #tpu.memory_space<hbm>>
      %dma_start3A_49 = arith.constant 0 : i32
      %dma_start3A_50 = arith.constant 0 : i32
      %dma_start3A_51 = tpu.memref_slice %dma_start3A_48[%dma_start3A_49, %dma_start3A_50] : memref<10240x128xf32, #tpu.memory_space<hbm>> -> memref<10240x128xf32, #tpu.memory_space<hbm>>
      tpu.enqueue_indirect_dma source(%dma_start3A_51 : memref<10240x128xf32, #tpu.memory_space<hbm>>) target(%arg10 : memref<64x128xf32, #tpu.memory_space<vmem>>) offsets(%dma_start3A_44 : memref<64xi32, #tpu.memory_space<vmem>>) semaphore(%arg16 : memref<!tpu.dma_semaphore, #tpu.memory_space<semaphore_mem>>)
      %dma_start3A_52 = arith.constant 3 : i32
      %dma_start3A_53 = arith.constant 0 : i32
      %dma_start3A_54 = tpu.memref_slice %arg6[%dma_start3A_52, %dma_start3A_53] : memref<10x64xi32, #tpu.memory_space<vmem>> -> memref<1x64xi32, #tpu.memory_space<vmem>>
      %dma_start3A_55 = tpu.memref_squeeze %dma_start3A_54 : memref<1x64xi32, #tpu.memory_space<vmem>> -> memref<64xi32, #tpu.memory_space<vmem>>
      %dma_start3A_56 = arith.constant 0 : i32
      %dma_start3A_57 = arith.constant 0 : i32
      %dma_start3A_58 = tpu.memref_slice %arg2[%arg0, %dma_start3A_56, %dma_start3A_57] : memref<2x10240x128xf32, #tpu.memory_space<hbm>> -> memref<1x10240x128xf32, #tpu.memory_space<hbm>>
      %dma_start3A_59 = tpu.memref_squeeze %dma_start3A_58 : memref<1x10240x128xf32, #tpu.memory_space<hbm>> -> memref<10240x128xf32, #tpu.memory_space<hbm>>
      %dma_start3A_60 = arith.constant 0 : i32
      %dma_start3A_61 = arith.constant 0 : i32
      %dma_start3A_62 = tpu.memref_slice %dma_start3A_59[%dma_start3A_60, %dma_start3A_61] : memref<10240x128xf32, #tpu.memory_space<hbm>> -> memref<10240x128xf32, #tpu.memory_space<hbm>>
      tpu.enqueue_indirect_dma source(%dma_start3A_62 : memref<10240x128xf32, #tpu.memory_space<hbm>>) target(%arg11 : memref<64x128xf32, #tpu.memory_space<vmem>>) offsets(%dma_start3A_55 : memref<64xi32, #tpu.memory_space<vmem>>) semaphore(%arg17 : memref<!tpu.dma_semaphore, #tpu.memory_space<semaphore_mem>>)
      %dma_start3A_63 = arith.constant 4 : i32
      %dma_start3A_64 = arith.constant 0 : i32
      %dma_start3A_65 = tpu.memref_slice %arg6[%dma_start3A_63, %dma_start3A_64] : memref<10x64xi32, #tpu.memory_space<vmem>> -> memref<1x64xi32, #tpu.memory_space<vmem>>
      %dma_start3A_66 = tpu.memref_squeeze %dma_start3A_65 : memref<1x64xi32, #tpu.memory_space<vmem>> -> memref<64xi32, #tpu.memory_space<vmem>>
      %dma_start3A_67 = arith.constant 0 : i32
      %dma_start3A_68 = arith.constant 0 : i32
      %dma_start3A_69 = tpu.memref_slice %arg2[%arg0, %dma_start3A_67, %dma_start3A_68] : memref<2x10240x128xf32, #tpu.memory_space<hbm>> -> memref<1x10240x128xf32, #tpu.memory_space<hbm>>
      %dma_start3A_70 = tpu.memref_squeeze %dma_start3A_69 : memref<1x10240x128xf32, #tpu.memory_space<hbm>> -> memref<10240x128xf32, #tpu.memory_space<hbm>>
      %dma_start3A_71 = arith.constant 0 : i32
      %dma_start3A_72 = arith.constant 0 : i32
      %dma_start3A_73 = tpu.memref_slice %dma_start3A_70[%dma_start3A_71, %dma_start3A_72] : memref<10240x128xf32, #tpu.memory_space<hbm>> -> memref<10240x128xf32, #tpu.memory_space<hbm>>
      tpu.enqueue_indirect_dma source(%dma_start3A_73 : memref<10240x128xf32, #tpu.memory_space<hbm>>) target(%arg12 : memref<64x128xf32, #tpu.memory_space<vmem>>) offsets(%dma_start3A_66 : memref<64xi32, #tpu.memory_space<vmem>>) semaphore(%arg18 : memref<!tpu.dma_semaphore, #tpu.memory_space<semaphore_mem>>)
      %dma_wait3A = arith.constant 0 : i32
      %dma_wait3A_74 = arith.constant 0 : i32
      %dma_wait3A_75 = tpu.memref_slice %arg6[%dma_wait3A, %dma_wait3A_74] : memref<10x64xi32, #tpu.memory_space<vmem>> -> memref<1x64xi32, #tpu.memory_space<vmem>>
      %dma_wait3A_76 = tpu.memref_squeeze %dma_wait3A_75 : memref<1x64xi32, #tpu.memory_space<vmem>> -> memref<64xi32, #tpu.memory_space<vmem>>
      %dma_wait3A_77 = arith.constant 0 : i32
      %dma_wait3A_78 = arith.constant 0 : i32
      %dma_wait3A_79 = tpu.memref_slice %arg2[%arg0, %dma_wait3A_77, %dma_wait3A_78] : memref<2x10240x128xf32, #tpu.memory_space<hbm>> -> memref<1x10240x128xf32, #tpu.memory_space<hbm>>
      %dma_wait3A_80 = tpu.memref_squeeze %dma_wait3A_79 : memref<1x10240x128xf32, #tpu.memory_space<hbm>> -> memref<10240x128xf32, #tpu.memory_space<hbm>>
      %dma_wait3A_81 = arith.constant 0 : i32
      %dma_wait3A_82 = arith.constant 0 : i32
      %dma_wait3A_83 = tpu.memref_slice %dma_wait3A_80[%dma_wait3A_81, %dma_wait3A_82] : memref<10240x128xf32, #tpu.memory_space<hbm>> -> memref<10240x128xf32, #tpu.memory_space<hbm>>
      tpu.wait_indirect_dma semaphore(%arg14 : memref<!tpu.dma_semaphore, #tpu.memory_space<semaphore_mem>>) src(%dma_wait3A_83 : memref<10240x128xf32, #tpu.memory_space<hbm>>) dst(%arg8 : memref<64x128xf32, #tpu.memory_space<vmem>>)
      %dma_start3A_84 = arith.constant 0 : i32
      %dma_start3A_85 = arith.constant 0 : i32
      %dma_start3A_86 = tpu.memref_slice %arg7[%dma_start3A_84, %dma_start3A_85] : memref<10x64xi32, #tpu.memory_space<vmem>> -> memref<1x64xi32, #tpu.memory_space<vmem>>
      %dma_start3A_87 = tpu.memref_squeeze %dma_start3A_86 : memref<1x64xi32, #tpu.memory_space<vmem>> -> memref<64xi32, #tpu.memory_space<vmem>>
      %dma_start3A_88 = arith.constant 0 : i32
      %dma_start3A_89 = arith.constant 0 : i32
      %dma_start3A_90 = tpu.memref_slice %arg13[%dma_start3A_88, %dma_start3A_89] : memref<10240x128xf32, #tpu.memory_space<vmem_shared>> -> memref<10240x128xf32, #tpu.memory_space<vmem_shared>>
      tpu.enqueue_indirect_dma source(%arg8 : memref<64x128xf32, #tpu.memory_space<vmem>>) target(%dma_start3A_90 : memref<10240x128xf32, #tpu.memory_space<vmem_shared>>) offsets(%dma_start3A_87 : memref<64xi32, #tpu.memory_space<vmem>>) semaphore(%arg19 : memref<!tpu.dma_semaphore, #tpu.memory_space<semaphore_mem>>) {add = true}
      %dma_wait3A_91 = arith.constant 0 : i32
      %dma_wait3A_92 = arith.constant 0 : i32
      %dma_wait3A_93 = tpu.memref_slice %arg7[%dma_wait3A_91, %dma_wait3A_92] : memref<10x64xi32, #tpu.memory_space<vmem>> -> memref<1x64xi32, #tpu.memory_space<vmem>>
      %dma_wait3A_94 = tpu.memref_squeeze %dma_wait3A_93 : memref<1x64xi32, #tpu.memory_space<vmem>> -> memref<64xi32, #tpu.memory_space<vmem>>
      %dma_wait3A_95 = arith.constant 0 : i32
      %dma_wait3A_96 = arith.constant 0 : i32
      %dma_wait3A_97 = tpu.memref_slice %arg13[%dma_wait3A_95, %dma_wait3A_96] : memref<10240x128xf32, #tpu.memory_space<vmem_shared>> -> memref<10240x128xf32, #tpu.memory_space<vmem_shared>>
      tpu.wait_indirect_dma semaphore(%arg19 : memref<!tpu.dma_semaphore, #tpu.memory_space<semaphore_mem>>) src(%arg8 : memref<64x128xf32, #tpu.memory_space<vmem>>) dst(%dma_wait3A_97 : memref<10240x128xf32, #tpu.memory_space<vmem_shared>>)
      %dma_start3A_98 = arith.constant 5 : i32
      %dma_start3A_99 = arith.constant 0 : i32
      %dma_start3A_100 = tpu.memref_slice %arg6[%dma_start3A_98, %dma_start3A_99] : memref<10x64xi32, #tpu.memory_space<vmem>> -> memref<1x64xi32, #tpu.memory_space<vmem>>
      %dma_start3A_101 = tpu.memref_squeeze %dma_start3A_100 : memref<1x64xi32, #tpu.memory_space<vmem>> -> memref<64xi32, #tpu.memory_space<vmem>>
      %dma_start3A_102 = arith.constant 0 : i32
      %dma_start3A_103 = arith.constant 0 : i32
      %dma_start3A_104 = tpu.memref_slice %arg2[%arg0, %dma_start3A_102, %dma_start3A_103] : memref<2x10240x128xf32, #tpu.memory_space<hbm>> -> memref<1x10240x128xf32, #tpu.memory_space<hbm>>
      %dma_start3A_105 = tpu.memref_squeeze %dma_start3A_104 : memref<1x10240x128xf32, #tpu.memory_space<hbm>> -> memref<10240x128xf32, #tpu.memory_space<hbm>>
      %dma_start3A_106 = arith.constant 0 : i32
      %dma_start3A_107 = arith.constant 0 : i32
      %dma_start3A_108 = tpu.memref_slice %dma_start3A_105[%dma_start3A_106, %dma_start3A_107] : memref<10240x128xf32, #tpu.memory_space<hbm>> -> memref<10240x128xf32, #tpu.memory_space<hbm>>
      tpu.enqueue_indirect_dma source(%dma_start3A_108 : memref<10240x128xf32, #tpu.memory_space<hbm>>) target(%arg8 : memref<64x128xf32, #tpu.memory_space<vmem>>) offsets(%dma_start3A_101 : memref<64xi32, #tpu.memory_space<vmem>>) semaphore(%arg14 : memref<!tpu.dma_semaphore, #tpu.memory_space<semaphore_mem>>)
      %dma_wait3A_109 = arith.constant 1 : i32
      %dma_wait3A_110 = arith.constant 0 : i32
      %dma_wait3A_111 = tpu.memref_slice %arg6[%dma_wait3A_109, %dma_wait3A_110] : memref<10x64xi32, #tpu.memory_space<vmem>> -> memref<1x64xi32, #tpu.memory_space<vmem>>
      %dma_wait3A_112 = tpu.memref_squeeze %dma_wait3A_111 : memref<1x64xi32, #tpu.memory_space<vmem>> -> memref<64xi32, #tpu.memory_space<vmem>>
      %dma_wait3A_113 = arith.constant 0 : i32
      %dma_wait3A_114 = arith.constant 0 : i32
      %dma_wait3A_115 = tpu.memref_slice %arg2[%arg0, %dma_wait3A_113, %dma_wait3A_114] : memref<2x10240x128xf32, #tpu.memory_space<hbm>> -> memref<1x10240x128xf32, #tpu.memory_space<hbm>>
      %dma_wait3A_116 = tpu.memref_squeeze %dma_wait3A_115 : memref<1x10240x128xf32, #tpu.memory_space<hbm>> -> memref<10240x128xf32, #tpu.memory_space<hbm>>
      %dma_wait3A_117 = arith.constant 0 : i32
      %dma_wait3A_118 = arith.constant 0 : i32
      %dma_wait3A_119 = tpu.memref_slice %dma_wait3A_116[%dma_wait3A_117, %dma_wait3A_118] : memref<10240x128xf32, #tpu.memory_space<hbm>> -> memref<10240x128xf32, #tpu.memory_space<hbm>>
      tpu.wait_indirect_dma semaphore(%arg15 : memref<!tpu.dma_semaphore, #tpu.memory_space<semaphore_mem>>) src(%dma_wait3A_119 : memref<10240x128xf32, #tpu.memory_space<hbm>>) dst(%arg9 : memref<64x128xf32, #tpu.memory_space<vmem>>)
      %dma_start3A_120 = arith.constant 1 : i32
      %dma_start3A_121 = arith.constant 0 : i32
      %dma_start3A_122 = tpu.memref_slice %arg7[%dma_start3A_120, %dma_start3A_121] : memref<10x64xi32, #tpu.memory_space<vmem>> -> memref<1x64xi32, #tpu.memory_space<vmem>>
      %dma_start3A_123 = tpu.memref_squeeze %dma_start3A_122 : memref<1x64xi32, #tpu.memory_space<vmem>> -> memref<64xi32, #tpu.memory_space<vmem>>
      %dma_start3A_124 = arith.constant 0 : i32
      %dma_start3A_125 = arith.constant 0 : i32
      %dma_start3A_126 = tpu.memref_slice %arg13[%dma_start3A_124, %dma_start3A_125] : memref<10240x128xf32, #tpu.memory_space<vmem_shared>> -> memref<10240x128xf32, #tpu.memory_space<vmem_shared>>
      tpu.enqueue_indirect_dma source(%arg9 : memref<64x128xf32, #tpu.memory_space<vmem>>) target(%dma_start3A_126 : memref<10240x128xf32, #tpu.memory_space<vmem_shared>>) offsets(%dma_start3A_123 : memref<64xi32, #tpu.memory_space<vmem>>) semaphore(%arg20 : memref<!tpu.dma_semaphore, #tpu.memory_space<semaphore_mem>>) {add = true}
      %dma_wait3A_127 = arith.constant 1 : i32
      %dma_wait3A_128 = arith.constant 0 : i32
      %dma_wait3A_129 = tpu.memref_slice %arg7[%dma_wait3A_127, %dma_wait3A_128] : memref<10x64xi32, #tpu.memory_space<vmem>> -> memref<1x64xi32, #tpu.memory_space<vmem>>
      %dma_wait3A_130 = tpu.memref_squeeze %dma_wait3A_129 : memref<1x64xi32, #tpu.memory_space<vmem>> -> memref<64xi32, #tpu.memory_space<vmem>>
      %dma_wait3A_131 = arith.constant 0 : i32
      %dma_wait3A_132 = arith.constant 0 : i32
      %dma_wait3A_133 = tpu.memref_slice %arg13[%dma_wait3A_131, %dma_wait3A_132] : memref<10240x128xf32, #tpu.memory_space<vmem_shared>> -> memref<10240x128xf32, #tpu.memory_space<vmem_shared>>
      tpu.wait_indirect_dma semaphore(%arg20 : memref<!tpu.dma_semaphore, #tpu.memory_space<semaphore_mem>>) src(%arg9 : memref<64x128xf32, #tpu.memory_space<vmem>>) dst(%dma_wait3A_133 : memref<10240x128xf32, #tpu.memory_space<vmem_shared>>)
      %dma_start3A_134 = arith.constant 6 : i32
      %dma_start3A_135 = arith.constant 0 : i32
      %dma_start3A_136 = tpu.memref_slice %arg6[%dma_start3A_134, %dma_start3A_135] : memref<10x64xi32, #tpu.memory_space<vmem>> -> memref<1x64xi32, #tpu.memory_space<vmem>>
      %dma_start3A_137 = tpu.memref_squeeze %dma_start3A_136 : memref<1x64xi32, #tpu.memory_space<vmem>> -> memref<64xi32, #tpu.memory_space<vmem>>
      %dma_start3A_138 = arith.constant 0 : i32
      %dma_start3A_139 = arith.constant 0 : i32
      %dma_start3A_140 = tpu.memref_slice %arg2[%arg0, %dma_start3A_138, %dma_start3A_139] : memref<2x10240x128xf32, #tpu.memory_space<hbm>> -> memref<1x10240x128xf32, #tpu.memory_space<hbm>>
      %dma_start3A_141 = tpu.memref_squeeze %dma_start3A_140 : memref<1x10240x128xf32, #tpu.memory_space<hbm>> -> memref<10240x128xf32, #tpu.memory_space<hbm>>
      %dma_start3A_142 = arith.constant 0 : i32
      %dma_start3A_143 = arith.constant 0 : i32
      %dma_start3A_144 = tpu.memref_slice %dma_start3A_141[%dma_start3A_142, %dma_start3A_143] : memref<10240x128xf32, #tpu.memory_space<hbm>> -> memref<10240x128xf32, #tpu.memory_space<hbm>>
      tpu.enqueue_indirect_dma source(%dma_start3A_144 : memref<10240x128xf32, #tpu.memory_space<hbm>>) target(%arg9 : memref<64x128xf32, #tpu.memory_space<vmem>>) offsets(%dma_start3A_137 : memref<64xi32, #tpu.memory_space<vmem>>) semaphore(%arg15 : memref<!tpu.dma_semaphore, #tpu.memory_space<semaphore_mem>>)
      %dma_wait3A_145 = arith.constant 2 : i32
      %dma_wait3A_146 = arith.constant 0 : i32
      %dma_wait3A_147 = tpu.memref_slice %arg6[%dma_wait3A_145, %dma_wait3A_146] : memref<10x64xi32, #tpu.memory_space<vmem>> -> memref<1x64xi32, #tpu.memory_space<vmem>>
      %dma_wait3A_148 = tpu.memref_squeeze %dma_wait3A_147 : memref<1x64xi32, #tpu.memory_space<vmem>> -> memref<64xi32, #tpu.memory_space<vmem>>
      %dma_wait3A_149 = arith.constant 0 : i32
      %dma_wait3A_150 = arith.constant 0 : i32
      %dma_wait3A_151 = tpu.memref_slice %arg2[%arg0, %dma_wait3A_149, %dma_wait3A_150] : memref<2x10240x128xf32, #tpu.memory_space<hbm>> -> memref<1x10240x128xf32, #tpu.memory_space<hbm>>
      %dma_wait3A_152 = tpu.memref_squeeze %dma_wait3A_151 : memref<1x10240x128xf32, #tpu.memory_space<hbm>> -> memref<10240x128xf32, #tpu.memory_space<hbm>>
      %dma_wait3A_153 = arith.constant 0 : i32
      %dma_wait3A_154 = arith.constant 0 : i32
      %dma_wait3A_155 = tpu.memref_slice %dma_wait3A_152[%dma_wait3A_153, %dma_wait3A_154] : memref<10240x128xf32, #tpu.memory_space<hbm>> -> memref<10240x128xf32, #tpu.memory_space<hbm>>
      tpu.wait_indirect_dma semaphore(%arg16 : memref<!tpu.dma_semaphore, #tpu.memory_space<semaphore_mem>>) src(%dma_wait3A_155 : memref<10240x128xf32, #tpu.memory_space<hbm>>) dst(%arg10 : memref<64x128xf32, #tpu.memory_space<vmem>>)
      %dma_start3A_156 = arith.constant 2 : i32
      %dma_start3A_157 = arith.constant 0 : i32
      %dma_start3A_158 = tpu.memref_slice %arg7[%dma_start3A_156, %dma_start3A_157] : memref<10x64xi32, #tpu.memory_space<vmem>> -> memref<1x64xi32, #tpu.memory_space<vmem>>
      %dma_start3A_159 = tpu.memref_squeeze %dma_start3A_158 : memref<1x64xi32, #tpu.memory_space<vmem>> -> memref<64xi32, #tpu.memory_space<vmem>>
      %dma_start3A_160 = arith.constant 0 : i32
      %dma_start3A_161 = arith.constant 0 : i32
      %dma_start3A_162 = tpu.memref_slice %arg13[%dma_start3A_160, %dma_start3A_161] : memref<10240x128xf32, #tpu.memory_space<vmem_shared>> -> memref<10240x128xf32, #tpu.memory_space<vmem_shared>>
      tpu.enqueue_indirect_dma source(%arg10 : memref<64x128xf32, #tpu.memory_space<vmem>>) target(%dma_start3A_162 : memref<10240x128xf32, #tpu.memory_space<vmem_shared>>) offsets(%dma_start3A_159 : memref<64xi32, #tpu.memory_space<vmem>>) semaphore(%arg21 : memref<!tpu.dma_semaphore, #tpu.memory_space<semaphore_mem>>) {add = true}
      %dma_wait3A_163 = arith.constant 2 : i32
      %dma_wait3A_164 = arith.constant 0 : i32
      %dma_wait3A_165 = tpu.memref_slice %arg7[%dma_wait3A_163, %dma_wait3A_164] : memref<10x64xi32, #tpu.memory_space<vmem>> -> memref<1x64xi32, #tpu.memory_space<vmem>>
      %dma_wait3A_166 = tpu.memref_squeeze %dma_wait3A_165 : memref<1x64xi32, #tpu.memory_space<vmem>> -> memref<64xi32, #tpu.memory_space<vmem>>
      %dma_wait3A_167 = arith.constant 0 : i32
      %dma_wait3A_168 = arith.constant 0 : i32
      %dma_wait3A_169 = tpu.memref_slice %arg13[%dma_wait3A_167, %dma_wait3A_168] : memref<10240x128xf32, #tpu.memory_space<vmem_shared>> -> memref<10240x128xf32, #tpu.memory_space<vmem_shared>>
      tpu.wait_indirect_dma semaphore(%arg21 : memref<!tpu.dma_semaphore, #tpu.memory_space<semaphore_mem>>) src(%arg10 : memref<64x128xf32, #tpu.memory_space<vmem>>) dst(%dma_wait3A_169 : memref<10240x128xf32, #tpu.memory_space<vmem_shared>>)
      %dma_start3A_170 = arith.constant 7 : i32
      %dma_start3A_171 = arith.constant 0 : i32
      %dma_start3A_172 = tpu.memref_slice %arg6[%dma_start3A_170, %dma_start3A_171] : memref<10x64xi32, #tpu.memory_space<vmem>> -> memref<1x64xi32, #tpu.memory_space<vmem>>
      %dma_start3A_173 = tpu.memref_squeeze %dma_start3A_172 : memref<1x64xi32, #tpu.memory_space<vmem>> -> memref<64xi32, #tpu.memory_space<vmem>>
      %dma_start3A_174 = arith.constant 0 : i32
      %dma_start3A_175 = arith.constant 0 : i32
      %dma_start3A_176 = tpu.memref_slice %arg2[%arg0, %dma_start3A_174, %dma_start3A_175] : memref<2x10240x128xf32, #tpu.memory_space<hbm>> -> memref<1x10240x128xf32, #tpu.memory_space<hbm>>
      %dma_start3A_177 = tpu.memref_squeeze %dma_start3A_176 : memref<1x10240x128xf32, #tpu.memory_space<hbm>> -> memref<10240x128xf32, #tpu.memory_space<hbm>>
      %dma_start3A_178 = arith.constant 0 : i32
      %dma_start3A_179 = arith.constant 0 : i32
      %dma_start3A_180 = tpu.memref_slice %dma_start3A_177[%dma_start3A_178, %dma_start3A_179] : memref<10240x128xf32, #tpu.memory_space<hbm>> -> memref<10240x128xf32, #tpu.memory_space<hbm>>
      tpu.enqueue_indirect_dma source(%dma_start3A_180 : memref<10240x128xf32, #tpu.memory_space<hbm>>) target(%arg10 : memref<64x128xf32, #tpu.memory_space<vmem>>) offsets(%dma_start3A_173 : memref<64xi32, #tpu.memory_space<vmem>>) semaphore(%arg16 : memref<!tpu.dma_semaphore, #tpu.memory_space<semaphore_mem>>)
      %dma_wait3A_181 = arith.constant 3 : i32
      %dma_wait3A_182 = arith.constant 0 : i32
      %dma_wait3A_183 = tpu.memref_slice %arg6[%dma_wait3A_181, %dma_wait3A_182] : memref<10x64xi32, #tpu.memory_space<vmem>> -> memref<1x64xi32, #tpu.memory_space<vmem>>
      %dma_wait3A_184 = tpu.memref_squeeze %dma_wait3A_183 : memref<1x64xi32, #tpu.memory_space<vmem>> -> memref<64xi32, #tpu.memory_space<vmem>>
      %dma_wait3A_185 = arith.constant 0 : i32
      %dma_wait3A_186 = arith.constant 0 : i32
      %dma_wait3A_187 = tpu.memref_slice %arg2[%arg0, %dma_wait3A_185, %dma_wait3A_186] : memref<2x10240x128xf32, #tpu.memory_space<hbm>> -> memref<1x10240x128xf32, #tpu.memory_space<hbm>>
      %dma_wait3A_188 = tpu.memref_squeeze %dma_wait3A_187 : memref<1x10240x128xf32, #tpu.memory_space<hbm>> -> memref<10240x128xf32, #tpu.memory_space<hbm>>
      %dma_wait3A_189 = arith.constant 0 : i32
      %dma_wait3A_190 = arith.constant 0 : i32
      %dma_wait3A_191 = tpu.memref_slice %dma_wait3A_188[%dma_wait3A_189, %dma_wait3A_190] : memref<10240x128xf32, #tpu.memory_space<hbm>> -> memref<10240x128xf32, #tpu.memory_space<hbm>>
      tpu.wait_indirect_dma semaphore(%arg17 : memref<!tpu.dma_semaphore, #tpu.memory_space<semaphore_mem>>) src(%dma_wait3A_191 : memref<10240x128xf32, #tpu.memory_space<hbm>>) dst(%arg11 : memref<64x128xf32, #tpu.memory_space<vmem>>)
      %dma_start3A_192 = arith.constant 3 : i32
      %dma_start3A_193 = arith.constant 0 : i32
      %dma_start3A_194 = tpu.memref_slice %arg7[%dma_start3A_192, %dma_start3A_193] : memref<10x64xi32, #tpu.memory_space<vmem>> -> memref<1x64xi32, #tpu.memory_space<vmem>>
      %dma_start3A_195 = tpu.memref_squeeze %dma_start3A_194 : memref<1x64xi32, #tpu.memory_space<vmem>> -> memref<64xi32, #tpu.memory_space<vmem>>
      %dma_start3A_196 = arith.constant 0 : i32
      %dma_start3A_197 = arith.constant 0 : i32
      %dma_start3A_198 = tpu.memref_slice %arg13[%dma_start3A_196, %dma_start3A_197] : memref<10240x128xf32, #tpu.memory_space<vmem_shared>> -> memref<10240x128xf32, #tpu.memory_space<vmem_shared>>
      tpu.enqueue_indirect_dma source(%arg11 : memref<64x128xf32, #tpu.memory_space<vmem>>) target(%dma_start3A_198 : memref<10240x128xf32, #tpu.memory_space<vmem_shared>>) offsets(%dma_start3A_195 : memref<64xi32, #tpu.memory_space<vmem>>) semaphore(%arg22 : memref<!tpu.dma_semaphore, #tpu.memory_space<semaphore_mem>>) {add = true}
      %dma_wait3A_199 = arith.constant 3 : i32
      %dma_wait3A_200 = arith.constant 0 : i32
      %dma_wait3A_201 = tpu.memref_slice %arg7[%dma_wait3A_199, %dma_wait3A_200] : memref<10x64xi32, #tpu.memory_space<vmem>> -> memref<1x64xi32, #tpu.memory_space<vmem>>
      %dma_wait3A_202 = tpu.memref_squeeze %dma_wait3A_201 : memref<1x64xi32, #tpu.memory_space<vmem>> -> memref<64xi32, #tpu.memory_space<vmem>>
      %dma_wait3A_203 = arith.constant 0 : i32
      %dma_wait3A_204 = arith.constant 0 : i32
      %dma_wait3A_205 = tpu.memref_slice %arg13[%dma_wait3A_203, %dma_wait3A_204] : memref<10240x128xf32, #tpu.memory_space<vmem_shared>> -> memref<10240x128xf32, #tpu.memory_space<vmem_shared>>
      tpu.wait_indirect_dma semaphore(%arg22 : memref<!tpu.dma_semaphore, #tpu.memory_space<semaphore_mem>>) src(%arg11 : memref<64x128xf32, #tpu.memory_space<vmem>>) dst(%dma_wait3A_205 : memref<10240x128xf32, #tpu.memory_space<vmem_shared>>)
      %dma_start3A_206 = arith.constant 8 : i32
      %dma_start3A_207 = arith.constant 0 : i32
      %dma_start3A_208 = tpu.memref_slice %arg6[%dma_start3A_206, %dma_start3A_207] : memref<10x64xi32, #tpu.memory_space<vmem>> -> memref<1x64xi32, #tpu.memory_space<vmem>>
      %dma_start3A_209 = tpu.memref_squeeze %dma_start3A_208 : memref<1x64xi32, #tpu.memory_space<vmem>> -> memref<64xi32, #tpu.memory_space<vmem>>
      %dma_start3A_210 = arith.constant 0 : i32
      %dma_start3A_211 = arith.constant 0 : i32
      %dma_start3A_212 = tpu.memref_slice %arg2[%arg0, %dma_start3A_210, %dma_start3A_211] : memref<2x10240x128xf32, #tpu.memory_space<hbm>> -> memref<1x10240x128xf32, #tpu.memory_space<hbm>>
      %dma_start3A_213 = tpu.memref_squeeze %dma_start3A_212 : memref<1x10240x128xf32, #tpu.memory_space<hbm>> -> memref<10240x128xf32, #tpu.memory_space<hbm>>
      %dma_start3A_214 = arith.constant 0 : i32
      %dma_start3A_215 = arith.constant 0 : i32
      %dma_start3A_216 = tpu.memref_slice %dma_start3A_213[%dma_start3A_214, %dma_start3A_215] : memref<10240x128xf32, #tpu.memory_space<hbm>> -> memref<10240x128xf32, #tpu.memory_space<hbm>>
      tpu.enqueue_indirect_dma source(%dma_start3A_216 : memref<10240x128xf32, #tpu.memory_space<hbm>>) target(%arg11 : memref<64x128xf32, #tpu.memory_space<vmem>>) offsets(%dma_start3A_209 : memref<64xi32, #tpu.memory_space<vmem>>) semaphore(%arg17 : memref<!tpu.dma_semaphore, #tpu.memory_space<semaphore_mem>>)
      %dma_wait3A_217 = arith.constant 4 : i32
      %dma_wait3A_218 = arith.constant 0 : i32
      %dma_wait3A_219 = tpu.memref_slice %arg6[%dma_wait3A_217, %dma_wait3A_218] : memref<10x64xi32, #tpu.memory_space<vmem>> -> memref<1x64xi32, #tpu.memory_space<vmem>>
      %dma_wait3A_220 = tpu.memref_squeeze %dma_wait3A_219 : memref<1x64xi32, #tpu.memory_space<vmem>> -> memref<64xi32, #tpu.memory_space<vmem>>
      %dma_wait3A_221 = arith.constant 0 : i32
      %dma_wait3A_222 = arith.constant 0 : i32
      %dma_wait3A_223 = tpu.memref_slice %arg2[%arg0, %dma_wait3A_221, %dma_wait3A_222] : memref<2x10240x128xf32, #tpu.memory_space<hbm>> -> memref<1x10240x128xf32, #tpu.memory_space<hbm>>
      %dma_wait3A_224 = tpu.memref_squeeze %dma_wait3A_223 : memref<1x10240x128xf32, #tpu.memory_space<hbm>> -> memref<10240x128xf32, #tpu.memory_space<hbm>>
      %dma_wait3A_225 = arith.constant 0 : i32
      %dma_wait3A_226 = arith.constant 0 : i32
      %dma_wait3A_227 = tpu.memref_slice %dma_wait3A_224[%dma_wait3A_225, %dma_wait3A_226] : memref<10240x128xf32, #tpu.memory_space<hbm>> -> memref<10240x128xf32, #tpu.memory_space<hbm>>
      tpu.wait_indirect_dma semaphore(%arg18 : memref<!tpu.dma_semaphore, #tpu.memory_space<semaphore_mem>>) src(%dma_wait3A_227 : memref<10240x128xf32, #tpu.memory_space<hbm>>) dst(%arg12 : memref<64x128xf32, #tpu.memory_space<vmem>>)
      %dma_start3A_228 = arith.constant 4 : i32
      %dma_start3A_229 = arith.constant 0 : i32
      %dma_start3A_230 = tpu.memref_slice %arg7[%dma_start3A_228, %dma_start3A_229] : memref<10x64xi32, #tpu.memory_space<vmem>> -> memref<1x64xi32, #tpu.memory_space<vmem>>
      %dma_start3A_231 = tpu.memref_squeeze %dma_start3A_230 : memref<1x64xi32, #tpu.memory_space<vmem>> -> memref<64xi32, #tpu.memory_space<vmem>>
      %dma_start3A_232 = arith.constant 0 : i32
      %dma_start3A_233 = arith.constant 0 : i32
      %dma_start3A_234 = tpu.memref_slice %arg13[%dma_start3A_232, %dma_start3A_233] : memref<10240x128xf32, #tpu.memory_space<vmem_shared>> -> memref<10240x128xf32, #tpu.memory_space<vmem_shared>>
      tpu.enqueue_indirect_dma source(%arg12 : memref<64x128xf32, #tpu.memory_space<vmem>>) target(%dma_start3A_234 : memref<10240x128xf32, #tpu.memory_space<vmem_shared>>) offsets(%dma_start3A_231 : memref<64xi32, #tpu.memory_space<vmem>>) semaphore(%arg23 : memref<!tpu.dma_semaphore, #tpu.memory_space<semaphore_mem>>) {add = true}
      %dma_wait3A_235 = arith.constant 4 : i32
      %dma_wait3A_236 = arith.constant 0 : i32
      %dma_wait3A_237 = tpu.memref_slice %arg7[%dma_wait3A_235, %dma_wait3A_236] : memref<10x64xi32, #tpu.memory_space<vmem>> -> memref<1x64xi32, #tpu.memory_space<vmem>>
      %dma_wait3A_238 = tpu.memref_squeeze %dma_wait3A_237 : memref<1x64xi32, #tpu.memory_space<vmem>> -> memref<64xi32, #tpu.memory_space<vmem>>
      %dma_wait3A_239 = arith.constant 0 : i32
      %dma_wait3A_240 = arith.constant 0 : i32
      %dma_wait3A_241 = tpu.memref_slice %arg13[%dma_wait3A_239, %dma_wait3A_240] : memref<10240x128xf32, #tpu.memory_space<vmem_shared>> -> memref<10240x128xf32, #tpu.memory_space<vmem_shared>>
      tpu.wait_indirect_dma semaphore(%arg23 : memref<!tpu.dma_semaphore, #tpu.memory_space<semaphore_mem>>) src(%arg12 : memref<64x128xf32, #tpu.memory_space<vmem>>) dst(%dma_wait3A_241 : memref<10240x128xf32, #tpu.memory_space<vmem_shared>>)
      %dma_start3A_242 = arith.constant 9 : i32
      %dma_start3A_243 = arith.constant 0 : i32
      %dma_start3A_244 = tpu.memref_slice %arg6[%dma_start3A_242, %dma_start3A_243] : memref<10x64xi32, #tpu.memory_space<vmem>> -> memref<1x64xi32, #tpu.memory_space<vmem>>
      %dma_start3A_245 = tpu.memref_squeeze %dma_start3A_244 : memref<1x64xi32, #tpu.memory_space<vmem>> -> memref<64xi32, #tpu.memory_space<vmem>>
      %dma_start3A_246 = arith.constant 0 : i32
      %dma_start3A_247 = arith.constant 0 : i32
      %dma_start3A_248 = tpu.memref_slice %arg2[%arg0, %dma_start3A_246, %dma_start3A_247] : memref<2x10240x128xf32, #tpu.memory_space<hbm>> -> memref<1x10240x128xf32, #tpu.memory_space<hbm>>
      %dma_start3A_249 = tpu.memref_squeeze %dma_start3A_248 : memref<1x10240x128xf32, #tpu.memory_space<hbm>> -> memref<10240x128xf32, #tpu.memory_space<hbm>>
      %dma_start3A_250 = arith.constant 0 : i32
      %dma_start3A_251 = arith.constant 0 : i32
      %dma_start3A_252 = tpu.memref_slice %dma_start3A_249[%dma_start3A_250, %dma_start3A_251] : memref<10240x128xf32, #tpu.memory_space<hbm>> -> memref<10240x128xf32, #tpu.memory_space<hbm>>
      tpu.enqueue_indirect_dma source(%dma_start3A_252 : memref<10240x128xf32, #tpu.memory_space<hbm>>) target(%arg12 : memref<64x128xf32, #tpu.memory_space<vmem>>) offsets(%dma_start3A_245 : memref<64xi32, #tpu.memory_space<vmem>>) semaphore(%arg18 : memref<!tpu.dma_semaphore, #tpu.memory_space<semaphore_mem>>)
      %dma_wait3A_253 = arith.constant 5 : i32
      %dma_wait3A_254 = arith.constant 0 : i32
      %dma_wait3A_255 = tpu.memref_slice %arg6[%dma_wait3A_253, %dma_wait3A_254] : memref<10x64xi32, #tpu.memory_space<vmem>> -> memref<1x64xi32, #tpu.memory_space<vmem>>
      %dma_wait3A_256 = tpu.memref_squeeze %dma_wait3A_255 : memref<1x64xi32, #tpu.memory_space<vmem>> -> memref<64xi32, #tpu.memory_space<vmem>>
      %dma_wait3A_257 = arith.constant 0 : i32
      %dma_wait3A_258 = arith.constant 0 : i32
      %dma_wait3A_259 = tpu.memref_slice %arg2[%arg0, %dma_wait3A_257, %dma_wait3A_258] : memref<2x10240x128xf32, #tpu.memory_space<hbm>> -> memref<1x10240x128xf32, #tpu.memory_space<hbm>>
      %dma_wait3A_260 = tpu.memref_squeeze %dma_wait3A_259 : memref<1x10240x128xf32, #tpu.memory_space<hbm>> -> memref<10240x128xf32, #tpu.memory_space<hbm>>
      %dma_wait3A_261 = arith.constant 0 : i32
      %dma_wait3A_262 = arith.constant 0 : i32
      %dma_wait3A_263 = tpu.memref_slice %dma_wait3A_260[%dma_wait3A_261, %dma_wait3A_262] : memref<10240x128xf32, #tpu.memory_space<hbm>> -> memref<10240x128xf32, #tpu.memory_space<hbm>>
      tpu.wait_indirect_dma semaphore(%arg14 : memref<!tpu.dma_semaphore, #tpu.memory_space<semaphore_mem>>) src(%dma_wait3A_263 : memref<10240x128xf32, #tpu.memory_space<hbm>>) dst(%arg8 : memref<64x128xf32, #tpu.memory_space<vmem>>)
      %dma_start3A_264 = arith.constant 5 : i32
      %dma_start3A_265 = arith.constant 0 : i32
      %dma_start3A_266 = tpu.memref_slice %arg7[%dma_start3A_264, %dma_start3A_265] : memref<10x64xi32, #tpu.memory_space<vmem>> -> memref<1x64xi32, #tpu.memory_space<vmem>>
      %dma_start3A_267 = tpu.memref_squeeze %dma_start3A_266 : memref<1x64xi32, #tpu.memory_space<vmem>> -> memref<64xi32, #tpu.memory_space<vmem>>
      %dma_start3A_268 = arith.constant 0 : i32
      %dma_start3A_269 = arith.constant 0 : i32
      %dma_start3A_270 = tpu.memref_slice %arg13[%dma_start3A_268, %dma_start3A_269] : memref<10240x128xf32, #tpu.memory_space<vmem_shared>> -> memref<10240x128xf32, #tpu.memory_space<vmem_shared>>
      tpu.enqueue_indirect_dma source(%arg8 : memref<64x128xf32, #tpu.memory_space<vmem>>) target(%dma_start3A_270 : memref<10240x128xf32, #tpu.memory_space<vmem_shared>>) offsets(%dma_start3A_267 : memref<64xi32, #tpu.memory_space<vmem>>) semaphore(%arg19 : memref<!tpu.dma_semaphore, #tpu.memory_space<semaphore_mem>>) {add = true}
      %dma_wait3A_271 = arith.constant 6 : i32
      %dma_wait3A_272 = arith.constant 0 : i32
      %dma_wait3A_273 = tpu.memref_slice %arg6[%dma_wait3A_271, %dma_wait3A_272] : memref<10x64xi32, #tpu.memory_space<vmem>> -> memref<1x64xi32, #tpu.memory_space<vmem>>
      %dma_wait3A_274 = tpu.memref_squeeze %dma_wait3A_273 : memref<1x64xi32, #tpu.memory_space<vmem>> -> memref<64xi32, #tpu.memory_space<vmem>>
      %dma_wait3A_275 = arith.constant 0 : i32
      %dma_wait3A_276 = arith.constant 0 : i32
      %dma_wait3A_277 = tpu.memref_slice %arg2[%arg0, %dma_wait3A_275, %dma_wait3A_276] : memref<2x10240x128xf32, #tpu.memory_space<hbm>> -> memref<1x10240x128xf32, #tpu.memory_space<hbm>>
      %dma_wait3A_278 = tpu.memref_squeeze %dma_wait3A_277 : memref<1x10240x128xf32, #tpu.memory_space<hbm>> -> memref<10240x128xf32, #tpu.memory_space<hbm>>
      %dma_wait3A_279 = arith.constant 0 : i32
      %dma_wait3A_280 = arith.constant 0 : i32
      %dma_wait3A_281 = tpu.memref_slice %dma_wait3A_278[%dma_wait3A_279, %dma_wait3A_280] : memref<10240x128xf32, #tpu.memory_space<hbm>> -> memref<10240x128xf32, #tpu.memory_space<hbm>>
      tpu.wait_indirect_dma semaphore(%arg15 : memref<!tpu.dma_semaphore, #tpu.memory_space<semaphore_mem>>) src(%dma_wait3A_281 : memref<10240x128xf32, #tpu.memory_space<hbm>>) dst(%arg9 : memref<64x128xf32, #tpu.memory_space<vmem>>)
      %dma_start3A_282 = arith.constant 6 : i32
      %dma_start3A_283 = arith.constant 0 : i32
      %dma_start3A_284 = tpu.memref_slice %arg7[%dma_start3A_282, %dma_start3A_283] : memref<10x64xi32, #tpu.memory_space<vmem>> -> memref<1x64xi32, #tpu.memory_space<vmem>>
      %dma_start3A_285 = tpu.memref_squeeze %dma_start3A_284 : memref<1x64xi32, #tpu.memory_space<vmem>> -> memref<64xi32, #tpu.memory_space<vmem>>
      %dma_start3A_286 = arith.constant 0 : i32
      %dma_start3A_287 = arith.constant 0 : i32
      %dma_start3A_288 = tpu.memref_slice %arg13[%dma_start3A_286, %dma_start3A_287] : memref<10240x128xf32, #tpu.memory_space<vmem_shared>> -> memref<10240x128xf32, #tpu.memory_space<vmem_shared>>
      tpu.enqueue_indirect_dma source(%arg9 : memref<64x128xf32, #tpu.memory_space<vmem>>) target(%dma_start3A_288 : memref<10240x128xf32, #tpu.memory_space<vmem_shared>>) offsets(%dma_start3A_285 : memref<64xi32, #tpu.memory_space<vmem>>) semaphore(%arg20 : memref<!tpu.dma_semaphore, #tpu.memory_space<semaphore_mem>>) {add = true}
      %dma_wait3A_289 = arith.constant 7 : i32
      %dma_wait3A_290 = arith.constant 0 : i32
      %dma_wait3A_291 = tpu.memref_slice %arg6[%dma_wait3A_289, %dma_wait3A_290] : memref<10x64xi32, #tpu.memory_space<vmem>> -> memref<1x64xi32, #tpu.memory_space<vmem>>
      %dma_wait3A_292 = tpu.memref_squeeze %dma_wait3A_291 : memref<1x64xi32, #tpu.memory_space<vmem>> -> memref<64xi32, #tpu.memory_space<vmem>>
      %dma_wait3A_293 = arith.constant 0 : i32
      %dma_wait3A_294 = arith.constant 0 : i32
      %dma_wait3A_295 = tpu.memref_slice %arg2[%arg0, %dma_wait3A_293, %dma_wait3A_294] : memref<2x10240x128xf32, #tpu.memory_space<hbm>> -> memref<1x10240x128xf32, #tpu.memory_space<hbm>>
      %dma_wait3A_296 = tpu.memref_squeeze %dma_wait3A_295 : memref<1x10240x128xf32, #tpu.memory_space<hbm>> -> memref<10240x128xf32, #tpu.memory_space<hbm>>
      %dma_wait3A_297 = arith.constant 0 : i32
      %dma_wait3A_298 = arith.constant 0 : i32
      %dma_wait3A_299 = tpu.memref_slice %dma_wait3A_296[%dma_wait3A_297, %dma_wait3A_298] : memref<10240x128xf32, #tpu.memory_space<hbm>> -> memref<10240x128xf32, #tpu.memory_space<hbm>>
      tpu.wait_indirect_dma semaphore(%arg16 : memref<!tpu.dma_semaphore, #tpu.memory_space<semaphore_mem>>) src(%dma_wait3A_299 : memref<10240x128xf32, #tpu.memory_space<hbm>>) dst(%arg10 : memref<64x128xf32, #tpu.memory_space<vmem>>)
      %dma_start3A_300 = arith.constant 7 : i32
      %dma_start3A_301 = arith.constant 0 : i32
      %dma_start3A_302 = tpu.memref_slice %arg7[%dma_start3A_300, %dma_start3A_301] : memref<10x64xi32, #tpu.memory_space<vmem>> -> memref<1x64xi32, #tpu.memory_space<vmem>>
      %dma_start3A_303 = tpu.memref_squeeze %dma_start3A_302 : memref<1x64xi32, #tpu.memory_space<vmem>> -> memref<64xi32, #tpu.memory_space<vmem>>
      %dma_start3A_304 = arith.constant 0 : i32
      %dma_start3A_305 = arith.constant 0 : i32
      %dma_start3A_306 = tpu.memref_slice %arg13[%dma_start3A_304, %dma_start3A_305] : memref<10240x128xf32, #tpu.memory_space<vmem_shared>> -> memref<10240x128xf32, #tpu.memory_space<vmem_shared>>
      tpu.enqueue_indirect_dma source(%arg10 : memref<64x128xf32, #tpu.memory_space<vmem>>) target(%dma_start3A_306 : memref<10240x128xf32, #tpu.memory_space<vmem_shared>>) offsets(%dma_start3A_303 : memref<64xi32, #tpu.memory_space<vmem>>) semaphore(%arg21 : memref<!tpu.dma_semaphore, #tpu.memory_space<semaphore_mem>>) {add = true}
      %dma_wait3A_307 = arith.constant 8 : i32
      %dma_wait3A_308 = arith.constant 0 : i32
      %dma_wait3A_309 = tpu.memref_slice %arg6[%dma_wait3A_307, %dma_wait3A_308] : memref<10x64xi32, #tpu.memory_space<vmem>> -> memref<1x64xi32, #tpu.memory_space<vmem>>
      %dma_wait3A_310 = tpu.memref_squeeze %dma_wait3A_309 : memref<1x64xi32, #tpu.memory_space<vmem>> -> memref<64xi32, #tpu.memory_space<vmem>>
      %dma_wait3A_311 = arith.constant 0 : i32
      %dma_wait3A_312 = arith.constant 0 : i32
      %dma_wait3A_313 = tpu.memref_slice %arg2[%arg0, %dma_wait3A_311, %dma_wait3A_312] : memref<2x10240x128xf32, #tpu.memory_space<hbm>> -> memref<1x10240x128xf32, #tpu.memory_space<hbm>>
      %dma_wait3A_314 = tpu.memref_squeeze %dma_wait3A_313 : memref<1x10240x128xf32, #tpu.memory_space<hbm>> -> memref<10240x128xf32, #tpu.memory_space<hbm>>
      %dma_wait3A_315 = arith.constant 0 : i32
      %dma_wait3A_316 = arith.constant 0 : i32
      %dma_wait3A_317 = tpu.memref_slice %dma_wait3A_314[%dma_wait3A_315, %dma_wait3A_316] : memref<10240x128xf32, #tpu.memory_space<hbm>> -> memref<10240x128xf32, #tpu.memory_space<hbm>>
      tpu.wait_indirect_dma semaphore(%arg17 : memref<!tpu.dma_semaphore, #tpu.memory_space<semaphore_mem>>) src(%dma_wait3A_317 : memref<10240x128xf32, #tpu.memory_space<hbm>>) dst(%arg11 : memref<64x128xf32, #tpu.memory_space<vmem>>)
      %dma_start3A_318 = arith.constant 8 : i32
      %dma_start3A_319 = arith.constant 0 : i32
      %dma_start3A_320 = tpu.memref_slice %arg7[%dma_start3A_318, %dma_start3A_319] : memref<10x64xi32, #tpu.memory_space<vmem>> -> memref<1x64xi32, #tpu.memory_space<vmem>>
      %dma_start3A_321 = tpu.memref_squeeze %dma_start3A_320 : memref<1x64xi32, #tpu.memory_space<vmem>> -> memref<64xi32, #tpu.memory_space<vmem>>
      %dma_start3A_322 = arith.constant 0 : i32
      %dma_start3A_323 = arith.constant 0 : i32
      %dma_start3A_324 = tpu.memref_slice %arg13[%dma_start3A_322, %dma_start3A_323] : memref<10240x128xf32, #tpu.memory_space<vmem_shared>> -> memref<10240x128xf32, #tpu.memory_space<vmem_shared>>
      tpu.enqueue_indirect_dma source(%arg11 : memref<64x128xf32, #tpu.memory_space<vmem>>) target(%dma_start3A_324 : memref<10240x128xf32, #tpu.memory_space<vmem_shared>>) offsets(%dma_start3A_321 : memref<64xi32, #tpu.memory_space<vmem>>) semaphore(%arg22 : memref<!tpu.dma_semaphore, #tpu.memory_space<semaphore_mem>>) {add = true}
      %dma_wait3A_325 = arith.constant 9 : i32
      %dma_wait3A_326 = arith.constant 0 : i32
      %dma_wait3A_327 = tpu.memref_slice %arg6[%dma_wait3A_325, %dma_wait3A_326] : memref<10x64xi32, #tpu.memory_space<vmem>> -> memref<1x64xi32, #tpu.memory_space<vmem>>
      %dma_wait3A_328 = tpu.memref_squeeze %dma_wait3A_327 : memref<1x64xi32, #tpu.memory_space<vmem>> -> memref<64xi32, #tpu.memory_space<vmem>>
      %dma_wait3A_329 = arith.constant 0 : i32
      %dma_wait3A_330 = arith.constant 0 : i32
      %dma_wait3A_331 = tpu.memref_slice %arg2[%arg0, %dma_wait3A_329, %dma_wait3A_330] : memref<2x10240x128xf32, #tpu.memory_space<hbm>> -> memref<1x10240x128xf32, #tpu.memory_space<hbm>>
      %dma_wait3A_332 = tpu.memref_squeeze %dma_wait3A_331 : memref<1x10240x128xf32, #tpu.memory_space<hbm>> -> memref<10240x128xf32, #tpu.memory_space<hbm>>
      %dma_wait3A_333 = arith.constant 0 : i32
      %dma_wait3A_334 = arith.constant 0 : i32
      %dma_wait3A_335 = tpu.memref_slice %dma_wait3A_332[%dma_wait3A_333, %dma_wait3A_334] : memref<10240x128xf32, #tpu.memory_space<hbm>> -> memref<10240x128xf32, #tpu.memory_space<hbm>>
      tpu.wait_indirect_dma semaphore(%arg18 : memref<!tpu.dma_semaphore, #tpu.memory_space<semaphore_mem>>) src(%dma_wait3A_335 : memref<10240x128xf32, #tpu.memory_space<hbm>>) dst(%arg12 : memref<64x128xf32, #tpu.memory_space<vmem>>)
      %dma_start3A_336 = arith.constant 9 : i32
      %dma_start3A_337 = arith.constant 0 : i32
      %dma_start3A_338 = tpu.memref_slice %arg7[%dma_start3A_336, %dma_start3A_337] : memref<10x64xi32, #tpu.memory_space<vmem>> -> memref<1x64xi32, #tpu.memory_space<vmem>>
      %dma_start3A_339 = tpu.memref_squeeze %dma_start3A_338 : memref<1x64xi32, #tpu.memory_space<vmem>> -> memref<64xi32, #tpu.memory_space<vmem>>
      %dma_start3A_340 = arith.constant 0 : i32
      %dma_start3A_341 = arith.constant 0 : i32
      %dma_start3A_342 = tpu.memref_slice %arg13[%dma_start3A_340, %dma_start3A_341] : memref<10240x128xf32, #tpu.memory_space<vmem_shared>> -> memref<10240x128xf32, #tpu.memory_space<vmem_shared>>
      tpu.enqueue_indirect_dma source(%arg12 : memref<64x128xf32, #tpu.memory_space<vmem>>) target(%dma_start3A_342 : memref<10240x128xf32, #tpu.memory_space<vmem_shared>>) offsets(%dma_start3A_339 : memref<64xi32, #tpu.memory_space<vmem>>) semaphore(%arg23 : memref<!tpu.dma_semaphore, #tpu.memory_space<semaphore_mem>>) {add = true}
      %dma_wait3A_343 = arith.constant 5 : i32
      %dma_wait3A_344 = arith.constant 0 : i32
      %dma_wait3A_345 = tpu.memref_slice %arg7[%dma_wait3A_343, %dma_wait3A_344] : memref<10x64xi32, #tpu.memory_space<vmem>> -> memref<1x64xi32, #tpu.memory_space<vmem>>
      %dma_wait3A_346 = tpu.memref_squeeze %dma_wait3A_345 : memref<1x64xi32, #tpu.memory_space<vmem>> -> memref<64xi32, #tpu.memory_space<vmem>>
      %dma_wait3A_347 = arith.constant 0 : i32
      %dma_wait3A_348 = arith.constant 0 : i32
      %dma_wait3A_349 = tpu.memref_slice %arg13[%dma_wait3A_347, %dma_wait3A_348] : memref<10240x128xf32, #tpu.memory_space<vmem_shared>> -> memref<10240x128xf32, #tpu.memory_space<vmem_shared>>
      tpu.wait_indirect_dma semaphore(%arg19 : memref<!tpu.dma_semaphore, #tpu.memory_space<semaphore_mem>>) src(%arg8 : memref<64x128xf32, #tpu.memory_space<vmem>>) dst(%dma_wait3A_349 : memref<10240x128xf32, #tpu.memory_space<vmem_shared>>)
      %dma_wait3A_350 = arith.constant 6 : i32
      %dma_wait3A_351 = arith.constant 0 : i32
      %dma_wait3A_352 = tpu.memref_slice %arg7[%dma_wait3A_350, %dma_wait3A_351] : memref<10x64xi32, #tpu.memory_space<vmem>> -> memref<1x64xi32, #tpu.memory_space<vmem>>
      %dma_wait3A_353 = tpu.memref_squeeze %dma_wait3A_352 : memref<1x64xi32, #tpu.memory_space<vmem>> -> memref<64xi32, #tpu.memory_space<vmem>>
      %dma_wait3A_354 = arith.constant 0 : i32
      %dma_wait3A_355 = arith.constant 0 : i32
      %dma_wait3A_356 = tpu.memref_slice %arg13[%dma_wait3A_354, %dma_wait3A_355] : memref<10240x128xf32, #tpu.memory_space<vmem_shared>> -> memref<10240x128xf32, #tpu.memory_space<vmem_shared>>
      tpu.wait_indirect_dma semaphore(%arg20 : memref<!tpu.dma_semaphore, #tpu.memory_space<semaphore_mem>>) src(%arg9 : memref<64x128xf32, #tpu.memory_space<vmem>>) dst(%dma_wait3A_356 : memref<10240x128xf32, #tpu.memory_space<vmem_shared>>)
      %dma_wait3A_357 = arith.constant 7 : i32
      %dma_wait3A_358 = arith.constant 0 : i32
      %dma_wait3A_359 = tpu.memref_slice %arg7[%dma_wait3A_357, %dma_wait3A_358] : memref<10x64xi32, #tpu.memory_space<vmem>> -> memref<1x64xi32, #tpu.memory_space<vmem>>
      %dma_wait3A_360 = tpu.memref_squeeze %dma_wait3A_359 : memref<1x64xi32, #tpu.memory_space<vmem>> -> memref<64xi32, #tpu.memory_space<vmem>>
      %dma_wait3A_361 = arith.constant 0 : i32
      %dma_wait3A_362 = arith.constant 0 : i32
      %dma_wait3A_363 = tpu.memref_slice %arg13[%dma_wait3A_361, %dma_wait3A_362] : memref<10240x128xf32, #tpu.memory_space<vmem_shared>> -> memref<10240x128xf32, #tpu.memory_space<vmem_shared>>
      tpu.wait_indirect_dma semaphore(%arg21 : memref<!tpu.dma_semaphore, #tpu.memory_space<semaphore_mem>>) src(%arg10 : memref<64x128xf32, #tpu.memory_space<vmem>>) dst(%dma_wait3A_363 : memref<10240x128xf32, #tpu.memory_space<vmem_shared>>)
      %dma_wait3A_364 = arith.constant 8 : i32
      %dma_wait3A_365 = arith.constant 0 : i32
      %dma_wait3A_366 = tpu.memref_slice %arg7[%dma_wait3A_364, %dma_wait3A_365] : memref<10x64xi32, #tpu.memory_space<vmem>> -> memref<1x64xi32, #tpu.memory_space<vmem>>
      %dma_wait3A_367 = tpu.memref_squeeze %dma_wait3A_366 : memref<1x64xi32, #tpu.memory_space<vmem>> -> memref<64xi32, #tpu.memory_space<vmem>>
      %dma_wait3A_368 = arith.constant 0 : i32
      %dma_wait3A_369 = arith.constant 0 : i32
      %dma_wait3A_370 = tpu.memref_slice %arg13[%dma_wait3A_368, %dma_wait3A_369] : memref<10240x128xf32, #tpu.memory_space<vmem_shared>> -> memref<10240x128xf32, #tpu.memory_space<vmem_shared>>
      tpu.wait_indirect_dma semaphore(%arg22 : memref<!tpu.dma_semaphore, #tpu.memory_space<semaphore_mem>>) src(%arg11 : memref<64x128xf32, #tpu.memory_space<vmem>>) dst(%dma_wait3A_370 : memref<10240x128xf32, #tpu.memory_space<vmem_shared>>)
      %dma_wait3A_371 = arith.constant 9 : i32
      %dma_wait3A_372 = arith.constant 0 : i32
      %dma_wait3A_373 = tpu.memref_slice %arg7[%dma_wait3A_371, %dma_wait3A_372] : memref<10x64xi32, #tpu.memory_space<vmem>> -> memref<1x64xi32, #tpu.memory_space<vmem>>
      %dma_wait3A_374 = tpu.memref_squeeze %dma_wait3A_373 : memref<1x64xi32, #tpu.memory_space<vmem>> -> memref<64xi32, #tpu.memory_space<vmem>>
      %dma_wait3A_375 = arith.constant 0 : i32
      %dma_wait3A_376 = arith.constant 0 : i32
      %dma_wait3A_377 = tpu.memref_slice %arg13[%dma_wait3A_375, %dma_wait3A_376] : memref<10240x128xf32, #tpu.memory_space<vmem_shared>> -> memref<10240x128xf32, #tpu.memory_space<vmem_shared>>
      tpu.wait_indirect_dma semaphore(%arg23 : memref<!tpu.dma_semaphore, #tpu.memory_space<semaphore_mem>>) src(%arg12 : memref<64x128xf32, #tpu.memory_space<vmem>>) dst(%dma_wait3A_377 : memref<10240x128xf32, #tpu.memory_space<vmem_shared>>)
    }
    %scan3A_13 = arith.constant 32 : i32
    %barrier3A_14 = arith.constant 0 : index
    tpu.barrier barrier_id(%barrier3A_14)
    %mul3A = arith.constant 640 : i32
    %mul3A_15 = arith.muli %arg1, %mul3A : i32
    "tpu.region"() ({
      %run_scoped3A = tpu.sem_alloc : memref<!tpu.dma_semaphore, #tpu.memory_space<semaphore_mem>>
      %dma_start3A = arith.constant 0 : i32
      %dma_start3A_16 = arith.constant 0 : i32
      %dma_start3A_17 = tpu.memref_slice %arg5[%arg0, %dma_start3A, %dma_start3A_16] : memref<2x10240x128xf32, #tpu.memory_space<hbm>> -> memref<1x10240x128xf32, #tpu.memory_space<hbm>>
      %dma_start3A_18 = tpu.memref_squeeze %dma_start3A_17 : memref<1x10240x128xf32, #tpu.memory_space<hbm>> -> memref<10240x128xf32, #tpu.memory_space<hbm>>
      %dma_start3A_19 = arith.constant 0 : i32
      %dma_start3A_20 = tpu.memref_slice %dma_start3A_18[%mul3A_15, %dma_start3A_19] : memref<10240x128xf32, #tpu.memory_space<hbm>> -> memref<640x128xf32, #tpu.memory_space<hbm>>
      %dma_start3A_21 = arith.constant 0 : i32
      %dma_start3A_22 = tpu.memref_slice %arg13[%mul3A_15, %dma_start3A_21] : memref<10240x128xf32, #tpu.memory_space<vmem_shared>> -> memref<640x128xf32, #tpu.memory_space<vmem_shared>>
      tpu.enqueue_dma source(%dma_start3A_22 : memref<640x128xf32, #tpu.memory_space<vmem_shared>>) target(%dma_start3A_20 : memref<640x128xf32, #tpu.memory_space<hbm>>) target_semaphore(%run_scoped3A : memref<!tpu.dma_semaphore, #tpu.memory_space<semaphore_mem>>)
      %dma_wait3A = arith.constant 0 : i32
      %dma_wait3A_23 = arith.constant 0 : i32
      %dma_wait3A_24 = tpu.memref_slice %arg5[%arg0, %dma_wait3A, %dma_wait3A_23] : memref<2x10240x128xf32, #tpu.memory_space<hbm>> -> memref<1x10240x128xf32, #tpu.memory_space<hbm>>
      %dma_wait3A_25 = tpu.memref_squeeze %dma_wait3A_24 : memref<1x10240x128xf32, #tpu.memory_space<hbm>> -> memref<10240x128xf32, #tpu.memory_space<hbm>>
      %dma_wait3A_26 = arith.constant 0 : i32
      %dma_wait3A_27 = tpu.memref_slice %dma_wait3A_25[%mul3A_15, %dma_wait3A_26] : memref<10240x128xf32, #tpu.memory_space<hbm>> -> memref<640x128xf32, #tpu.memory_space<hbm>>
      %dma_wait3A_28 = arith.constant 0 : i32
      %dma_wait3A_29 = tpu.memref_slice %arg13[%mul3A_15, %dma_wait3A_28] : memref<10240x128xf32, #tpu.memory_space<vmem_shared>> -> memref<640x128xf32, #tpu.memory_space<vmem_shared>>
      tpu.wait_dma2 semaphore(%run_scoped3A : memref<!tpu.dma_semaphore, #tpu.memory_space<semaphore_mem>>) src(%dma_wait3A_29 : memref<640x128xf32, #tpu.memory_space<vmem_shared>>) dst(%dma_wait3A_27 : memref<640x128xf32, #tpu.memory_space<hbm>>)
      tpu.yield
    }) : () -> ()
    return
  }
}

#map = affine_map<(d0, d1) -> (0, 0, 0)>
#map1 = affine_map<(d0, d1) -> (0, 0, 0, 0)>
module attributes {stable_mosaic.version = 14 : i64} {
  func.func @k(%arg0: i32, %arg1: i32, %arg2: memref<2x10240x128xf32, #tpu.memory_space<hbm>>, %arg3: memref<16x32x10x64xi32, #tpu.memory_space<hbm>>, %arg4: memref<16x32x10x64xi32, #tpu.memory_space<hbm>>, %arg5: memref<2x10240x128xf32, #tpu.memory_space<hbm>>, %arg6: memref<10x64xi32, #tpu.memory_space<vmem>>, %arg7: memref<10x64xi32, #tpu.memory_space<vmem>>, %arg8: memref<64x128xf32, #tpu.memory_space<vmem>>, %arg9: memref<64x128xf32, #tpu.memory_space<vmem>>, %arg10: memref<64x128xf32, #tpu.memory_space<vmem>>, %arg11: memref<64x128xf32, #tpu.memory_space<vmem>>, %arg12: memref<64x128xf32, #tpu.memory_space<vmem>>, %arg13: memref<10240x128xf32, #tpu.memory_space<vmem_shared>>, %arg14: memref<!tpu.dma_semaphore, #tpu.memory_space<semaphore_mem>>, %arg15: memref<!tpu.dma_semaphore, #tpu.memory_space<semaphore_mem>>, %arg16: memref<!tpu.dma_semaphore, #tpu.memory_space<semaphore_mem>>, %arg17: memref<!tpu.dma_semaphore, #tpu.memory_space<semaphore_mem>>, %arg18: memref<!tpu.dma_semaphore, #tpu.memory_space<semaphore_mem>>, %arg19: memref<!tpu.dma_semaphore, #tpu.memory_space<semaphore_mem>>, %arg20: memref<!tpu.dma_semaphore, #tpu.memory_space<semaphore_mem>>, %arg21: memref<!tpu.dma_semaphore, #tpu.memory_space<semaphore_mem>>, %arg22: memref<!tpu.dma_semaphore, #tpu.memory_space<semaphore_mem>>, %arg23: memref<!tpu.dma_semaphore, #tpu.memory_space<semaphore_mem>>) attributes {dimension_semantics = [#tpu.dimension_semantics<core_parallel>, #tpu.dimension_semantics<subcore_parallel>], iteration_bounds = array<i64: 2, 16>, scalar_prefetch = 0 : i64, scratch_operands = 18 : i64, tpu.core_type = #tpu.core_type<sc_vector_subcore>, window_params = [{transform_indices = #map}, {transform_indices = #map1}, {transform_indices = #map1}, {transform_indices = #map}]} {
    %scan3A = arith.constant 0 : i32
    %scan3A_0 = arith.constant 64 : i32
    %scan3A_1 = arith.addi %scan3A, %scan3A_0 : i32
    %scan3A_2 = arith.constant 1 : i32
    scf.for %scan3A_16 = %scan3A to %scan3A_1 step %scan3A_2  : i32 {
      %mul3A_17 = arith.constant 1 : i32
      %mul3A_18 = arith.muli %scan3A_16, %mul3A_17 : i32
      %add3A = arith.constant 0 : i32
      %add3A_19 = arith.addi %add3A, %mul3A_18 : i32
      %scan3A_20 = arith.constant 0 : i32
      %scan3A_21 = arith.constant 8 : i32
      %scan3A_22 = arith.addi %scan3A_20, %scan3A_21 : i32
      %scan3A_23 = arith.constant 1 : i32
      scf.for %scan3A_25 = %scan3A_20 to %scan3A_22 step %scan3A_23  : i32 {
        %mul3A_26 = arith.constant 16 : i32
        %mul3A_27 = arith.muli %scan3A_25, %mul3A_26 : i32
        %add3A_28 = arith.constant 0 : i32
        %add3A_29 = arith.addi %add3A_28, %mul3A_27 : i32
        %broadcast_in_dim3A = arith.constant 0.000000e+00 : f32
        %broadcast_in_dim3A_30 = vector.broadcast %broadcast_in_dim3A : f32 to vector<16xf32>
        %swap3A = arith.index_cast %add3A_19 : i32 to index
        %swap3A_31 = arith.index_cast %add3A_29 : i32 to index
        %swap3A_32 = tpu.vector_load %arg8[%swap3A, %swap3A_31] {strides = array<i32>} : memref<64x128xf32, #tpu.memory_space<vmem>>, vector<1x16xf32>,
        %swap3A_33 = vector.shape_cast %swap3A_32 : vector<1x16xf32> to vector<16xf32>
        %swap3A_34 = vector.shape_cast %broadcast_in_dim3A_30 : vector<16xf32> to vector<1x16xf32>
        tpu.vector_store %arg8[%swap3A, %swap3A_31], %swap3A_34 {strides = array<i32>} : memref<64x128xf32, #tpu.memory_space<vmem>>, vector<1x16xf32>,
      }
      %scan3A_24 = arith.constant 8 : i32
    }
    %scan3A_3 = arith.constant 64 : i32
    %scan3A_4 = arith.constant 0 : i32
    %scan3A_5 = arith.constant 10 : i32
    %scan3A_6 = arith.addi %scan3A_4, %scan3A_5 : i32
    %scan3A_7 = arith.constant 1 : i32
    scf.for %scan3A_16 = %scan3A_4 to %scan3A_6 step %scan3A_7  : i32 {
      %mul3A_17 = arith.constant 1 : i32
      %mul3A_18 = arith.muli %scan3A_16, %mul3A_17 : i32
      %add3A = arith.constant 0 : i32
      %add3A_19 = arith.addi %add3A, %mul3A_18 : i32
      %mul3A_20 = arith.constant 640 : i32
      %mul3A_21 = arith.muli %arg1, %mul3A_20 : i32
      %mul3A_22 = arith.constant 64 : i32
      %mul3A_23 = arith.muli %add3A_19, %mul3A_22 : i32
      %add3A_24 = arith.addi %mul3A_21, %mul3A_23 : i32
      "tpu.region"() ({
        %run_scoped3A = tpu.sem_alloc : memref<!tpu.dma_semaphore, #tpu.memory_space<semaphore_mem>>
        %dma_start3A = arith.constant 0 : i32
        %dma_start3A_25 = tpu.memref_slice %arg13[%add3A_24, %dma_start3A] : memref<10240x128xf32, #tpu.memory_space<vmem_shared>> -> memref<64x128xf32, #tpu.memory_space<vmem_shared>>
        %dma_start3A_26 = arith.constant 0 : i32
        %dma_start3A_27 = tpu.memref_slice %arg13[%add3A_24, %dma_start3A_26] : memref<10240x128xf32, #tpu.memory_space<vmem_shared>> -> memref<64x128xf32, #tpu.memory_space<vmem_shared>>
        tpu.enqueue_dma source(%arg8 : memref<64x128xf32, #tpu.memory_space<vmem>>) target(%dma_start3A_27 : memref<64x128xf32, #tpu.memory_space<vmem_shared>>) target_semaphore(%run_scoped3A : memref<!tpu.dma_semaphore, #tpu.memory_space<semaphore_mem>>)
        %dma_wait3A = arith.constant 0 : i32
        %dma_wait3A_28 = tpu.memref_slice %arg13[%add3A_24, %dma_wait3A] : memref<10240x128xf32, #tpu.memory_space<vmem_shared>> -> memref<64x128xf32, #tpu.memory_space<vmem_shared>>
        %dma_wait3A_29 = arith.constant 0 : i32
        %dma_wait3A_30 = tpu.memref_slice %arg13[%add3A_24, %dma_wait3A_29] : memref<10240x128xf32, #tpu.memory_space<vmem_shared>> -> memref<64x128xf32, #tpu.memory_space<vmem_shared>>
        tpu.wait_dma2 semaphore(%run_scoped3A : memref<!tpu.dma_semaphore, #tpu.memory_space<semaphore_mem>>) src(%arg8 : memref<64x128xf32, #tpu.memory_space<vmem>>) dst(%dma_wait3A_30 : memref<64x128xf32, #tpu.memory_space<vmem_shared>>)
        tpu.yield
      }) : () -> ()
    }
    %scan3A_8 = arith.constant 10 : i32
    %barrier3A = arith.constant 0 : index
    tpu.barrier barrier_id(%barrier3A)
    %scan3A_9 = arith.constant 0 : i32
    %scan3A_10 = arith.constant 32 : i32
    %scan3A_11 = arith.addi %scan3A_9, %scan3A_10 : i32
    %scan3A_12 = arith.constant 1 : i32
    scf.for %scan3A_16 = %scan3A_9 to %scan3A_11 step %scan3A_12  : i32 {
      %mul3A_17 = arith.constant 1 : i32
      %mul3A_18 = arith.muli %scan3A_16, %mul3A_17 : i32
      %add3A = arith.constant 0 : i32
      %add3A_19 = arith.addi %add3A, %mul3A_18 : i32
      "tpu.region"() ({
        %run_scoped3A = tpu.sem_alloc : memref<!tpu.dma_semaphore, #tpu.memory_space<semaphore_mem>>
        %dma_start3A_378 = arith.constant 0 : i32
        %dma_start3A_379 = arith.constant 0 : i32
        %dma_start3A_380 = arith.constant 0 : i32
        %dma_start3A_381 = tpu.memref_slice %arg3[%arg1, %dma_start3A_378, %dma_start3A_379, %dma_start3A_380] : memref<16x32x10x64xi32, #tpu.memory_space<hbm>> -> memref<1x32x10x64xi32, #tpu.memory_space<hbm>>
        %dma_start3A_382 = tpu.memref_squeeze %dma_start3A_381 : memref<1x32x10x64xi32, #tpu.memory_space<hbm>> -> memref<32x10x64xi32, #tpu.memory_space<hbm>>
        %dma_start3A_383 = arith.constant 0 : i32
        %dma_start3A_384 = arith.constant 0 : i32
        %dma_start3A_385 = tpu.memref_slice %dma_start3A_382[%add3A_19, %dma_start3A_383, %dma_start3A_384] : memref<32x10x64xi32, #tpu.memory_space<hbm>> -> memref<1x10x64xi32, #tpu.memory_space<hbm>>
        %dma_start3A_386 = tpu.memref_squeeze %dma_start3A_385 : memref<1x10x64xi32, #tpu.memory_space<hbm>> -> memref<10x64xi32, #tpu.memory_space<hbm>>
        %dma_start3A_387 = arith.constant 0 : i32
        %dma_start3A_388 = arith.constant 0 : i32
        %dma_start3A_389 = arith.constant 0 : i32
        %dma_start3A_390 = tpu.memref_slice %arg3[%arg1, %dma_start3A_387, %dma_start3A_388, %dma_start3A_389] : memref<16x32x10x64xi32, #tpu.memory_space<hbm>> -> memref<1x32x10x64xi32, #tpu.memory_space<hbm>>
        %dma_start3A_391 = tpu.memref_squeeze %dma_start3A_390 : memref<1x32x10x64xi32, #tpu.memory_space<hbm>> -> memref<32x10x64xi32, #tpu.memory_space<hbm>>
        %dma_start3A_392 = arith.constant 0 : i32
        %dma_start3A_393 = arith.constant 0 : i32
        %dma_start3A_394 = tpu.memref_slice %dma_start3A_391[%add3A_19, %dma_start3A_392, %dma_start3A_393] : memref<32x10x64xi32, #tpu.memory_space<hbm>> -> memref<1x10x64xi32, #tpu.memory_space<hbm>>
        %dma_start3A_395 = tpu.memref_squeeze %dma_start3A_394 : memref<1x10x64xi32, #tpu.memory_space<hbm>> -> memref<10x64xi32, #tpu.memory_space<hbm>>
        tpu.enqueue_dma source(%dma_start3A_395 : memref<10x64xi32, #tpu.memory_space<hbm>>) target(%arg6 : memref<10x64xi32, #tpu.memory_space<vmem>>) target_semaphore(%run_scoped3A : memref<!tpu.dma_semaphore, #tpu.memory_space<semaphore_mem>>)
        %dma_wait3A_396 = arith.constant 0 : i32
        %dma_wait3A_397 = arith.constant 0 : i32
        %dma_wait3A_398 = arith.constant 0 : i32
        %dma_wait3A_399 = tpu.memref_slice %arg3[%arg1, %dma_wait3A_396, %dma_wait3A_397, %dma_wait3A_398] : memref<16x32x10x64xi32, #tpu.memory_space<hbm>> -> memref<1x32x10x64xi32, #tpu.memory_space<hbm>>
        %dma_wait3A_400 = tpu.memref_squeeze %dma_wait3A_399 : memref<1x32x10x64xi32, #tpu.memory_space<hbm>> -> memref<32x10x64xi32, #tpu.memory_space<hbm>>
        %dma_wait3A_401 = arith.constant 0 : i32
        %dma_wait3A_402 = arith.constant 0 : i32
        %dma_wait3A_403 = tpu.memref_slice %dma_wait3A_400[%add3A_19, %dma_wait3A_401, %dma_wait3A_402] : memref<32x10x64xi32, #tpu.memory_space<hbm>> -> memref<1x10x64xi32, #tpu.memory_space<hbm>>
        %dma_wait3A_404 = tpu.memref_squeeze %dma_wait3A_403 : memref<1x10x64xi32, #tpu.memory_space<hbm>> -> memref<10x64xi32, #tpu.memory_space<hbm>>
        %dma_wait3A_405 = arith.constant 0 : i32
        %dma_wait3A_406 = arith.constant 0 : i32
        %dma_wait3A_407 = arith.constant 0 : i32
        %dma_wait3A_408 = tpu.memref_slice %arg3[%arg1, %dma_wait3A_405, %dma_wait3A_406, %dma_wait3A_407] : memref<16x32x10x64xi32, #tpu.memory_space<hbm>> -> memref<1x32x10x64xi32, #tpu.memory_space<hbm>>
        %dma_wait3A_409 = tpu.memref_squeeze %dma_wait3A_408 : memref<1x32x10x64xi32, #tpu.memory_space<hbm>> -> memref<32x10x64xi32, #tpu.memory_space<hbm>>
        %dma_wait3A_410 = arith.constant 0 : i32
        %dma_wait3A_411 = arith.constant 0 : i32
        %dma_wait3A_412 = tpu.memref_slice %dma_wait3A_409[%add3A_19, %dma_wait3A_410, %dma_wait3A_411] : memref<32x10x64xi32, #tpu.memory_space<hbm>> -> memref<1x10x64xi32, #tpu.memory_space<hbm>>
        %dma_wait3A_413 = tpu.memref_squeeze %dma_wait3A_412 : memref<1x10x64xi32, #tpu.memory_space<hbm>> -> memref<10x64xi32, #tpu.memory_space<hbm>>
        tpu.wait_dma2 semaphore(%run_scoped3A : memref<!tpu.dma_semaphore, #tpu.memory_space<semaphore_mem>>) src(%dma_wait3A_413 : memref<10x64xi32, #tpu.memory_space<hbm>>) dst(%arg6 : memref<10x64xi32, #tpu.memory_space<vmem>>)
        tpu.yield
      }) : () -> ()
      "tpu.region"() ({
        %run_scoped3A = tpu.sem_alloc : memref<!tpu.dma_semaphore, #tpu.memory_space<semaphore_mem>>
        %dma_start3A_378 = arith.constant 0 : i32
        %dma_start3A_379 = arith.constant 0 : i32
        %dma_start3A_380 = arith.constant 0 : i32
        %dma_start3A_381 = tpu.memref_slice %arg4[%arg1, %dma_start3A_378, %dma_start3A_379, %dma_start3A_380] : memref<16x32x10x64xi32, #tpu.memory_space<hbm>> -> memref<1x32x10x64xi32, #tpu.memory_space<hbm>>
        %dma_start3A_382 = tpu.memref_squeeze %dma_start3A_381 : memref<1x32x10x64xi32, #tpu.memory_space<hbm>> -> memref<32x10x64xi32, #tpu.memory_space<hbm>>
        %dma_start3A_383 = arith.constant 0 : i32
        %dma_start3A_384 = arith.constant 0 : i32
        %dma_start3A_385 = tpu.memref_slice %dma_start3A_382[%add3A_19, %dma_start3A_383, %dma_start3A_384] : memref<32x10x64xi32, #tpu.memory_space<hbm>> -> memref<1x10x64xi32, #tpu.memory_space<hbm>>
        %dma_start3A_386 = tpu.memref_squeeze %dma_start3A_385 : memref<1x10x64xi32, #tpu.memory_space<hbm>> -> memref<10x64xi32, #tpu.memory_space<hbm>>
        %dma_start3A_387 = arith.constant 0 : i32
        %dma_start3A_388 = arith.constant 0 : i32
        %dma_start3A_389 = arith.constant 0 : i32
        %dma_start3A_390 = tpu.memref_slice %arg4[%arg1, %dma_start3A_387, %dma_start3A_388, %dma_start3A_389] : memref<16x32x10x64xi32, #tpu.memory_space<hbm>> -> memref<1x32x10x64xi32, #tpu.memory_space<hbm>>
        %dma_start3A_391 = tpu.memref_squeeze %dma_start3A_390 : memref<1x32x10x64xi32, #tpu.memory_space<hbm>> -> memref<32x10x64xi32, #tpu.memory_space<hbm>>
        %dma_start3A_392 = arith.constant 0 : i32
        %dma_start3A_393 = arith.constant 0 : i32
        %dma_start3A_394 = tpu.memref_slice %dma_start3A_391[%add3A_19, %dma_start3A_392, %dma_start3A_393] : memref<32x10x64xi32, #tpu.memory_space<hbm>> -> memref<1x10x64xi32, #tpu.memory_space<hbm>>
        %dma_start3A_395 = tpu.memref_squeeze %dma_start3A_394 : memref<1x10x64xi32, #tpu.memory_space<hbm>> -> memref<10x64xi32, #tpu.memory_space<hbm>>
        tpu.enqueue_dma source(%dma_start3A_395 : memref<10x64xi32, #tpu.memory_space<hbm>>) target(%arg7 : memref<10x64xi32, #tpu.memory_space<vmem>>) target_semaphore(%run_scoped3A : memref<!tpu.dma_semaphore, #tpu.memory_space<semaphore_mem>>)
        %dma_wait3A_396 = arith.constant 0 : i32
        %dma_wait3A_397 = arith.constant 0 : i32
        %dma_wait3A_398 = arith.constant 0 : i32
        %dma_wait3A_399 = tpu.memref_slice %arg4[%arg1, %dma_wait3A_396, %dma_wait3A_397, %dma_wait3A_398] : memref<16x32x10x64xi32, #tpu.memory_space<hbm>> -> memref<1x32x10x64xi32, #tpu.memory_space<hbm>>
        %dma_wait3A_400 = tpu.memref_squeeze %dma_wait3A_399 : memref<1x32x10x64xi32, #tpu.memory_space<hbm>> -> memref<32x10x64xi32, #tpu.memory_space<hbm>>
        %dma_wait3A_401 = arith.constant 0 : i32
        %dma_wait3A_402 = arith.constant 0 : i32
        %dma_wait3A_403 = tpu.memref_slice %dma_wait3A_400[%add3A_19, %dma_wait3A_401, %dma_wait3A_402] : memref<32x10x64xi32, #tpu.memory_space<hbm>> -> memref<1x10x64xi32, #tpu.memory_space<hbm>>
        %dma_wait3A_404 = tpu.memref_squeeze %dma_wait3A_403 : memref<1x10x64xi32, #tpu.memory_space<hbm>> -> memref<10x64xi32, #tpu.memory_space<hbm>>
        %dma_wait3A_405 = arith.constant 0 : i32
        %dma_wait3A_406 = arith.constant 0 : i32
        %dma_wait3A_407 = arith.constant 0 : i32
        %dma_wait3A_408 = tpu.memref_slice %arg4[%arg1, %dma_wait3A_405, %dma_wait3A_406, %dma_wait3A_407] : memref<16x32x10x64xi32, #tpu.memory_space<hbm>> -> memref<1x32x10x64xi32, #tpu.memory_space<hbm>>
        %dma_wait3A_409 = tpu.memref_squeeze %dma_wait3A_408 : memref<1x32x10x64xi32, #tpu.memory_space<hbm>> -> memref<32x10x64xi32, #tpu.memory_space<hbm>>
        %dma_wait3A_410 = arith.constant 0 : i32
        %dma_wait3A_411 = arith.constant 0 : i32
        %dma_wait3A_412 = tpu.memref_slice %dma_wait3A_409[%add3A_19, %dma_wait3A_410, %dma_wait3A_411] : memref<32x10x64xi32, #tpu.memory_space<hbm>> -> memref<1x10x64xi32, #tpu.memory_space<hbm>>
        %dma_wait3A_413 = tpu.memref_squeeze %dma_wait3A_412 : memref<1x10x64xi32, #tpu.memory_space<hbm>> -> memref<10x64xi32, #tpu.memory_space<hbm>>
        tpu.wait_dma2 semaphore(%run_scoped3A : memref<!tpu.dma_semaphore, #tpu.memory_space<semaphore_mem>>) src(%dma_wait3A_413 : memref<10x64xi32, #tpu.memory_space<hbm>>) dst(%arg7 : memref<10x64xi32, #tpu.memory_space<vmem>>)
        tpu.yield
      }) : () -> ()
      %dma_start3A = arith.constant 0 : i32
      %dma_start3A_20 = arith.constant 0 : i32
      %dma_start3A_21 = tpu.memref_slice %arg6[%dma_start3A, %dma_start3A_20] : memref<10x64xi32, #tpu.memory_space<vmem>> -> memref<1x64xi32, #tpu.memory_space<vmem>>
      %dma_start3A_22 = tpu.memref_squeeze %dma_start3A_21 : memref<1x64xi32, #tpu.memory_space<vmem>> -> memref<64xi32, #tpu.memory_space<vmem>>
      %dma_start3A_23 = arith.constant 0 : i32
      %dma_start3A_24 = arith.constant 0 : i32
      %dma_start3A_25 = tpu.memref_slice %arg2[%arg0, %dma_start3A_23, %dma_start3A_24] : memref<2x10240x128xf32, #tpu.memory_space<hbm>> -> memref<1x10240x128xf32, #tpu.memory_space<hbm>>
      %dma_start3A_26 = tpu.memref_squeeze %dma_start3A_25 : memref<1x10240x128xf32, #tpu.memory_space<hbm>> -> memref<10240x128xf32, #tpu.memory_space<hbm>>
      %dma_start3A_27 = arith.constant 0 : i32
      %dma_start3A_28 = arith.constant 0 : i32
      %dma_start3A_29 = tpu.memref_slice %dma_start3A_26[%dma_start3A_27, %dma_start3A_28] : memref<10240x128xf32, #tpu.memory_space<hbm>> -> memref<10240x128xf32, #tpu.memory_space<hbm>>
      tpu.enqueue_indirect_dma source(%dma_start3A_29 : memref<10240x128xf32, #tpu.memory_space<hbm>>) target(%arg8 : memref<64x128xf32, #tpu.memory_space<vmem>>) offsets(%dma_start3A_22 : memref<64xi32, #tpu.memory_space<vmem>>) semaphore(%arg14 : memref<!tpu.dma_semaphore, #tpu.memory_space<semaphore_mem>>)
      %dma_start3A_30 = arith.constant 1 : i32
      %dma_start3A_31 = arith.constant 0 : i32
      %dma_start3A_32 = tpu.memref_slice %arg6[%dma_start3A_30, %dma_start3A_31] : memref<10x64xi32, #tpu.memory_space<vmem>> -> memref<1x64xi32, #tpu.memory_space<vmem>>
      %dma_start3A_33 = tpu.memref_squeeze %dma_start3A_32 : memref<1x64xi32, #tpu.memory_space<vmem>> -> memref<64xi32, #tpu.memory_space<vmem>>
      %dma_start3A_34 = arith.constant 0 : i32
      %dma_start3A_35 = arith.constant 0 : i32
      %dma_start3A_36 = tpu.memref_slice %arg2[%arg0, %dma_start3A_34, %dma_start3A_35] : memref<2x10240x128xf32, #tpu.memory_space<hbm>> -> memref<1x10240x128xf32, #tpu.memory_space<hbm>>
      %dma_start3A_37 = tpu.memref_squeeze %dma_start3A_36 : memref<1x10240x128xf32, #tpu.memory_space<hbm>> -> memref<10240x128xf32, #tpu.memory_space<hbm>>
      %dma_start3A_38 = arith.constant 0 : i32
      %dma_start3A_39 = arith.constant 0 : i32
      %dma_start3A_40 = tpu.memref_slice %dma_start3A_37[%dma_start3A_38, %dma_start3A_39] : memref<10240x128xf32, #tpu.memory_space<hbm>> -> memref<10240x128xf32, #tpu.memory_space<hbm>>
      tpu.enqueue_indirect_dma source(%dma_start3A_40 : memref<10240x128xf32, #tpu.memory_space<hbm>>) target(%arg9 : memref<64x128xf32, #tpu.memory_space<vmem>>) offsets(%dma_start3A_33 : memref<64xi32, #tpu.memory_space<vmem>>) semaphore(%arg15 : memref<!tpu.dma_semaphore, #tpu.memory_space<semaphore_mem>>)
      %dma_start3A_41 = arith.constant 2 : i32
      %dma_start3A_42 = arith.constant 0 : i32
      %dma_start3A_43 = tpu.memref_slice %arg6[%dma_start3A_41, %dma_start3A_42] : memref<10x64xi32, #tpu.memory_space<vmem>> -> memref<1x64xi32, #tpu.memory_space<vmem>>
      %dma_start3A_44 = tpu.memref_squeeze %dma_start3A_43 : memref<1x64xi32, #tpu.memory_space<vmem>> -> memref<64xi32, #tpu.memory_space<vmem>>
      %dma_start3A_45 = arith.constant 0 : i32
      %dma_start3A_46 = arith.constant 0 : i32
      %dma_start3A_47 = tpu.memref_slice %arg2[%arg0, %dma_start3A_45, %dma_start3A_46] : memref<2x10240x128xf32, #tpu.memory_space<hbm>> -> memref<1x10240x128xf32, #tpu.memory_space<hbm>>
      %dma_start3A_48 = tpu.memref_squeeze %dma_start3A_47 : memref<1x10240x128xf32, #tpu.memory_space<hbm>> -> memref<10240x128xf32, #tpu.memory_space<hbm>>
      %dma_start3A_49 = arith.constant 0 : i32
      %dma_start3A_50 = arith.constant 0 : i32
      %dma_start3A_51 = tpu.memref_slice %dma_start3A_48[%dma_start3A_49, %dma_start3A_50] : memref<10240x128xf32, #tpu.memory_space<hbm>> -> memref<10240x128xf32, #tpu.memory_space<hbm>>
      tpu.enqueue_indirect_dma source(%dma_start3A_51 : memref<10240x128xf32, #tpu.memory_space<hbm>>) target(%arg10 : memref<64x128xf32, #tpu.memory_space<vmem>>) offsets(%dma_start3A_44 : memref<64xi32, #tpu.memory_space<vmem>>) semaphore(%arg16 : memref<!tpu.dma_semaphore, #tpu.memory_space<semaphore_mem>>)
      %dma_start3A_52 = arith.constant 3 : i32
      %dma_start3A_53 = arith.constant 0 : i32
      %dma_start3A_54 = tpu.memref_slice %arg6[%dma_start3A_52, %dma_start3A_53] : memref<10x64xi32, #tpu.memory_space<vmem>> -> memref<1x64xi32, #tpu.memory_space<vmem>>
      %dma_start3A_55 = tpu.memref_squeeze %dma_start3A_54 : memref<1x64xi32, #tpu.memory_space<vmem>> -> memref<64xi32, #tpu.memory_space<vmem>>
      %dma_start3A_56 = arith.constant 0 : i32
      %dma_start3A_57 = arith.constant 0 : i32
      %dma_start3A_58 = tpu.memref_slice %arg2[%arg0, %dma_start3A_56, %dma_start3A_57] : memref<2x10240x128xf32, #tpu.memory_space<hbm>> -> memref<1x10240x128xf32, #tpu.memory_space<hbm>>
      %dma_start3A_59 = tpu.memref_squeeze %dma_start3A_58 : memref<1x10240x128xf32, #tpu.memory_space<hbm>> -> memref<10240x128xf32, #tpu.memory_space<hbm>>
      %dma_start3A_60 = arith.constant 0 : i32
      %dma_start3A_61 = arith.constant 0 : i32
      %dma_start3A_62 = tpu.memref_slice %dma_start3A_59[%dma_start3A_60, %dma_start3A_61] : memref<10240x128xf32, #tpu.memory_space<hbm>> -> memref<10240x128xf32, #tpu.memory_space<hbm>>
      tpu.enqueue_indirect_dma source(%dma_start3A_62 : memref<10240x128xf32, #tpu.memory_space<hbm>>) target(%arg11 : memref<64x128xf32, #tpu.memory_space<vmem>>) offsets(%dma_start3A_55 : memref<64xi32, #tpu.memory_space<vmem>>) semaphore(%arg17 : memref<!tpu.dma_semaphore, #tpu.memory_space<semaphore_mem>>)
      %dma_start3A_63 = arith.constant 4 : i32
      %dma_start3A_64 = arith.constant 0 : i32
      %dma_start3A_65 = tpu.memref_slice %arg6[%dma_start3A_63, %dma_start3A_64] : memref<10x64xi32, #tpu.memory_space<vmem>> -> memref<1x64xi32, #tpu.memory_space<vmem>>
      %dma_start3A_66 = tpu.memref_squeeze %dma_start3A_65 : memref<1x64xi32, #tpu.memory_space<vmem>> -> memref<64xi32, #tpu.memory_space<vmem>>
      %dma_start3A_67 = arith.constant 0 : i32
      %dma_start3A_68 = arith.constant 0 : i32
      %dma_start3A_69 = tpu.memref_slice %arg2[%arg0, %dma_start3A_67, %dma_start3A_68] : memref<2x10240x128xf32, #tpu.memory_space<hbm>> -> memref<1x10240x128xf32, #tpu.memory_space<hbm>>
      %dma_start3A_70 = tpu.memref_squeeze %dma_start3A_69 : memref<1x10240x128xf32, #tpu.memory_space<hbm>> -> memref<10240x128xf32, #tpu.memory_space<hbm>>
      %dma_start3A_71 = arith.constant 0 : i32
      %dma_start3A_72 = arith.constant 0 : i32
      %dma_start3A_73 = tpu.memref_slice %dma_start3A_70[%dma_start3A_71, %dma_start3A_72] : memref<10240x128xf32, #tpu.memory_space<hbm>> -> memref<10240x128xf32, #tpu.memory_space<hbm>>
      tpu.enqueue_indirect_dma source(%dma_start3A_73 : memref<10240x128xf32, #tpu.memory_space<hbm>>) target(%arg12 : memref<64x128xf32, #tpu.memory_space<vmem>>) offsets(%dma_start3A_66 : memref<64xi32, #tpu.memory_space<vmem>>) semaphore(%arg18 : memref<!tpu.dma_semaphore, #tpu.memory_space<semaphore_mem>>)
      %dma_wait3A = arith.constant 0 : i32
      %dma_wait3A_74 = arith.constant 0 : i32
      %dma_wait3A_75 = tpu.memref_slice %arg6[%dma_wait3A, %dma_wait3A_74] : memref<10x64xi32, #tpu.memory_space<vmem>> -> memref<1x64xi32, #tpu.memory_space<vmem>>
      %dma_wait3A_76 = tpu.memref_squeeze %dma_wait3A_75 : memref<1x64xi32, #tpu.memory_space<vmem>> -> memref<64xi32, #tpu.memory_space<vmem>>
      %dma_wait3A_77 = arith.constant 0 : i32
      %dma_wait3A_78 = arith.constant 0 : i32
      %dma_wait3A_79 = tpu.memref_slice %arg2[%arg0, %dma_wait3A_77, %dma_wait3A_78] : memref<2x10240x128xf32, #tpu.memory_space<hbm>> -> memref<1x10240x128xf32, #tpu.memory_space<hbm>>
      %dma_wait3A_80 = tpu.memref_squeeze %dma_wait3A_79 : memref<1x10240x128xf32, #tpu.memory_space<hbm>> -> memref<10240x128xf32, #tpu.memory_space<hbm>>
      %dma_wait3A_81 = arith.constant 0 : i32
      %dma_wait3A_82 = arith.constant 0 : i32
      %dma_wait3A_83 = tpu.memref_slice %dma_wait3A_80[%dma_wait3A_81, %dma_wait3A_82] : memref<10240x128xf32, #tpu.memory_space<hbm>> -> memref<10240x128xf32, #tpu.memory_space<hbm>>
      tpu.wait_indirect_dma semaphore(%arg14 : memref<!tpu.dma_semaphore, #tpu.memory_space<semaphore_mem>>) src(%dma_wait3A_83 : memref<10240x128xf32, #tpu.memory_space<hbm>>) dst(%arg8 : memref<64x128xf32, #tpu.memory_space<vmem>>)
      %dma_start3A_84 = arith.constant 0 : i32
      %dma_start3A_85 = arith.constant 0 : i32
      %dma_start3A_86 = tpu.memref_slice %arg7[%dma_start3A_84, %dma_start3A_85] : memref<10x64xi32, #tpu.memory_space<vmem>> -> memref<1x64xi32, #tpu.memory_space<vmem>>
      %dma_start3A_87 = tpu.memref_squeeze %dma_start3A_86 : memref<1x64xi32, #tpu.memory_space<vmem>> -> memref<64xi32, #tpu.memory_space<vmem>>
      %dma_start3A_88 = arith.constant 0 : i32
      %dma_start3A_89 = arith.constant 0 : i32
      %dma_start3A_90 = tpu.memref_slice %arg13[%dma_start3A_88, %dma_start3A_89] : memref<10240x128xf32, #tpu.memory_space<vmem_shared>> -> memref<10240x128xf32, #tpu.memory_space<vmem_shared>>
      tpu.enqueue_indirect_dma source(%arg8 : memref<64x128xf32, #tpu.memory_space<vmem>>) target(%dma_start3A_90 : memref<10240x128xf32, #tpu.memory_space<vmem_shared>>) offsets(%dma_start3A_87 : memref<64xi32, #tpu.memory_space<vmem>>) semaphore(%arg19 : memref<!tpu.dma_semaphore, #tpu.memory_space<semaphore_mem>>) {add = true}
      %dma_wait3A_91 = arith.constant 0 : i32
      %dma_wait3A_92 = arith.constant 0 : i32
      %dma_wait3A_93 = tpu.memref_slice %arg7[%dma_wait3A_91, %dma_wait3A_92] : memref<10x64xi32, #tpu.memory_space<vmem>> -> memref<1x64xi32, #tpu.memory_space<vmem>>
      %dma_wait3A_94 = tpu.memref_squeeze %dma_wait3A_93 : memref<1x64xi32, #tpu.memory_space<vmem>> -> memref<64xi32, #tpu.memory_space<vmem>>
      %dma_wait3A_95 = arith.constant 0 : i32
      %dma_wait3A_96 = arith.constant 0 : i32
      %dma_wait3A_97 = tpu.memref_slice %arg13[%dma_wait3A_95, %dma_wait3A_96] : memref<10240x128xf32, #tpu.memory_space<vmem_shared>> -> memref<10240x128xf32, #tpu.memory_space<vmem_shared>>
      tpu.wait_indirect_dma semaphore(%arg19 : memref<!tpu.dma_semaphore, #tpu.memory_space<semaphore_mem>>) src(%arg8 : memref<64x128xf32, #tpu.memory_space<vmem>>) dst(%dma_wait3A_97 : memref<10240x128xf32, #tpu.memory_space<vmem_shared>>)
      %dma_start3A_98 = arith.constant 5 : i32
      %dma_start3A_99 = arith.constant 0 : i32
      %dma_start3A_100 = tpu.memref_slice %arg6[%dma_start3A_98, %dma_start3A_99] : memref<10x64xi32, #tpu.memory_space<vmem>> -> memref<1x64xi32, #tpu.memory_space<vmem>>
      %dma_start3A_101 = tpu.memref_squeeze %dma_start3A_100 : memref<1x64xi32, #tpu.memory_space<vmem>> -> memref<64xi32, #tpu.memory_space<vmem>>
      %dma_start3A_102 = arith.constant 0 : i32
      %dma_start3A_103 = arith.constant 0 : i32
      %dma_start3A_104 = tpu.memref_slice %arg2[%arg0, %dma_start3A_102, %dma_start3A_103] : memref<2x10240x128xf32, #tpu.memory_space<hbm>> -> memref<1x10240x128xf32, #tpu.memory_space<hbm>>
      %dma_start3A_105 = tpu.memref_squeeze %dma_start3A_104 : memref<1x10240x128xf32, #tpu.memory_space<hbm>> -> memref<10240x128xf32, #tpu.memory_space<hbm>>
      %dma_start3A_106 = arith.constant 0 : i32
      %dma_start3A_107 = arith.constant 0 : i32
      %dma_start3A_108 = tpu.memref_slice %dma_start3A_105[%dma_start3A_106, %dma_start3A_107] : memref<10240x128xf32, #tpu.memory_space<hbm>> -> memref<10240x128xf32, #tpu.memory_space<hbm>>
      tpu.enqueue_indirect_dma source(%dma_start3A_108 : memref<10240x128xf32, #tpu.memory_space<hbm>>) target(%arg8 : memref<64x128xf32, #tpu.memory_space<vmem>>) offsets(%dma_start3A_101 : memref<64xi32, #tpu.memory_space<vmem>>) semaphore(%arg14 : memref<!tpu.dma_semaphore, #tpu.memory_space<semaphore_mem>>)
      %dma_wait3A_109 = arith.constant 1 : i32
      %dma_wait3A_110 = arith.constant 0 : i32
      %dma_wait3A_111 = tpu.memref_slice %arg6[%dma_wait3A_109, %dma_wait3A_110] : memref<10x64xi32, #tpu.memory_space<vmem>> -> memref<1x64xi32, #tpu.memory_space<vmem>>
      %dma_wait3A_112 = tpu.memref_squeeze %dma_wait3A_111 : memref<1x64xi32, #tpu.memory_space<vmem>> -> memref<64xi32, #tpu.memory_space<vmem>>
      %dma_wait3A_113 = arith.constant 0 : i32
      %dma_wait3A_114 = arith.constant 0 : i32
      %dma_wait3A_115 = tpu.memref_slice %arg2[%arg0, %dma_wait3A_113, %dma_wait3A_114] : memref<2x10240x128xf32, #tpu.memory_space<hbm>> -> memref<1x10240x128xf32, #tpu.memory_space<hbm>>
      %dma_wait3A_116 = tpu.memref_squeeze %dma_wait3A_115 : memref<1x10240x128xf32, #tpu.memory_space<hbm>> -> memref<10240x128xf32, #tpu.memory_space<hbm>>
      %dma_wait3A_117 = arith.constant 0 : i32
      %dma_wait3A_118 = arith.constant 0 : i32
      %dma_wait3A_119 = tpu.memref_slice %dma_wait3A_116[%dma_wait3A_117, %dma_wait3A_118] : memref<10240x128xf32, #tpu.memory_space<hbm>> -> memref<10240x128xf32, #tpu.memory_space<hbm>>
      tpu.wait_indirect_dma semaphore(%arg15 : memref<!tpu.dma_semaphore, #tpu.memory_space<semaphore_mem>>) src(%dma_wait3A_119 : memref<10240x128xf32, #tpu.memory_space<hbm>>) dst(%arg9 : memref<64x128xf32, #tpu.memory_space<vmem>>)
      %dma_start3A_120 = arith.constant 1 : i32
      %dma_start3A_121 = arith.constant 0 : i32
      %dma_start3A_122 = tpu.memref_slice %arg7[%dma_start3A_120, %dma_start3A_121] : memref<10x64xi32, #tpu.memory_space<vmem>> -> memref<1x64xi32, #tpu.memory_space<vmem>>
      %dma_start3A_123 = tpu.memref_squeeze %dma_start3A_122 : memref<1x64xi32, #tpu.memory_space<vmem>> -> memref<64xi32, #tpu.memory_space<vmem>>
      %dma_start3A_124 = arith.constant 0 : i32
      %dma_start3A_125 = arith.constant 0 : i32
      %dma_start3A_126 = tpu.memref_slice %arg13[%dma_start3A_124, %dma_start3A_125] : memref<10240x128xf32, #tpu.memory_space<vmem_shared>> -> memref<10240x128xf32, #tpu.memory_space<vmem_shared>>
      tpu.enqueue_indirect_dma source(%arg9 : memref<64x128xf32, #tpu.memory_space<vmem>>) target(%dma_start3A_126 : memref<10240x128xf32, #tpu.memory_space<vmem_shared>>) offsets(%dma_start3A_123 : memref<64xi32, #tpu.memory_space<vmem>>) semaphore(%arg20 : memref<!tpu.dma_semaphore, #tpu.memory_space<semaphore_mem>>) {add = true}
      %dma_wait3A_127 = arith.constant 1 : i32
      %dma_wait3A_128 = arith.constant 0 : i32
      %dma_wait3A_129 = tpu.memref_slice %arg7[%dma_wait3A_127, %dma_wait3A_128] : memref<10x64xi32, #tpu.memory_space<vmem>> -> memref<1x64xi32, #tpu.memory_space<vmem>>
      %dma_wait3A_130 = tpu.memref_squeeze %dma_wait3A_129 : memref<1x64xi32, #tpu.memory_space<vmem>> -> memref<64xi32, #tpu.memory_space<vmem>>
      %dma_wait3A_131 = arith.constant 0 : i32
      %dma_wait3A_132 = arith.constant 0 : i32
      %dma_wait3A_133 = tpu.memref_slice %arg13[%dma_wait3A_131, %dma_wait3A_132] : memref<10240x128xf32, #tpu.memory_space<vmem_shared>> -> memref<10240x128xf32, #tpu.memory_space<vmem_shared>>
      tpu.wait_indirect_dma semaphore(%arg20 : memref<!tpu.dma_semaphore, #tpu.memory_space<semaphore_mem>>) src(%arg9 : memref<64x128xf32, #tpu.memory_space<vmem>>) dst(%dma_wait3A_133 : memref<10240x128xf32, #tpu.memory_space<vmem_shared>>)
      %dma_start3A_134 = arith.constant 6 : i32
      %dma_start3A_135 = arith.constant 0 : i32
      %dma_start3A_136 = tpu.memref_slice %arg6[%dma_start3A_134, %dma_start3A_135] : memref<10x64xi32, #tpu.memory_space<vmem>> -> memref<1x64xi32, #tpu.memory_space<vmem>>
      %dma_start3A_137 = tpu.memref_squeeze %dma_start3A_136 : memref<1x64xi32, #tpu.memory_space<vmem>> -> memref<64xi32, #tpu.memory_space<vmem>>
      %dma_start3A_138 = arith.constant 0 : i32
      %dma_start3A_139 = arith.constant 0 : i32
      %dma_start3A_140 = tpu.memref_slice %arg2[%arg0, %dma_start3A_138, %dma_start3A_139] : memref<2x10240x128xf32, #tpu.memory_space<hbm>> -> memref<1x10240x128xf32, #tpu.memory_space<hbm>>
      %dma_start3A_141 = tpu.memref_squeeze %dma_start3A_140 : memref<1x10240x128xf32, #tpu.memory_space<hbm>> -> memref<10240x128xf32, #tpu.memory_space<hbm>>
      %dma_start3A_142 = arith.constant 0 : i32
      %dma_start3A_143 = arith.constant 0 : i32
      %dma_start3A_144 = tpu.memref_slice %dma_start3A_141[%dma_start3A_142, %dma_start3A_143] : memref<10240x128xf32, #tpu.memory_space<hbm>> -> memref<10240x128xf32, #tpu.memory_space<hbm>>
      tpu.enqueue_indirect_dma source(%dma_start3A_144 : memref<10240x128xf32, #tpu.memory_space<hbm>>) target(%arg9 : memref<64x128xf32, #tpu.memory_space<vmem>>) offsets(%dma_start3A_137 : memref<64xi32, #tpu.memory_space<vmem>>) semaphore(%arg15 : memref<!tpu.dma_semaphore, #tpu.memory_space<semaphore_mem>>)
      %dma_wait3A_145 = arith.constant 2 : i32
      %dma_wait3A_146 = arith.constant 0 : i32
      %dma_wait3A_147 = tpu.memref_slice %arg6[%dma_wait3A_145, %dma_wait3A_146] : memref<10x64xi32, #tpu.memory_space<vmem>> -> memref<1x64xi32, #tpu.memory_space<vmem>>
      %dma_wait3A_148 = tpu.memref_squeeze %dma_wait3A_147 : memref<1x64xi32, #tpu.memory_space<vmem>> -> memref<64xi32, #tpu.memory_space<vmem>>
      %dma_wait3A_149 = arith.constant 0 : i32
      %dma_wait3A_150 = arith.constant 0 : i32
      %dma_wait3A_151 = tpu.memref_slice %arg2[%arg0, %dma_wait3A_149, %dma_wait3A_150] : memref<2x10240x128xf32, #tpu.memory_space<hbm>> -> memref<1x10240x128xf32, #tpu.memory_space<hbm>>
      %dma_wait3A_152 = tpu.memref_squeeze %dma_wait3A_151 : memref<1x10240x128xf32, #tpu.memory_space<hbm>> -> memref<10240x128xf32, #tpu.memory_space<hbm>>
      %dma_wait3A_153 = arith.constant 0 : i32
      %dma_wait3A_154 = arith.constant 0 : i32
      %dma_wait3A_155 = tpu.memref_slice %dma_wait3A_152[%dma_wait3A_153, %dma_wait3A_154] : memref<10240x128xf32, #tpu.memory_space<hbm>> -> memref<10240x128xf32, #tpu.memory_space<hbm>>
      tpu.wait_indirect_dma semaphore(%arg16 : memref<!tpu.dma_semaphore, #tpu.memory_space<semaphore_mem>>) src(%dma_wait3A_155 : memref<10240x128xf32, #tpu.memory_space<hbm>>) dst(%arg10 : memref<64x128xf32, #tpu.memory_space<vmem>>)
      %dma_start3A_156 = arith.constant 2 : i32
      %dma_start3A_157 = arith.constant 0 : i32
      %dma_start3A_158 = tpu.memref_slice %arg7[%dma_start3A_156, %dma_start3A_157] : memref<10x64xi32, #tpu.memory_space<vmem>> -> memref<1x64xi32, #tpu.memory_space<vmem>>
      %dma_start3A_159 = tpu.memref_squeeze %dma_start3A_158 : memref<1x64xi32, #tpu.memory_space<vmem>> -> memref<64xi32, #tpu.memory_space<vmem>>
      %dma_start3A_160 = arith.constant 0 : i32
      %dma_start3A_161 = arith.constant 0 : i32
      %dma_start3A_162 = tpu.memref_slice %arg13[%dma_start3A_160, %dma_start3A_161] : memref<10240x128xf32, #tpu.memory_space<vmem_shared>> -> memref<10240x128xf32, #tpu.memory_space<vmem_shared>>
      tpu.enqueue_indirect_dma source(%arg10 : memref<64x128xf32, #tpu.memory_space<vmem>>) target(%dma_start3A_162 : memref<10240x128xf32, #tpu.memory_space<vmem_shared>>) offsets(%dma_start3A_159 : memref<64xi32, #tpu.memory_space<vmem>>) semaphore(%arg21 : memref<!tpu.dma_semaphore, #tpu.memory_space<semaphore_mem>>) {add = true}
      %dma_wait3A_163 = arith.constant 2 : i32
      %dma_wait3A_164 = arith.constant 0 : i32
      %dma_wait3A_165 = tpu.memref_slice %arg7[%dma_wait3A_163, %dma_wait3A_164] : memref<10x64xi32, #tpu.memory_space<vmem>> -> memref<1x64xi32, #tpu.memory_space<vmem>>
      %dma_wait3A_166 = tpu.memref_squeeze %dma_wait3A_165 : memref<1x64xi32, #tpu.memory_space<vmem>> -> memref<64xi32, #tpu.memory_space<vmem>>
      %dma_wait3A_167 = arith.constant 0 : i32
      %dma_wait3A_168 = arith.constant 0 : i32
      %dma_wait3A_169 = tpu.memref_slice %arg13[%dma_wait3A_167, %dma_wait3A_168] : memref<10240x128xf32, #tpu.memory_space<vmem_shared>> -> memref<10240x128xf32, #tpu.memory_space<vmem_shared>>
      tpu.wait_indirect_dma semaphore(%arg21 : memref<!tpu.dma_semaphore, #tpu.memory_space<semaphore_mem>>) src(%arg10 : memref<64x128xf32, #tpu.memory_space<vmem>>) dst(%dma_wait3A_169 : memref<10240x128xf32, #tpu.memory_space<vmem_shared>>)
      %dma_start3A_170 = arith.constant 7 : i32
      %dma_start3A_171 = arith.constant 0 : i32
      %dma_start3A_172 = tpu.memref_slice %arg6[%dma_start3A_170, %dma_start3A_171] : memref<10x64xi32, #tpu.memory_space<vmem>> -> memref<1x64xi32, #tpu.memory_space<vmem>>
      %dma_start3A_173 = tpu.memref_squeeze %dma_start3A_172 : memref<1x64xi32, #tpu.memory_space<vmem>> -> memref<64xi32, #tpu.memory_space<vmem>>
      %dma_start3A_174 = arith.constant 0 : i32
      %dma_start3A_175 = arith.constant 0 : i32
      %dma_start3A_176 = tpu.memref_slice %arg2[%arg0, %dma_start3A_174, %dma_start3A_175] : memref<2x10240x128xf32, #tpu.memory_space<hbm>> -> memref<1x10240x128xf32, #tpu.memory_space<hbm>>
      %dma_start3A_177 = tpu.memref_squeeze %dma_start3A_176 : memref<1x10240x128xf32, #tpu.memory_space<hbm>> -> memref<10240x128xf32, #tpu.memory_space<hbm>>
      %dma_start3A_178 = arith.constant 0 : i32
      %dma_start3A_179 = arith.constant 0 : i32
      %dma_start3A_180 = tpu.memref_slice %dma_start3A_177[%dma_start3A_178, %dma_start3A_179] : memref<10240x128xf32, #tpu.memory_space<hbm>> -> memref<10240x128xf32, #tpu.memory_space<hbm>>
      tpu.enqueue_indirect_dma source(%dma_start3A_180 : memref<10240x128xf32, #tpu.memory_space<hbm>>) target(%arg10 : memref<64x128xf32, #tpu.memory_space<vmem>>) offsets(%dma_start3A_173 : memref<64xi32, #tpu.memory_space<vmem>>) semaphore(%arg16 : memref<!tpu.dma_semaphore, #tpu.memory_space<semaphore_mem>>)
      %dma_wait3A_181 = arith.constant 3 : i32
      %dma_wait3A_182 = arith.constant 0 : i32
      %dma_wait3A_183 = tpu.memref_slice %arg6[%dma_wait3A_181, %dma_wait3A_182] : memref<10x64xi32, #tpu.memory_space<vmem>> -> memref<1x64xi32, #tpu.memory_space<vmem>>
      %dma_wait3A_184 = tpu.memref_squeeze %dma_wait3A_183 : memref<1x64xi32, #tpu.memory_space<vmem>> -> memref<64xi32, #tpu.memory_space<vmem>>
      %dma_wait3A_185 = arith.constant 0 : i32
      %dma_wait3A_186 = arith.constant 0 : i32
      %dma_wait3A_187 = tpu.memref_slice %arg2[%arg0, %dma_wait3A_185, %dma_wait3A_186] : memref<2x10240x128xf32, #tpu.memory_space<hbm>> -> memref<1x10240x128xf32, #tpu.memory_space<hbm>>
      %dma_wait3A_188 = tpu.memref_squeeze %dma_wait3A_187 : memref<1x10240x128xf32, #tpu.memory_space<hbm>> -> memref<10240x128xf32, #tpu.memory_space<hbm>>
      %dma_wait3A_189 = arith.constant 0 : i32
      %dma_wait3A_190 = arith.constant 0 : i32
      %dma_wait3A_191 = tpu.memref_slice %dma_wait3A_188[%dma_wait3A_189, %dma_wait3A_190] : memref<10240x128xf32, #tpu.memory_space<hbm>> -> memref<10240x128xf32, #tpu.memory_space<hbm>>
      tpu.wait_indirect_dma semaphore(%arg17 : memref<!tpu.dma_semaphore, #tpu.memory_space<semaphore_mem>>) src(%dma_wait3A_191 : memref<10240x128xf32, #tpu.memory_space<hbm>>) dst(%arg11 : memref<64x128xf32, #tpu.memory_space<vmem>>)
      %dma_start3A_192 = arith.constant 3 : i32
      %dma_start3A_193 = arith.constant 0 : i32
      %dma_start3A_194 = tpu.memref_slice %arg7[%dma_start3A_192, %dma_start3A_193] : memref<10x64xi32, #tpu.memory_space<vmem>> -> memref<1x64xi32, #tpu.memory_space<vmem>>
      %dma_start3A_195 = tpu.memref_squeeze %dma_start3A_194 : memref<1x64xi32, #tpu.memory_space<vmem>> -> memref<64xi32, #tpu.memory_space<vmem>>
      %dma_start3A_196 = arith.constant 0 : i32
      %dma_start3A_197 = arith.constant 0 : i32
      %dma_start3A_198 = tpu.memref_slice %arg13[%dma_start3A_196, %dma_start3A_197] : memref<10240x128xf32, #tpu.memory_space<vmem_shared>> -> memref<10240x128xf32, #tpu.memory_space<vmem_shared>>
      tpu.enqueue_indirect_dma source(%arg11 : memref<64x128xf32, #tpu.memory_space<vmem>>) target(%dma_start3A_198 : memref<10240x128xf32, #tpu.memory_space<vmem_shared>>) offsets(%dma_start3A_195 : memref<64xi32, #tpu.memory_space<vmem>>) semaphore(%arg22 : memref<!tpu.dma_semaphore, #tpu.memory_space<semaphore_mem>>) {add = true}
      %dma_wait3A_199 = arith.constant 3 : i32
      %dma_wait3A_200 = arith.constant 0 : i32
      %dma_wait3A_201 = tpu.memref_slice %arg7[%dma_wait3A_199, %dma_wait3A_200] : memref<10x64xi32, #tpu.memory_space<vmem>> -> memref<1x64xi32, #tpu.memory_space<vmem>>
      %dma_wait3A_202 = tpu.memref_squeeze %dma_wait3A_201 : memref<1x64xi32, #tpu.memory_space<vmem>> -> memref<64xi32, #tpu.memory_space<vmem>>
      %dma_wait3A_203 = arith.constant 0 : i32
      %dma_wait3A_204 = arith.constant 0 : i32
      %dma_wait3A_205 = tpu.memref_slice %arg13[%dma_wait3A_203, %dma_wait3A_204] : memref<10240x128xf32, #tpu.memory_space<vmem_shared>> -> memref<10240x128xf32, #tpu.memory_space<vmem_shared>>
      tpu.wait_indirect_dma semaphore(%arg22 : memref<!tpu.dma_semaphore, #tpu.memory_space<semaphore_mem>>) src(%arg11 : memref<64x128xf32, #tpu.memory_space<vmem>>) dst(%dma_wait3A_205 : memref<10240x128xf32, #tpu.memory_space<vmem_shared>>)
      %dma_start3A_206 = arith.constant 8 : i32
      %dma_start3A_207 = arith.constant 0 : i32
      %dma_start3A_208 = tpu.memref_slice %arg6[%dma_start3A_206, %dma_start3A_207] : memref<10x64xi32, #tpu.memory_space<vmem>> -> memref<1x64xi32, #tpu.memory_space<vmem>>
      %dma_start3A_209 = tpu.memref_squeeze %dma_start3A_208 : memref<1x64xi32, #tpu.memory_space<vmem>> -> memref<64xi32, #tpu.memory_space<vmem>>
      %dma_start3A_210 = arith.constant 0 : i32
      %dma_start3A_211 = arith.constant 0 : i32
      %dma_start3A_212 = tpu.memref_slice %arg2[%arg0, %dma_start3A_210, %dma_start3A_211] : memref<2x10240x128xf32, #tpu.memory_space<hbm>> -> memref<1x10240x128xf32, #tpu.memory_space<hbm>>
      %dma_start3A_213 = tpu.memref_squeeze %dma_start3A_212 : memref<1x10240x128xf32, #tpu.memory_space<hbm>> -> memref<10240x128xf32, #tpu.memory_space<hbm>>
      %dma_start3A_214 = arith.constant 0 : i32
      %dma_start3A_215 = arith.constant 0 : i32
      %dma_start3A_216 = tpu.memref_slice %dma_start3A_213[%dma_start3A_214, %dma_start3A_215] : memref<10240x128xf32, #tpu.memory_space<hbm>> -> memref<10240x128xf32, #tpu.memory_space<hbm>>
      tpu.enqueue_indirect_dma source(%dma_start3A_216 : memref<10240x128xf32, #tpu.memory_space<hbm>>) target(%arg11 : memref<64x128xf32, #tpu.memory_space<vmem>>) offsets(%dma_start3A_209 : memref<64xi32, #tpu.memory_space<vmem>>) semaphore(%arg17 : memref<!tpu.dma_semaphore, #tpu.memory_space<semaphore_mem>>)
      %dma_wait3A_217 = arith.constant 4 : i32
      %dma_wait3A_218 = arith.constant 0 : i32
      %dma_wait3A_219 = tpu.memref_slice %arg6[%dma_wait3A_217, %dma_wait3A_218] : memref<10x64xi32, #tpu.memory_space<vmem>> -> memref<1x64xi32, #tpu.memory_space<vmem>>
      %dma_wait3A_220 = tpu.memref_squeeze %dma_wait3A_219 : memref<1x64xi32, #tpu.memory_space<vmem>> -> memref<64xi32, #tpu.memory_space<vmem>>
      %dma_wait3A_221 = arith.constant 0 : i32
      %dma_wait3A_222 = arith.constant 0 : i32
      %dma_wait3A_223 = tpu.memref_slice %arg2[%arg0, %dma_wait3A_221, %dma_wait3A_222] : memref<2x10240x128xf32, #tpu.memory_space<hbm>> -> memref<1x10240x128xf32, #tpu.memory_space<hbm>>
      %dma_wait3A_224 = tpu.memref_squeeze %dma_wait3A_223 : memref<1x10240x128xf32, #tpu.memory_space<hbm>> -> memref<10240x128xf32, #tpu.memory_space<hbm>>
      %dma_wait3A_225 = arith.constant 0 : i32
      %dma_wait3A_226 = arith.constant 0 : i32
      %dma_wait3A_227 = tpu.memref_slice %dma_wait3A_224[%dma_wait3A_225, %dma_wait3A_226] : memref<10240x128xf32, #tpu.memory_space<hbm>> -> memref<10240x128xf32, #tpu.memory_space<hbm>>
      tpu.wait_indirect_dma semaphore(%arg18 : memref<!tpu.dma_semaphore, #tpu.memory_space<semaphore_mem>>) src(%dma_wait3A_227 : memref<10240x128xf32, #tpu.memory_space<hbm>>) dst(%arg12 : memref<64x128xf32, #tpu.memory_space<vmem>>)
      %dma_start3A_228 = arith.constant 4 : i32
      %dma_start3A_229 = arith.constant 0 : i32
      %dma_start3A_230 = tpu.memref_slice %arg7[%dma_start3A_228, %dma_start3A_229] : memref<10x64xi32, #tpu.memory_space<vmem>> -> memref<1x64xi32, #tpu.memory_space<vmem>>
      %dma_start3A_231 = tpu.memref_squeeze %dma_start3A_230 : memref<1x64xi32, #tpu.memory_space<vmem>> -> memref<64xi32, #tpu.memory_space<vmem>>
      %dma_start3A_232 = arith.constant 0 : i32
      %dma_start3A_233 = arith.constant 0 : i32
      %dma_start3A_234 = tpu.memref_slice %arg13[%dma_start3A_232, %dma_start3A_233] : memref<10240x128xf32, #tpu.memory_space<vmem_shared>> -> memref<10240x128xf32, #tpu.memory_space<vmem_shared>>
      tpu.enqueue_indirect_dma source(%arg12 : memref<64x128xf32, #tpu.memory_space<vmem>>) target(%dma_start3A_234 : memref<10240x128xf32, #tpu.memory_space<vmem_shared>>) offsets(%dma_start3A_231 : memref<64xi32, #tpu.memory_space<vmem>>) semaphore(%arg23 : memref<!tpu.dma_semaphore, #tpu.memory_space<semaphore_mem>>) {add = true}
      %dma_wait3A_235 = arith.constant 4 : i32
      %dma_wait3A_236 = arith.constant 0 : i32
      %dma_wait3A_237 = tpu.memref_slice %arg7[%dma_wait3A_235, %dma_wait3A_236] : memref<10x64xi32, #tpu.memory_space<vmem>> -> memref<1x64xi32, #tpu.memory_space<vmem>>
      %dma_wait3A_238 = tpu.memref_squeeze %dma_wait3A_237 : memref<1x64xi32, #tpu.memory_space<vmem>> -> memref<64xi32, #tpu.memory_space<vmem>>
      %dma_wait3A_239 = arith.constant 0 : i32
      %dma_wait3A_240 = arith.constant 0 : i32
      %dma_wait3A_241 = tpu.memref_slice %arg13[%dma_wait3A_239, %dma_wait3A_240] : memref<10240x128xf32, #tpu.memory_space<vmem_shared>> -> memref<10240x128xf32, #tpu.memory_space<vmem_shared>>
      tpu.wait_indirect_dma semaphore(%arg23 : memref<!tpu.dma_semaphore, #tpu.memory_space<semaphore_mem>>) src(%arg12 : memref<64x128xf32, #tpu.memory_space<vmem>>) dst(%dma_wait3A_241 : memref<10240x128xf32, #tpu.memory_space<vmem_shared>>)
      %dma_start3A_242 = arith.constant 9 : i32
      %dma_start3A_243 = arith.constant 0 : i32
      %dma_start3A_244 = tpu.memref_slice %arg6[%dma_start3A_242, %dma_start3A_243] : memref<10x64xi32, #tpu.memory_space<vmem>> -> memref<1x64xi32, #tpu.memory_space<vmem>>
      %dma_start3A_245 = tpu.memref_squeeze %dma_start3A_244 : memref<1x64xi32, #tpu.memory_space<vmem>> -> memref<64xi32, #tpu.memory_space<vmem>>
      %dma_start3A_246 = arith.constant 0 : i32
      %dma_start3A_247 = arith.constant 0 : i32
      %dma_start3A_248 = tpu.memref_slice %arg2[%arg0, %dma_start3A_246, %dma_start3A_247] : memref<2x10240x128xf32, #tpu.memory_space<hbm>> -> memref<1x10240x128xf32, #tpu.memory_space<hbm>>
      %dma_start3A_249 = tpu.memref_squeeze %dma_start3A_248 : memref<1x10240x128xf32, #tpu.memory_space<hbm>> -> memref<10240x128xf32, #tpu.memory_space<hbm>>
      %dma_start3A_250 = arith.constant 0 : i32
      %dma_start3A_251 = arith.constant 0 : i32
      %dma_start3A_252 = tpu.memref_slice %dma_start3A_249[%dma_start3A_250, %dma_start3A_251] : memref<10240x128xf32, #tpu.memory_space<hbm>> -> memref<10240x128xf32, #tpu.memory_space<hbm>>
      tpu.enqueue_indirect_dma source(%dma_start3A_252 : memref<10240x128xf32, #tpu.memory_space<hbm>>) target(%arg12 : memref<64x128xf32, #tpu.memory_space<vmem>>) offsets(%dma_start3A_245 : memref<64xi32, #tpu.memory_space<vmem>>) semaphore(%arg18 : memref<!tpu.dma_semaphore, #tpu.memory_space<semaphore_mem>>)
      %dma_wait3A_253 = arith.constant 5 : i32
      %dma_wait3A_254 = arith.constant 0 : i32
      %dma_wait3A_255 = tpu.memref_slice %arg6[%dma_wait3A_253, %dma_wait3A_254] : memref<10x64xi32, #tpu.memory_space<vmem>> -> memref<1x64xi32, #tpu.memory_space<vmem>>
      %dma_wait3A_256 = tpu.memref_squeeze %dma_wait3A_255 : memref<1x64xi32, #tpu.memory_space<vmem>> -> memref<64xi32, #tpu.memory_space<vmem>>
      %dma_wait3A_257 = arith.constant 0 : i32
      %dma_wait3A_258 = arith.constant 0 : i32
      %dma_wait3A_259 = tpu.memref_slice %arg2[%arg0, %dma_wait3A_257, %dma_wait3A_258] : memref<2x10240x128xf32, #tpu.memory_space<hbm>> -> memref<1x10240x128xf32, #tpu.memory_space<hbm>>
      %dma_wait3A_260 = tpu.memref_squeeze %dma_wait3A_259 : memref<1x10240x128xf32, #tpu.memory_space<hbm>> -> memref<10240x128xf32, #tpu.memory_space<hbm>>
      %dma_wait3A_261 = arith.constant 0 : i32
      %dma_wait3A_262 = arith.constant 0 : i32
      %dma_wait3A_263 = tpu.memref_slice %dma_wait3A_260[%dma_wait3A_261, %dma_wait3A_262] : memref<10240x128xf32, #tpu.memory_space<hbm>> -> memref<10240x128xf32, #tpu.memory_space<hbm>>
      tpu.wait_indirect_dma semaphore(%arg14 : memref<!tpu.dma_semaphore, #tpu.memory_space<semaphore_mem>>) src(%dma_wait3A_263 : memref<10240x128xf32, #tpu.memory_space<hbm>>) dst(%arg8 : memref<64x128xf32, #tpu.memory_space<vmem>>)
      %dma_start3A_264 = arith.constant 5 : i32
      %dma_start3A_265 = arith.constant 0 : i32
      %dma_start3A_266 = tpu.memref_slice %arg7[%dma_start3A_264, %dma_start3A_265] : memref<10x64xi32, #tpu.memory_space<vmem>> -> memref<1x64xi32, #tpu.memory_space<vmem>>
      %dma_start3A_267 = tpu.memref_squeeze %dma_start3A_266 : memref<1x64xi32, #tpu.memory_space<vmem>> -> memref<64xi32, #tpu.memory_space<vmem>>
      %dma_start3A_268 = arith.constant 0 : i32
      %dma_start3A_269 = arith.constant 0 : i32
      %dma_start3A_270 = tpu.memref_slice %arg13[%dma_start3A_268, %dma_start3A_269] : memref<10240x128xf32, #tpu.memory_space<vmem_shared>> -> memref<10240x128xf32, #tpu.memory_space<vmem_shared>>
      tpu.enqueue_indirect_dma source(%arg8 : memref<64x128xf32, #tpu.memory_space<vmem>>) target(%dma_start3A_270 : memref<10240x128xf32, #tpu.memory_space<vmem_shared>>) offsets(%dma_start3A_267 : memref<64xi32, #tpu.memory_space<vmem>>) semaphore(%arg19 : memref<!tpu.dma_semaphore, #tpu.memory_space<semaphore_mem>>) {add = true}
      %dma_wait3A_271 = arith.constant 6 : i32
      %dma_wait3A_272 = arith.constant 0 : i32
      %dma_wait3A_273 = tpu.memref_slice %arg6[%dma_wait3A_271, %dma_wait3A_272] : memref<10x64xi32, #tpu.memory_space<vmem>> -> memref<1x64xi32, #tpu.memory_space<vmem>>
      %dma_wait3A_274 = tpu.memref_squeeze %dma_wait3A_273 : memref<1x64xi32, #tpu.memory_space<vmem>> -> memref<64xi32, #tpu.memory_space<vmem>>
      %dma_wait3A_275 = arith.constant 0 : i32
      %dma_wait3A_276 = arith.constant 0 : i32
      %dma_wait3A_277 = tpu.memref_slice %arg2[%arg0, %dma_wait3A_275, %dma_wait3A_276] : memref<2x10240x128xf32, #tpu.memory_space<hbm>> -> memref<1x10240x128xf32, #tpu.memory_space<hbm>>
      %dma_wait3A_278 = tpu.memref_squeeze %dma_wait3A_277 : memref<1x10240x128xf32, #tpu.memory_space<hbm>> -> memref<10240x128xf32, #tpu.memory_space<hbm>>
      %dma_wait3A_279 = arith.constant 0 : i32
      %dma_wait3A_280 = arith.constant 0 : i32
      %dma_wait3A_281 = tpu.memref_slice %dma_wait3A_278[%dma_wait3A_279, %dma_wait3A_280] : memref<10240x128xf32, #tpu.memory_space<hbm>> -> memref<10240x128xf32, #tpu.memory_space<hbm>>
      tpu.wait_indirect_dma semaphore(%arg15 : memref<!tpu.dma_semaphore, #tpu.memory_space<semaphore_mem>>) src(%dma_wait3A_281 : memref<10240x128xf32, #tpu.memory_space<hbm>>) dst(%arg9 : memref<64x128xf32, #tpu.memory_space<vmem>>)
      %dma_start3A_282 = arith.constant 6 : i32
      %dma_start3A_283 = arith.constant 0 : i32
      %dma_start3A_284 = tpu.memref_slice %arg7[%dma_start3A_282, %dma_start3A_283] : memref<10x64xi32, #tpu.memory_space<vmem>> -> memref<1x64xi32, #tpu.memory_space<vmem>>
      %dma_start3A_285 = tpu.memref_squeeze %dma_start3A_284 : memref<1x64xi32, #tpu.memory_space<vmem>> -> memref<64xi32, #tpu.memory_space<vmem>>
      %dma_start3A_286 = arith.constant 0 : i32
      %dma_start3A_287 = arith.constant 0 : i32
      %dma_start3A_288 = tpu.memref_slice %arg13[%dma_start3A_286, %dma_start3A_287] : memref<10240x128xf32, #tpu.memory_space<vmem_shared>> -> memref<10240x128xf32, #tpu.memory_space<vmem_shared>>
      tpu.enqueue_indirect_dma source(%arg9 : memref<64x128xf32, #tpu.memory_space<vmem>>) target(%dma_start3A_288 : memref<10240x128xf32, #tpu.memory_space<vmem_shared>>) offsets(%dma_start3A_285 : memref<64xi32, #tpu.memory_space<vmem>>) semaphore(%arg20 : memref<!tpu.dma_semaphore, #tpu.memory_space<semaphore_mem>>) {add = true}
      %dma_wait3A_289 = arith.constant 7 : i32
      %dma_wait3A_290 = arith.constant 0 : i32
      %dma_wait3A_291 = tpu.memref_slice %arg6[%dma_wait3A_289, %dma_wait3A_290] : memref<10x64xi32, #tpu.memory_space<vmem>> -> memref<1x64xi32, #tpu.memory_space<vmem>>
      %dma_wait3A_292 = tpu.memref_squeeze %dma_wait3A_291 : memref<1x64xi32, #tpu.memory_space<vmem>> -> memref<64xi32, #tpu.memory_space<vmem>>
      %dma_wait3A_293 = arith.constant 0 : i32
      %dma_wait3A_294 = arith.constant 0 : i32
      %dma_wait3A_295 = tpu.memref_slice %arg2[%arg0, %dma_wait3A_293, %dma_wait3A_294] : memref<2x10240x128xf32, #tpu.memory_space<hbm>> -> memref<1x10240x128xf32, #tpu.memory_space<hbm>>
      %dma_wait3A_296 = tpu.memref_squeeze %dma_wait3A_295 : memref<1x10240x128xf32, #tpu.memory_space<hbm>> -> memref<10240x128xf32, #tpu.memory_space<hbm>>
      %dma_wait3A_297 = arith.constant 0 : i32
      %dma_wait3A_298 = arith.constant 0 : i32
      %dma_wait3A_299 = tpu.memref_slice %dma_wait3A_296[%dma_wait3A_297, %dma_wait3A_298] : memref<10240x128xf32, #tpu.memory_space<hbm>> -> memref<10240x128xf32, #tpu.memory_space<hbm>>
      tpu.wait_indirect_dma semaphore(%arg16 : memref<!tpu.dma_semaphore, #tpu.memory_space<semaphore_mem>>) src(%dma_wait3A_299 : memref<10240x128xf32, #tpu.memory_space<hbm>>) dst(%arg10 : memref<64x128xf32, #tpu.memory_space<vmem>>)
      %dma_start3A_300 = arith.constant 7 : i32
      %dma_start3A_301 = arith.constant 0 : i32
      %dma_start3A_302 = tpu.memref_slice %arg7[%dma_start3A_300, %dma_start3A_301] : memref<10x64xi32, #tpu.memory_space<vmem>> -> memref<1x64xi32, #tpu.memory_space<vmem>>
      %dma_start3A_303 = tpu.memref_squeeze %dma_start3A_302 : memref<1x64xi32, #tpu.memory_space<vmem>> -> memref<64xi32, #tpu.memory_space<vmem>>
      %dma_start3A_304 = arith.constant 0 : i32
      %dma_start3A_305 = arith.constant 0 : i32
      %dma_start3A_306 = tpu.memref_slice %arg13[%dma_start3A_304, %dma_start3A_305] : memref<10240x128xf32, #tpu.memory_space<vmem_shared>> -> memref<10240x128xf32, #tpu.memory_space<vmem_shared>>
      tpu.enqueue_indirect_dma source(%arg10 : memref<64x128xf32, #tpu.memory_space<vmem>>) target(%dma_start3A_306 : memref<10240x128xf32, #tpu.memory_space<vmem_shared>>) offsets(%dma_start3A_303 : memref<64xi32, #tpu.memory_space<vmem>>) semaphore(%arg21 : memref<!tpu.dma_semaphore, #tpu.memory_space<semaphore_mem>>) {add = true}
      %dma_wait3A_307 = arith.constant 8 : i32
      %dma_wait3A_308 = arith.constant 0 : i32
      %dma_wait3A_309 = tpu.memref_slice %arg6[%dma_wait3A_307, %dma_wait3A_308] : memref<10x64xi32, #tpu.memory_space<vmem>> -> memref<1x64xi32, #tpu.memory_space<vmem>>
      %dma_wait3A_310 = tpu.memref_squeeze %dma_wait3A_309 : memref<1x64xi32, #tpu.memory_space<vmem>> -> memref<64xi32, #tpu.memory_space<vmem>>
      %dma_wait3A_311 = arith.constant 0 : i32
      %dma_wait3A_312 = arith.constant 0 : i32
      %dma_wait3A_313 = tpu.memref_slice %arg2[%arg0, %dma_wait3A_311, %dma_wait3A_312] : memref<2x10240x128xf32, #tpu.memory_space<hbm>> -> memref<1x10240x128xf32, #tpu.memory_space<hbm>>
      %dma_wait3A_314 = tpu.memref_squeeze %dma_wait3A_313 : memref<1x10240x128xf32, #tpu.memory_space<hbm>> -> memref<10240x128xf32, #tpu.memory_space<hbm>>
      %dma_wait3A_315 = arith.constant 0 : i32
      %dma_wait3A_316 = arith.constant 0 : i32
      %dma_wait3A_317 = tpu.memref_slice %dma_wait3A_314[%dma_wait3A_315, %dma_wait3A_316] : memref<10240x128xf32, #tpu.memory_space<hbm>> -> memref<10240x128xf32, #tpu.memory_space<hbm>>
      tpu.wait_indirect_dma semaphore(%arg17 : memref<!tpu.dma_semaphore, #tpu.memory_space<semaphore_mem>>) src(%dma_wait3A_317 : memref<10240x128xf32, #tpu.memory_space<hbm>>) dst(%arg11 : memref<64x128xf32, #tpu.memory_space<vmem>>)
      %dma_start3A_318 = arith.constant 8 : i32
      %dma_start3A_319 = arith.constant 0 : i32
      %dma_start3A_320 = tpu.memref_slice %arg7[%dma_start3A_318, %dma_start3A_319] : memref<10x64xi32, #tpu.memory_space<vmem>> -> memref<1x64xi32, #tpu.memory_space<vmem>>
      %dma_start3A_321 = tpu.memref_squeeze %dma_start3A_320 : memref<1x64xi32, #tpu.memory_space<vmem>> -> memref<64xi32, #tpu.memory_space<vmem>>
      %dma_start3A_322 = arith.constant 0 : i32
      %dma_start3A_323 = arith.constant 0 : i32
      %dma_start3A_324 = tpu.memref_slice %arg13[%dma_start3A_322, %dma_start3A_323] : memref<10240x128xf32, #tpu.memory_space<vmem_shared>> -> memref<10240x128xf32, #tpu.memory_space<vmem_shared>>
      tpu.enqueue_indirect_dma source(%arg11 : memref<64x128xf32, #tpu.memory_space<vmem>>) target(%dma_start3A_324 : memref<10240x128xf32, #tpu.memory_space<vmem_shared>>) offsets(%dma_start3A_321 : memref<64xi32, #tpu.memory_space<vmem>>) semaphore(%arg22 : memref<!tpu.dma_semaphore, #tpu.memory_space<semaphore_mem>>) {add = true}
      %dma_wait3A_325 = arith.constant 9 : i32
      %dma_wait3A_326 = arith.constant 0 : i32
      %dma_wait3A_327 = tpu.memref_slice %arg6[%dma_wait3A_325, %dma_wait3A_326] : memref<10x64xi32, #tpu.memory_space<vmem>> -> memref<1x64xi32, #tpu.memory_space<vmem>>
      %dma_wait3A_328 = tpu.memref_squeeze %dma_wait3A_327 : memref<1x64xi32, #tpu.memory_space<vmem>> -> memref<64xi32, #tpu.memory_space<vmem>>
      %dma_wait3A_329 = arith.constant 0 : i32
      %dma_wait3A_330 = arith.constant 0 : i32
      %dma_wait3A_331 = tpu.memref_slice %arg2[%arg0, %dma_wait3A_329, %dma_wait3A_330] : memref<2x10240x128xf32, #tpu.memory_space<hbm>> -> memref<1x10240x128xf32, #tpu.memory_space<hbm>>
      %dma_wait3A_332 = tpu.memref_squeeze %dma_wait3A_331 : memref<1x10240x128xf32, #tpu.memory_space<hbm>> -> memref<10240x128xf32, #tpu.memory_space<hbm>>
      %dma_wait3A_333 = arith.constant 0 : i32
      %dma_wait3A_334 = arith.constant 0 : i32
      %dma_wait3A_335 = tpu.memref_slice %dma_wait3A_332[%dma_wait3A_333, %dma_wait3A_334] : memref<10240x128xf32, #tpu.memory_space<hbm>> -> memref<10240x128xf32, #tpu.memory_space<hbm>>
      tpu.wait_indirect_dma semaphore(%arg18 : memref<!tpu.dma_semaphore, #tpu.memory_space<semaphore_mem>>) src(%dma_wait3A_335 : memref<10240x128xf32, #tpu.memory_space<hbm>>) dst(%arg12 : memref<64x128xf32, #tpu.memory_space<vmem>>)
      %dma_start3A_336 = arith.constant 9 : i32
      %dma_start3A_337 = arith.constant 0 : i32
      %dma_start3A_338 = tpu.memref_slice %arg7[%dma_start3A_336, %dma_start3A_337] : memref<10x64xi32, #tpu.memory_space<vmem>> -> memref<1x64xi32, #tpu.memory_space<vmem>>
      %dma_start3A_339 = tpu.memref_squeeze %dma_start3A_338 : memref<1x64xi32, #tpu.memory_space<vmem>> -> memref<64xi32, #tpu.memory_space<vmem>>
      %dma_start3A_340 = arith.constant 0 : i32
      %dma_start3A_341 = arith.constant 0 : i32
      %dma_start3A_342 = tpu.memref_slice %arg13[%dma_start3A_340, %dma_start3A_341] : memref<10240x128xf32, #tpu.memory_space<vmem_shared>> -> memref<10240x128xf32, #tpu.memory_space<vmem_shared>>
      tpu.enqueue_indirect_dma source(%arg12 : memref<64x128xf32, #tpu.memory_space<vmem>>) target(%dma_start3A_342 : memref<10240x128xf32, #tpu.memory_space<vmem_shared>>) offsets(%dma_start3A_339 : memref<64xi32, #tpu.memory_space<vmem>>) semaphore(%arg23 : memref<!tpu.dma_semaphore, #tpu.memory_space<semaphore_mem>>) {add = true}
      %dma_wait3A_343 = arith.constant 5 : i32
      %dma_wait3A_344 = arith.constant 0 : i32
      %dma_wait3A_345 = tpu.memref_slice %arg7[%dma_wait3A_343, %dma_wait3A_344] : memref<10x64xi32, #tpu.memory_space<vmem>> -> memref<1x64xi32, #tpu.memory_space<vmem>>
      %dma_wait3A_346 = tpu.memref_squeeze %dma_wait3A_345 : memref<1x64xi32, #tpu.memory_space<vmem>> -> memref<64xi32, #tpu.memory_space<vmem>>
      %dma_wait3A_347 = arith.constant 0 : i32
      %dma_wait3A_348 = arith.constant 0 : i32
      %dma_wait3A_349 = tpu.memref_slice %arg13[%dma_wait3A_347, %dma_wait3A_348] : memref<10240x128xf32, #tpu.memory_space<vmem_shared>> -> memref<10240x128xf32, #tpu.memory_space<vmem_shared>>
      tpu.wait_indirect_dma semaphore(%arg19 : memref<!tpu.dma_semaphore, #tpu.memory_space<semaphore_mem>>) src(%arg8 : memref<64x128xf32, #tpu.memory_space<vmem>>) dst(%dma_wait3A_349 : memref<10240x128xf32, #tpu.memory_space<vmem_shared>>)
      %dma_wait3A_350 = arith.constant 6 : i32
      %dma_wait3A_351 = arith.constant 0 : i32
      %dma_wait3A_352 = tpu.memref_slice %arg7[%dma_wait3A_350, %dma_wait3A_351] : memref<10x64xi32, #tpu.memory_space<vmem>> -> memref<1x64xi32, #tpu.memory_space<vmem>>
      %dma_wait3A_353 = tpu.memref_squeeze %dma_wait3A_352 : memref<1x64xi32, #tpu.memory_space<vmem>> -> memref<64xi32, #tpu.memory_space<vmem>>
      %dma_wait3A_354 = arith.constant 0 : i32
      %dma_wait3A_355 = arith.constant 0 : i32
      %dma_wait3A_356 = tpu.memref_slice %arg13[%dma_wait3A_354, %dma_wait3A_355] : memref<10240x128xf32, #tpu.memory_space<vmem_shared>> -> memref<10240x128xf32, #tpu.memory_space<vmem_shared>>
      tpu.wait_indirect_dma semaphore(%arg20 : memref<!tpu.dma_semaphore, #tpu.memory_space<semaphore_mem>>) src(%arg9 : memref<64x128xf32, #tpu.memory_space<vmem>>) dst(%dma_wait3A_356 : memref<10240x128xf32, #tpu.memory_space<vmem_shared>>)
      %dma_wait3A_357 = arith.constant 7 : i32
      %dma_wait3A_358 = arith.constant 0 : i32
      %dma_wait3A_359 = tpu.memref_slice %arg7[%dma_wait3A_357, %dma_wait3A_358] : memref<10x64xi32, #tpu.memory_space<vmem>> -> memref<1x64xi32, #tpu.memory_space<vmem>>
      %dma_wait3A_360 = tpu.memref_squeeze %dma_wait3A_359 : memref<1x64xi32, #tpu.memory_space<vmem>> -> memref<64xi32, #tpu.memory_space<vmem>>
      %dma_wait3A_361 = arith.constant 0 : i32
      %dma_wait3A_362 = arith.constant 0 : i32
      %dma_wait3A_363 = tpu.memref_slice %arg13[%dma_wait3A_361, %dma_wait3A_362] : memref<10240x128xf32, #tpu.memory_space<vmem_shared>> -> memref<10240x128xf32, #tpu.memory_space<vmem_shared>>
      tpu.wait_indirect_dma semaphore(%arg21 : memref<!tpu.dma_semaphore, #tpu.memory_space<semaphore_mem>>) src(%arg10 : memref<64x128xf32, #tpu.memory_space<vmem>>) dst(%dma_wait3A_363 : memref<10240x128xf32, #tpu.memory_space<vmem_shared>>)
      %dma_wait3A_364 = arith.constant 8 : i32
      %dma_wait3A_365 = arith.constant 0 : i32
      %dma_wait3A_366 = tpu.memref_slice %arg7[%dma_wait3A_364, %dma_wait3A_365] : memref<10x64xi32, #tpu.memory_space<vmem>> -> memref<1x64xi32, #tpu.memory_space<vmem>>
      %dma_wait3A_367 = tpu.memref_squeeze %dma_wait3A_366 : memref<1x64xi32, #tpu.memory_space<vmem>> -> memref<64xi32, #tpu.memory_space<vmem>>
      %dma_wait3A_368 = arith.constant 0 : i32
      %dma_wait3A_369 = arith.constant 0 : i32
      %dma_wait3A_370 = tpu.memref_slice %arg13[%dma_wait3A_368, %dma_wait3A_369] : memref<10240x128xf32, #tpu.memory_space<vmem_shared>> -> memref<10240x128xf32, #tpu.memory_space<vmem_shared>>
      tpu.wait_indirect_dma semaphore(%arg22 : memref<!tpu.dma_semaphore, #tpu.memory_space<semaphore_mem>>) src(%arg11 : memref<64x128xf32, #tpu.memory_space<vmem>>) dst(%dma_wait3A_370 : memref<10240x128xf32, #tpu.memory_space<vmem_shared>>)
      %dma_wait3A_371 = arith.constant 9 : i32
      %dma_wait3A_372 = arith.constant 0 : i32
      %dma_wait3A_373 = tpu.memref_slice %arg7[%dma_wait3A_371, %dma_wait3A_372] : memref<10x64xi32, #tpu.memory_space<vmem>> -> memref<1x64xi32, #tpu.memory_space<vmem>>
      %dma_wait3A_374 = tpu.memref_squeeze %dma_wait3A_373 : memref<1x64xi32, #tpu.memory_space<vmem>> -> memref<64xi32, #tpu.memory_space<vmem>>
      %dma_wait3A_375 = arith.constant 0 : i32
      %dma_wait3A_376 = arith.constant 0 : i32
      %dma_wait3A_377 = tpu.memref_slice %arg13[%dma_wait3A_375, %dma_wait3A_376] : memref<10240x128xf32, #tpu.memory_space<vmem_shared>> -> memref<10240x128xf32, #tpu.memory_space<vmem_shared>>
      tpu.wait_indirect_dma semaphore(%arg23 : memref<!tpu.dma_semaphore, #tpu.memory_space<semaphore_mem>>) src(%arg12 : memref<64x128xf32, #tpu.memory_space<vmem>>) dst(%dma_wait3A_377 : memref<10240x128xf32, #tpu.memory_space<vmem_shared>>)
    }
    %scan3A_13 = arith.constant 32 : i32
    %barrier3A_14 = arith.constant 0 : index
    tpu.barrier barrier_id(%barrier3A_14)
    %mul3A = arith.constant 640 : i32
    %mul3A_15 = arith.muli %arg1, %mul3A : i32
    "tpu.region"() ({
      %run_scoped3A = tpu.sem_alloc : memref<!tpu.dma_semaphore, #tpu.memory_space<semaphore_mem>>
      %dma_start3A = arith.constant 0 : i32
      %dma_start3A_16 = arith.constant 0 : i32
      %dma_start3A_17 = tpu.memref_slice %arg5[%arg0, %dma_start3A, %dma_start3A_16] : memref<2x10240x128xf32, #tpu.memory_space<hbm>> -> memref<1x10240x128xf32, #tpu.memory_space<hbm>>
      %dma_start3A_18 = tpu.memref_squeeze %dma_start3A_17 : memref<1x10240x128xf32, #tpu.memory_space<hbm>> -> memref<10240x128xf32, #tpu.memory_space<hbm>>
      %dma_start3A_19 = arith.constant 0 : i32
      %dma_start3A_20 = tpu.memref_slice %dma_start3A_18[%mul3A_15, %dma_start3A_19] : memref<10240x128xf32, #tpu.memory_space<hbm>> -> memref<640x128xf32, #tpu.memory_space<hbm>>
      %dma_start3A_21 = arith.constant 0 : i32
      %dma_start3A_22 = tpu.memref_slice %arg13[%mul3A_15, %dma_start3A_21] : memref<10240x128xf32, #tpu.memory_space<vmem_shared>> -> memref<640x128xf32, #tpu.memory_space<vmem_shared>>
      tpu.enqueue_dma source(%dma_start3A_22 : memref<640x128xf32, #tpu.memory_space<vmem_shared>>) target(%dma_start3A_20 : memref<640x128xf32, #tpu.memory_space<hbm>>) target_semaphore(%run_scoped3A : memref<!tpu.dma_semaphore, #tpu.memory_space<semaphore_mem>>)
      %dma_wait3A = arith.constant 0 : i32
      %dma_wait3A_23 = arith.constant 0 : i32
      %dma_wait3A_24 = tpu.memref_slice %arg5[%arg0, %dma_wait3A, %dma_wait3A_23] : memref<2x10240x128xf32, #tpu.memory_space<hbm>> -> memref<1x10240x128xf32, #tpu.memory_space<hbm>>
      %dma_wait3A_25 = tpu.memref_squeeze %dma_wait3A_24 : memref<1x10240x128xf32, #tpu.memory_space<hbm>> -> memref<10240x128xf32, #tpu.memory_space<hbm>>
      %dma_wait3A_26 = arith.constant 0 : i32
      %dma_wait3A_27 = tpu.memref_slice %dma_wait3A_25[%mul3A_15, %dma_wait3A_26] : memref<10240x128xf32, #tpu.memory_space<hbm>> -> memref<640x128xf32, #tpu.memory_space<hbm>>
      %dma_wait3A_28 = arith.constant 0 : i32
      %dma_wait3A_29 = tpu.memref_slice %arg13[%mul3A_15, %dma_wait3A_28] : memref<10240x128xf32, #tpu.memory_space<vmem_shared>> -> memref<640x128xf32, #tpu.memory_space<vmem_shared>>
      tpu.wait_dma2 semaphore(%run_scoped3A : memref<!tpu.dma_semaphore, #tpu.memory_space<semaphore_mem>>) src(%dma_wait3A_29 : memref<640x128xf32, #tpu.memory_space<vmem_shared>>) dst(%dma_wait3A_27 : memref<640x128xf32, #tpu.memory_space<hbm>>)
      tpu.yield
    }) : () -> ()
    return
  }
}

module attributes {stable_mosaic.version = 14 : i64} {
  func.func @_node_body(%arg0: i32, %arg1: memref<512x128xf32, #tpu.memory_space<vmem>>, %arg2: memref<128x256xf32, #tpu.memory_space<vmem>>, %arg3: memref<1x256xf32, #tpu.memory_space<vmem>>, %arg4: memref<2x512x128xf32, #tpu.memory_space<vmem>>) attributes {dimension_semantics = [#tpu.dimension_semantics<arbitrary>], iteration_bounds = array<i64: 20>, scalar_prefetch = 0 : i64, scratch_operands = 0 : i64, tpu.core_type = #tpu.core_type<tc>, window_params = [{transform_indices = @transform_0, window_bounds = array<i64: 512, 128>}, {pipeline_mode = #tpu.pipeline_mode<synchronous>, transform_indices = @transform_1, window_bounds = array<i64: 128, 256>}, {pipeline_mode = #tpu.pipeline_mode<synchronous>, transform_indices = @transform_2, window_bounds = array<i64: 1, 256>}, {transform_indices = @transform_3, window_bounds = array<i64: 2, 512, 128>}]} {
    %get3A = arith.constant 0 : index
    %get3A_0 = arith.constant 0 : index
    %get3A_1 = vector.load %arg1[%get3A, %get3A_0] : memref<512x128xf32, #tpu.memory_space<vmem>>, vector<512x128xf32>
    %get3A_2 = arith.constant 0 : index
    %get3A_3 = arith.constant 0 : index
    %get3A_4 = vector.load %arg2[%get3A_2, %get3A_3] : memref<128x256xf32, #tpu.memory_space<vmem>>, vector<128x256xf32>
    %dot_general3A = arith.constant dense<0.000000e+00> : vector<512x256xf32>
    %dot_general3A_5 = tpu.matmul %get3A_1, %get3A_4, %dot_general3A {dimension_numbers = #tpu.dot_dimension_numbers<[1], [0], [0], [1], [0, 0, 1, 1], [], []>, precision = #tpu.contract_precision<fp32>, transpose_lhs_hint = false} : vector<512x128xf32>, vector<128x256xf32>, vector<512x256xf32> -> vector<512x256xf32>
    %get3A_6 = arith.constant 0 : index
    %get3A_7 = arith.constant 0 : index
    %get3A_8 = vector.load %arg3[%get3A_6, %get3A_7] : memref<1x256xf32, #tpu.memory_space<vmem>>, vector<1x256xf32>
    %add3A = vector.broadcast %get3A_8 : vector<1x256xf32> to vector<512x256xf32>
    %add3A_9 = arith.addf %dot_general3A_5, %add3A : vector<512x256xf32>
    %max3A = arith.constant 0.000000e+00 : f32
    %max3A_10 = vector.broadcast %max3A : f32 to vector<512x256xf32>
    %max3A_11 = arith.maximumf %add3A_9, %max3A_10 : vector<512x256xf32>
    %slice3A = vector.extract_strided_slice %max3A_11 {offsets = [0, 0], sizes = [512, 128], strides = [1, 1]} : vector<512x256xf32> to vector<512x128xf32>
    %swap3A = arith.constant 0 : index
    %swap3A_12 = arith.constant 0 : index
    %swap3A_13 = arith.constant 0 : index
    %swap3A_14 = vector.load %arg4[%swap3A, %swap3A_12, %swap3A_13] : memref<2x512x128xf32, #tpu.memory_space<vmem>>, vector<1x512x128xf32>
    %swap3A_15 = vector.shape_cast %swap3A_14 : vector<1x512x128xf32> to vector<512x128xf32>
    %swap3A_16 = vector.shape_cast %slice3A : vector<512x128xf32> to vector<1x512x128xf32>
    tpu.vector_store %arg4[%swap3A, %swap3A_12, %swap3A_13], %swap3A_16 {strides = array<i32>} : memref<2x512x128xf32, #tpu.memory_space<vmem>>, vector<1x512x128xf32>,
    %slice3A_17 = vector.extract_strided_slice %max3A_11 {offsets = [0, 128], sizes = [512, 128], strides = [1, 1]} : vector<512x256xf32> to vector<512x128xf32>
    %swap3A_18 = arith.constant 1 : index
    %swap3A_19 = arith.constant 0 : index
    %swap3A_20 = arith.constant 0 : index
    %swap3A_21 = vector.load %arg4[%swap3A_18, %swap3A_19, %swap3A_20] : memref<2x512x128xf32, #tpu.memory_space<vmem>>, vector<1x512x128xf32>
    %swap3A_22 = vector.shape_cast %swap3A_21 : vector<1x512x128xf32> to vector<512x128xf32>
    %swap3A_23 = vector.shape_cast %slice3A_17 : vector<512x128xf32> to vector<1x512x128xf32>
    tpu.vector_store %arg4[%swap3A_18, %swap3A_19, %swap3A_20], %swap3A_23 {strides = array<i32>} : memref<2x512x128xf32, #tpu.memory_space<vmem>>, vector<1x512x128xf32>,
    return
  }
  func.func @transform_0(%arg0: i32) -> (i32, i32) {
    %c0_i32 = arith.constant 0 : i32
    %c0_i32_0 = arith.constant 0 : i32
    return %arg0, %c0_i32 : i32, i32
  }
  func.func @transform_1(%arg0: i32) -> (i32, i32) {
    %c0_i32 = arith.constant 0 : i32
    %c0_i32_0 = arith.constant 0 : i32
    %c0_i32_1 = arith.constant 0 : i32
    return %c0_i32, %c0_i32_0 : i32, i32
  }
  func.func @transform_2(%arg0: i32) -> (i32, i32) {
    %c0_i32 = arith.constant 0 : i32
    %c0_i32_0 = arith.constant 0 : i32
    %c0_i32_1 = arith.constant 0 : i32
    return %c0_i32, %c0_i32_0 : i32, i32
  }
  func.func @transform_3(%arg0: i32) -> (i32, i32, i32) {
    %c0_i32 = arith.constant 0 : i32
    %c0_i32_0 = arith.constant 0 : i32
    %c0_i32_1 = arith.constant 0 : i32
    return %c0_i32, %arg0, %c0_i32_0 : i32, i32, i32
  }
}

module attributes {stable_mosaic.version = 14 : i64} {
  func.func @_gin_body(%arg0: i32, %arg1: memref<2x512x128xf32, #tpu.memory_space<vmem>>, %arg2: memref<2x512x128xf32, #tpu.memory_space<vmem>>, %arg3: memref<1x256xf32, #tpu.memory_space<vmem>>, %arg4: memref<256x256xf32, #tpu.memory_space<vmem>>, %arg5: memref<1x256xf32, #tpu.memory_space<vmem>>, %arg6: memref<256x256xf32, #tpu.memory_space<vmem>>, %arg7: memref<1x256xf32, #tpu.memory_space<vmem>>, %arg8: memref<2x512x128xf32, #tpu.memory_space<vmem>>) attributes {dimension_semantics = [#tpu.dimension_semantics<arbitrary>], iteration_bounds = array<i64: 20>, scalar_prefetch = 0 : i64, scratch_operands = 0 : i64, tpu.core_type = #tpu.core_type<tc>, window_params = [{transform_indices = @transform_0, window_bounds = array<i64: 2, 512, 128>}, {transform_indices = @transform_1, window_bounds = array<i64: 2, 512, 128>}, {pipeline_mode = #tpu.pipeline_mode<synchronous>, transform_indices = @transform_2, window_bounds = array<i64: 1, 256>}, {pipeline_mode = #tpu.pipeline_mode<synchronous>, transform_indices = @transform_3, window_bounds = array<i64: 256, 256>}, {pipeline_mode = #tpu.pipeline_mode<synchronous>, transform_indices = @transform_4, window_bounds = array<i64: 1, 256>}, {pipeline_mode = #tpu.pipeline_mode<synchronous>, transform_indices = @transform_5, window_bounds = array<i64: 256, 256>}, {pipeline_mode = #tpu.pipeline_mode<synchronous>, transform_indices = @transform_6, window_bounds = array<i64: 1, 256>}, {transform_indices = @transform_7, window_bounds = array<i64: 2, 512, 128>}]} {
    %get3A = arith.constant 0 : index
    %get3A_0 = arith.constant 0 : index
    %get3A_1 = arith.constant 0 : index
    %get3A_2 = vector.load %arg1[%get3A, %get3A_0, %get3A_1] : memref<2x512x128xf32, #tpu.memory_space<vmem>>, vector<1x512x128xf32>
    %get3A_3 = vector.shape_cast %get3A_2 : vector<1x512x128xf32> to vector<512x128xf32>
    %get3A_4 = arith.constant 1 : index
    %get3A_5 = arith.constant 0 : index
    %get3A_6 = arith.constant 0 : index
    %get3A_7 = vector.load %arg1[%get3A_4, %get3A_5, %get3A_6] : memref<2x512x128xf32, #tpu.memory_space<vmem>>, vector<1x512x128xf32>
    %get3A_8 = vector.shape_cast %get3A_7 : vector<1x512x128xf32> to vector<512x128xf32>
    %concatenate3A = tpu.concatenate %get3A_3, %get3A_8 in 1 : vector<512x128xf32>, vector<512x128xf32> -> vector<512x256xf32>
    %get3A_9 = arith.constant 0 : index
    %get3A_10 = arith.constant 0 : index
    %get3A_11 = arith.constant 0 : index
    %get3A_12 = vector.load %arg2[%get3A_9, %get3A_10, %get3A_11] : memref<2x512x128xf32, #tpu.memory_space<vmem>>, vector<1x512x128xf32>
    %get3A_13 = vector.shape_cast %get3A_12 : vector<1x512x128xf32> to vector<512x128xf32>
    %get3A_14 = arith.constant 1 : index
    %get3A_15 = arith.constant 0 : index
    %get3A_16 = arith.constant 0 : index
    %get3A_17 = vector.load %arg2[%get3A_14, %get3A_15, %get3A_16] : memref<2x512x128xf32, #tpu.memory_space<vmem>>, vector<1x512x128xf32>
    %get3A_18 = vector.shape_cast %get3A_17 : vector<1x512x128xf32> to vector<512x128xf32>
    %concatenate3A_19 = tpu.concatenate %get3A_13, %get3A_18 in 1 : vector<512x128xf32>, vector<512x128xf32> -> vector<512x256xf32>
    %get3A_20 = arith.constant 0 : index
    %get3A_21 = arith.constant 0 : index
    %get3A_22 = vector.load %arg3[%get3A_20, %get3A_21] : memref<1x256xf32, #tpu.memory_space<vmem>>, vector<1x256xf32>
    %mul3A = vector.broadcast %get3A_22 : vector<1x256xf32> to vector<512x256xf32>
    %mul3A_23 = arith.mulf %concatenate3A, %mul3A : vector<512x256xf32>
    %add3A = arith.addf %mul3A_23, %concatenate3A_19 : vector<512x256xf32>
    %get3A_24 = arith.constant 0 : index
    %get3A_25 = arith.constant 0 : index
    %get3A_26 = vector.load %arg4[%get3A_24, %get3A_25] : memref<256x256xf32, #tpu.memory_space<vmem>>, vector<256x256xf32>
    %dot_general3A = arith.constant dense<0.000000e+00> : vector<512x256xf32>
    %dot_general3A_27 = tpu.matmul %add3A, %get3A_26, %dot_general3A {dimension_numbers = #tpu.dot_dimension_numbers<[1], [0], [0], [1], [0, 0, 1, 1], [], []>, precision = #tpu.contract_precision<fp32>, transpose_lhs_hint = false} : vector<512x256xf32>, vector<256x256xf32>, vector<512x256xf32> -> vector<512x256xf32>
    %get3A_28 = arith.constant 0 : index
    %get3A_29 = arith.constant 0 : index
    %get3A_30 = vector.load %arg5[%get3A_28, %get3A_29] : memref<1x256xf32, #tpu.memory_space<vmem>>, vector<1x256xf32>
    %add3A_31 = vector.broadcast %get3A_30 : vector<1x256xf32> to vector<512x256xf32>
    %add3A_32 = arith.addf %dot_general3A_27, %add3A_31 : vector<512x256xf32>
    %max3A = arith.constant 0.000000e+00 : f32
    %max3A_33 = vector.broadcast %max3A : f32 to vector<512x256xf32>
    %max3A_34 = arith.maximumf %add3A_32, %max3A_33 : vector<512x256xf32>
    %get3A_35 = arith.constant 0 : index
    %get3A_36 = arith.constant 0 : index
    %get3A_37 = vector.load %arg6[%get3A_35, %get3A_36] : memref<256x256xf32, #tpu.memory_space<vmem>>, vector<256x256xf32>
    %dot_general3A_38 = arith.constant dense<0.000000e+00> : vector<512x256xf32>
    %dot_general3A_39 = tpu.matmul %max3A_34, %get3A_37, %dot_general3A_38 {dimension_numbers = #tpu.dot_dimension_numbers<[1], [0], [0], [1], [0, 0, 1, 1], [], []>, precision = #tpu.contract_precision<fp32>, transpose_lhs_hint = false} : vector<512x256xf32>, vector<256x256xf32>, vector<512x256xf32> -> vector<512x256xf32>
    %get3A_40 = arith.constant 0 : index
    %get3A_41 = arith.constant 0 : index
    %get3A_42 = vector.load %arg7[%get3A_40, %get3A_41] : memref<1x256xf32, #tpu.memory_space<vmem>>, vector<1x256xf32>
    %add3A_43 = vector.broadcast %get3A_42 : vector<1x256xf32> to vector<512x256xf32>
    %add3A_44 = arith.addf %dot_general3A_39, %add3A_43 : vector<512x256xf32>
    %max3A_45 = arith.constant 0.000000e+00 : f32
    %max3A_46 = vector.broadcast %max3A_45 : f32 to vector<512x256xf32>
    %max3A_47 = arith.maximumf %add3A_44, %max3A_46 : vector<512x256xf32>
    %slice3A = vector.extract_strided_slice %max3A_47 {offsets = [0, 0], sizes = [512, 128], strides = [1, 1]} : vector<512x256xf32> to vector<512x128xf32>
    %swap3A = arith.constant 0 : index
    %swap3A_48 = arith.constant 0 : index
    %swap3A_49 = arith.constant 0 : index
    %swap3A_50 = vector.load %arg8[%swap3A, %swap3A_48, %swap3A_49] : memref<2x512x128xf32, #tpu.memory_space<vmem>>, vector<1x512x128xf32>
    %swap3A_51 = vector.shape_cast %swap3A_50 : vector<1x512x128xf32> to vector<512x128xf32>
    %swap3A_52 = vector.shape_cast %slice3A : vector<512x128xf32> to vector<1x512x128xf32>
    tpu.vector_store %arg8[%swap3A, %swap3A_48, %swap3A_49], %swap3A_52 {strides = array<i32>} : memref<2x512x128xf32, #tpu.memory_space<vmem>>, vector<1x512x128xf32>,
    %slice3A_53 = vector.extract_strided_slice %max3A_47 {offsets = [0, 128], sizes = [512, 128], strides = [1, 1]} : vector<512x256xf32> to vector<512x128xf32>
    %swap3A_54 = arith.constant 1 : index
    %swap3A_55 = arith.constant 0 : index
    %swap3A_56 = arith.constant 0 : index
    %swap3A_57 = vector.load %arg8[%swap3A_54, %swap3A_55, %swap3A_56] : memref<2x512x128xf32, #tpu.memory_space<vmem>>, vector<1x512x128xf32>
    %swap3A_58 = vector.shape_cast %swap3A_57 : vector<1x512x128xf32> to vector<512x128xf32>
    %swap3A_59 = vector.shape_cast %slice3A_53 : vector<512x128xf32> to vector<1x512x128xf32>
    tpu.vector_store %arg8[%swap3A_54, %swap3A_55, %swap3A_56], %swap3A_59 {strides = array<i32>} : memref<2x512x128xf32, #tpu.memory_space<vmem>>, vector<1x512x128xf32>,
    return
  }
  func.func @transform_0(%arg0: i32) -> (i32, i32, i32) {
    %c0_i32 = arith.constant 0 : i32
    %c0_i32_0 = arith.constant 0 : i32
    %c0_i32_1 = arith.constant 0 : i32
    return %c0_i32, %arg0, %c0_i32_0 : i32, i32, i32
  }
  func.func @transform_1(%arg0: i32) -> (i32, i32, i32) {
    %c0_i32 = arith.constant 0 : i32
    %c0_i32_0 = arith.constant 0 : i32
    %c0_i32_1 = arith.constant 0 : i32
    return %c0_i32, %arg0, %c0_i32_0 : i32, i32, i32
  }
  func.func @transform_2(%arg0: i32) -> (i32, i32) {
    %c0_i32 = arith.constant 0 : i32
    %c0_i32_0 = arith.constant 0 : i32
    %c0_i32_1 = arith.constant 0 : i32
    return %c0_i32, %c0_i32_0 : i32, i32
  }
  func.func @transform_3(%arg0: i32) -> (i32, i32) {
    %c0_i32 = arith.constant 0 : i32
    %c0_i32_0 = arith.constant 0 : i32
    %c0_i32_1 = arith.constant 0 : i32
    return %c0_i32, %c0_i32_0 : i32, i32
  }
  func.func @transform_4(%arg0: i32) -> (i32, i32) {
    %c0_i32 = arith.constant 0 : i32
    %c0_i32_0 = arith.constant 0 : i32
    %c0_i32_1 = arith.constant 0 : i32
    return %c0_i32, %c0_i32_0 : i32, i32
  }
  func.func @transform_5(%arg0: i32) -> (i32, i32) {
    %c0_i32 = arith.constant 0 : i32
    %c0_i32_0 = arith.constant 0 : i32
    %c0_i32_1 = arith.constant 0 : i32
    return %c0_i32, %c0_i32_0 : i32, i32
  }
  func.func @transform_6(%arg0: i32) -> (i32, i32) {
    %c0_i32 = arith.constant 0 : i32
    %c0_i32_0 = arith.constant 0 : i32
    %c0_i32_1 = arith.constant 0 : i32
    return %c0_i32, %c0_i32_0 : i32, i32
  }
  func.func @transform_7(%arg0: i32) -> (i32, i32, i32) {
    %c0_i32 = arith.constant 0 : i32
    %c0_i32_0 = arith.constant 0 : i32
    %c0_i32_1 = arith.constant 0 : i32
    return %c0_i32, %arg0, %c0_i32_0 : i32, i32, i32
  }
}

module attributes {stable_mosaic.version = 14 : i64} {
  func.func @_pool_body(%arg0: i32, %arg1: memref<2x512x128xf32, #tpu.memory_space<vmem>>, %arg2: memref<1x1x512xi32, #tpu.memory_space<vmem>>, %arg3: memref<256x256xf32, #tpu.memory_space<vmem>>, %arg4: memref<1x256xf32, #tpu.memory_space<vmem>>, %arg5: memref<256x512xf32, #tpu.memory_space<vmem>>, %arg6: memref<1x512xf32, #tpu.memory_space<vmem>>, %arg7: memref<16x512xf32, #tpu.memory_space<vmem>>, %arg8: memref<16x256xf32, #tpu.memory_space<vmem>>, %arg9: memref<16x128xf32, #tpu.memory_space<vmem>>) attributes {dimension_semantics = [#tpu.dimension_semantics<arbitrary>], iteration_bounds = array<i64: 20>, scalar_prefetch = 0 : i64, scratch_operands = 2 : i64, tpu.core_type = #tpu.core_type<tc>, window_params = [{transform_indices = @transform_0, window_bounds = array<i64: 2, 512, 128>}, {transform_indices = @transform_1, window_bounds = array<i64: 1, 1, 512>}, {pipeline_mode = #tpu.pipeline_mode<synchronous>, transform_indices = @transform_2, window_bounds = array<i64: 256, 256>}, {pipeline_mode = #tpu.pipeline_mode<synchronous>, transform_indices = @transform_3, window_bounds = array<i64: 1, 256>}, {pipeline_mode = #tpu.pipeline_mode<synchronous>, transform_indices = @transform_4, window_bounds = array<i64: 256, 512>}, {pipeline_mode = #tpu.pipeline_mode<synchronous>, transform_indices = @transform_5, window_bounds = array<i64: 1, 512>}, {pipeline_mode = #tpu.pipeline_mode<synchronous>, transform_indices = @transform_6, window_bounds = array<i64: 16, 512>}]} {
    %eq3A = arith.constant 0 : i32
    %eq3A_0 = arith.cmpi eq, %arg0, %eq3A : i32
    %convert_element_type3A = arith.extui %eq3A_0 : i1 to i32
    %cond3A = arith.constant 0 : i32
    %cond3A_1 = arith.cmpi ne, %convert_element_type3A, %cond3A : i32
    scf.if %cond3A_1 {
      %broadcast_in_dim3A_41 = arith.constant 0.000000e+00 : f32
      %broadcast_in_dim3A_42 = vector.broadcast %broadcast_in_dim3A_41 : f32 to vector<16x256xf32>
      %swap3A_43 = arith.constant 0 : index
      %swap3A_44 = arith.constant 0 : index
      %swap3A_45 = vector.load %arg8[%swap3A_43, %swap3A_44] : memref<16x256xf32, #tpu.memory_space<vmem>>, vector<16x256xf32>
      tpu.vector_store %arg8[%swap3A_43, %swap3A_44], %broadcast_in_dim3A_42 {strides = array<i32>} : memref<16x256xf32, #tpu.memory_space<vmem>>, vector<16x256xf32>,
      %broadcast_in_dim3A_46 = arith.constant 0.000000e+00 : f32
      %broadcast_in_dim3A_47 = vector.broadcast %broadcast_in_dim3A_46 : f32 to vector<16x128xf32>
      %swap3A_48 = arith.constant 0 : index
      %swap3A_49 = arith.constant 0 : index
      %swap3A_50 = vector.load %arg9[%swap3A_48, %swap3A_49] : memref<16x128xf32, #tpu.memory_space<vmem>>, vector<16x128xf32>
      tpu.vector_store %arg9[%swap3A_48, %swap3A_49], %broadcast_in_dim3A_47 {strides = array<i32>} : memref<16x128xf32, #tpu.memory_space<vmem>>, vector<16x128xf32>,
    } else {
    }
    %get3A = arith.constant 0 : index
    %get3A_2 = arith.constant 0 : index
    %get3A_3 = arith.constant 0 : index
    %get3A_4 = vector.load %arg1[%get3A, %get3A_2, %get3A_3] : memref<2x512x128xf32, #tpu.memory_space<vmem>>, vector<1x512x128xf32>
    %get3A_5 = vector.shape_cast %get3A_4 : vector<1x512x128xf32> to vector<512x128xf32>
    %get3A_6 = arith.constant 1 : index
    %get3A_7 = arith.constant 0 : index
    %get3A_8 = arith.constant 0 : index
    %get3A_9 = vector.load %arg1[%get3A_6, %get3A_7, %get3A_8] : memref<2x512x128xf32, #tpu.memory_space<vmem>>, vector<1x512x128xf32>
    %get3A_10 = vector.shape_cast %get3A_9 : vector<1x512x128xf32> to vector<512x128xf32>
    %concatenate3A = tpu.concatenate %get3A_5, %get3A_10 in 1 : vector<512x128xf32>, vector<512x128xf32> -> vector<512x256xf32>
    %get3A_11 = arith.constant 0 : index
    %get3A_12 = arith.constant 0 : index
    %get3A_13 = arith.constant 0 : index
    %get3A_14 = vector.load %arg2[%get3A_11, %get3A_12, %get3A_13] : memref<1x1x512xi32, #tpu.memory_space<vmem>>, vector<1x1x512xi32>
    %get3A_15 = vector.shape_cast %get3A_14 : vector<1x1x512xi32> to vector<512xi32>
    %iota3A = tpu.iota {dimensions = array<i32: 0>} : vector<16x512xi32>
    %broadcast_in_dim3A = vector.shape_cast %get3A_15 : vector<512xi32> to vector<1x512xi32>
    %eq3A_16 = vector.broadcast %broadcast_in_dim3A : vector<1x512xi32> to vector<16x512xi32>
    %eq3A_17 = arith.cmpi eq, %eq3A_16, %iota3A : vector<16x512xi32>
    %convert_element_type3A_18 = arith.extui %eq3A_17 : vector<16x512xi1> to vector<16x512xi32>
    %convert_element_type3A_19 = arith.sitofp %convert_element_type3A_18 : vector<16x512xi32> to vector<16x512xf32>
    %get3A_20 = arith.constant 0 : index
    %get3A_21 = arith.constant 0 : index
    %get3A_22 = vector.load %arg8[%get3A_20, %get3A_21] : memref<16x256xf32, #tpu.memory_space<vmem>>, vector<16x256xf32>
    %dot_general3A = arith.constant dense<0.000000e+00> : vector<16x256xf32>
    %dot_general3A_23 = tpu.matmul %convert_element_type3A_19, %concatenate3A, %dot_general3A {dimension_numbers = #tpu.dot_dimension_numbers<[1], [0], [0], [1], [0, 0, 1, 1], [], []>, precision = #tpu.contract_precision<fp32>, transpose_lhs_hint = false} : vector<16x512xf32>, vector<512x256xf32>, vector<16x256xf32> -> vector<16x256xf32>
    %add3A = arith.addf %get3A_22, %dot_general3A_23 : vector<16x256xf32>
    %swap3A = arith.constant 0 : index
    %swap3A_24 = arith.constant 0 : index
    %swap3A_25 = vector.load %arg8[%swap3A, %swap3A_24] : memref<16x256xf32, #tpu.memory_space<vmem>>, vector<16x256xf32>
    tpu.vector_store %arg8[%swap3A, %swap3A_24], %add3A {strides = array<i32>} : memref<16x256xf32, #tpu.memory_space<vmem>>, vector<16x256xf32>,
    %get3A_26 = arith.constant 0 : index
    %get3A_27 = arith.constant 0 : index
    %get3A_28 = vector.load %arg9[%get3A_26, %get3A_27] : memref<16x128xf32, #tpu.memory_space<vmem>>, vector<16x128xf32>
    %reduce_sum3A = arith.constant dense<0.000000e+00> : vector<16xf32>
    %reduce_sum3A_29 = vector.multi_reduction <add>, %convert_element_type3A_19, %reduce_sum3A [1] : vector<16x512xf32> to vector<16xf32>
    %broadcast_in_dim3A_30 = vector.shape_cast %reduce_sum3A_29 : vector<16xf32> to vector<16x1xf32>
    %add3A_31 = vector.broadcast %broadcast_in_dim3A_30 : vector<16x1xf32> to vector<16x128xf32>
    %add3A_32 = arith.addf %get3A_28, %add3A_31 : vector<16x128xf32>
    %swap3A_33 = arith.constant 0 : index
    %swap3A_34 = arith.constant 0 : index
    %swap3A_35 = vector.load %arg9[%swap3A_33, %swap3A_34] : memref<16x128xf32, #tpu.memory_space<vmem>>, vector<16x128xf32>
    tpu.vector_store %arg9[%swap3A_33, %swap3A_34], %add3A_32 {strides = array<i32>} : memref<16x128xf32, #tpu.memory_space<vmem>>, vector<16x128xf32>,
    %eq3A_36 = arith.constant 19 : i32
    %eq3A_37 = arith.cmpi eq, %arg0, %eq3A_36 : i32
    %convert_element_type3A_38 = arith.extui %eq3A_37 : i1 to i32
    %cond3A_39 = arith.constant 0 : i32
    %cond3A_40 = arith.cmpi ne, %convert_element_type3A_38, %cond3A_39 : i32
    scf.if %cond3A_40 {
      %get3A_41 = arith.constant 0 : index
      %get3A_42 = arith.constant 0 : index
      %get3A_43 = vector.load %arg9[%get3A_41, %get3A_42] : memref<16x128xf32, #tpu.memory_space<vmem>>, vector<16x128xf32>
      %slice3A = vector.extract_strided_slice %get3A_43 {offsets = [0, 0], sizes = [16, 1], strides = [1, 1]} : vector<16x128xf32> to vector<16x1xf32>
      %max3A = arith.constant 1.000000e+00 : f32
      %max3A_44 = vector.broadcast %max3A : f32 to vector<16x1xf32>
      %max3A_45 = arith.maximumf %slice3A, %max3A_44 : vector<16x1xf32>
      %get3A_46 = arith.constant 0 : index
      %get3A_47 = arith.constant 0 : index
      %get3A_48 = vector.load %arg8[%get3A_46, %get3A_47] : memref<16x256xf32, #tpu.memory_space<vmem>>, vector<16x256xf32>
      %div3A = vector.broadcast %max3A_45 : vector<16x1xf32> to vector<16x256xf32>
      %div3A_49 = arith.divf %get3A_48, %div3A : vector<16x256xf32>
      %get3A_50 = arith.constant 0 : index
      %get3A_51 = arith.constant 0 : index
      %get3A_52 = vector.load %arg3[%get3A_50, %get3A_51] : memref<256x256xf32, #tpu.memory_space<vmem>>, vector<256x256xf32>
      %dot_general3A_53 = arith.constant dense<0.000000e+00> : vector<16x256xf32>
      %dot_general3A_54 = tpu.matmul %div3A_49, %get3A_52, %dot_general3A_53 {dimension_numbers = #tpu.dot_dimension_numbers<[1], [0], [0], [1], [0, 0, 1, 1], [], []>, precision = #tpu.contract_precision<fp32>, transpose_lhs_hint = false} : vector<16x256xf32>, vector<256x256xf32>, vector<16x256xf32> -> vector<16x256xf32>
      %get3A_55 = arith.constant 0 : index
      %get3A_56 = arith.constant 0 : index
      %get3A_57 = vector.load %arg4[%get3A_55, %get3A_56] : memref<1x256xf32, #tpu.memory_space<vmem>>, vector<1x256xf32>
      %add3A_58 = vector.broadcast %get3A_57 : vector<1x256xf32> to vector<16x256xf32>
      %add3A_59 = arith.addf %dot_general3A_54, %add3A_58 : vector<16x256xf32>
      %max3A_60 = arith.constant 0.000000e+00 : f32
      %max3A_61 = vector.broadcast %max3A_60 : f32 to vector<16x256xf32>
      %max3A_62 = arith.maximumf %add3A_59, %max3A_61 : vector<16x256xf32>
      %get3A_63 = arith.constant 0 : index
      %get3A_64 = arith.constant 0 : index
      %get3A_65 = vector.load %arg5[%get3A_63, %get3A_64] : memref<256x512xf32, #tpu.memory_space<vmem>>, vector<256x512xf32>
      %dot_general3A_66 = arith.constant dense<0.000000e+00> : vector<16x512xf32>
      %dot_general3A_67 = tpu.matmul %max3A_62, %get3A_65, %dot_general3A_66 {dimension_numbers = #tpu.dot_dimension_numbers<[1], [0], [0], [1], [0, 0, 1, 1], [], []>, precision = #tpu.contract_precision<fp32>, transpose_lhs_hint = false} : vector<16x256xf32>, vector<256x512xf32>, vector<16x512xf32> -> vector<16x512xf32>
      %get3A_68 = arith.constant 0 : index
      %get3A_69 = arith.constant 0 : index
      %get3A_70 = vector.load %arg6[%get3A_68, %get3A_69] : memref<1x512xf32, #tpu.memory_space<vmem>>, vector<1x512xf32>
      %add3A_71 = vector.broadcast %get3A_70 : vector<1x512xf32> to vector<16x512xf32>
      %add3A_72 = arith.addf %dot_general3A_67, %add3A_71 : vector<16x512xf32>
      %swap3A_73 = arith.constant 0 : index
      %swap3A_74 = arith.constant 0 : index
      %swap3A_75 = vector.load %arg7[%swap3A_73, %swap3A_74] : memref<16x512xf32, #tpu.memory_space<vmem>>, vector<16x512xf32>
      tpu.vector_store %arg7[%swap3A_73, %swap3A_74], %add3A_72 {strides = array<i32>} : memref<16x512xf32, #tpu.memory_space<vmem>>, vector<16x512xf32>,
    } else {
    }
    return
  }
  func.func @transform_0(%arg0: i32) -> (i32, i32, i32) {
    %c0_i32 = arith.constant 0 : i32
    %c0_i32_0 = arith.constant 0 : i32
    %c0_i32_1 = arith.constant 0 : i32
    return %c0_i32, %arg0, %c0_i32_0 : i32, i32, i32
  }
  func.func @transform_1(%arg0: i32) -> (i32, i32, i32) {
    %c0_i32 = arith.constant 0 : i32
    %c0_i32_0 = arith.constant 0 : i32
    %c0_i32_1 = arith.constant 0 : i32
    return %arg0, %c0_i32, %c0_i32_0 : i32, i32, i32
  }
  func.func @transform_2(%arg0: i32) -> (i32, i32) {
    %c0_i32 = arith.constant 0 : i32
    %c0_i32_0 = arith.constant 0 : i32
    %c0_i32_1 = arith.constant 0 : i32
    return %c0_i32, %c0_i32_0 : i32, i32
  }
  func.func @transform_3(%arg0: i32) -> (i32, i32) {
    %c0_i32 = arith.constant 0 : i32
    %c0_i32_0 = arith.constant 0 : i32
    %c0_i32_1 = arith.constant 0 : i32
    return %c0_i32, %c0_i32_0 : i32, i32
  }
  func.func @transform_4(%arg0: i32) -> (i32, i32) {
    %c0_i32 = arith.constant 0 : i32
    %c0_i32_0 = arith.constant 0 : i32
    %c0_i32_1 = arith.constant 0 : i32
    return %c0_i32, %c0_i32_0 : i32, i32
  }
  func.func @transform_5(%arg0: i32) -> (i32, i32) {
    %c0_i32 = arith.constant 0 : i32
    %c0_i32_0 = arith.constant 0 : i32
    %c0_i32_1 = arith.constant 0 : i32
    return %c0_i32, %c0_i32_0 : i32, i32
  }
  func.func @transform_6(%arg0: i32) -> (i32, i32) {
    %c0_i32 = arith.constant 0 : i32
    %c0_i32_0 = arith.constant 0 : i32
    %c0_i32_1 = arith.constant 0 : i32
    return %c0_i32, %c0_i32_0 : i32, i32
  }
}

</mosaic_0001>

<sc_bundles>
// kernel: kernel.12.cloned.1.call-start
scs
__scs_entry_jumppad:
0x0: {  	(pc) =	sbr.rel $0x88, $3  }
0x1: {  	(tag) =	ssettag $0x0;
	lr =	simm.s32 $0x1  }
0x2: {  	[smem:$0x3F93] =	sst lr;
	_ =	strace $0xD0000000  }
0x3: {  	_ = 	snop  }
0x4: {  	_ = 	snop  }
0x5: {  	_ = 	snop  }
0x6: {  	_ = 	snop  }
0x7: {  	_ = 	snop  }
__scs_overlays_trampoline_lowered:
0x8: {  	[smem:$0x3FA2] =	sst s0  }
0x9: {  	[smem:$0x3FA3] =	sst s1  }
0xa: {  	[smem:$0x3FA4] =	sst s2  }
0xb: {  	[smem:$0x3FA5] =	sst s3  }
0xc: {  	[smem:$0x3FA6] =	sst s4  }
0xd: {  	[smem:$0x3FA7] =	sst s5  }
0xe: {  	[smem:$0x3FA8] =	sst s6  }
0xf: {  	[smem:$0x3FA9] =	sst s7  }
0x10: {  	[smem:$0x3FAA] =	sst s8  }
0x11: {  	[smem:$0x3FAB] =	sst s9;
	s0 =	simm.s32 @!p0 $0x0  }
0x12: {  	s1 =	sld [smem:$0x3F91];
	s0 =	simm.s32 @p0 $0x1  }
0x13: {  	[smem:$0x3FAC] =	sst s0;
	s0 =	simm.s32 @!p1 $0x0  }
0x14: {  	s2 =	sld [smem:$0x3F90];
	s0 =	simm.s32 @p1 $0x1  }
0x15: {  	[smem:$0x3FAD] =	sst s0;
	s0 =	simm.s32 @!p2 $0x0  }
0x16: {  	s3 =	sld [smem:$0x3FDB];
	s0 =	simm.s32 @p2 $0x1  }
0x17: {  	s4 =	simm.s32 $0x1BF5;
	[smem:$0x3FAF] =	sst s0  }
0x18: {  	s0 =	sld [smem:$0x3F92];
	_ =	swait.ge [sflag:s4], $0x0  }
0x19: {  	s7 =	sld [smem:$0x3F93]  }
0x1a: {  	s8 =	sadd.s32 $0xFFFFE003, lr  }
0x1b: {  	s9 =	sadd.s32 $0xFFFFFEF7, lr;
	s5 =	simm.s32 $0xFFFFFFFF;
	p2 =	slt.u32 s8, $0xFFFFF086  }
0x1c: {  	p1 =	slt.u32 s9, $0xF7A;
	s5 =	simm.s32 @!p2 $0x0  }
0x1d: {  	s5 =	simm.s32 @p1 $0x1;
	p0 =	seq.s32 s7, s2  }
0x1e: {  	s7 =	smul.u32 @!p0 $0xF7A, s2;
	p2 =	seq.s32 @!p0 s5, $0x0  }
0x1f: {  	s9 =	smul.u32 $0xF7A, s1;
	s8 =	simm.s32 @!p0 $0x1BF5;
	p2 =	por !p2, p0  }
0x20: {  	[sflag:s8] =	ssyncset.s32 @!p0 $0xFFFFF086;
	s6 =	sadd.s32 @!p0 s3, s7;
	s7 =	simm.s32 @!p0 $0x108  }
0x21: {  	s3 =	sadd.s32 s3, s9;
	s6 =	sadd.s32 @!p0 $0x88, s6;
	s7 =	simm.s32 @p2 $0x1082  }
0x22: {  	[simem:s7], [sflag:s8] =	dma.local @!p0 [hbm:s6], $0xF7A  }
0x23: {  	s9 =	sor.u32 $0xD0000000, s2;
	s6 =	simm.s32 $0x108;
	_ =	swait.ge @!p0 [sflag:s8], $0x0  }
0x24: {  	s3 =	sadd.s32 $0x88, s3;
	s6 =	simm.s32 @!p1 $0x1082;
	[sflag:s4] =	ssyncset.s32 $0xFFFFF086  }
0x25: {  	[simem:s6], [sflag:s4] =	dma.local [hbm:s3], $0xF7A  }
0x26: {  	[smem:$0x3F93] =	sst s1;
	(tag) =	ssettag s2;
	_ =	strace s9  }
0x27: {  	s1 =	sld [smem:$0x3FA3]  }
0x28: {  	s2 =	sld [smem:$0x3FA4]  }
0x29: {  	s4 =	sld [smem:$0x3FA6]  }
0x2a: {  	p0 =	seq.s32 s5, $0x0;
	s5 =	sld [smem:$0x3FA7]  }
0x2b: {  	s6 =	sld [smem:$0x3FA8]  }
0x2c: {  	s7 =	sld [smem:$0x3FA9]  }
0x2d: {  	s3 =	simm.s32 $0x108;
	s8 =	sld [smem:$0x3FAA]  }
0x2e: {  	s3 =	simm.s32 @!p0 $0x1082;
	s9 =	sld [smem:$0x3FAB]  }
0x2f: {  	lr =	sadd.s32 s0, s3;
	s0 =	sld [smem:$0x3FA2]  }
0x30: {  	s3 =	sld [smem:$0x3FA5]  }
0x31: {  	[smem:$0x3FAE] =	sst s10  }
0x32: {  	s10 =	sld [smem:$0x3FAC];
	_ =	sdelay $0x3  }
0x33: {  	p0 =	seq.s32 s10, $0x1;
	s10 =	sld [smem:$0x3FAE];
	_ =	sdelay $0x3  }
0x34: {  	[smem:$0x3FAE] =	sst s10  }
0x35: {  	s10 =	sld [smem:$0x3FAD];
	_ =	sdelay $0x3  }
0x36: {  	p1 =	seq.s32 s10, $0x1;
	s10 =	sld [smem:$0x3FAE];
	_ =	sdelay $0x3  }
0x37: {  	[smem:$0x3FAE] =	sst s10  }
0x38: {  	s10 =	sld [smem:$0x3FAF]  }
0x39: {  	_ = 	snop;
	(pc) =	sbr.ind lr, $3  }
0x3a: {  	_ = 	snop  }
0x3b: {  	_ = 	snop  }
0x3c: {  	p2 =	seq.s32 s10, $0x1;
	s10 =	sld [smem:$0x3FAE]  }
0x3d: {  	_ =	shalt  }
0x3e: {  	_ =	shalt  }
0x3f: {  	_ =	shalt  }
0x40: {  	_ =	shalt  }
0x41: {  	_ =	shalt  }
0x42: {  	_ =	shalt  }
0x43: {  	_ =	shalt  }
0x44: {  	_ =	shalt  }
0x45: {  	_ =	shalt  }
0x46: {  	_ =	shalt  }
0x47: {  	_ =	shalt  }
0x48: {  	_ =	shalt  }
0x49: {  	_ =	shalt  }
0x4a: {  	_ =	shalt  }
0x4b: {  	_ =	shalt  }
0x4c: {  	_ =	shalt  }
0x4d: {  	_ =	shalt  }
0x4e: {  	_ =	shalt  }
0x4f: {  	_ =	shalt  }
0x50: {  	_ =	shalt  }
0x51: {  	_ =	shalt  }
0x52: {  	_ =	shalt  }
0x53: {  	_ =	shalt  }
0x54: {  	_ =	shalt  }
0x55: {  	_ =	shalt  }
0x56: {  	_ =	shalt  }
0x57: {  	_ =	shalt  }
0x58: {  	_ =	shalt  }
0x59: {  	_ =	shalt  }
0x5a: {  	_ =	shalt  }
0x5b: {  	_ =	shalt  }
0x5c: {  	_ =	shalt  }
0x5d: {  	_ =	shalt  }
0x5e: {  	_ =	shalt  }
0x5f: {  	_ =	shalt  }
0x60: {  	_ =	shalt  }
0x61: {  	_ =	shalt  }
0x62: {  	_ =	shalt  }
0x63: {  	_ =	shalt  }
0x64: {  	_ =	shalt  }
0x65: {  	_ =	shalt  }
0x66: {  	_ =	shalt  }
0x67: {  	_ =	shalt  }
0x68: {  	_ =	shalt  }
0x69: {  	_ =	shalt  }
0x6a: {  	_ =	shalt  }
0x6b: {  	_ =	shalt  }
0x6c: {  	_ =	shalt  }
0x6d: {  	_ =	shalt  }
0x6e: {  	_ =	shalt  }
0x6f: {  	_ =	shalt  }
0x70: {  	_ =	shalt  }
0x71: {  	_ =	shalt  }
0x72: {  	_ =	shalt  }
0x73: {  	_ =	shalt  }
0x74: {  	_ =	shalt  }
0x75: {  	_ =	shalt  }
0x76: {  	_ =	shalt  }
0x77: {  	_ =	shalt  }
0x78: {  	_ =	shalt  }
0x79: {  	_ =	shalt  }
0x7a: {  	_ =	shalt  }
0x7b: {  	_ =	shalt  }
0x7c: {  	_ =	shalt  }
0x7d: {  	_ =	shalt  }
0x7e: {  	_ =	shalt  }
0x7f: {  	_ =	shalt  }
0x80: {  	_ =	shalt  }
0x81: {  	_ =	shalt  }
0x82: {  	_ =	shalt  }
0x83: {  	_ =	shalt  }
0x84: {  	_ =	shalt  }
0x85: {  	_ =	shalt  }
0x86: {  	_ =	shalt  }
0x87: {  	_ =	shalt  }
.Lfunc_end0:
.L_simem_size_0:
called_computation_lowered:
.L_overlay_start_0:
0x88: {  	s2 =	sld [smem:$0x3FD9]  }
0x89: {  	s3 =	sld [smem:$0x3FFE];
	_ =	sdelay $0x1  }
0x8a: {  	s1 =	srdreg.scid  }
0x8b: {  	s0 =	sand.u32 $0x1, s1  }
0x8c: {  	s16 =	sshll.u32 s0, $0xA;
	s2 =	sadd.s32 s3, s2  }
0x8d: {  	s2 =	sadd.s32 s2, s16  }
0x8e: {  	[smem:$0x3FBA] =	sst s2  }
0x8f: {  	_ = 	snop  }
0x90: {  	(tm) =	ssettm $0x1  }
0x91: {  	s17 =	sld [smem:$0x3FFB];
	_ =	sdelay $0x3  }
0x92: {  	_ =	strace s17  }
0x93: {  	s2 =	sld [smem:$0x3FFC];
	_ =	sdelay $0x3  }
0x94: {  	_ =	strace s2  }
0x95: {  	s2 =	sld [smem:$0x3FFD];
	_ =	sdelay $0x3  }
0x96: {  	_ =	strace s2  }
0x97: {  	_ =	strace $0x8FFFFFFF  }
0x98: {  	s18 =	sld [smem:$0x3FDB];
	_ =	sdelay $0x1  }
0x99: {  	s19 =	simm.s32 $_scs_section_size  }
0x9a: {  	s4 =	simm.s32 $_size__tile_overlayer_lowered;
	s5 =	simm.s32 $_tile_overlayer_lowered  }
0x9b: {  	s22 =	simm.s32 $0x1BFF;
	s21 =	sshll.u32 s5, $0x1;
	s2 =	sadd.s32 s19, s18  }
0x9c: {  	s6 =	simm.s32 $0x0;
	s20 =	sshll.u32 s4, $0x1;
	s4 =	sadd.s32 s21, s2  }
0x9d: {  	[timem:s6], [sflag:s22] =	dma.local [hbm:s4], s20  }
0x9e: {  	_ =	swait.ge [sflag:s22], s20  }
0x9f: {  	s3 =	ssub.s32 $0x0, s20;
	[sflag:s22] =	ssyncset.done $0x0  }
0xa0: {  	[sflag:s22] =	ssyncadd.s32 s3;
	_ =	sdelay $0x1  }
0xa1: {  	s23 =	simm.s32 $0x1B8B  }
0xa2: {  	_ =	swait.ge [sflag:s23], $0x1  }
0xa3: {  	[sflag:s23] =	ssyncset.done $0x0  }
0xa4: {  	s25 =	simm.s32 $0x1B8E;
	s24 =	sld [smem:$0x3FFE];
	[sflag:s23] =	ssyncadd.s32 $0xFFFFFFFF  }
0xa5: {  	s26 =	simm.s32 $execute0_lowered;
	[smem:$0x3FD2] =	sst s25  }
0xa6: {  	s4 =	sshll.u32 s26, $0x1;
	_ =	strace $0x80000046;
	[dreg:$0x1] =	wrdreg $0xFFFFFFFF  }
0xa7: {  	s28 =	simm.s32 $_size_execute0_lowered;
	s2 =	sadd.s32 s2, s4;
	[dreg:$0x0] =	wrdreg $0x0  }
0xa8: {  	s4 =	sshll.u32 s28, $0x1;
	[dreg:$0x2] =	wrdreg s2  }
0xa9: {  	[dreg:$0x3] =	wrdreg s4  }
0xaa: {  	[dreg:$0x4] =	wrdreg $0xC0  }
0xab: {  	_ =	task [dreg:s6], $0x5FFFF  }
0xac: {  	[dreg:$0x1] =	wrdreg $0xFFFFFFFF  }
0xad: {  	[dreg:$0x0] =	wrdreg $0x60  }
0xae: {  	[dreg:$0x2] =	wrdreg s24  }
0xaf: {  	[dreg:$0x3] =	wrdreg $0xB0000  }
0xb0: {  	[dreg:$0x4] =	wrdreg $0x9  }
0xb1: {  	_ =	task.clear_ibuf [dreg:s6], $0x5FFFF;
	_ =	strace $0x90000046  }
0xb2: {  	s29 =	simm.s32 $0x9;
	_ =	strace $0x80000048  }
0xb3: {  	_ =	swait.ge [sflag:s29], $0x1  }
0xb4: {  	[sflag:s29] =	ssyncadd.s32 $0xFFFFFFFF  }
0xb5: {  	_ =	strace $0x90000048  }
0xb6: {  	_ =	sfence  }
0xb7: {  	s30 =	sld [smem:$0x0];
	_ =	sdelay $0x2  }
0xb8: {  	s31 =	sshll.u32 s1, $0xD;
	s1 =	sshrl.u32 s1, $0x2  }
0xb9: {  	s3 =	sand.u32 $0x4000, s31;
	s1 =	sadd.s32 s1, s30  }
0xba: {  	s0 =	sor.u32 s3, s0;
	s1 =	sshll.u32 s1, $0x11  }
0xbb: {  	s0 =	sor.u32 s1, s0  }
0xbc: {  	s0 =	sadd.s32 $0x8F2B, s0  }
0xbd: {  	[sflag:s0] =	ssyncadd.remote.s32 $0x1  }
0xbe: {  	_ =	sfence.sel $0xFFFF  }
0xbf: {  	[dreg:$0x0] =	wrdreg $0xFFFFFFFF;
	(pc) =	sbr.abs _section_cstart, $3  }
0xc0: {  	[dreg:$0x1] =	wrdreg $0xFFFFFFFF  }
0xc1: {  	_ =	task.clear_ibuf [dreg:s6], $0x2FFFF;
	_ =	strace $0x9FFFFFFF  }
0xc2: {  	(tm) =	ssettm $0x7FFFFFFF  }
0xc3: {  	_ =	shalt  }
tec
execute0_lowered:
.L_overlay_start_1:
0x0: {  	(tag) =	ssettag $0x1  }
0x1: {  	s0 =	rddreg [dreg:$0x0]  }
0x2: {  	s1 =	rddreg [dreg:$0x1];
	s3 =	simm.s32 $0x0;
	s2 =	srdreg.scid  }
0x3: {  	s8 =	stileid.u32;
	s11 =	simm.s32 $0x80;
	s13 =	simm.s32 $0x100  }
0x4: {  	s15 =	simm.s32 $0x180;
	s17 =	simm.s32 $0x200;
	[smem:$0x7FF] =	sst s3  }
0x5: {  	s19 =	simm.s32 $0x280;
	_ =	strace $0x80000047;
	[dreg:$0x5] =	wrdreg s11  }
0x6: {  	s20 =	simm.s32 $0x880;
	s21 =	simm.s32 $0x300;
	[dreg:$0x6] =	wrdreg s13  }
0x7: {  	s22 =	simm.s32 $0x900;
	s23 =	simm.s32 $0x380;
	[dreg:$0x7] =	wrdreg s15  }
0x8: {  	s24 =	simm.s32 $0x980;
	s25 =	simm.s32 $0x400;
	[dreg:$0x8] =	wrdreg s17  }
0x9: {  	s28 =	simm.s32 $0x2;
	s29 =	simm.s32 $0x7;
	[dreg:$0x9] =	wrdreg s19  }
0xa: {  	s30 =	simm.s32 $0x3;
	s31 =	simm.s32 $0x8;
	[dreg:$0xa] =	wrdreg s20  }
0xb: {  	s2 =	sand.u32 $0x1, s2;
	s6 =	smul.u32 $0x50000, s8;
	[dreg:$0xb] =	wrdreg s21  }
0xc: {  	s4 =	sshll.u32 s8, $0xD;
	s5 =	smul.u32 $0x28000, s2;
	[dreg:$0xc] =	wrdreg s22  }
0xd: {  	s4 =	sadd.s32 s4, s0;
	s2 =	ssub.s32 $0x2, s2;
	[dreg:$0xd] =	wrdreg s23  }
0xe: {  	s17 =	simm.s32 $0xB;
	s19 =	simm.s32 $0x40;
	[dreg:$0xe] =	wrdreg s24  }
0xf: {  	s20 =	simm.s32 $0x3000;
	[dreg:$0xf] =	wrdreg s25;
	s7 =	sadd.s32 $0x3E00, s4  }
0x10: {  	s6 =	sshrl.u32 s6, $0x2;
	s4 =	sadd.s32 $0x23E00, s4;
	[dreg:$0x3] =	wrdreg s7  }
0x11: {  	s26 =	sshrl.u32 s2, $0x1;
	s6 =	sadd.s32 s6, s1;
	[dreg:$0x4] =	wrdreg s4  }
0x12: {  	s2 =	ssub.s32 s2, s26;
	s26 =	simm.s32 $0xA00;
	[dreg:$0x11] =	wrdreg s6  }
0x13: {  	s21 =	simm.s32 $0x5000;
	s2 =	smax.u32 s2, $0x1;
	[dreg:$0x10] =	wrdreg s26  }
0x14: {  	s22 =	simm.s32 $0x7000;
	s7 =	sadd.s32 $0x2000, s6;
	[dreg:$0x12] =	wrdreg s2  }
0x15: {  	s4 =	smul.u32 $0x2800, s8;
	s8 =	sadd.s32 $0x4000, s6;
	[dreg:$0x13] =	wrdreg s7  }
0x16: {  	s23 =	simm.s32 $0x9000;
	s9 =	sadd.s32 $0x6000, s6;
	[dreg:$0x14] =	wrdreg s8  }
0x17: {  	s25 =	simm.s32 $0x1;
	s10 =	sadd.s32 $0x8000, s6;
	[dreg:$0x15] =	wrdreg s9  }
0x18: {  	s11 =	simm.s32 $0xB80;
	s12 =	sadd.s32 $0xA000, s6;
	[dreg:$0x16] =	wrdreg s10  }
0x19: {  	s13 =	simm.s32 $0xC80;
	s14 =	sadd.s32 $0xC000, s6;
	[dreg:$0x17] =	wrdreg s12  }
0x1a: {  	s0 =	sadd.s32 s5, s0;
	s16 =	sadd.s32 $0xE000, s6;
	[dreg:$0x18] =	wrdreg s14  }
0x1b: {  	s5 =	sadd.s32 $0x43E00, s0;
	s18 =	sadd.s32 $0x10000, s6;
	[dreg:$0x19] =	wrdreg s16  }
0x1c: {  	s0 =	sadd.s32 $0x93E00, s0;
	s6 =	sadd.s32 $0x12000, s6;
	[dreg:$0x1a] =	wrdreg s18  }
0x1d: {  	s26 =	simm.s32 $0x6;
	[dreg:$0x1b] =	wrdreg s6;
	s16 =	simm.s32 $0x1000  }
0x1e: {  	s18 =	simm.s32 $0x800;
	s0 =	sadd.s32 s4, s0;
	s2 =	simm.s32 $0x9  }
0x1f: {  	s6 =	simm.s32 $0x5;
	s7 =	simm.s32 $0xA;
	s8 =	simm.s32 $0x480  }
0x20: {  	s9 =	simm.s32 $0xA80;
	s10 =	simm.s32 $0xB00;
	s12 =	simm.s32 $0xC00  }
0x21: {  	v0 =	vimm.f32 $0.0e+00;
	s14 =	simm.s32 $0x0;
	[dreg:$0x1c] =	wrdreg s0;
	s0 =	simm.s32 $0x4  }
.LBB2_1:
0x22: {  	s15 =	simm.s32 $0x0;
	s24 =	simm.s32 $0x200  }
.LBB2_2:
0x23: {  	p0 =	sne.s32 s24, $0x7E00;
	[tilespmem:s15+$0x1070] =	vst v0  }
0x24: {  	[tilespmem:s15+$0x1000] =	vst v0  }
0x25: {  	[tilespmem:s15+$0x1010] =	vst v0  }
.Ltmp0:
0x26: {  	[tilespmem:s15+$0x1020] =	vst v0;
	(pc) =	sbr.rel @p0 .LBB2_2-.Ltmp0, $4  }
0x27: {  	[tilespmem:s15+$0x1030] =	vst v0  }
0x28: {  	[tilespmem:s15+$0x1040] =	vst v0  }
0x29: {  	[tilespmem:s15+$0x1050] =	vst v0  }
0x2a: {  	[tilespmem:s15+$0x1060] =	vst v0;
	s15 =	sshra.s32 s24, $0x2;
	s24 =	sadd.s32 $0x200, s24  }
0x2b: {  	[tilespmem:s15+$0x1070] =	vst v0  }
0x2c: {  	[tilespmem:s15+$0x1000] =	vst v0  }
0x2d: {  	[tilespmem:s15+$0x1010] =	vst v0  }
0x2e: {  	[tilespmem:s15+$0x1020] =	vst v0  }
0x2f: {  	[tilespmem:s15+$0x1030] =	vst v0  }
0x30: {  	[tilespmem:s15+$0x1040] =	vst v0  }
0x31: {  	[dreg:$0x1d] =	wrdreg s14;
	[tilespmem:s15+$0x1050] =	vst v0  }
0x32: {  	[tilespmem:s15+$0x1060] =	vst v0;
	s4 =	rddreg [dreg:$0x11]  }
0x33: {  	[spmem:s4] =	stream.linear.scatter [tilespmem:s16], [sflag:$0xB], $0x2000, $0x38;
	[tilespmem:$0x1F000] =	vst v63  }
0x34: {  	_ =	swait.ge [sflag:s17], $0x2000  }
0x35: {  	[sflag:s17] =	ssyncset.done $0x0  }
0x36: {  	s14 =	rddreg [dreg:$0x13];
	[sflag:s17] =	ssyncadd.s32 $0xFFFFE000  }
0x37: {  	[spmem:s14] =	stream.linear.scatter [tilespmem:s16], [sflag:$0xB], $0x2000, $0x38;
	[tilespmem:$0x1F000] =	vst v63  }
0x38: {  	_ =	swait.ge [sflag:s17], $0x2000  }
0x39: {  	[sflag:s17] =	ssyncset.done $0x0  }
0x3a: {  	s15 =	rddreg [dreg:$0x14];
	[sflag:s17] =	ssyncadd.s32 $0xFFFFE000  }
0x3b: {  	[spmem:s15] =	stream.linear.scatter [tilespmem:s16], [sflag:$0xB], $0x2000, $0x38;
	[tilespmem:$0x1F000] =	vst v63  }
0x3c: {  	_ =	swait.ge [sflag:s17], $0x2000  }
0x3d: {  	[sflag:s17] =	ssyncset.done $0x0  }
0x3e: {  	s24 =	rddreg [dreg:$0x15];
	[sflag:s17] =	ssyncadd.s32 $0xFFFFE000  }
0x3f: {  	[spmem:s24] =	stream.linear.scatter [tilespmem:s16], [sflag:$0xB], $0x2000, $0x38;
	[tilespmem:$0x1F000] =	vst v63  }
0x40: {  	_ =	swait.ge [sflag:s17], $0x2000  }
0x41: {  	[sflag:s17] =	ssyncset.done $0x0  }
0x42: {  	s14 =	rddreg [dreg:$0x16];
	[sflag:s17] =	ssyncadd.s32 $0xFFFFE000  }
0x43: {  	[spmem:s14] =	stream.linear.scatter [tilespmem:s16], [sflag:$0xB], $0x2000, $0x38;
	[tilespmem:$0x1F000] =	vst v63  }
0x44: {  	_ =	swait.ge [sflag:s17], $0x2000  }
0x45: {  	[sflag:s17] =	ssyncset.done $0x0  }
0x46: {  	s15 =	rddreg [dreg:$0x17];
	[sflag:s17] =	ssyncadd.s32 $0xFFFFE000  }
0x47: {  	[spmem:s15] =	stream.linear.scatter [tilespmem:s16], [sflag:$0xB], $0x2000, $0x38;
	[tilespmem:$0x1F000] =	vst v63  }
0x48: {  	_ =	swait.ge [sflag:s17], $0x2000  }
0x49: {  	[sflag:s17] =	ssyncset.done $0x0  }
0x4a: {  	s24 =	rddreg [dreg:$0x18];
	[sflag:s17] =	ssyncadd.s32 $0xFFFFE000  }
0x4b: {  	[spmem:s24] =	stream.linear.scatter [tilespmem:s16], [sflag:$0xB], $0x2000, $0x38;
	[tilespmem:$0x1F000] =	vst v63  }
0x4c: {  	_ =	swait.ge [sflag:s17], $0x2000  }
0x4d: {  	[sflag:s17] =	ssyncset.done $0x0  }
0x4e: {  	s14 =	rddreg [dreg:$0x19];
	[sflag:s17] =	ssyncadd.s32 $0xFFFFE000  }
0x4f: {  	[spmem:s14] =	stream.linear.scatter [tilespmem:s16], [sflag:$0xB], $0x2000, $0x38;
	[tilespmem:$0x1F000] =	vst v63  }
0x50: {  	_ =	swait.ge [sflag:s17], $0x2000  }
0x51: {  	[sflag:s17] =	ssyncset.done $0x0  }
0x52: {  	s15 =	rddreg [dreg:$0x1a];
	[sflag:s17] =	ssyncadd.s32 $0xFFFFE000  }
0x53: {  	[spmem:s15] =	stream.linear.scatter [tilespmem:s16], [sflag:$0xB], $0x2000, $0x38;
	[tilespmem:$0x1F000] =	vst v63  }
0x54: {  	_ =	swait.ge [sflag:s17], $0x2000  }
0x55: {  	[sflag:s17] =	ssyncset.done $0x0  }
0x56: {  	s24 =	rddreg [dreg:$0x1b];
	[sflag:s17] =	ssyncadd.s32 $0xFFFFE000  }
0x57: {  	[spmem:s24] =	stream.linear.scatter [tilespmem:s16], [sflag:$0xB], $0x2000, $0x38;
	[tilespmem:$0x1F000] =	vst v63  }
0x58: {  	_ =	swait.ge [sflag:s17], $0x2000  }
0x59: {  	[sflag:s17] =	ssyncset.done $0x0  }
0x5a: {  	[sflag:s17] =	ssyncadd.s32 $0xFFFFE000  }
0x5b: {  	[bflag:$0x0] =	sbarrier.arrive $0xFFFF  }
0x5c: {  	s14 =	rddreg [dreg:$0x3]  }
0x5d: {  	s4 =	sadd.s32 $0x0, s14  }
0x5e: {  	[tilespmem:s3], [sflag:$0xB] =	stream.linear.gather [hbm4b:s4+s3], $0x500, $0x38;
	[tilespmem:$0x1F000] =	vst v63  }
0x5f: {  	_ =	swait.ge [sflag:s17], $0x500  }
0x60: {  	s15 =	rddreg [dreg:$0x4];
	[sflag:s17] =	ssyncset.done $0x0  }
0x61: {  	[sflag:s17] =	ssyncadd.s32 $0xFFFFFB00;
	s4 =	sadd.s32 $0x0, s15  }
0x62: {  	[tilespmem:s18], [sflag:$0xB] =	stream.linear.gather [hbm4b:s4+s3], $0x500, $0x38;
	[tilespmem:$0x1F000] =	vst v63  }
0x63: {  	_ =	swait.ge [sflag:s17], $0x500  }
0x64: {  	[sflag:s17] =	ssyncset.done $0x0  }
0x65: {  	[sflag:s17] =	ssyncadd.s32 $0xFFFFFB00  }
0x66: {  	[tilespmem:s16], [sflag:$0x1] =	stream.indirect.gather [hbm4b:s5+s19], $0x80, s3, s19, $0xb8;
	[tilespmem:$0x1F000] =	vst v63  }
0x67: {  	s24 =	rddreg [dreg:$0x5]  }
0x68: {  	[tilespmem:s20], [sflag:$0x2] =	stream.indirect.gather [hbm4b:s5+s19], $0x80, s24, s19, $0xb8;
	[tilespmem:$0x1F000] =	vst v63  }
0x69: {  	s14 =	rddreg [dreg:$0x6]  }
0x6a: {  	[tilespmem:s21], [sflag:$0x3] =	stream.indirect.gather [hbm4b:s5+s19], $0x80, s14, s19, $0xb8;
	[tilespmem:$0x1F000] =	vst v63  }
0x6b: {  	s24 =	rddreg [dreg:$0x7]  }
0x6c: {  	[tilespmem:s22], [sflag:$0x4] =	stream.indirect.gather [hbm4b:s5+s19], $0x80, s24, s19, $0xb8;
	[tilespmem:$0x1F000] =	vst v63  }
0x6d: {  	s14 =	rddreg [dreg:$0x8]  }
0x6e: {  	[tilespmem:s23], [sflag:$0x5] =	stream.indirect.gather [hbm4b:s5+s19], $0x80, s14, s19, $0xb8;
	[tilespmem:$0x1F000] =	vst v63  }
0x6f: {  	_ =	swait.ge [sflag:s25], $0x2000  }
0x70: {  	[sflag:s25] =	ssyncset.done $0x0  }
0x71: {  	[sflag:s25] =	ssyncadd.s32 $0xFFFFE000  }
0x72: {  	[spmem:s1] =	stream.indirect.scatter.add.f32 [tilespmem:s16], [sflag:$0x6], $0x80, s18, s19, $0xb8;
	[tilespmem:$0x1F000] =	vst v63  }
0x73: {  	_ =	swait.ge [sflag:s26], $0x2000  }
0x74: {  	[sflag:s26] =	ssyncset.done $0x0  }
0x75: {  	s15 =	rddreg [dreg:$0x9];
	[sflag:s26] =	ssyncadd.s32 $0xFFFFE000  }
0x76: {  	[tilespmem:s16], [sflag:$0x1] =	stream.indirect.gather [hbm4b:s5+s19], $0x80, s15, s19, $0xb8;
	[tilespmem:$0x1F000] =	vst v63  }
0x77: {  	_ =	swait.ge [sflag:s28], $0x2000  }
0x78: {  	[sflag:s28] =	ssyncset.done $0x0  }
0x79: {  	s24 =	rddreg [dreg:$0xa];
	[sflag:s28] =	ssyncadd.s32 $0xFFFFE000  }
0x7a: {  	[spmem:s1] =	stream.indirect.scatter.add.f32 [tilespmem:s20], [sflag:$0x7], $0x80, s24, s19, $0xb8;
	[tilespmem:$0x1F000] =	vst v63  }
0x7b: {  	_ =	swait.ge [sflag:s29], $0x2000  }
0x7c: {  	[sflag:s29] =	ssyncset.done $0x0  }
0x7d: {  	s14 =	rddreg [dreg:$0xb];
	[sflag:s29] =	ssyncadd.s32 $0xFFFFE000  }
0x7e: {  	[tilespmem:s20], [sflag:$0x2] =	stream.indirect.gather [hbm4b:s5+s19], $0x80, s14, s19, $0xb8;
	[tilespmem:$0x1F000] =	vst v63  }
0x7f: {  	_ =	swait.ge [sflag:s30], $0x2000  }
0x80: {  	[sflag:s30] =	ssyncset.done $0x0  }
0x81: {  	s15 =	rddreg [dreg:$0xc];
	[sflag:s30] =	ssyncadd.s32 $0xFFFFE000  }
0x82: {  	[spmem:s1] =	stream.indirect.scatter.add.f32 [tilespmem:s21], [sflag:$0x8], $0x80, s15, s19, $0xb8;
	[tilespmem:$0x1F000] =	vst v63  }
0x83: {  	_ =	swait.ge [sflag:s31], $0x2000  }
0x84: {  	[sflag:s31] =	ssyncset.done $0x0  }
0x85: {  	s24 =	rddreg [dreg:$0xd];
	[sflag:s31] =	ssyncadd.s32 $0xFFFFE000  }
0x86: {  	[tilespmem:s21], [sflag:$0x3] =	stream.indirect.gather [hbm4b:s5+s19], $0x80, s24, s19, $0xb8;
	[tilespmem:$0x1F000] =	vst v63  }
0x87: {  	_ =	swait.ge [sflag:s0], $0x2000  }
0x88: {  	[sflag:s0] =	ssyncset.done $0x0  }
0x89: {  	s14 =	rddreg [dreg:$0xe];
	[sflag:s0] =	ssyncadd.s32 $0xFFFFE000  }
0x8a: {  	[spmem:s1] =	stream.indirect.scatter.add.f32 [tilespmem:s22], [sflag:$0x9], $0x80, s14, s19, $0xb8;
	[tilespmem:$0x1F000] =	vst v63  }
0x8b: {  	_ =	swait.ge [sflag:s2], $0x2000  }
0x8c: {  	[sflag:s2] =	ssyncset.done $0x0  }
0x8d: {  	s15 =	rddreg [dreg:$0xf];
	[sflag:s2] =	ssyncadd.s32 $0xFFFFE000  }
0x8e: {  	[tilespmem:s22], [sflag:$0x4] =	stream.indirect.gather [hbm4b:s5+s19], $0x80, s15, s19, $0xb8;
	[tilespmem:$0x1F000] =	vst v63  }
0x8f: {  	_ =	swait.ge [sflag:s6], $0x2000  }
0x90: {  	[sflag:s6] =	ssyncset.done $0x0  }
0x91: {  	s24 =	rddreg [dreg:$0x10];
	[sflag:s6] =	ssyncadd.s32 $0xFFFFE000  }
0x92: {  	[spmem:s1] =	stream.indirect.scatter.add.f32 [tilespmem:s23], [sflag:$0xA], $0x80, s24, s19, $0xb8;
	[tilespmem:$0x1F000] =	vst v63  }
0x93: {  	_ =	swait.ge [sflag:s7], $0x2000  }
0x94: {  	[sflag:s7] =	ssyncset.done $0x0  }
0x95: {  	[sflag:s7] =	ssyncadd.s32 $0xFFFFE000  }
0x96: {  	[tilespmem:s23], [sflag:$0x5] =	stream.indirect.gather [hbm4b:s5+s19], $0x80, s8, s19, $0xb8;
	[tilespmem:$0x1F000] =	vst v63  }
0x97: {  	_ =	swait.ge [sflag:s25], $0x2000  }
0x98: {  	[sflag:s25] =	ssyncset.done $0x0  }
0x99: {  	[sflag:s25] =	ssyncadd.s32 $0xFFFFE000  }
0x9a: {  	[spmem:s1] =	stream.indirect.scatter.add.f32 [tilespmem:s16], [sflag:$0x6], $0x80, s9, s19, $0xb8;
	[tilespmem:$0x1F000] =	vst v63  }
0x9b: {  	_ =	swait.ge [sflag:s28], $0x2000  }
0x9c: {  	[sflag:s28] =	ssyncset.done $0x0  }
0x9d: {  	[sflag:s28] =	ssyncadd.s32 $0xFFFFE000  }
0x9e: {  	[spmem:s1] =	stream.indirect.scatter.add.f32 [tilespmem:s20], [sflag:$0x7], $0x80, s10, s19, $0xb8;
	[tilespmem:$0x1F000] =	vst v63  }
0x9f: {  	_ =	swait.ge [sflag:s30], $0x2000  }
0xa0: {  	[sflag:s30] =	ssyncset.done $0x0  }
0xa1: {  	[sflag:s30] =	ssyncadd.s32 $0xFFFFE000  }
0xa2: {  	[spmem:s1] =	stream.indirect.scatter.add.f32 [tilespmem:s21], [sflag:$0x8], $0x80, s11, s19, $0xb8;
	[tilespmem:$0x1F000] =	vst v63  }
0xa3: {  	_ =	swait.ge [sflag:s0], $0x2000  }
0xa4: {  	[sflag:s0] =	ssyncset.done $0x0  }
0xa5: {  	[sflag:s0] =	ssyncadd.s32 $0xFFFFE000  }
0xa6: {  	[spmem:s1] =	stream.indirect.scatter.add.f32 [tilespmem:s22], [sflag:$0x9], $0x80, s12, s19, $0xb8;
	[tilespmem:$0x1F000] =	vst v63  }
0xa7: {  	_ =	swait.ge [sflag:s6], $0x2000  }
0xa8: {  	[sflag:s6] =	ssyncset.done $0x0  }
0xa9: {  	[sflag:s6] =	ssyncadd.s32 $0xFFFFE000  }
0xaa: {  	[spmem:s1] =	stream.indirect.scatter.add.f32 [tilespmem:s23], [sflag:$0xA], $0x80, s13, s19, $0xb8;
	[tilespmem:$0x1F000] =	vst v63  }
0xab: {  	_ =	swait.ge [sflag:s26], $0x2000  }
0xac: {  	[sflag:s26] =	ssyncset.done $0x0  }
0xad: {  	[sflag:s26] =	ssyncadd.s32 $0xFFFFE000  }
0xae: {  	_ =	swait.ge [sflag:s29], $0x2000  }
0xaf: {  	[sflag:s29] =	ssyncset.done $0x0  }
0xb0: {  	[sflag:s29] =	ssyncadd.s32 $0xFFFFE000  }
0xb1: {  	_ =	swait.ge [sflag:s31], $0x2000  }
0xb2: {  	[sflag:s31] =	ssyncset.done $0x0  }
0xb3: {  	[sflag:s31] =	ssyncadd.s32 $0xFFFFE000  }
0xb4: {  	_ =	swait.ge [sflag:s2], $0x2000  }
0xb5: {  	[sflag:s2] =	ssyncset.done $0x0  }
0xb6: {  	[sflag:s2] =	ssyncadd.s32 $0xFFFFE000  }
0xb7: {  	s15 =	simm.s32 $0x100;
	_ =	swait.ge [sflag:s7], $0x2000  }
0xb8: {  	s24 =	simm.s32 $0x200;
	s4 =	rddreg [dreg:$0x3];
	[sflag:s7] =	ssyncset.done $0x0  }
.LBB2_4:
0xb9: {  	[sflag:s7] =	ssyncadd.s32 $0xFFFFE000;
	s4 =	sadd.s32 s15, s4  }
0xba: {  	[tilespmem:s3], [sflag:$0xB] =	stream.linear.gather [hbm4b:s4+s3], $0x500, $0x38;
	[tilespmem:$0x1F000] =	vst v63  }
0xbb: {  	_ =	swait.ge [sflag:s17], $0x500  }
0xbc: {  	s4 =	rddreg [dreg:$0x4];
	[sflag:s17] =	ssyncset.done $0x0  }
0xbd: {  	[sflag:s17] =	ssyncadd.s32 $0xFFFFFB00;
	s4 =	sadd.s32 s15, s4  }
0xbe: {  	[tilespmem:s18], [sflag:$0xB] =	stream.linear.gather [hbm4b:s4+s3], $0x500, $0x38;
	[tilespmem:$0x1F000] =	vst v63  }
0xbf: {  	_ =	swait.ge [sflag:s17], $0x500  }
0xc0: {  	[sflag:s17] =	ssyncset.done $0x0  }
0xc1: {  	[sflag:s17] =	ssyncadd.s32 $0xFFFFFB00  }
0xc2: {  	[tilespmem:s16], [sflag:$0x1] =	stream.indirect.gather [hbm4b:s5+s19], $0x80, s3, s19, $0xb8;
	[tilespmem:$0x1F000] =	vst v63  }
0xc3: {  	s14 =	smov.u32 s24;
	s4 =	rddreg [dreg:$0x5]  }
0xc4: {  	[tilespmem:s20], [sflag:$0x2] =	stream.indirect.gather [hbm4b:s5+s19], $0x80, s4, s19, $0xb8;
	[tilespmem:$0x1F000] =	vst v63  }
0xc5: {  	s15 =	smov.u32 s14;
	s14 =	rddreg [dreg:$0x6]  }
0xc6: {  	[tilespmem:s21], [sflag:$0x3] =	stream.indirect.gather [hbm4b:s5+s19], $0x80, s14, s19, $0xb8;
	[tilespmem:$0x1F000] =	vst v63  }
0xc7: {  	s4 =	rddreg [dreg:$0x7]  }
0xc8: {  	[tilespmem:s22], [sflag:$0x4] =	stream.indirect.gather [hbm4b:s5+s19], $0x80, s4, s19, $0xb8;
	[tilespmem:$0x1F000] =	vst v63  }
0xc9: {  	s14 =	rddreg [dreg:$0x8]  }
0xca: {  	[tilespmem:s23], [sflag:$0x5] =	stream.indirect.gather [hbm4b:s5+s19], $0x80, s14, s19, $0xb8;
	[tilespmem:$0x1F000] =	vst v63  }
0xcb: {  	_ =	swait.ge [sflag:s25], $0x2000  }
0xcc: {  	[sflag:s25] =	ssyncset.done $0x0  }
0xcd: {  	[sflag:s25] =	ssyncadd.s32 $0xFFFFE000  }
0xce: {  	[spmem:s1] =	stream.indirect.scatter.add.f32 [tilespmem:s16], [sflag:$0x6], $0x80, s18, s19, $0xb8;
	[tilespmem:$0x1F000] =	vst v63  }
0xcf: {  	_ =	swait.ge [sflag:s26], $0x2000  }
0xd0: {  	[sflag:s26] =	ssyncset.done $0x0  }
0xd1: {  	s14 =	rddreg [dreg:$0x9];
	[sflag:s26] =	ssyncadd.s32 $0xFFFFE000  }
0xd2: {  	[tilespmem:s16], [sflag:$0x1] =	stream.indirect.gather [hbm4b:s5+s19], $0x80, s14, s19, $0xb8;
	[tilespmem:$0x1F000] =	vst v63  }
0xd3: {  	_ =	swait.ge [sflag:s28], $0x2000  }
0xd4: {  	[sflag:s28] =	ssyncset.done $0x0  }
0xd5: {  	s14 =	rddreg [dreg:$0xa];
	[sflag:s28] =	ssyncadd.s32 $0xFFFFE000  }
0xd6: {  	[spmem:s1] =	stream.indirect.scatter.add.f32 [tilespmem:s20], [sflag:$0x7], $0x80, s14, s19, $0xb8;
	[tilespmem:$0x1F000] =	vst v63  }
0xd7: {  	_ =	swait.ge [sflag:s29], $0x2000  }
0xd8: {  	[sflag:s29] =	ssyncset.done $0x0  }
0xd9: {  	s14 =	rddreg [dreg:$0xb];
	[sflag:s29] =	ssyncadd.s32 $0xFFFFE000  }
0xda: {  	[tilespmem:s20], [sflag:$0x2] =	stream.indirect.gather [hbm4b:s5+s19], $0x80, s14, s19, $0xb8;
	[tilespmem:$0x1F000] =	vst v63  }
0xdb: {  	_ =	swait.ge [sflag:s30], $0x2000  }
0xdc: {  	[sflag:s30] =	ssyncset.done $0x0  }
0xdd: {  	s14 =	rddreg [dreg:$0xc];
	[sflag:s30] =	ssyncadd.s32 $0xFFFFE000  }
0xde: {  	[spmem:s1] =	stream.indirect.scatter.add.f32 [tilespmem:s21], [sflag:$0x8], $0x80, s14, s19, $0xb8;
	[tilespmem:$0x1F000] =	vst v63  }
0xdf: {  	_ =	swait.ge [sflag:s31], $0x2000  }
0xe0: {  	[sflag:s31] =	ssyncset.done $0x0  }
0xe1: {  	s14 =	rddreg [dreg:$0xd];
	[sflag:s31] =	ssyncadd.s32 $0xFFFFE000  }
0xe2: {  	[tilespmem:s21], [sflag:$0x3] =	stream.indirect.gather [hbm4b:s5+s19], $0x80, s14, s19, $0xb8;
	[tilespmem:$0x1F000] =	vst v63  }
0xe3: {  	_ =	swait.ge [sflag:s0], $0x2000  }
0xe4: {  	[sflag:s0] =	ssyncset.done $0x0  }
0xe5: {  	s14 =	rddreg [dreg:$0xe];
	[sflag:s0] =	ssyncadd.s32 $0xFFFFE000  }
0xe6: {  	[spmem:s1] =	stream.indirect.scatter.add.f32 [tilespmem:s22], [sflag:$0x9], $0x80, s14, s19, $0xb8;
	[tilespmem:$0x1F000] =	vst v63  }
0xe7: {  	_ =	swait.ge [sflag:s2], $0x2000  }
0xe8: {  	[sflag:s2] =	ssyncset.done $0x0  }
0xe9: {  	s14 =	rddreg [dreg:$0xf];
	[sflag:s2] =	ssyncadd.s32 $0xFFFFE000  }
0xea: {  	[tilespmem:s22], [sflag:$0x4] =	stream.indirect.gather [hbm4b:s5+s19], $0x80, s14, s19, $0xb8;
	[tilespmem:$0x1F000] =	vst v63  }
0xeb: {  	_ =	swait.ge [sflag:s6], $0x2000  }
0xec: {  	[sflag:s6] =	ssyncset.done $0x0  }
0xed: {  	s14 =	rddreg [dreg:$0x10];
	[sflag:s6] =	ssyncadd.s32 $0xFFFFE000  }
0xee: {  	[spmem:s1] =	stream.indirect.scatter.add.f32 [tilespmem:s23], [sflag:$0xA], $0x80, s14, s19, $0xb8;
	[tilespmem:$0x1F000] =	vst v63  }
0xef: {  	_ =	swait.ge [sflag:s7], $0x2000  }
0xf0: {  	[sflag:s7] =	ssyncset.done $0x0  }
0xf1: {  	[sflag:s7] =	ssyncadd.s32 $0xFFFFE000  }
0xf2: {  	[tilespmem:s23], [sflag:$0x5] =	stream.indirect.gather [hbm4b:s5+s19], $0x80, s8, s19, $0xb8;
	[tilespmem:$0x1F000] =	vst v63  }
0xf3: {  	_ =	swait.ge [sflag:s25], $0x2000  }
0xf4: {  	[sflag:s25] =	ssyncset.done $0x0  }
0xf5: {  	[sflag:s25] =	ssyncadd.s32 $0xFFFFE000  }
0xf6: {  	[spmem:s1] =	stream.indirect.scatter.add.f32 [tilespmem:s16], [sflag:$0x6], $0x80, s9, s19, $0xb8;
	[tilespmem:$0x1F000] =	vst v63  }
0xf7: {  	_ =	swait.ge [sflag:s28], $0x2000  }
0xf8: {  	[sflag:s28] =	ssyncset.done $0x0  }
0xf9: {  	[sflag:s28] =	ssyncadd.s32 $0xFFFFE000  }
0xfa: {  	[spmem:s1] =	stream.indirect.scatter.add.f32 [tilespmem:s20], [sflag:$0x7], $0x80, s10, s19, $0xb8;
	[tilespmem:$0x1F000] =	vst v63  }
0xfb: {  	_ =	swait.ge [sflag:s30], $0x2000  }
0xfc: {  	[sflag:s30] =	ssyncset.done $0x0  }
0xfd: {  	[sflag:s30] =	ssyncadd.s32 $0xFFFFE000  }
0xfe: {  	[spmem:s1] =	stream.indirect.scatter.add.f32 [tilespmem:s21], [sflag:$0x8], $0x80, s11, s19, $0xb8;
	[tilespmem:$0x1F000] =	vst v63  }
0xff: {  	_ =	swait.ge [sflag:s0], $0x2000  }
0x100: {  	[sflag:s0] =	ssyncset.done $0x0  }
0x101: {  	[sflag:s0] =	ssyncadd.s32 $0xFFFFE000  }
0x102: {  	[spmem:s1] =	stream.indirect.scatter.add.f32 [tilespmem:s22], [sflag:$0x9], $0x80, s12, s19, $0xb8;
	[tilespmem:$0x1F000] =	vst v63  }
0x103: {  	_ =	swait.ge [sflag:s6], $0x2000  }
0x104: {  	[sflag:s6] =	ssyncset.done $0x0  }
0x105: {  	[sflag:s6] =	ssyncadd.s32 $0xFFFFE000  }
0x106: {  	[spmem:s1] =	stream.indirect.scatter.add.f32 [tilespmem:s23], [sflag:$0xA], $0x80, s13, s19, $0xb8;
	[tilespmem:$0x1F000] =	vst v63  }
0x107: {  	_ =	swait.ge [sflag:s26], $0x2000  }
0x108: {  	[sflag:s26] =	ssyncset.done $0x0  }
0x109: {  	[sflag:s26] =	ssyncadd.s32 $0xFFFFE000  }
0x10a: {  	_ =	swait.ge [sflag:s29], $0x2000  }
0x10b: {  	[sflag:s29] =	ssyncset.done $0x0  }
0x10c: {  	[sflag:s29] =	ssyncadd.s32 $0xFFFFE000  }
0x10d: {  	_ =	swait.ge [sflag:s31], $0x2000  }
0x10e: {  	[sflag:s31] =	ssyncset.done $0x0  }
0x10f: {  	p0 =	sne.s32 s24, $0x1F00;
	[sflag:s31] =	ssyncadd.s32 $0xFFFFE000  }
.Ltmp1:
0x110: {  	_ =	swait.ge [sflag:s2], $0x2000;
	(pc) =	sbr.rel @p0 .LBB2_4-.Ltmp1, $4  }
0x111: {  	[sflag:s2] =	ssyncset.done $0x0  }
0x112: {  	[sflag:s2] =	ssyncadd.s32 $0xFFFFE000  }
0x113: {  	_ =	swait.ge [sflag:s7], $0x2000  }
0x114: {  	s24 =	sadd.s32 $0x100, s24;
	s4 =	rddreg [dreg:$0x3];
	[sflag:s7] =	ssyncset.done $0x0  }
0x115: {  	[sflag:s7] =	ssyncadd.s32 $0xFFFFE000;
	s4 =	sadd.s32 s15, s4  }
0x116: {  	[tilespmem:s3], [sflag:$0xB] =	stream.linear.gather [hbm4b:s4+s3], $0x500, $0x38;
	[tilespmem:$0x1F000] =	vst v63  }
0x117: {  	_ =	swait.ge [sflag:s17], $0x500  }
0x118: {  	s14 =	rddreg [dreg:$0x4];
	[sflag:s17] =	ssyncset.done $0x0  }
0x119: {  	[sflag:s17] =	ssyncadd.s32 $0xFFFFFB00;
	s4 =	sadd.s32 s15, s14  }
0x11a: {  	[tilespmem:s18], [sflag:$0xB] =	stream.linear.gather [hbm4b:s4+s3], $0x500, $0x38;
	[tilespmem:$0x1F000] =	vst v63  }
0x11b: {  	_ =	swait.ge [sflag:s17], $0x500  }
0x11c: {  	[sflag:s17] =	ssyncset.done $0x0  }
0x11d: {  	[sflag:s17] =	ssyncadd.s32 $0xFFFFFB00  }
0x11e: {  	[tilespmem:s16], [sflag:$0x1] =	stream.indirect.gather [hbm4b:s5+s19], $0x80, s3, s19, $0xb8;
	[tilespmem:$0x1F000] =	vst v63  }
0x11f: {  	s24 =	rddreg [dreg:$0x5]  }
0x120: {  	[tilespmem:s20], [sflag:$0x2] =	stream.indirect.gather [hbm4b:s5+s19], $0x80, s24, s19, $0xb8;
	[tilespmem:$0x1F000] =	vst v63  }
0x121: {  	s14 =	rddreg [dreg:$0x6]  }
0x122: {  	[tilespmem:s21], [sflag:$0x3] =	stream.indirect.gather [hbm4b:s5+s19], $0x80, s14, s19, $0xb8;
	[tilespmem:$0x1F000] =	vst v63  }
0x123: {  	s15 =	rddreg [dreg:$0x7]  }
0x124: {  	[tilespmem:s22], [sflag:$0x4] =	stream.indirect.gather [hbm4b:s5+s19], $0x80, s15, s19, $0xb8;
	[tilespmem:$0x1F000] =	vst v63  }
0x125: {  	s24 =	rddreg [dreg:$0x8]  }
0x126: {  	[tilespmem:s23], [sflag:$0x5] =	stream.indirect.gather [hbm4b:s5+s19], $0x80, s24, s19, $0xb8;
	[tilespmem:$0x1F000] =	vst v63  }
0x127: {  	_ =	swait.ge [sflag:s25], $0x2000  }
0x128: {  	[sflag:s25] =	ssyncset.done $0x0  }
0x129: {  	[sflag:s25] =	ssyncadd.s32 $0xFFFFE000  }
0x12a: {  	[spmem:s1] =	stream.indirect.scatter.add.f32 [tilespmem:s16], [sflag:$0x6], $0x80, s18, s19, $0xb8;
	[tilespmem:$0x1F000] =	vst v63  }
0x12b: {  	_ =	swait.ge [sflag:s26], $0x2000  }
0x12c: {  	[sflag:s26] =	ssyncset.done $0x0  }
0x12d: {  	s15 =	rddreg [dreg:$0x9];
	[sflag:s26] =	ssyncadd.s32 $0xFFFFE000  }
0x12e: {  	[tilespmem:s16], [sflag:$0x1] =	stream.indirect.gather [hbm4b:s5+s19], $0x80, s15, s19, $0xb8;
	[tilespmem:$0x1F000] =	vst v63  }
0x12f: {  	_ =	swait.ge [sflag:s28], $0x2000  }
0x130: {  	[sflag:s28] =	ssyncset.done $0x0  }
0x131: {  	s24 =	rddreg [dreg:$0xa];
	[sflag:s28] =	ssyncadd.s32 $0xFFFFE000  }
0x132: {  	[spmem:s1] =	stream.indirect.scatter.add.f32 [tilespmem:s20], [sflag:$0x7], $0x80, s24, s19, $0xb8;
	[tilespmem:$0x1F000] =	vst v63  }
0x133: {  	_ =	swait.ge [sflag:s29], $0x2000  }
0x134: {  	[sflag:s29] =	ssyncset.done $0x0  }
0x135: {  	s14 =	rddreg [dreg:$0xb];
	[sflag:s29] =	ssyncadd.s32 $0xFFFFE000  }
0x136: {  	[tilespmem:s20], [sflag:$0x2] =	stream.indirect.gather [hbm4b:s5+s19], $0x80, s14, s19, $0xb8;
	[tilespmem:$0x1F000] =	vst v63  }
0x137: {  	_ =	swait.ge [sflag:s30], $0x2000  }
0x138: {  	[sflag:s30] =	ssyncset.done $0x0  }
0x139: {  	s15 =	rddreg [dreg:$0xc];
	[sflag:s30] =	ssyncadd.s32 $0xFFFFE000  }
0x13a: {  	[spmem:s1] =	stream.indirect.scatter.add.f32 [tilespmem:s21], [sflag:$0x8], $0x80, s15, s19, $0xb8;
	[tilespmem:$0x1F000] =	vst v63  }
0x13b: {  	_ =	swait.ge [sflag:s31], $0x2000  }
0x13c: {  	[sflag:s31] =	ssyncset.done $0x0  }
0x13d: {  	s24 =	rddreg [dreg:$0xd];
	[sflag:s31] =	ssyncadd.s32 $0xFFFFE000  }
0x13e: {  	[tilespmem:s21], [sflag:$0x3] =	stream.indirect.gather [hbm4b:s5+s19], $0x80, s24, s19, $0xb8;
	[tilespmem:$0x1F000] =	vst v63  }
0x13f: {  	_ =	swait.ge [sflag:s0], $0x2000  }
0x140: {  	[sflag:s0] =	ssyncset.done $0x0  }
0x141: {  	s14 =	rddreg [dreg:$0xe];
	[sflag:s0] =	ssyncadd.s32 $0xFFFFE000  }
0x142: {  	[spmem:s1] =	stream.indirect.scatter.add.f32 [tilespmem:s22], [sflag:$0x9], $0x80, s14, s19, $0xb8;
	[tilespmem:$0x1F000] =	vst v63  }
0x143: {  	_ =	swait.ge [sflag:s2], $0x2000  }
0x144: {  	[sflag:s2] =	ssyncset.done $0x0  }
0x145: {  	s15 =	rddreg [dreg:$0xf];
	[sflag:s2] =	ssyncadd.s32 $0xFFFFE000  }
0x146: {  	[tilespmem:s22], [sflag:$0x4] =	stream.indirect.gather [hbm4b:s5+s19], $0x80, s15, s19, $0xb8;
	[tilespmem:$0x1F000] =	vst v63  }
0x147: {  	_ =	swait.ge [sflag:s6], $0x2000  }
0x148: {  	[sflag:s6] =	ssyncset.done $0x0  }
0x149: {  	s24 =	rddreg [dreg:$0x10];
	[sflag:s6] =	ssyncadd.s32 $0xFFFFE000  }
0x14a: {  	[spmem:s1] =	stream.indirect.scatter.add.f32 [tilespmem:s23], [sflag:$0xA], $0x80, s24, s19, $0xb8;
	[tilespmem:$0x1F000] =	vst v63  }
0x14b: {  	_ =	swait.ge [sflag:s7], $0x2000  }
0x14c: {  	[sflag:s7] =	ssyncset.done $0x0  }
0x14d: {  	[sflag:s7] =	ssyncadd.s32 $0xFFFFE000  }
0x14e: {  	[tilespmem:s23], [sflag:$0x5] =	stream.indirect.gather [hbm4b:s5+s19], $0x80, s8, s19, $0xb8;
	[tilespmem:$0x1F000] =	vst v63  }
0x14f: {  	_ =	swait.ge [sflag:s25], $0x2000  }
0x150: {  	[sflag:s25] =	ssyncset.done $0x0  }
0x151: {  	[sflag:s25] =	ssyncadd.s32 $0xFFFFE000  }
0x152: {  	[spmem:s1] =	stream.indirect.scatter.add.f32 [tilespmem:s16], [sflag:$0x6], $0x80, s9, s19, $0xb8;
	[tilespmem:$0x1F000] =	vst v63  }
0x153: {  	_ =	swait.ge [sflag:s28], $0x2000  }
0x154: {  	[sflag:s28] =	ssyncset.done $0x0  }
0x155: {  	[sflag:s28] =	ssyncadd.s32 $0xFFFFE000  }
0x156: {  	[spmem:s1] =	stream.indirect.scatter.add.f32 [tilespmem:s20], [sflag:$0x7], $0x80, s10, s19, $0xb8;
	[tilespmem:$0x1F000] =	vst v63  }
0x157: {  	_ =	swait.ge [sflag:s30], $0x2000  }
0x158: {  	[sflag:s30] =	ssyncset.done $0x0  }
0x159: {  	[sflag:s30] =	ssyncadd.s32 $0xFFFFE000  }
0x15a: {  	[spmem:s1] =	stream.indirect.scatter.add.f32 [tilespmem:s21], [sflag:$0x8], $0x80, s11, s19, $0xb8;
	[tilespmem:$0x1F000] =	vst v63  }
0x15b: {  	_ =	swait.ge [sflag:s0], $0x2000  }
0x15c: {  	[sflag:s0] =	ssyncset.done $0x0  }
0x15d: {  	[sflag:s0] =	ssyncadd.s32 $0xFFFFE000  }
0x15e: {  	[spmem:s1] =	stream.indirect.scatter.add.f32 [tilespmem:s22], [sflag:$0x9], $0x80, s12, s19, $0xb8;
	[tilespmem:$0x1F000] =	vst v63  }
0x15f: {  	_ =	swait.ge [sflag:s6], $0x2000  }
0x160: {  	[sflag:s6] =	ssyncset.done $0x0  }
0x161: {  	[sflag:s6] =	ssyncadd.s32 $0xFFFFE000  }
0x162: {  	[spmem:s1] =	stream.indirect.scatter.add.f32 [tilespmem:s23], [sflag:$0xA], $0x80, s13, s19, $0xb8;
	[tilespmem:$0x1F000] =	vst v63  }
0x163: {  	_ =	swait.ge [sflag:s26], $0x2000  }
0x164: {  	[sflag:s26] =	ssyncset.done $0x0  }
0x165: {  	[sflag:s26] =	ssyncadd.s32 $0xFFFFE000  }
0x166: {  	_ =	swait.ge [sflag:s29], $0x2000  }
0x167: {  	[sflag:s29] =	ssyncset.done $0x0  }
0x168: {  	[sflag:s29] =	ssyncadd.s32 $0xFFFFE000  }
0x169: {  	_ =	swait.ge [sflag:s31], $0x2000  }
0x16a: {  	[sflag:s31] =	ssyncset.done $0x0  }
0x16b: {  	[sflag:s31] =	ssyncadd.s32 $0xFFFFE000  }
0x16c: {  	_ =	swait.ge [sflag:s2], $0x2000  }
0x16d: {  	[sflag:s2] =	ssyncset.done $0x0  }
0x16e: {  	[sflag:s2] =	ssyncadd.s32 $0xFFFFE000  }
0x16f: {  	_ =	swait.ge [sflag:s7], $0x2000  }
0x170: {  	[sflag:s7] =	ssyncset.done $0x0  }
0x171: {  	[sflag:s7] =	ssyncadd.s32 $0xFFFFE000  }
0x172: {  	s14 =	stileid.u32;
	[bflag:$0x0] =	sbarrier.arrive $0xFFFF  }
0x173: {  	s4 =	sshll.u32 s14, $0x6;
	s15 =	rddreg [dreg:$0x11]  }
0x174: {  	s4 =	sor.u32 $0x1C0B, s4;
	s24 =	rddreg [dreg:$0x1c];
	s14 =	sshrl.u32 s15, $0x3  }
0x175: {  	[hbm:s24], [sflag:s4] =	dma.local [spmem:s14], $0x2800  }
0x176: {  	_ =	swait.ge [sflag:s17], $0x2800  }
0x177: {  	s15 =	rddreg [dreg:$0x1d]  }
0x178: {  	s24 =	rddreg [dreg:$0x12];
	s14 =	sadd.s32 $0x1, s15  }
0x179: {  	p0 =	sne.s32 s14, s24  }
.Ltmp2:
0x17a: {  	_ = 	snop;
	(pc) =	sbr.rel @p0 .LBB2_1-.Ltmp2, $3  }
0x17b: {  	_ =	sdelay $0x1  }
0x17c: {  	[sflag:s17] =	ssyncset.done $0x0  }
0x17d: {  	[sflag:s17] =	ssyncadd.s32 $0xFFFFD800  }
0x17e: {  	_ =	sfence.sel $0x180000  }
0x17f: {  	[bflag:$0x0] =	sbarrier.arrive $0xFFFF  }
0x180: {  	_ =	strace $0x90000047  }
0x181: {  	s0 =	stileid.u32;
	[bflag:$0x2] =	sbarrier.arrive $0xFFFF  }
0x182: {  	p0 =	sne.s32 s0, $0x0;
	s0 =	rddreg [dreg:$0x2]  }
0x183: {  	s0 =	sadd.s32 @!p0 $0x100000, s0  }
0x184: {  	[sflag:s0] =	ssyncadd.tile.s32 @!p0 $0x1;
	_ =	shalt  }
.Lfunc_end2:
_tile_overlayer_lowered:
.L_overlay_start_2:
0x185: {  	(tag) =	ssettag $0x2  }
0x186: {  	s0 =	rddreg [dreg:$0x0];
	s2 =	stileid.u32  }
0x187: {  	s1 =	rddreg [dreg:$0x1];
	p0 =	sne.s32 s2, $0x0  }
0x188: {  	s3 =	rddreg [dreg:$0x2];
	[bflag:$0x3] =	sbarrier.arrive $0xFFFF;
	s2 =	simm.s32 @!p0 $0x1C0B  }
0x189: {  	[timem:s3], [sflag:s2] =	dma.local @!p0 [hbm:s0], s1  }
0x18a: {  	s0 =	simm.s32 @!p0 $0xB  }
0x18b: {  	_ =	swait.ge @!p0 [sflag:s0], s1  }
0x18c: {  	s1 =	ssub.s32 @!p0 $0x0, s1;
	[sflag:s0] =	ssyncset.done @!p0 $0x0  }
0x18d: {  	[sflag:s0] =	ssyncadd.s32 @!p0 s1  }
0x18e: {  	[bflag:$0x3] =	sbarrier.arrive $0xFFFF  }
0x18f: {  	_ =	shalt  }

// kernel: kernel.15.cloned.1.call-start
scs
__scs_entry_jumppad:
0x0: {  	(pc) =	sbr.rel $0x88, $3  }
0x1: {  	(tag) =	ssettag $0x0;
	lr =	simm.s32 $0x1  }
0x2: {  	[smem:$0x3F93] =	sst lr;
	_ =	strace $0xD0000000  }
0x3: {  	_ = 	snop  }
0x4: {  	_ = 	snop  }
0x5: {  	_ = 	snop  }
0x6: {  	_ = 	snop  }
0x7: {  	_ = 	snop  }
__scs_overlays_trampoline_lowered:
0x8: {  	[smem:$0x3FA2] =	sst s0  }
0x9: {  	[smem:$0x3FA3] =	sst s1  }
0xa: {  	[smem:$0x3FA4] =	sst s2  }
0xb: {  	[smem:$0x3FA5] =	sst s3  }
0xc: {  	[smem:$0x3FA6] =	sst s4  }
0xd: {  	[smem:$0x3FA7] =	sst s5  }
0xe: {  	[smem:$0x3FA8] =	sst s6  }
0xf: {  	[smem:$0x3FA9] =	sst s7  }
0x10: {  	[smem:$0x3FAA] =	sst s8  }
0x11: {  	[smem:$0x3FAB] =	sst s9;
	s0 =	simm.s32 @!p0 $0x0  }
0x12: {  	s1 =	sld [smem:$0x3F91];
	s0 =	simm.s32 @p0 $0x1  }
0x13: {  	[smem:$0x3FAC] =	sst s0;
	s0 =	simm.s32 @!p1 $0x0  }
0x14: {  	s2 =	sld [smem:$0x3F90];
	s0 =	simm.s32 @p1 $0x1  }
0x15: {  	[smem:$0x3FAD] =	sst s0;
	s0 =	simm.s32 @!p2 $0x0  }
0x16: {  	s3 =	sld [smem:$0x3FDB];
	s0 =	simm.s32 @p2 $0x1  }
0x17: {  	s4 =	simm.s32 $0x1BF5;
	[smem:$0x3FAF] =	sst s0  }
0x18: {  	s0 =	sld [smem:$0x3F92];
	_ =	swait.ge [sflag:s4], $0x0  }
0x19: {  	s7 =	sld [smem:$0x3F93]  }
0x1a: {  	s8 =	sadd.s32 $0xFFFFE003, lr  }
0x1b: {  	s9 =	sadd.s32 $0xFFFFFEF7, lr;
	s5 =	simm.s32 $0xFFFFFFFF;
	p2 =	slt.u32 s8, $0xFFFFF086  }
0x1c: {  	p1 =	slt.u32 s9, $0xF7A;
	s5 =	simm.s32 @!p2 $0x0  }
0x1d: {  	s5 =	simm.s32 @p1 $0x1;
	p0 =	seq.s32 s7, s2  }
0x1e: {  	s7 =	smul.u32 @!p0 $0xF7A, s2;
	p2 =	seq.s32 @!p0 s5, $0x0  }
0x1f: {  	s9 =	smul.u32 $0xF7A, s1;
	s8 =	simm.s32 @!p0 $0x1BF5;
	p2 =	por !p2, p0  }
0x20: {  	[sflag:s8] =	ssyncset.s32 @!p0 $0xFFFFF086;
	s6 =	sadd.s32 @!p0 s3, s7;
	s7 =	simm.s32 @!p0 $0x108  }
0x21: {  	s3 =	sadd.s32 s3, s9;
	s6 =	sadd.s32 @!p0 $0x88, s6;
	s7 =	simm.s32 @p2 $0x1082  }
0x22: {  	[simem:s7], [sflag:s8] =	dma.local @!p0 [hbm:s6], $0xF7A  }
0x23: {  	s9 =	sor.u32 $0xD0000000, s2;
	s6 =	simm.s32 $0x108;
	_ =	swait.ge @!p0 [sflag:s8], $0x0  }
0x24: {  	s3 =	sadd.s32 $0x88, s3;
	s6 =	simm.s32 @!p1 $0x1082;
	[sflag:s4] =	ssyncset.s32 $0xFFFFF086  }
0x25: {  	[simem:s6], [sflag:s4] =	dma.local [hbm:s3], $0xF7A  }
0x26: {  	[smem:$0x3F93] =	sst s1;
	(tag) =	ssettag s2;
	_ =	strace s9  }
0x27: {  	s1 =	sld [smem:$0x3FA3]  }
0x28: {  	s2 =	sld [smem:$0x3FA4]  }
0x29: {  	s4 =	sld [smem:$0x3FA6]  }
0x2a: {  	p0 =	seq.s32 s5, $0x0;
	s5 =	sld [smem:$0x3FA7]  }
0x2b: {  	s6 =	sld [smem:$0x3FA8]  }
0x2c: {  	s7 =	sld [smem:$0x3FA9]  }
0x2d: {  	s3 =	simm.s32 $0x108;
	s8 =	sld [smem:$0x3FAA]  }
0x2e: {  	s3 =	simm.s32 @!p0 $0x1082;
	s9 =	sld [smem:$0x3FAB]  }
0x2f: {  	lr =	sadd.s32 s0, s3;
	s0 =	sld [smem:$0x3FA2]  }
0x30: {  	s3 =	sld [smem:$0x3FA5]  }
0x31: {  	[smem:$0x3FAE] =	sst s10  }
0x32: {  	s10 =	sld [smem:$0x3FAC];
	_ =	sdelay $0x3  }
0x33: {  	p0 =	seq.s32 s10, $0x1;
	s10 =	sld [smem:$0x3FAE];
	_ =	sdelay $0x3  }
0x34: {  	[smem:$0x3FAE] =	sst s10  }
0x35: {  	s10 =	sld [smem:$0x3FAD];
	_ =	sdelay $0x3  }
0x36: {  	p1 =	seq.s32 s10, $0x1;
	s10 =	sld [smem:$0x3FAE];
	_ =	sdelay $0x3  }
0x37: {  	[smem:$0x3FAE] =	sst s10  }
0x38: {  	s10 =	sld [smem:$0x3FAF]  }
0x39: {  	_ = 	snop;
	(pc) =	sbr.ind lr, $3  }
0x3a: {  	_ = 	snop  }
0x3b: {  	_ = 	snop  }
0x3c: {  	p2 =	seq.s32 s10, $0x1;
	s10 =	sld [smem:$0x3FAE]  }
0x3d: {  	_ =	shalt  }
0x3e: {  	_ =	shalt  }
0x3f: {  	_ =	shalt  }
0x40: {  	_ =	shalt  }
0x41: {  	_ =	shalt  }
0x42: {  	_ =	shalt  }
0x43: {  	_ =	shalt  }
0x44: {  	_ =	shalt  }
0x45: {  	_ =	shalt  }
0x46: {  	_ =	shalt  }
0x47: {  	_ =	shalt  }
0x48: {  	_ =	shalt  }
0x49: {  	_ =	shalt  }
0x4a: {  	_ =	shalt  }
0x4b: {  	_ =	shalt  }
0x4c: {  	_ =	shalt  }
0x4d: {  	_ =	shalt  }
0x4e: {  	_ =	shalt  }
0x4f: {  	_ =	shalt  }
0x50: {  	_ =	shalt  }
0x51: {  	_ =	shalt  }
0x52: {  	_ =	shalt  }
0x53: {  	_ =	shalt  }
0x54: {  	_ =	shalt  }
0x55: {  	_ =	shalt  }
0x56: {  	_ =	shalt  }
0x57: {  	_ =	shalt  }
0x58: {  	_ =	shalt  }
0x59: {  	_ =	shalt  }
0x5a: {  	_ =	shalt  }
0x5b: {  	_ =	shalt  }
0x5c: {  	_ =	shalt  }
0x5d: {  	_ =	shalt  }
0x5e: {  	_ =	shalt  }
0x5f: {  	_ =	shalt  }
0x60: {  	_ =	shalt  }
0x61: {  	_ =	shalt  }
0x62: {  	_ =	shalt  }
0x63: {  	_ =	shalt  }
0x64: {  	_ =	shalt  }
0x65: {  	_ =	shalt  }
0x66: {  	_ =	shalt  }
0x67: {  	_ =	shalt  }
0x68: {  	_ =	shalt  }
0x69: {  	_ =	shalt  }
0x6a: {  	_ =	shalt  }
0x6b: {  	_ =	shalt  }
0x6c: {  	_ =	shalt  }
0x6d: {  	_ =	shalt  }
0x6e: {  	_ =	shalt  }
0x6f: {  	_ =	shalt  }
0x70: {  	_ =	shalt  }
0x71: {  	_ =	shalt  }
0x72: {  	_ =	shalt  }
0x73: {  	_ =	shalt  }
0x74: {  	_ =	shalt  }
0x75: {  	_ =	shalt  }
0x76: {  	_ =	shalt  }
0x77: {  	_ =	shalt  }
0x78: {  	_ =	shalt  }
0x79: {  	_ =	shalt  }
0x7a: {  	_ =	shalt  }
0x7b: {  	_ =	shalt  }
0x7c: {  	_ =	shalt  }
0x7d: {  	_ =	shalt  }
0x7e: {  	_ =	shalt  }
0x7f: {  	_ =	shalt  }
0x80: {  	_ =	shalt  }
0x81: {  	_ =	shalt  }
0x82: {  	_ =	shalt  }
0x83: {  	_ =	shalt  }
0x84: {  	_ =	shalt  }
0x85: {  	_ =	shalt  }
0x86: {  	_ =	shalt  }
0x87: {  	_ =	shalt  }
.Lfunc_end0:
.L_simem_size_0:
called_computation.1_lowered:
.L_overlay_start_0:
0x88: {  	s2 =	sld [smem:$0x3FD9]  }
0x89: {  	s3 =	sld [smem:$0x3FFE];
	_ =	sdelay $0x1  }
0x8a: {  	s1 =	srdreg.scid  }
0x8b: {  	s0 =	sand.u32 $0x1, s1  }
0x8c: {  	s16 =	sshll.u32 s0, $0xA;
	s2 =	sadd.s32 s3, s2  }
0x8d: {  	s2 =	sadd.s32 s2, s16  }
0x8e: {  	[smem:$0x3FBA] =	sst s2  }
0x8f: {  	_ = 	snop  }
0x90: {  	(tm) =	ssettm $0x1  }
0x91: {  	s17 =	sld [smem:$0x3FFB];
	_ =	sdelay $0x3  }
0x92: {  	_ =	strace s17  }
0x93: {  	s2 =	sld [smem:$0x3FFC];
	_ =	sdelay $0x3  }
0x94: {  	_ =	strace s2  }
0x95: {  	s2 =	sld [smem:$0x3FFD];
	_ =	sdelay $0x3  }
0x96: {  	_ =	strace s2  }
0x97: {  	_ =	strace $0x8FFFFFFF  }
0x98: {  	s18 =	sld [smem:$0x3FDB];
	_ =	sdelay $0x1  }
0x99: {  	s19 =	simm.s32 $_scs_section_size  }
0x9a: {  	s4 =	simm.s32 $_size__tile_overlayer_lowered;
	s5 =	simm.s32 $_tile_overlayer_lowered  }
0x9b: {  	s22 =	simm.s32 $0x1BFF;
	s21 =	sshll.u32 s5, $0x1;
	s2 =	sadd.s32 s19, s18  }
0x9c: {  	s6 =	simm.s32 $0x0;
	s20 =	sshll.u32 s4, $0x1;
	s4 =	sadd.s32 s21, s2  }
0x9d: {  	[timem:s6], [sflag:s22] =	dma.local [hbm:s4], s20  }
0x9e: {  	_ =	swait.ge [sflag:s22], s20  }
0x9f: {  	s3 =	ssub.s32 $0x0, s20;
	[sflag:s22] =	ssyncset.done $0x0  }
0xa0: {  	[sflag:s22] =	ssyncadd.s32 s3;
	_ =	sdelay $0x1  }
0xa1: {  	s23 =	simm.s32 $0x1B8B  }
0xa2: {  	_ =	swait.ge [sflag:s23], $0x1  }
0xa3: {  	[sflag:s23] =	ssyncset.done $0x0  }
0xa4: {  	s25 =	simm.s32 $0x1B8E;
	s24 =	sld [smem:$0x3FFE];
	[sflag:s23] =	ssyncadd.s32 $0xFFFFFFFF  }
0xa5: {  	s26 =	simm.s32 $execute0_lowered;
	[smem:$0x3FD2] =	sst s25  }
0xa6: {  	s4 =	sshll.u32 s26, $0x1;
	_ =	strace $0x80000049;
	[dreg:$0x1] =	wrdreg $0xFFFFFFFF  }
0xa7: {  	s28 =	simm.s32 $_size_execute0_lowered;
	s2 =	sadd.s32 s2, s4;
	[dreg:$0x0] =	wrdreg $0x0  }
0xa8: {  	s4 =	sshll.u32 s28, $0x1;
	[dreg:$0x2] =	wrdreg s2  }
0xa9: {  	[dreg:$0x3] =	wrdreg s4  }
0xaa: {  	[dreg:$0x4] =	wrdreg $0xC0  }
0xab: {  	_ =	task [dreg:s6], $0x5FFFF  }
0xac: {  	[dreg:$0x1] =	wrdreg $0xFFFFFFFF  }
0xad: {  	[dreg:$0x0] =	wrdreg $0x60  }
0xae: {  	[dreg:$0x2] =	wrdreg s24  }
0xaf: {  	[dreg:$0x3] =	wrdreg $0xB0000  }
0xb0: {  	[dreg:$0x4] =	wrdreg $0x9  }
0xb1: {  	_ =	task.clear_ibuf [dreg:s6], $0x5FFFF;
	_ =	strace $0x90000049  }
0xb2: {  	s29 =	simm.s32 $0x9;
	_ =	strace $0x8000004B  }
0xb3: {  	_ =	swait.ge [sflag:s29], $0x1  }
0xb4: {  	[sflag:s29] =	ssyncadd.s32 $0xFFFFFFFF  }
0xb5: {  	_ =	strace $0x9000004B  }
0xb6: {  	_ =	sfence  }
0xb7: {  	s30 =	sld [smem:$0x0];
	_ =	sdelay $0x2  }
0xb8: {  	s31 =	sshll.u32 s1, $0xD;
	s1 =	sshrl.u32 s1, $0x2  }
0xb9: {  	s3 =	sand.u32 $0x4000, s31;
	s1 =	sadd.s32 s1, s30  }
0xba: {  	s0 =	sor.u32 s3, s0;
	s1 =	sshll.u32 s1, $0x11  }
0xbb: {  	s0 =	sor.u32 s1, s0  }
0xbc: {  	s0 =	sadd.s32 $0x8F2B, s0  }
0xbd: {  	[sflag:s0] =	ssyncadd.remote.s32 $0x1  }
0xbe: {  	_ =	sfence.sel $0xFFFF  }
0xbf: {  	[dreg:$0x0] =	wrdreg $0xFFFFFFFF;
	(pc) =	sbr.abs _section_cstart, $3  }
0xc0: {  	[dreg:$0x1] =	wrdreg $0xFFFFFFFF  }
0xc1: {  	_ =	task.clear_ibuf [dreg:s6], $0x2FFFF;
	_ =	strace $0x9FFFFFFF  }
0xc2: {  	(tm) =	ssettm $0x7FFFFFFF  }
0xc3: {  	_ =	shalt  }
tec
execute0_lowered:
.L_overlay_start_1:
0x0: {  	(tag) =	ssettag $0x1  }
0x1: {  	s0 =	rddreg [dreg:$0x0]  }
0x2: {  	s1 =	rddreg [dreg:$0x1];
	s3 =	simm.s32 $0x0;
	s2 =	srdreg.scid  }
0x3: {  	s8 =	stileid.u32;
	s11 =	simm.s32 $0x80;
	s13 =	simm.s32 $0x100  }
0x4: {  	s15 =	simm.s32 $0x180;
	s17 =	simm.s32 $0x200;
	[smem:$0x7FF] =	sst s3  }
0x5: {  	s19 =	simm.s32 $0x280;
	_ =	strace $0x8000004A;
	[dreg:$0x5] =	wrdreg s11  }
0x6: {  	s20 =	simm.s32 $0x880;
	s21 =	simm.s32 $0x300;
	[dreg:$0x6] =	wrdreg s13  }
0x7: {  	s22 =	simm.s32 $0x900;
	s23 =	simm.s32 $0x380;
	[dreg:$0x7] =	wrdreg s15  }
0x8: {  	s24 =	simm.s32 $0x980;
	s25 =	simm.s32 $0x400;
	[dreg:$0x8] =	wrdreg s17  }
0x9: {  	s28 =	simm.s32 $0x2;
	s29 =	simm.s32 $0x7;
	[dreg:$0x9] =	wrdreg s19  }
0xa: {  	s30 =	simm.s32 $0x3;
	s31 =	simm.s32 $0x8;
	[dreg:$0xa] =	wrdreg s20  }
0xb: {  	s2 =	sand.u32 $0x1, s2;
	s6 =	smul.u32 $0x50000, s8;
	[dreg:$0xb] =	wrdreg s21  }
0xc: {  	s4 =	sshll.u32 s8, $0xD;
	s5 =	smul.u32 $0x28000, s2;
	[dreg:$0xc] =	wrdreg s22  }
0xd: {  	s4 =	sadd.s32 s4, s0;
	s2 =	ssub.s32 $0x2, s2;
	[dreg:$0xd] =	wrdreg s23  }
0xe: {  	s17 =	simm.s32 $0xB;
	s19 =	simm.s32 $0x40;
	[dreg:$0xe] =	wrdreg s24  }
0xf: {  	s20 =	simm.s32 $0x3000;
	[dreg:$0xf] =	wrdreg s25;
	s7 =	sadd.s32 $0x3E00, s4  }
0x10: {  	s6 =	sshrl.u32 s6, $0x2;
	s4 =	sadd.s32 $0x23E00, s4;
	[dreg:$0x3] =	wrdreg s7  }
0x11: {  	s26 =	sshrl.u32 s2, $0x1;
	s6 =	sadd.s32 s6, s1;
	[dreg:$0x4] =	wrdreg s4  }
0x12: {  	s2 =	ssub.s32 s2, s26;
	s26 =	simm.s32 $0xA00;
	[dreg:$0x11] =	wrdreg s6  }
0x13: {  	s21 =	simm.s32 $0x5000;
	s2 =	smax.u32 s2, $0x1;
	[dreg:$0x10] =	wrdreg s26  }
0x14: {  	s22 =	simm.s32 $0x7000;
	s7 =	sadd.s32 $0x2000, s6;
	[dreg:$0x12] =	wrdreg s2  }
0x15: {  	s4 =	smul.u32 $0x2800, s8;
	s8 =	sadd.s32 $0x4000, s6;
	[dreg:$0x13] =	wrdreg s7  }
0x16: {  	s23 =	simm.s32 $0x9000;
	s9 =	sadd.s32 $0x6000, s6;
	[dreg:$0x14] =	wrdreg s8  }
0x17: {  	s25 =	simm.s32 $0x1;
	s10 =	sadd.s32 $0x8000, s6;
	[dreg:$0x15] =	wrdreg s9  }
0x18: {  	s11 =	simm.s32 $0xB80;
	s12 =	sadd.s32 $0xA000, s6;
	[dreg:$0x16] =	wrdreg s10  }
0x19: {  	s13 =	simm.s32 $0xC80;
	s14 =	sadd.s32 $0xC000, s6;
	[dreg:$0x17] =	wrdreg s12  }
0x1a: {  	s0 =	sadd.s32 s5, s0;
	s16 =	sadd.s32 $0xE000, s6;
	[dreg:$0x18] =	wrdreg s14  }
0x1b: {  	s5 =	sadd.s32 $0x43E00, s0;
	s18 =	sadd.s32 $0x10000, s6;
	[dreg:$0x19] =	wrdreg s16  }
0x1c: {  	s0 =	sadd.s32 $0x93E00, s0;
	s6 =	sadd.s32 $0x12000, s6;
	[dreg:$0x1a] =	wrdreg s18  }
0x1d: {  	s26 =	simm.s32 $0x6;
	[dreg:$0x1b] =	wrdreg s6;
	s16 =	simm.s32 $0x1000  }
0x1e: {  	s18 =	simm.s32 $0x800;
	s0 =	sadd.s32 s4, s0;
	s2 =	simm.s32 $0x9  }
0x1f: {  	s6 =	simm.s32 $0x5;
	s7 =	simm.s32 $0xA;
	s8 =	simm.s32 $0x480  }
0x20: {  	s9 =	simm.s32 $0xA80;
	s10 =	simm.s32 $0xB00;
	s12 =	simm.s32 $0xC00  }
0x21: {  	v0 =	vimm.f32 $0.0e+00;
	s14 =	simm.s32 $0x0;
	[dreg:$0x1c] =	wrdreg s0;
	s0 =	simm.s32 $0x4  }
.LBB2_1:
0x22: {  	s15 =	simm.s32 $0x0;
	s24 =	simm.s32 $0x200  }
.LBB2_2:
0x23: {  	p0 =	sne.s32 s24, $0x7E00;
	[tilespmem:s15+$0x1070] =	vst v0  }
0x24: {  	[tilespmem:s15+$0x1000] =	vst v0  }
0x25: {  	[tilespmem:s15+$0x1010] =	vst v0  }
.Ltmp0:
0x26: {  	[tilespmem:s15+$0x1020] =	vst v0;
	(pc) =	sbr.rel @p0 .LBB2_2-.Ltmp0, $4  }
0x27: {  	[tilespmem:s15+$0x1030] =	vst v0  }
0x28: {  	[tilespmem:s15+$0x1040] =	vst v0  }
0x29: {  	[tilespmem:s15+$0x1050] =	vst v0  }
0x2a: {  	[tilespmem:s15+$0x1060] =	vst v0;
	s15 =	sshra.s32 s24, $0x2;
	s24 =	sadd.s32 $0x200, s24  }
0x2b: {  	[tilespmem:s15+$0x1070] =	vst v0  }
0x2c: {  	[tilespmem:s15+$0x1000] =	vst v0  }
0x2d: {  	[tilespmem:s15+$0x1010] =	vst v0  }
0x2e: {  	[tilespmem:s15+$0x1020] =	vst v0  }
0x2f: {  	[tilespmem:s15+$0x1030] =	vst v0  }
0x30: {  	[tilespmem:s15+$0x1040] =	vst v0  }
0x31: {  	[dreg:$0x1d] =	wrdreg s14;
	[tilespmem:s15+$0x1050] =	vst v0  }
0x32: {  	[tilespmem:s15+$0x1060] =	vst v0;
	s4 =	rddreg [dreg:$0x11]  }
0x33: {  	[spmem:s4] =	stream.linear.scatter [tilespmem:s16], [sflag:$0xB], $0x2000, $0x38;
	[tilespmem:$0x1F000] =	vst v63  }
0x34: {  	_ =	swait.ge [sflag:s17], $0x2000  }
0x35: {  	[sflag:s17] =	ssyncset.done $0x0  }
0x36: {  	s14 =	rddreg [dreg:$0x13];
	[sflag:s17] =	ssyncadd.s32 $0xFFFFE000  }
0x37: {  	[spmem:s14] =	stream.linear.scatter [tilespmem:s16], [sflag:$0xB], $0x2000, $0x38;
	[tilespmem:$0x1F000] =	vst v63  }
0x38: {  	_ =	swait.ge [sflag:s17], $0x2000  }
0x39: {  	[sflag:s17] =	ssyncset.done $0x0  }
0x3a: {  	s15 =	rddreg [dreg:$0x14];
	[sflag:s17] =	ssyncadd.s32 $0xFFFFE000  }
0x3b: {  	[spmem:s15] =	stream.linear.scatter [tilespmem:s16], [sflag:$0xB], $0x2000, $0x38;
	[tilespmem:$0x1F000] =	vst v63  }
0x3c: {  	_ =	swait.ge [sflag:s17], $0x2000  }
0x3d: {  	[sflag:s17] =	ssyncset.done $0x0  }
0x3e: {  	s24 =	rddreg [dreg:$0x15];
	[sflag:s17] =	ssyncadd.s32 $0xFFFFE000  }
0x3f: {  	[spmem:s24] =	stream.linear.scatter [tilespmem:s16], [sflag:$0xB], $0x2000, $0x38;
	[tilespmem:$0x1F000] =	vst v63  }
0x40: {  	_ =	swait.ge [sflag:s17], $0x2000  }
0x41: {  	[sflag:s17] =	ssyncset.done $0x0  }
0x42: {  	s14 =	rddreg [dreg:$0x16];
	[sflag:s17] =	ssyncadd.s32 $0xFFFFE000  }
0x43: {  	[spmem:s14] =	stream.linear.scatter [tilespmem:s16], [sflag:$0xB], $0x2000, $0x38;
	[tilespmem:$0x1F000] =	vst v63  }
0x44: {  	_ =	swait.ge [sflag:s17], $0x2000  }
0x45: {  	[sflag:s17] =	ssyncset.done $0x0  }
0x46: {  	s15 =	rddreg [dreg:$0x17];
	[sflag:s17] =	ssyncadd.s32 $0xFFFFE000  }
0x47: {  	[spmem:s15] =	stream.linear.scatter [tilespmem:s16], [sflag:$0xB], $0x2000, $0x38;
	[tilespmem:$0x1F000] =	vst v63  }
0x48: {  	_ =	swait.ge [sflag:s17], $0x2000  }
0x49: {  	[sflag:s17] =	ssyncset.done $0x0  }
0x4a: {  	s24 =	rddreg [dreg:$0x18];
	[sflag:s17] =	ssyncadd.s32 $0xFFFFE000  }
0x4b: {  	[spmem:s24] =	stream.linear.scatter [tilespmem:s16], [sflag:$0xB], $0x2000, $0x38;
	[tilespmem:$0x1F000] =	vst v63  }
0x4c: {  	_ =	swait.ge [sflag:s17], $0x2000  }
0x4d: {  	[sflag:s17] =	ssyncset.done $0x0  }
0x4e: {  	s14 =	rddreg [dreg:$0x19];
	[sflag:s17] =	ssyncadd.s32 $0xFFFFE000  }
0x4f: {  	[spmem:s14] =	stream.linear.scatter [tilespmem:s16], [sflag:$0xB], $0x2000, $0x38;
	[tilespmem:$0x1F000] =	vst v63  }
0x50: {  	_ =	swait.ge [sflag:s17], $0x2000  }
0x51: {  	[sflag:s17] =	ssyncset.done $0x0  }
0x52: {  	s15 =	rddreg [dreg:$0x1a];
	[sflag:s17] =	ssyncadd.s32 $0xFFFFE000  }
0x53: {  	[spmem:s15] =	stream.linear.scatter [tilespmem:s16], [sflag:$0xB], $0x2000, $0x38;
	[tilespmem:$0x1F000] =	vst v63  }
0x54: {  	_ =	swait.ge [sflag:s17], $0x2000  }
0x55: {  	[sflag:s17] =	ssyncset.done $0x0  }
0x56: {  	s24 =	rddreg [dreg:$0x1b];
	[sflag:s17] =	ssyncadd.s32 $0xFFFFE000  }
0x57: {  	[spmem:s24] =	stream.linear.scatter [tilespmem:s16], [sflag:$0xB], $0x2000, $0x38;
	[tilespmem:$0x1F000] =	vst v63  }
0x58: {  	_ =	swait.ge [sflag:s17], $0x2000  }
0x59: {  	[sflag:s17] =	ssyncset.done $0x0  }
0x5a: {  	[sflag:s17] =	ssyncadd.s32 $0xFFFFE000  }
0x5b: {  	[bflag:$0x0] =	sbarrier.arrive $0xFFFF  }
0x5c: {  	s14 =	rddreg [dreg:$0x3]  }
0x5d: {  	s4 =	sadd.s32 $0x0, s14  }
0x5e: {  	[tilespmem:s3], [sflag:$0xB] =	stream.linear.gather [hbm4b:s4+s3], $0x500, $0x38;
	[tilespmem:$0x1F000] =	vst v63  }
0x5f: {  	_ =	swait.ge [sflag:s17], $0x500  }
0x60: {  	s15 =	rddreg [dreg:$0x4];
	[sflag:s17] =	ssyncset.done $0x0  }
0x61: {  	[sflag:s17] =	ssyncadd.s32 $0xFFFFFB00;
	s4 =	sadd.s32 $0x0, s15  }
0x62: {  	[tilespmem:s18], [sflag:$0xB] =	stream.linear.gather [hbm4b:s4+s3], $0x500, $0x38;
	[tilespmem:$0x1F000] =	vst v63  }
0x63: {  	_ =	swait.ge [sflag:s17], $0x500  }
0x64: {  	[sflag:s17] =	ssyncset.done $0x0  }
0x65: {  	[sflag:s17] =	ssyncadd.s32 $0xFFFFFB00  }
0x66: {  	[tilespmem:s16], [sflag:$0x1] =	stream.indirect.gather [hbm4b:s5+s19], $0x80, s3, s19, $0xb8;
	[tilespmem:$0x1F000] =	vst v63  }
0x67: {  	s24 =	rddreg [dreg:$0x5]  }
0x68: {  	[tilespmem:s20], [sflag:$0x2] =	stream.indirect.gather [hbm4b:s5+s19], $0x80, s24, s19, $0xb8;
	[tilespmem:$0x1F000] =	vst v63  }
0x69: {  	s14 =	rddreg [dreg:$0x6]  }
0x6a: {  	[tilespmem:s21], [sflag:$0x3] =	stream.indirect.gather [hbm4b:s5+s19], $0x80, s14, s19, $0xb8;
	[tilespmem:$0x1F000] =	vst v63  }
0x6b: {  	s24 =	rddreg [dreg:$0x7]  }
0x6c: {  	[tilespmem:s22], [sflag:$0x4] =	stream.indirect.gather [hbm4b:s5+s19], $0x80, s24, s19, $0xb8;
	[tilespmem:$0x1F000] =	vst v63  }
0x6d: {  	s14 =	rddreg [dreg:$0x8]  }
0x6e: {  	[tilespmem:s23], [sflag:$0x5] =	stream.indirect.gather [hbm4b:s5+s19], $0x80, s14, s19, $0xb8;
	[tilespmem:$0x1F000] =	vst v63  }
0x6f: {  	_ =	swait.ge [sflag:s25], $0x2000  }
0x70: {  	[sflag:s25] =	ssyncset.done $0x0  }
0x71: {  	[sflag:s25] =	ssyncadd.s32 $0xFFFFE000  }
0x72: {  	[spmem:s1] =	stream.indirect.scatter.add.f32 [tilespmem:s16], [sflag:$0x6], $0x80, s18, s19, $0xb8;
	[tilespmem:$0x1F000] =	vst v63  }
0x73: {  	_ =	swait.ge [sflag:s26], $0x2000  }
0x74: {  	[sflag:s26] =	ssyncset.done $0x0  }
0x75: {  	s15 =	rddreg [dreg:$0x9];
	[sflag:s26] =	ssyncadd.s32 $0xFFFFE000  }
0x76: {  	[tilespmem:s16], [sflag:$0x1] =	stream.indirect.gather [hbm4b:s5+s19], $0x80, s15, s19, $0xb8;
	[tilespmem:$0x1F000] =	vst v63  }
0x77: {  	_ =	swait.ge [sflag:s28], $0x2000  }
0x78: {  	[sflag:s28] =	ssyncset.done $0x0  }
0x79: {  	s24 =	rddreg [dreg:$0xa];
	[sflag:s28] =	ssyncadd.s32 $0xFFFFE000  }
0x7a: {  	[spmem:s1] =	stream.indirect.scatter.add.f32 [tilespmem:s20], [sflag:$0x7], $0x80, s24, s19, $0xb8;
	[tilespmem:$0x1F000] =	vst v63  }
0x7b: {  	_ =	swait.ge [sflag:s29], $0x2000  }
0x7c: {  	[sflag:s29] =	ssyncset.done $0x0  }
0x7d: {  	s14 =	rddreg [dreg:$0xb];
	[sflag:s29] =	ssyncadd.s32 $0xFFFFE000  }
0x7e: {  	[tilespmem:s20], [sflag:$0x2] =	stream.indirect.gather [hbm4b:s5+s19], $0x80, s14, s19, $0xb8;
	[tilespmem:$0x1F000] =	vst v63  }
0x7f: {  	_ =	swait.ge [sflag:s30], $0x2000  }
0x80: {  	[sflag:s30] =	ssyncset.done $0x0  }
0x81: {  	s15 =	rddreg [dreg:$0xc];
	[sflag:s30] =	ssyncadd.s32 $0xFFFFE000  }
0x82: {  	[spmem:s1] =	stream.indirect.scatter.add.f32 [tilespmem:s21], [sflag:$0x8], $0x80, s15, s19, $0xb8;
	[tilespmem:$0x1F000] =	vst v63  }
0x83: {  	_ =	swait.ge [sflag:s31], $0x2000  }
0x84: {  	[sflag:s31] =	ssyncset.done $0x0  }
0x85: {  	s24 =	rddreg [dreg:$0xd];
	[sflag:s31] =	ssyncadd.s32 $0xFFFFE000  }
0x86: {  	[tilespmem:s21], [sflag:$0x3] =	stream.indirect.gather [hbm4b:s5+s19], $0x80, s24, s19, $0xb8;
	[tilespmem:$0x1F000] =	vst v63  }
0x87: {  	_ =	swait.ge [sflag:s0], $0x2000  }
0x88: {  	[sflag:s0] =	ssyncset.done $0x0  }
0x89: {  	s14 =	rddreg [dreg:$0xe];
	[sflag:s0] =	ssyncadd.s32 $0xFFFFE000  }
0x8a: {  	[spmem:s1] =	stream.indirect.scatter.add.f32 [tilespmem:s22], [sflag:$0x9], $0x80, s14, s19, $0xb8;
	[tilespmem:$0x1F000] =	vst v63  }
0x8b: {  	_ =	swait.ge [sflag:s2], $0x2000  }
0x8c: {  	[sflag:s2] =	ssyncset.done $0x0  }
0x8d: {  	s15 =	rddreg [dreg:$0xf];
	[sflag:s2] =	ssyncadd.s32 $0xFFFFE000  }
0x8e: {  	[tilespmem:s22], [sflag:$0x4] =	stream.indirect.gather [hbm4b:s5+s19], $0x80, s15, s19, $0xb8;
	[tilespmem:$0x1F000] =	vst v63  }
0x8f: {  	_ =	swait.ge [sflag:s6], $0x2000  }
0x90: {  	[sflag:s6] =	ssyncset.done $0x0  }
0x91: {  	s24 =	rddreg [dreg:$0x10];
	[sflag:s6] =	ssyncadd.s32 $0xFFFFE000  }
0x92: {  	[spmem:s1] =	stream.indirect.scatter.add.f32 [tilespmem:s23], [sflag:$0xA], $0x80, s24, s19, $0xb8;
	[tilespmem:$0x1F000] =	vst v63  }
0x93: {  	_ =	swait.ge [sflag:s7], $0x2000  }
0x94: {  	[sflag:s7] =	ssyncset.done $0x0  }
0x95: {  	[sflag:s7] =	ssyncadd.s32 $0xFFFFE000  }
0x96: {  	[tilespmem:s23], [sflag:$0x5] =	stream.indirect.gather [hbm4b:s5+s19], $0x80, s8, s19, $0xb8;
	[tilespmem:$0x1F000] =	vst v63  }
0x97: {  	_ =	swait.ge [sflag:s25], $0x2000  }
0x98: {  	[sflag:s25] =	ssyncset.done $0x0  }
0x99: {  	[sflag:s25] =	ssyncadd.s32 $0xFFFFE000  }
0x9a: {  	[spmem:s1] =	stream.indirect.scatter.add.f32 [tilespmem:s16], [sflag:$0x6], $0x80, s9, s19, $0xb8;
	[tilespmem:$0x1F000] =	vst v63  }
0x9b: {  	_ =	swait.ge [sflag:s28], $0x2000  }
0x9c: {  	[sflag:s28] =	ssyncset.done $0x0  }
0x9d: {  	[sflag:s28] =	ssyncadd.s32 $0xFFFFE000  }
0x9e: {  	[spmem:s1] =	stream.indirect.scatter.add.f32 [tilespmem:s20], [sflag:$0x7], $0x80, s10, s19, $0xb8;
	[tilespmem:$0x1F000] =	vst v63  }
0x9f: {  	_ =	swait.ge [sflag:s30], $0x2000  }
0xa0: {  	[sflag:s30] =	ssyncset.done $0x0  }
0xa1: {  	[sflag:s30] =	ssyncadd.s32 $0xFFFFE000  }
0xa2: {  	[spmem:s1] =	stream.indirect.scatter.add.f32 [tilespmem:s21], [sflag:$0x8], $0x80, s11, s19, $0xb8;
	[tilespmem:$0x1F000] =	vst v63  }
0xa3: {  	_ =	swait.ge [sflag:s0], $0x2000  }
0xa4: {  	[sflag:s0] =	ssyncset.done $0x0  }
0xa5: {  	[sflag:s0] =	ssyncadd.s32 $0xFFFFE000  }
0xa6: {  	[spmem:s1] =	stream.indirect.scatter.add.f32 [tilespmem:s22], [sflag:$0x9], $0x80, s12, s19, $0xb8;
	[tilespmem:$0x1F000] =	vst v63  }
0xa7: {  	_ =	swait.ge [sflag:s6], $0x2000  }
0xa8: {  	[sflag:s6] =	ssyncset.done $0x0  }
0xa9: {  	[sflag:s6] =	ssyncadd.s32 $0xFFFFE000  }
0xaa: {  	[spmem:s1] =	stream.indirect.scatter.add.f32 [tilespmem:s23], [sflag:$0xA], $0x80, s13, s19, $0xb8;
	[tilespmem:$0x1F000] =	vst v63  }
0xab: {  	_ =	swait.ge [sflag:s26], $0x2000  }
0xac: {  	[sflag:s26] =	ssyncset.done $0x0  }
0xad: {  	[sflag:s26] =	ssyncadd.s32 $0xFFFFE000  }
0xae: {  	_ =	swait.ge [sflag:s29], $0x2000  }
0xaf: {  	[sflag:s29] =	ssyncset.done $0x0  }
0xb0: {  	[sflag:s29] =	ssyncadd.s32 $0xFFFFE000  }
0xb1: {  	_ =	swait.ge [sflag:s31], $0x2000  }
0xb2: {  	[sflag:s31] =	ssyncset.done $0x0  }
0xb3: {  	[sflag:s31] =	ssyncadd.s32 $0xFFFFE000  }
0xb4: {  	_ =	swait.ge [sflag:s2], $0x2000  }
0xb5: {  	[sflag:s2] =	ssyncset.done $0x0  }
0xb6: {  	[sflag:s2] =	ssyncadd.s32 $0xFFFFE000  }
0xb7: {  	s15 =	simm.s32 $0x100;
	_ =	swait.ge [sflag:s7], $0x2000  }
0xb8: {  	s24 =	simm.s32 $0x200;
	s4 =	rddreg [dreg:$0x3];
	[sflag:s7] =	ssyncset.done $0x0  }
.LBB2_4:
0xb9: {  	[sflag:s7] =	ssyncadd.s32 $0xFFFFE000;
	s4 =	sadd.s32 s15, s4  }
0xba: {  	[tilespmem:s3], [sflag:$0xB] =	stream.linear.gather [hbm4b:s4+s3], $0x500, $0x38;
	[tilespmem:$0x1F000] =	vst v63  }
0xbb: {  	_ =	swait.ge [sflag:s17], $0x500  }
0xbc: {  	s4 =	rddreg [dreg:$0x4];
	[sflag:s17] =	ssyncset.done $0x0  }
0xbd: {  	[sflag:s17] =	ssyncadd.s32 $0xFFFFFB00;
	s4 =	sadd.s32 s15, s4  }
0xbe: {  	[tilespmem:s18], [sflag:$0xB] =	stream.linear.gather [hbm4b:s4+s3], $0x500, $0x38;
	[tilespmem:$0x1F000] =	vst v63  }
0xbf: {  	_ =	swait.ge [sflag:s17], $0x500  }
0xc0: {  	[sflag:s17] =	ssyncset.done $0x0  }
0xc1: {  	[sflag:s17] =	ssyncadd.s32 $0xFFFFFB00  }
0xc2: {  	[tilespmem:s16], [sflag:$0x1] =	stream.indirect.gather [hbm4b:s5+s19], $0x80, s3, s19, $0xb8;
	[tilespmem:$0x1F000] =	vst v63  }
0xc3: {  	s14 =	smov.u32 s24;
	s4 =	rddreg [dreg:$0x5]  }
0xc4: {  	[tilespmem:s20], [sflag:$0x2] =	stream.indirect.gather [hbm4b:s5+s19], $0x80, s4, s19, $0xb8;
	[tilespmem:$0x1F000] =	vst v63  }
0xc5: {  	s15 =	smov.u32 s14;
	s14 =	rddreg [dreg:$0x6]  }
0xc6: {  	[tilespmem:s21], [sflag:$0x3] =	stream.indirect.gather [hbm4b:s5+s19], $0x80, s14, s19, $0xb8;
	[tilespmem:$0x1F000] =	vst v63  }
0xc7: {  	s4 =	rddreg [dreg:$0x7]  }
0xc8: {  	[tilespmem:s22], [sflag:$0x4] =	stream.indirect.gather [hbm4b:s5+s19], $0x80, s4, s19, $0xb8;
	[tilespmem:$0x1F000] =	vst v63  }
0xc9: {  	s14 =	rddreg [dreg:$0x8]  }
0xca: {  	[tilespmem:s23], [sflag:$0x5] =	stream.indirect.gather [hbm4b:s5+s19], $0x80, s14, s19, $0xb8;
	[tilespmem:$0x1F000] =	vst v63  }
0xcb: {  	_ =	swait.ge [sflag:s25], $0x2000  }
0xcc: {  	[sflag:s25] =	ssyncset.done $0x0  }
0xcd: {  	[sflag:s25] =	ssyncadd.s32 $0xFFFFE000  }
0xce: {  	[spmem:s1] =	stream.indirect.scatter.add.f32 [tilespmem:s16], [sflag:$0x6], $0x80, s18, s19, $0xb8;
	[tilespmem:$0x1F000] =	vst v63  }
0xcf: {  	_ =	swait.ge [sflag:s26], $0x2000  }
0xd0: {  	[sflag:s26] =	ssyncset.done $0x0  }
0xd1: {  	s14 =	rddreg [dreg:$0x9];
	[sflag:s26] =	ssyncadd.s32 $0xFFFFE000  }
0xd2: {  	[tilespmem:s16], [sflag:$0x1] =	stream.indirect.gather [hbm4b:s5+s19], $0x80, s14, s19, $0xb8;
	[tilespmem:$0x1F000] =	vst v63  }
0xd3: {  	_ =	swait.ge [sflag:s28], $0x2000  }
0xd4: {  	[sflag:s28] =	ssyncset.done $0x0  }
0xd5: {  	s14 =	rddreg [dreg:$0xa];
	[sflag:s28] =	ssyncadd.s32 $0xFFFFE000  }
0xd6: {  	[spmem:s1] =	stream.indirect.scatter.add.f32 [tilespmem:s20], [sflag:$0x7], $0x80, s14, s19, $0xb8;
	[tilespmem:$0x1F000] =	vst v63  }
0xd7: {  	_ =	swait.ge [sflag:s29], $0x2000  }
0xd8: {  	[sflag:s29] =	ssyncset.done $0x0  }
0xd9: {  	s14 =	rddreg [dreg:$0xb];
	[sflag:s29] =	ssyncadd.s32 $0xFFFFE000  }
0xda: {  	[tilespmem:s20], [sflag:$0x2] =	stream.indirect.gather [hbm4b:s5+s19], $0x80, s14, s19, $0xb8;
	[tilespmem:$0x1F000] =	vst v63  }
0xdb: {  	_ =	swait.ge [sflag:s30], $0x2000  }
0xdc: {  	[sflag:s30] =	ssyncset.done $0x0  }
0xdd: {  	s14 =	rddreg [dreg:$0xc];
	[sflag:s30] =	ssyncadd.s32 $0xFFFFE000  }
0xde: {  	[spmem:s1] =	stream.indirect.scatter.add.f32 [tilespmem:s21], [sflag:$0x8], $0x80, s14, s19, $0xb8;
	[tilespmem:$0x1F000] =	vst v63  }
0xdf: {  	_ =	swait.ge [sflag:s31], $0x2000  }
0xe0: {  	[sflag:s31] =	ssyncset.done $0x0  }
0xe1: {  	s14 =	rddreg [dreg:$0xd];
	[sflag:s31] =	ssyncadd.s32 $0xFFFFE000  }
0xe2: {  	[tilespmem:s21], [sflag:$0x3] =	stream.indirect.gather [hbm4b:s5+s19], $0x80, s14, s19, $0xb8;
	[tilespmem:$0x1F000] =	vst v63  }
0xe3: {  	_ =	swait.ge [sflag:s0], $0x2000  }
0xe4: {  	[sflag:s0] =	ssyncset.done $0x0  }
0xe5: {  	s14 =	rddreg [dreg:$0xe];
	[sflag:s0] =	ssyncadd.s32 $0xFFFFE000  }
0xe6: {  	[spmem:s1] =	stream.indirect.scatter.add.f32 [tilespmem:s22], [sflag:$0x9], $0x80, s14, s19, $0xb8;
	[tilespmem:$0x1F000] =	vst v63  }
0xe7: {  	_ =	swait.ge [sflag:s2], $0x2000  }
0xe8: {  	[sflag:s2] =	ssyncset.done $0x0  }
0xe9: {  	s14 =	rddreg [dreg:$0xf];
	[sflag:s2] =	ssyncadd.s32 $0xFFFFE000  }
0xea: {  	[tilespmem:s22], [sflag:$0x4] =	stream.indirect.gather [hbm4b:s5+s19], $0x80, s14, s19, $0xb8;
	[tilespmem:$0x1F000] =	vst v63  }
0xeb: {  	_ =	swait.ge [sflag:s6], $0x2000  }
0xec: {  	[sflag:s6] =	ssyncset.done $0x0  }
0xed: {  	s14 =	rddreg [dreg:$0x10];
	[sflag:s6] =	ssyncadd.s32 $0xFFFFE000  }
0xee: {  	[spmem:s1] =	stream.indirect.scatter.add.f32 [tilespmem:s23], [sflag:$0xA], $0x80, s14, s19, $0xb8;
	[tilespmem:$0x1F000] =	vst v63  }
0xef: {  	_ =	swait.ge [sflag:s7], $0x2000  }
0xf0: {  	[sflag:s7] =	ssyncset.done $0x0  }
0xf1: {  	[sflag:s7] =	ssyncadd.s32 $0xFFFFE000  }
0xf2: {  	[tilespmem:s23], [sflag:$0x5] =	stream.indirect.gather [hbm4b:s5+s19], $0x80, s8, s19, $0xb8;
	[tilespmem:$0x1F000] =	vst v63  }
0xf3: {  	_ =	swait.ge [sflag:s25], $0x2000  }
0xf4: {  	[sflag:s25] =	ssyncset.done $0x0  }
0xf5: {  	[sflag:s25] =	ssyncadd.s32 $0xFFFFE000  }
0xf6: {  	[spmem:s1] =	stream.indirect.scatter.add.f32 [tilespmem:s16], [sflag:$0x6], $0x80, s9, s19, $0xb8;
	[tilespmem:$0x1F000] =	vst v63  }
0xf7: {  	_ =	swait.ge [sflag:s28], $0x2000  }
0xf8: {  	[sflag:s28] =	ssyncset.done $0x0  }
0xf9: {  	[sflag:s28] =	ssyncadd.s32 $0xFFFFE000  }
0xfa: {  	[spmem:s1] =	stream.indirect.scatter.add.f32 [tilespmem:s20], [sflag:$0x7], $0x80, s10, s19, $0xb8;
	[tilespmem:$0x1F000] =	vst v63  }
0xfb: {  	_ =	swait.ge [sflag:s30], $0x2000  }
0xfc: {  	[sflag:s30] =	ssyncset.done $0x0  }
0xfd: {  	[sflag:s30] =	ssyncadd.s32 $0xFFFFE000  }
0xfe: {  	[spmem:s1] =	stream.indirect.scatter.add.f32 [tilespmem:s21], [sflag:$0x8], $0x80, s11, s19, $0xb8;
	[tilespmem:$0x1F000] =	vst v63  }
0xff: {  	_ =	swait.ge [sflag:s0], $0x2000  }
0x100: {  	[sflag:s0] =	ssyncset.done $0x0  }
0x101: {  	[sflag:s0] =	ssyncadd.s32 $0xFFFFE000  }
0x102: {  	[spmem:s1] =	stream.indirect.scatter.add.f32 [tilespmem:s22], [sflag:$0x9], $0x80, s12, s19, $0xb8;
	[tilespmem:$0x1F000] =	vst v63  }
0x103: {  	_ =	swait.ge [sflag:s6], $0x2000  }
0x104: {  	[sflag:s6] =	ssyncset.done $0x0  }
0x105: {  	[sflag:s6] =	ssyncadd.s32 $0xFFFFE000  }
0x106: {  	[spmem:s1] =	stream.indirect.scatter.add.f32 [tilespmem:s23], [sflag:$0xA], $0x80, s13, s19, $0xb8;
	[tilespmem:$0x1F000] =	vst v63  }
0x107: {  	_ =	swait.ge [sflag:s26], $0x2000  }
0x108: {  	[sflag:s26] =	ssyncset.done $0x0  }
0x109: {  	[sflag:s26] =	ssyncadd.s32 $0xFFFFE000  }
0x10a: {  	_ =	swait.ge [sflag:s29], $0x2000  }
0x10b: {  	[sflag:s29] =	ssyncset.done $0x0  }
0x10c: {  	[sflag:s29] =	ssyncadd.s32 $0xFFFFE000  }
0x10d: {  	_ =	swait.ge [sflag:s31], $0x2000  }
0x10e: {  	[sflag:s31] =	ssyncset.done $0x0  }
0x10f: {  	p0 =	sne.s32 s24, $0x1F00;
	[sflag:s31] =	ssyncadd.s32 $0xFFFFE000  }
.Ltmp1:
0x110: {  	_ =	swait.ge [sflag:s2], $0x2000;
	(pc) =	sbr.rel @p0 .LBB2_4-.Ltmp1, $4  }
0x111: {  	[sflag:s2] =	ssyncset.done $0x0  }
0x112: {  	[sflag:s2] =	ssyncadd.s32 $0xFFFFE000  }
0x113: {  	_ =	swait.ge [sflag:s7], $0x2000  }
0x114: {  	s24 =	sadd.s32 $0x100, s24;
	s4 =	rddreg [dreg:$0x3];
	[sflag:s7] =	ssyncset.done $0x0  }
0x115: {  	[sflag:s7] =	ssyncadd.s32 $0xFFFFE000;
	s4 =	sadd.s32 s15, s4  }
0x116: {  	[tilespmem:s3], [sflag:$0xB] =	stream.linear.gather [hbm4b:s4+s3], $0x500, $0x38;
	[tilespmem:$0x1F000] =	vst v63  }
0x117: {  	_ =	swait.ge [sflag:s17], $0x500  }
0x118: {  	s14 =	rddreg [dreg:$0x4];
	[sflag:s17] =	ssyncset.done $0x0  }
0x119: {  	[sflag:s17] =	ssyncadd.s32 $0xFFFFFB00;
	s4 =	sadd.s32 s15, s14  }
0x11a: {  	[tilespmem:s18], [sflag:$0xB] =	stream.linear.gather [hbm4b:s4+s3], $0x500, $0x38;
	[tilespmem:$0x1F000] =	vst v63  }
0x11b: {  	_ =	swait.ge [sflag:s17], $0x500  }
0x11c: {  	[sflag:s17] =	ssyncset.done $0x0  }
0x11d: {  	[sflag:s17] =	ssyncadd.s32 $0xFFFFFB00  }
0x11e: {  	[tilespmem:s16], [sflag:$0x1] =	stream.indirect.gather [hbm4b:s5+s19], $0x80, s3, s19, $0xb8;
	[tilespmem:$0x1F000] =	vst v63  }
0x11f: {  	s24 =	rddreg [dreg:$0x5]  }
0x120: {  	[tilespmem:s20], [sflag:$0x2] =	stream.indirect.gather [hbm4b:s5+s19], $0x80, s24, s19, $0xb8;
	[tilespmem:$0x1F000] =	vst v63  }
0x121: {  	s14 =	rddreg [dreg:$0x6]  }
0x122: {  	[tilespmem:s21], [sflag:$0x3] =	stream.indirect.gather [hbm4b:s5+s19], $0x80, s14, s19, $0xb8;
	[tilespmem:$0x1F000] =	vst v63  }
0x123: {  	s15 =	rddreg [dreg:$0x7]  }
0x124: {  	[tilespmem:s22], [sflag:$0x4] =	stream.indirect.gather [hbm4b:s5+s19], $0x80, s15, s19, $0xb8;
	[tilespmem:$0x1F000] =	vst v63  }
0x125: {  	s24 =	rddreg [dreg:$0x8]  }
0x126: {  	[tilespmem:s23], [sflag:$0x5] =	stream.indirect.gather [hbm4b:s5+s19], $0x80, s24, s19, $0xb8;
	[tilespmem:$0x1F000] =	vst v63  }
0x127: {  	_ =	swait.ge [sflag:s25], $0x2000  }
0x128: {  	[sflag:s25] =	ssyncset.done $0x0  }
0x129: {  	[sflag:s25] =	ssyncadd.s32 $0xFFFFE000  }
0x12a: {  	[spmem:s1] =	stream.indirect.scatter.add.f32 [tilespmem:s16], [sflag:$0x6], $0x80, s18, s19, $0xb8;
	[tilespmem:$0x1F000] =	vst v63  }
0x12b: {  	_ =	swait.ge [sflag:s26], $0x2000  }
0x12c: {  	[sflag:s26] =	ssyncset.done $0x0  }
0x12d: {  	s15 =	rddreg [dreg:$0x9];
	[sflag:s26] =	ssyncadd.s32 $0xFFFFE000  }
0x12e: {  	[tilespmem:s16], [sflag:$0x1] =	stream.indirect.gather [hbm4b:s5+s19], $0x80, s15, s19, $0xb8;
	[tilespmem:$0x1F000] =	vst v63  }
0x12f: {  	_ =	swait.ge [sflag:s28], $0x2000  }
0x130: {  	[sflag:s28] =	ssyncset.done $0x0  }
0x131: {  	s24 =	rddreg [dreg:$0xa];
	[sflag:s28] =	ssyncadd.s32 $0xFFFFE000  }
0x132: {  	[spmem:s1] =	stream.indirect.scatter.add.f32 [tilespmem:s20], [sflag:$0x7], $0x80, s24, s19, $0xb8;
	[tilespmem:$0x1F000] =	vst v63  }
0x133: {  	_ =	swait.ge [sflag:s29], $0x2000  }
0x134: {  	[sflag:s29] =	ssyncset.done $0x0  }
0x135: {  	s14 =	rddreg [dreg:$0xb];
	[sflag:s29] =	ssyncadd.s32 $0xFFFFE000  }
0x136: {  	[tilespmem:s20], [sflag:$0x2] =	stream.indirect.gather [hbm4b:s5+s19], $0x80, s14, s19, $0xb8;
	[tilespmem:$0x1F000] =	vst v63  }
0x137: {  	_ =	swait.ge [sflag:s30], $0x2000  }
0x138: {  	[sflag:s30] =	ssyncset.done $0x0  }
0x139: {  	s15 =	rddreg [dreg:$0xc];
	[sflag:s30] =	ssyncadd.s32 $0xFFFFE000  }
0x13a: {  	[spmem:s1] =	stream.indirect.scatter.add.f32 [tilespmem:s21], [sflag:$0x8], $0x80, s15, s19, $0xb8;
	[tilespmem:$0x1F000] =	vst v63  }
0x13b: {  	_ =	swait.ge [sflag:s31], $0x2000  }
0x13c: {  	[sflag:s31] =	ssyncset.done $0x0  }
0x13d: {  	s24 =	rddreg [dreg:$0xd];
	[sflag:s31] =	ssyncadd.s32 $0xFFFFE000  }
0x13e: {  	[tilespmem:s21], [sflag:$0x3] =	stream.indirect.gather [hbm4b:s5+s19], $0x80, s24, s19, $0xb8;
	[tilespmem:$0x1F000] =	vst v63  }
0x13f: {  	_ =	swait.ge [sflag:s0], $0x2000  }
0x140: {  	[sflag:s0] =	ssyncset.done $0x0  }
0x141: {  	s14 =	rddreg [dreg:$0xe];
	[sflag:s0] =	ssyncadd.s32 $0xFFFFE000  }
0x142: {  	[spmem:s1] =	stream.indirect.scatter.add.f32 [tilespmem:s22], [sflag:$0x9], $0x80, s14, s19, $0xb8;
	[tilespmem:$0x1F000] =	vst v63  }
0x143: {  	_ =	swait.ge [sflag:s2], $0x2000  }
0x144: {  	[sflag:s2] =	ssyncset.done $0x0  }
0x145: {  	s15 =	rddreg [dreg:$0xf];
	[sflag:s2] =	ssyncadd.s32 $0xFFFFE000  }
0x146: {  	[tilespmem:s22], [sflag:$0x4] =	stream.indirect.gather [hbm4b:s5+s19], $0x80, s15, s19, $0xb8;
	[tilespmem:$0x1F000] =	vst v63  }
0x147: {  	_ =	swait.ge [sflag:s6], $0x2000  }
0x148: {  	[sflag:s6] =	ssyncset.done $0x0  }
0x149: {  	s24 =	rddreg [dreg:$0x10];
	[sflag:s6] =	ssyncadd.s32 $0xFFFFE000  }
0x14a: {  	[spmem:s1] =	stream.indirect.scatter.add.f32 [tilespmem:s23], [sflag:$0xA], $0x80, s24, s19, $0xb8;
	[tilespmem:$0x1F000] =	vst v63  }
0x14b: {  	_ =	swait.ge [sflag:s7], $0x2000  }
0x14c: {  	[sflag:s7] =	ssyncset.done $0x0  }
0x14d: {  	[sflag:s7] =	ssyncadd.s32 $0xFFFFE000  }
0x14e: {  	[tilespmem:s23], [sflag:$0x5] =	stream.indirect.gather [hbm4b:s5+s19], $0x80, s8, s19, $0xb8;
	[tilespmem:$0x1F000] =	vst v63  }
0x14f: {  	_ =	swait.ge [sflag:s25], $0x2000  }
0x150: {  	[sflag:s25] =	ssyncset.done $0x0  }
0x151: {  	[sflag:s25] =	ssyncadd.s32 $0xFFFFE000  }
0x152: {  	[spmem:s1] =	stream.indirect.scatter.add.f32 [tilespmem:s16], [sflag:$0x6], $0x80, s9, s19, $0xb8;
	[tilespmem:$0x1F000] =	vst v63  }
0x153: {  	_ =	swait.ge [sflag:s28], $0x2000  }
0x154: {  	[sflag:s28] =	ssyncset.done $0x0  }
0x155: {  	[sflag:s28] =	ssyncadd.s32 $0xFFFFE000  }
0x156: {  	[spmem:s1] =	stream.indirect.scatter.add.f32 [tilespmem:s20], [sflag:$0x7], $0x80, s10, s19, $0xb8;
	[tilespmem:$0x1F000] =	vst v63  }
0x157: {  	_ =	swait.ge [sflag:s30], $0x2000  }
0x158: {  	[sflag:s30] =	ssyncset.done $0x0  }
0x159: {  	[sflag:s30] =	ssyncadd.s32 $0xFFFFE000  }
0x15a: {  	[spmem:s1] =	stream.indirect.scatter.add.f32 [tilespmem:s21], [sflag:$0x8], $0x80, s11, s19, $0xb8;
	[tilespmem:$0x1F000] =	vst v63  }
0x15b: {  	_ =	swait.ge [sflag:s0], $0x2000  }
0x15c: {  	[sflag:s0] =	ssyncset.done $0x0  }
0x15d: {  	[sflag:s0] =	ssyncadd.s32 $0xFFFFE000  }
0x15e: {  	[spmem:s1] =	stream.indirect.scatter.add.f32 [tilespmem:s22], [sflag:$0x9], $0x80, s12, s19, $0xb8;
	[tilespmem:$0x1F000] =	vst v63  }
0x15f: {  	_ =	swait.ge [sflag:s6], $0x2000  }
0x160: {  	[sflag:s6] =	ssyncset.done $0x0  }
0x161: {  	[sflag:s6] =	ssyncadd.s32 $0xFFFFE000  }
0x162: {  	[spmem:s1] =	stream.indirect.scatter.add.f32 [tilespmem:s23], [sflag:$0xA], $0x80, s13, s19, $0xb8;
	[tilespmem:$0x1F000] =	vst v63  }
0x163: {  	_ =	swait.ge [sflag:s26], $0x2000  }
0x164: {  	[sflag:s26] =	ssyncset.done $0x0  }
0x165: {  	[sflag:s26] =	ssyncadd.s32 $0xFFFFE000  }
0x166: {  	_ =	swait.ge [sflag:s29], $0x2000  }
0x167: {  	[sflag:s29] =	ssyncset.done $0x0  }
0x168: {  	[sflag:s29] =	ssyncadd.s32 $0xFFFFE000  }
0x169: {  	_ =	swait.ge [sflag:s31], $0x2000  }
0x16a: {  	[sflag:s31] =	ssyncset.done $0x0  }
0x16b: {  	[sflag:s31] =	ssyncadd.s32 $0xFFFFE000  }
0x16c: {  	_ =	swait.ge [sflag:s2], $0x2000  }
0x16d: {  	[sflag:s2] =	ssyncset.done $0x0  }
0x16e: {  	[sflag:s2] =	ssyncadd.s32 $0xFFFFE000  }
0x16f: {  	_ =	swait.ge [sflag:s7], $0x2000  }
0x170: {  	[sflag:s7] =	ssyncset.done $0x0  }
0x171: {  	[sflag:s7] =	ssyncadd.s32 $0xFFFFE000  }
0x172: {  	s14 =	stileid.u32;
	[bflag:$0x0] =	sbarrier.arrive $0xFFFF  }
0x173: {  	s4 =	sshll.u32 s14, $0x6;
	s15 =	rddreg [dreg:$0x11]  }
0x174: {  	s4 =	sor.u32 $0x1C0B, s4;
	s24 =	rddreg [dreg:$0x1c];
	s14 =	sshrl.u32 s15, $0x3  }
0x175: {  	[hbm:s24], [sflag:s4] =	dma.local [spmem:s14], $0x2800  }
0x176: {  	_ =	swait.ge [sflag:s17], $0x2800  }
0x177: {  	s15 =	rddreg [dreg:$0x1d]  }
0x178: {  	s24 =	rddreg [dreg:$0x12];
	s14 =	sadd.s32 $0x1, s15  }
0x179: {  	p0 =	sne.s32 s14, s24  }
.Ltmp2:
0x17a: {  	_ = 	snop;
	(pc) =	sbr.rel @p0 .LBB2_1-.Ltmp2, $3  }
0x17b: {  	_ =	sdelay $0x1  }
0x17c: {  	[sflag:s17] =	ssyncset.done $0x0  }
0x17d: {  	[sflag:s17] =	ssyncadd.s32 $0xFFFFD800  }
0x17e: {  	_ =	sfence.sel $0x180000  }
0x17f: {  	[bflag:$0x0] =	sbarrier.arrive $0xFFFF  }
0x180: {  	_ =	strace $0x9000004A  }
0x181: {  	s0 =	stileid.u32;
	[bflag:$0x2] =	sbarrier.arrive $0xFFFF  }
0x182: {  	p0 =	sne.s32 s0, $0x0;
	s0 =	rddreg [dreg:$0x2]  }
0x183: {  	s0 =	sadd.s32 @!p0 $0x100000, s0  }
0x184: {  	[sflag:s0] =	ssyncadd.tile.s32 @!p0 $0x1;
	_ =	shalt  }
.Lfunc_end2:
_tile_overlayer_lowered:
.L_overlay_start_2:
0x185: {  	(tag) =	ssettag $0x2  }
0x186: {  	s0 =	rddreg [dreg:$0x0];
	s2 =	stileid.u32  }
0x187: {  	s1 =	rddreg [dreg:$0x1];
	p0 =	sne.s32 s2, $0x0  }
0x188: {  	s3 =	rddreg [dreg:$0x2];
	[bflag:$0x3] =	sbarrier.arrive $0xFFFF;
	s2 =	simm.s32 @!p0 $0x1C0B  }
0x189: {  	[timem:s3], [sflag:s2] =	dma.local @!p0 [hbm:s0], s1  }
0x18a: {  	s0 =	simm.s32 @!p0 $0xB  }
0x18b: {  	_ =	swait.ge @!p0 [sflag:s0], s1  }
0x18c: {  	s1 =	ssub.s32 @!p0 $0x0, s1;
	[sflag:s0] =	ssyncset.done @!p0 $0x0  }
0x18d: {  	[sflag:s0] =	ssyncadd.s32 @!p0 s1  }
0x18e: {  	[bflag:$0x3] =	sbarrier.arrive $0xFFFF  }
0x18f: {  	_ =	shalt  }

// kernel: kernel.18.cloned.1.call-start
scs
__scs_entry_jumppad:
0x0: {  	(pc) =	sbr.rel $0x88, $3  }
0x1: {  	(tag) =	ssettag $0x0;
	lr =	simm.s32 $0x1  }
0x2: {  	[smem:$0x3F93] =	sst lr;
	_ =	strace $0xD0000000  }
0x3: {  	_ = 	snop  }
0x4: {  	_ = 	snop  }
0x5: {  	_ = 	snop  }
0x6: {  	_ = 	snop  }
0x7: {  	_ = 	snop  }
__scs_overlays_trampoline_lowered:
0x8: {  	[smem:$0x3FA2] =	sst s0  }
0x9: {  	[smem:$0x3FA3] =	sst s1  }
0xa: {  	[smem:$0x3FA4] =	sst s2  }
0xb: {  	[smem:$0x3FA5] =	sst s3  }
0xc: {  	[smem:$0x3FA6] =	sst s4  }
0xd: {  	[smem:$0x3FA7] =	sst s5  }
0xe: {  	[smem:$0x3FA8] =	sst s6  }
0xf: {  	[smem:$0x3FA9] =	sst s7  }
0x10: {  	[smem:$0x3FAA] =	sst s8  }
0x11: {  	[smem:$0x3FAB] =	sst s9;
	s0 =	simm.s32 @!p0 $0x0  }
0x12: {  	s1 =	sld [smem:$0x3F91];
	s0 =	simm.s32 @p0 $0x1  }
0x13: {  	[smem:$0x3FAC] =	sst s0;
	s0 =	simm.s32 @!p1 $0x0  }
0x14: {  	s2 =	sld [smem:$0x3F90];
	s0 =	simm.s32 @p1 $0x1  }
0x15: {  	[smem:$0x3FAD] =	sst s0;
	s0 =	simm.s32 @!p2 $0x0  }
0x16: {  	s3 =	sld [smem:$0x3FDB];
	s0 =	simm.s32 @p2 $0x1  }
0x17: {  	s4 =	simm.s32 $0x1BF5;
	[smem:$0x3FAF] =	sst s0  }
0x18: {  	s0 =	sld [smem:$0x3F92];
	_ =	swait.ge [sflag:s4], $0x0  }
0x19: {  	s7 =	sld [smem:$0x3F93]  }
0x1a: {  	s8 =	sadd.s32 $0xFFFFE003, lr  }
0x1b: {  	s9 =	sadd.s32 $0xFFFFFEF7, lr;
	s5 =	simm.s32 $0xFFFFFFFF;
	p2 =	slt.u32 s8, $0xFFFFF086  }
0x1c: {  	p1 =	slt.u32 s9, $0xF7A;
	s5 =	simm.s32 @!p2 $0x0  }
0x1d: {  	s5 =	simm.s32 @p1 $0x1;
	p0 =	seq.s32 s7, s2  }
0x1e: {  	s7 =	smul.u32 @!p0 $0xF7A, s2;
	p2 =	seq.s32 @!p0 s5, $0x0  }
0x1f: {  	s9 =	smul.u32 $0xF7A, s1;
	s8 =	simm.s32 @!p0 $0x1BF5;
	p2 =	por !p2, p0  }
0x20: {  	[sflag:s8] =	ssyncset.s32 @!p0 $0xFFFFF086;
	s6 =	sadd.s32 @!p0 s3, s7;
	s7 =	simm.s32 @!p0 $0x108  }
0x21: {  	s3 =	sadd.s32 s3, s9;
	s6 =	sadd.s32 @!p0 $0x88, s6;
	s7 =	simm.s32 @p2 $0x1082  }
0x22: {  	[simem:s7], [sflag:s8] =	dma.local @!p0 [hbm:s6], $0xF7A  }
0x23: {  	s9 =	sor.u32 $0xD0000000, s2;
	s6 =	simm.s32 $0x108;
	_ =	swait.ge @!p0 [sflag:s8], $0x0  }
0x24: {  	s3 =	sadd.s32 $0x88, s3;
	s6 =	simm.s32 @!p1 $0x1082;
	[sflag:s4] =	ssyncset.s32 $0xFFFFF086  }
0x25: {  	[simem:s6], [sflag:s4] =	dma.local [hbm:s3], $0xF7A  }
0x26: {  	[smem:$0x3F93] =	sst s1;
	(tag) =	ssettag s2;
	_ =	strace s9  }
0x27: {  	s1 =	sld [smem:$0x3FA3]  }
0x28: {  	s2 =	sld [smem:$0x3FA4]  }
0x29: {  	s4 =	sld [smem:$0x3FA6]  }
0x2a: {  	p0 =	seq.s32 s5, $0x0;
	s5 =	sld [smem:$0x3FA7]  }
0x2b: {  	s6 =	sld [smem:$0x3FA8]  }
0x2c: {  	s7 =	sld [smem:$0x3FA9]  }
0x2d: {  	s3 =	simm.s32 $0x108;
	s8 =	sld [smem:$0x3FAA]  }
0x2e: {  	s3 =	simm.s32 @!p0 $0x1082;
	s9 =	sld [smem:$0x3FAB]  }
0x2f: {  	lr =	sadd.s32 s0, s3;
	s0 =	sld [smem:$0x3FA2]  }
0x30: {  	s3 =	sld [smem:$0x3FA5]  }
0x31: {  	[smem:$0x3FAE] =	sst s10  }
0x32: {  	s10 =	sld [smem:$0x3FAC];
	_ =	sdelay $0x3  }
0x33: {  	p0 =	seq.s32 s10, $0x1;
	s10 =	sld [smem:$0x3FAE];
	_ =	sdelay $0x3  }
0x34: {  	[smem:$0x3FAE] =	sst s10  }
0x35: {  	s10 =	sld [smem:$0x3FAD];
	_ =	sdelay $0x3  }
0x36: {  	p1 =	seq.s32 s10, $0x1;
	s10 =	sld [smem:$0x3FAE];
	_ =	sdelay $0x3  }
0x37: {  	[smem:$0x3FAE] =	sst s10  }
0x38: {  	s10 =	sld [smem:$0x3FAF]  }
0x39: {  	_ = 	snop;
	(pc) =	sbr.ind lr, $3  }
0x3a: {  	_ = 	snop  }
0x3b: {  	_ = 	snop  }
0x3c: {  	p2 =	seq.s32 s10, $0x1;
	s10 =	sld [smem:$0x3FAE]  }
0x3d: {  	_ =	shalt  }
0x3e: {  	_ =	shalt  }
0x3f: {  	_ =	shalt  }
0x40: {  	_ =	shalt  }
0x41: {  	_ =	shalt  }
0x42: {  	_ =	shalt  }
0x43: {  	_ =	shalt  }
0x44: {  	_ =	shalt  }
0x45: {  	_ =	shalt  }
0x46: {  	_ =	shalt  }
0x47: {  	_ =	shalt  }
0x48: {  	_ =	shalt  }
0x49: {  	_ =	shalt  }
0x4a: {  	_ =	shalt  }
0x4b: {  	_ =	shalt  }
0x4c: {  	_ =	shalt  }
0x4d: {  	_ =	shalt  }
0x4e: {  	_ =	shalt  }
0x4f: {  	_ =	shalt  }
0x50: {  	_ =	shalt  }
0x51: {  	_ =	shalt  }
0x52: {  	_ =	shalt  }
0x53: {  	_ =	shalt  }
0x54: {  	_ =	shalt  }
0x55: {  	_ =	shalt  }
0x56: {  	_ =	shalt  }
0x57: {  	_ =	shalt  }
0x58: {  	_ =	shalt  }
0x59: {  	_ =	shalt  }
0x5a: {  	_ =	shalt  }
0x5b: {  	_ =	shalt  }
0x5c: {  	_ =	shalt  }
0x5d: {  	_ =	shalt  }
0x5e: {  	_ =	shalt  }
0x5f: {  	_ =	shalt  }
0x60: {  	_ =	shalt  }
0x61: {  	_ =	shalt  }
0x62: {  	_ =	shalt  }
0x63: {  	_ =	shalt  }
0x64: {  	_ =	shalt  }
0x65: {  	_ =	shalt  }
0x66: {  	_ =	shalt  }
0x67: {  	_ =	shalt  }
0x68: {  	_ =	shalt  }
0x69: {  	_ =	shalt  }
0x6a: {  	_ =	shalt  }
0x6b: {  	_ =	shalt  }
0x6c: {  	_ =	shalt  }
0x6d: {  	_ =	shalt  }
0x6e: {  	_ =	shalt  }
0x6f: {  	_ =	shalt  }
0x70: {  	_ =	shalt  }
0x71: {  	_ =	shalt  }
0x72: {  	_ =	shalt  }
0x73: {  	_ =	shalt  }
0x74: {  	_ =	shalt  }
0x75: {  	_ =	shalt  }
0x76: {  	_ =	shalt  }
0x77: {  	_ =	shalt  }
0x78: {  	_ =	shalt  }
0x79: {  	_ =	shalt  }
0x7a: {  	_ =	shalt  }
0x7b: {  	_ =	shalt  }
0x7c: {  	_ =	shalt  }
0x7d: {  	_ =	shalt  }
0x7e: {  	_ =	shalt  }
0x7f: {  	_ =	shalt  }
0x80: {  	_ =	shalt  }
0x81: {  	_ =	shalt  }
0x82: {  	_ =	shalt  }
0x83: {  	_ =	shalt  }
0x84: {  	_ =	shalt  }
0x85: {  	_ =	shalt  }
0x86: {  	_ =	shalt  }
0x87: {  	_ =	shalt  }
.Lfunc_end0:
.L_simem_size_0:
called_computation.2_lowered:
.L_overlay_start_0:
0x88: {  	s2 =	sld [smem:$0x3FD9]  }
0x89: {  	s3 =	sld [smem:$0x3FFE];
	_ =	sdelay $0x1  }
0x8a: {  	s1 =	srdreg.scid  }
0x8b: {  	s0 =	sand.u32 $0x1, s1  }
0x8c: {  	s16 =	sshll.u32 s0, $0xA;
	s2 =	sadd.s32 s3, s2  }
0x8d: {  	s2 =	sadd.s32 s2, s16  }
0x8e: {  	[smem:$0x3FBA] =	sst s2  }
0x8f: {  	_ = 	snop  }
0x90: {  	(tm) =	ssettm $0x1  }
0x91: {  	s17 =	sld [smem:$0x3FFB];
	_ =	sdelay $0x3  }
0x92: {  	_ =	strace s17  }
0x93: {  	s2 =	sld [smem:$0x3FFC];
	_ =	sdelay $0x3  }
0x94: {  	_ =	strace s2  }
0x95: {  	s2 =	sld [smem:$0x3FFD];
	_ =	sdelay $0x3  }
0x96: {  	_ =	strace s2  }
0x97: {  	_ =	strace $0x8FFFFFFF  }
0x98: {  	s18 =	sld [smem:$0x3FDB];
	_ =	sdelay $0x1  }
0x99: {  	s19 =	simm.s32 $_scs_section_size  }
0x9a: {  	s4 =	simm.s32 $_size__tile_overlayer_lowered;
	s5 =	simm.s32 $_tile_overlayer_lowered  }
0x9b: {  	s22 =	simm.s32 $0x1BFF;
	s21 =	sshll.u32 s5, $0x1;
	s2 =	sadd.s32 s19, s18  }
0x9c: {  	s6 =	simm.s32 $0x0;
	s20 =	sshll.u32 s4, $0x1;
	s4 =	sadd.s32 s21, s2  }
0x9d: {  	[timem:s6], [sflag:s22] =	dma.local [hbm:s4], s20  }
0x9e: {  	_ =	swait.ge [sflag:s22], s20  }
0x9f: {  	s3 =	ssub.s32 $0x0, s20;
	[sflag:s22] =	ssyncset.done $0x0  }
0xa0: {  	[sflag:s22] =	ssyncadd.s32 s3;
	_ =	sdelay $0x1  }
0xa1: {  	s23 =	simm.s32 $0x1B8B  }
0xa2: {  	_ =	swait.ge [sflag:s23], $0x1  }
0xa3: {  	[sflag:s23] =	ssyncset.done $0x0  }
0xa4: {  	s25 =	simm.s32 $0x1B8E;
	s24 =	sld [smem:$0x3FFE];
	[sflag:s23] =	ssyncadd.s32 $0xFFFFFFFF  }
0xa5: {  	s26 =	simm.s32 $execute0_lowered;
	[smem:$0x3FD2] =	sst s25  }
0xa6: {  	s4 =	sshll.u32 s26, $0x1;
	_ =	strace $0x8000004C;
	[dreg:$0x1] =	wrdreg $0xFFFFFFFF  }
0xa7: {  	s28 =	simm.s32 $_size_execute0_lowered;
	s2 =	sadd.s32 s2, s4;
	[dreg:$0x0] =	wrdreg $0x0  }
0xa8: {  	s4 =	sshll.u32 s28, $0x1;
	[dreg:$0x2] =	wrdreg s2  }
0xa9: {  	[dreg:$0x3] =	wrdreg s4  }
0xaa: {  	[dreg:$0x4] =	wrdreg $0xC0  }
0xab: {  	_ =	task [dreg:s6], $0x5FFFF  }
0xac: {  	[dreg:$0x1] =	wrdreg $0xFFFFFFFF  }
0xad: {  	[dreg:$0x0] =	wrdreg $0x60  }
0xae: {  	[dreg:$0x2] =	wrdreg s24  }
0xaf: {  	[dreg:$0x3] =	wrdreg $0xB0000  }
0xb0: {  	[dreg:$0x4] =	wrdreg $0x9  }
0xb1: {  	_ =	task.clear_ibuf [dreg:s6], $0x5FFFF;
	_ =	strace $0x9000004C  }
0xb2: {  	s29 =	simm.s32 $0x9;
	_ =	strace $0x8000004E  }
0xb3: {  	_ =	swait.ge [sflag:s29], $0x1  }
0xb4: {  	[sflag:s29] =	ssyncadd.s32 $0xFFFFFFFF  }
0xb5: {  	_ =	strace $0x9000004E  }
0xb6: {  	_ =	sfence  }
0xb7: {  	s30 =	sld [smem:$0x0];
	_ =	sdelay $0x2  }
0xb8: {  	s31 =	sshll.u32 s1, $0xD;
	s1 =	sshrl.u32 s1, $0x2  }
0xb9: {  	s3 =	sand.u32 $0x4000, s31;
	s1 =	sadd.s32 s1, s30  }
0xba: {  	s0 =	sor.u32 s3, s0;
	s1 =	sshll.u32 s1, $0x11  }
0xbb: {  	s0 =	sor.u32 s1, s0  }
0xbc: {  	s0 =	sadd.s32 $0x8F2B, s0  }
0xbd: {  	[sflag:s0] =	ssyncadd.remote.s32 $0x1  }
0xbe: {  	_ =	sfence.sel $0xFFFF  }
0xbf: {  	[dreg:$0x0] =	wrdreg $0xFFFFFFFF;
	(pc) =	sbr.abs _section_cstart, $3  }
0xc0: {  	[dreg:$0x1] =	wrdreg $0xFFFFFFFF  }
0xc1: {  	_ =	task.clear_ibuf [dreg:s6], $0x2FFFF;
	_ =	strace $0x9FFFFFFF  }
0xc2: {  	(tm) =	ssettm $0x7FFFFFFF  }
0xc3: {  	_ =	shalt  }
tec
execute0_lowered:
.L_overlay_start_1:
0x0: {  	(tag) =	ssettag $0x1  }
0x1: {  	s0 =	rddreg [dreg:$0x0]  }
0x2: {  	s1 =	rddreg [dreg:$0x1];
	s3 =	simm.s32 $0x0;
	s2 =	srdreg.scid  }
0x3: {  	s8 =	stileid.u32;
	s11 =	simm.s32 $0x80;
	s13 =	simm.s32 $0x100  }
0x4: {  	s15 =	simm.s32 $0x180;
	s17 =	simm.s32 $0x200;
	[smem:$0x7FF] =	sst s3  }
0x5: {  	s19 =	simm.s32 $0x280;
	_ =	strace $0x8000004D;
	[dreg:$0x5] =	wrdreg s11  }
0x6: {  	s20 =	simm.s32 $0x880;
	s21 =	simm.s32 $0x300;
	[dreg:$0x6] =	wrdreg s13  }
0x7: {  	s22 =	simm.s32 $0x900;
	s23 =	simm.s32 $0x380;
	[dreg:$0x7] =	wrdreg s15  }
0x8: {  	s24 =	simm.s32 $0x980;
	s25 =	simm.s32 $0x400;
	[dreg:$0x8] =	wrdreg s17  }
0x9: {  	s28 =	simm.s32 $0x2;
	s29 =	simm.s32 $0x7;
	[dreg:$0x9] =	wrdreg s19  }
0xa: {  	s30 =	simm.s32 $0x3;
	s31 =	simm.s32 $0x8;
	[dreg:$0xa] =	wrdreg s20  }
0xb: {  	s2 =	sand.u32 $0x1, s2;
	s6 =	smul.u32 $0x50000, s8;
	[dreg:$0xb] =	wrdreg s21  }
0xc: {  	s4 =	sshll.u32 s8, $0xD;
	s5 =	smul.u32 $0x28000, s2;
	[dreg:$0xc] =	wrdreg s22  }
0xd: {  	s4 =	sadd.s32 s4, s0;
	s2 =	ssub.s32 $0x2, s2;
	[dreg:$0xd] =	wrdreg s23  }
0xe: {  	s17 =	simm.s32 $0xB;
	s19 =	simm.s32 $0x40;
	[dreg:$0xe] =	wrdreg s24  }
0xf: {  	s20 =	simm.s32 $0x3000;
	[dreg:$0xf] =	wrdreg s25;
	s7 =	sadd.s32 $0x3E00, s4  }
0x10: {  	s6 =	sshrl.u32 s6, $0x2;
	s4 =	sadd.s32 $0x23E00, s4;
	[dreg:$0x3] =	wrdreg s7  }
0x11: {  	s26 =	sshrl.u32 s2, $0x1;
	s6 =	sadd.s32 s6, s1;
	[dreg:$0x4] =	wrdreg s4  }
0x12: {  	s2 =	ssub.s32 s2, s26;
	s26 =	simm.s32 $0xA00;
	[dreg:$0x11] =	wrdreg s6  }
0x13: {  	s21 =	simm.s32 $0x5000;
	s2 =	smax.u32 s2, $0x1;
	[dreg:$0x10] =	wrdreg s26  }
0x14: {  	s22 =	simm.s32 $0x7000;
	s7 =	sadd.s32 $0x2000, s6;
	[dreg:$0x12] =	wrdreg s2  }
0x15: {  	s4 =	smul.u32 $0x2800, s8;
	s8 =	sadd.s32 $0x4000, s6;
	[dreg:$0x13] =	wrdreg s7  }
0x16: {  	s23 =	simm.s32 $0x9000;
	s9 =	sadd.s32 $0x6000, s6;
	[dreg:$0x14] =	wrdreg s8  }
0x17: {  	s25 =	simm.s32 $0x1;
	s10 =	sadd.s32 $0x8000, s6;
	[dreg:$0x15] =	wrdreg s9  }
0x18: {  	s11 =	simm.s32 $0xB80;
	s12 =	sadd.s32 $0xA000, s6;
	[dreg:$0x16] =	wrdreg s10  }
0x19: {  	s13 =	simm.s32 $0xC80;
	s14 =	sadd.s32 $0xC000, s6;
	[dreg:$0x17] =	wrdreg s12  }
0x1a: {  	s0 =	sadd.s32 s5, s0;
	s16 =	sadd.s32 $0xE000, s6;
	[dreg:$0x18] =	wrdreg s14  }
0x1b: {  	s5 =	sadd.s32 $0x43E00, s0;
	s18 =	sadd.s32 $0x10000, s6;
	[dreg:$0x19] =	wrdreg s16  }
0x1c: {  	s0 =	sadd.s32 $0x93E00, s0;
	s6 =	sadd.s32 $0x12000, s6;
	[dreg:$0x1a] =	wrdreg s18  }
0x1d: {  	s26 =	simm.s32 $0x6;
	[dreg:$0x1b] =	wrdreg s6;
	s16 =	simm.s32 $0x1000  }
0x1e: {  	s18 =	simm.s32 $0x800;
	s0 =	sadd.s32 s4, s0;
	s2 =	simm.s32 $0x9  }
0x1f: {  	s6 =	simm.s32 $0x5;
	s7 =	simm.s32 $0xA;
	s8 =	simm.s32 $0x480  }
0x20: {  	s9 =	simm.s32 $0xA80;
	s10 =	simm.s32 $0xB00;
	s12 =	simm.s32 $0xC00  }
0x21: {  	v0 =	vimm.f32 $0.0e+00;
	s14 =	simm.s32 $0x0;
	[dreg:$0x1c] =	wrdreg s0;
	s0 =	simm.s32 $0x4  }
.LBB2_1:
0x22: {  	s15 =	simm.s32 $0x0;
	s24 =	simm.s32 $0x200  }
.LBB2_2:
0x23: {  	p0 =	sne.s32 s24, $0x7E00;
	[tilespmem:s15+$0x1070] =	vst v0  }
0x24: {  	[tilespmem:s15+$0x1000] =	vst v0  }
0x25: {  	[tilespmem:s15+$0x1010] =	vst v0  }
.Ltmp0:
0x26: {  	[tilespmem:s15+$0x1020] =	vst v0;
	(pc) =	sbr.rel @p0 .LBB2_2-.Ltmp0, $4  }
0x27: {  	[tilespmem:s15+$0x1030] =	vst v0  }
0x28: {  	[tilespmem:s15+$0x1040] =	vst v0  }
0x29: {  	[tilespmem:s15+$0x1050] =	vst v0  }
0x2a: {  	[tilespmem:s15+$0x1060] =	vst v0;
	s15 =	sshra.s32 s24, $0x2;
	s24 =	sadd.s32 $0x200, s24  }
0x2b: {  	[tilespmem:s15+$0x1070] =	vst v0  }
0x2c: {  	[tilespmem:s15+$0x1000] =	vst v0  }
0x2d: {  	[tilespmem:s15+$0x1010] =	vst v0  }
0x2e: {  	[tilespmem:s15+$0x1020] =	vst v0  }
0x2f: {  	[tilespmem:s15+$0x1030] =	vst v0  }
0x30: {  	[tilespmem:s15+$0x1040] =	vst v0  }
0x31: {  	[dreg:$0x1d] =	wrdreg s14;
	[tilespmem:s15+$0x1050] =	vst v0  }
0x32: {  	[tilespmem:s15+$0x1060] =	vst v0;
	s4 =	rddreg [dreg:$0x11]  }
0x33: {  	[spmem:s4] =	stream.linear.scatter [tilespmem:s16], [sflag:$0xB], $0x2000, $0x38;
	[tilespmem:$0x1F000] =	vst v63  }
0x34: {  	_ =	swait.ge [sflag:s17], $0x2000  }
0x35: {  	[sflag:s17] =	ssyncset.done $0x0  }
0x36: {  	s14 =	rddreg [dreg:$0x13];
	[sflag:s17] =	ssyncadd.s32 $0xFFFFE000  }
0x37: {  	[spmem:s14] =	stream.linear.scatter [tilespmem:s16], [sflag:$0xB], $0x2000, $0x38;
	[tilespmem:$0x1F000] =	vst v63  }
0x38: {  	_ =	swait.ge [sflag:s17], $0x2000  }
0x39: {  	[sflag:s17] =	ssyncset.done $0x0  }
0x3a: {  	s15 =	rddreg [dreg:$0x14];
	[sflag:s17] =	ssyncadd.s32 $0xFFFFE000  }
0x3b: {  	[spmem:s15] =	stream.linear.scatter [tilespmem:s16], [sflag:$0xB], $0x2000, $0x38;
	[tilespmem:$0x1F000] =	vst v63  }
0x3c: {  	_ =	swait.ge [sflag:s17], $0x2000  }
0x3d: {  	[sflag:s17] =	ssyncset.done $0x0  }
0x3e: {  	s24 =	rddreg [dreg:$0x15];
	[sflag:s17] =	ssyncadd.s32 $0xFFFFE000  }
0x3f: {  	[spmem:s24] =	stream.linear.scatter [tilespmem:s16], [sflag:$0xB], $0x2000, $0x38;
	[tilespmem:$0x1F000] =	vst v63  }
0x40: {  	_ =	swait.ge [sflag:s17], $0x2000  }
0x41: {  	[sflag:s17] =	ssyncset.done $0x0  }
0x42: {  	s14 =	rddreg [dreg:$0x16];
	[sflag:s17] =	ssyncadd.s32 $0xFFFFE000  }
0x43: {  	[spmem:s14] =	stream.linear.scatter [tilespmem:s16], [sflag:$0xB], $0x2000, $0x38;
	[tilespmem:$0x1F000] =	vst v63  }
0x44: {  	_ =	swait.ge [sflag:s17], $0x2000  }
0x45: {  	[sflag:s17] =	ssyncset.done $0x0  }
0x46: {  	s15 =	rddreg [dreg:$0x17];
	[sflag:s17] =	ssyncadd.s32 $0xFFFFE000  }
0x47: {  	[spmem:s15] =	stream.linear.scatter [tilespmem:s16], [sflag:$0xB], $0x2000, $0x38;
	[tilespmem:$0x1F000] =	vst v63  }
0x48: {  	_ =	swait.ge [sflag:s17], $0x2000  }
0x49: {  	[sflag:s17] =	ssyncset.done $0x0  }
0x4a: {  	s24 =	rddreg [dreg:$0x18];
	[sflag:s17] =	ssyncadd.s32 $0xFFFFE000  }
0x4b: {  	[spmem:s24] =	stream.linear.scatter [tilespmem:s16], [sflag:$0xB], $0x2000, $0x38;
	[tilespmem:$0x1F000] =	vst v63  }
0x4c: {  	_ =	swait.ge [sflag:s17], $0x2000  }
0x4d: {  	[sflag:s17] =	ssyncset.done $0x0  }
0x4e: {  	s14 =	rddreg [dreg:$0x19];
	[sflag:s17] =	ssyncadd.s32 $0xFFFFE000  }
0x4f: {  	[spmem:s14] =	stream.linear.scatter [tilespmem:s16], [sflag:$0xB], $0x2000, $0x38;
	[tilespmem:$0x1F000] =	vst v63  }
0x50: {  	_ =	swait.ge [sflag:s17], $0x2000  }
0x51: {  	[sflag:s17] =	ssyncset.done $0x0  }
0x52: {  	s15 =	rddreg [dreg:$0x1a];
	[sflag:s17] =	ssyncadd.s32 $0xFFFFE000  }
0x53: {  	[spmem:s15] =	stream.linear.scatter [tilespmem:s16], [sflag:$0xB], $0x2000, $0x38;
	[tilespmem:$0x1F000] =	vst v63  }
0x54: {  	_ =	swait.ge [sflag:s17], $0x2000  }
0x55: {  	[sflag:s17] =	ssyncset.done $0x0  }
0x56: {  	s24 =	rddreg [dreg:$0x1b];
	[sflag:s17] =	ssyncadd.s32 $0xFFFFE000  }
0x57: {  	[spmem:s24] =	stream.linear.scatter [tilespmem:s16], [sflag:$0xB], $0x2000, $0x38;
	[tilespmem:$0x1F000] =	vst v63  }
0x58: {  	_ =	swait.ge [sflag:s17], $0x2000  }
0x59: {  	[sflag:s17] =	ssyncset.done $0x0  }
0x5a: {  	[sflag:s17] =	ssyncadd.s32 $0xFFFFE000  }
0x5b: {  	[bflag:$0x0] =	sbarrier.arrive $0xFFFF  }
0x5c: {  	s14 =	rddreg [dreg:$0x3]  }
0x5d: {  	s4 =	sadd.s32 $0x0, s14  }
0x5e: {  	[tilespmem:s3], [sflag:$0xB] =	stream.linear.gather [hbm4b:s4+s3], $0x500, $0x38;
	[tilespmem:$0x1F000] =	vst v63  }
0x5f: {  	_ =	swait.ge [sflag:s17], $0x500  }
0x60: {  	s15 =	rddreg [dreg:$0x4];
	[sflag:s17] =	ssyncset.done $0x0  }
0x61: {  	[sflag:s17] =	ssyncadd.s32 $0xFFFFFB00;
	s4 =	sadd.s32 $0x0, s15  }
0x62: {  	[tilespmem:s18], [sflag:$0xB] =	stream.linear.gather [hbm4b:s4+s3], $0x500, $0x38;
	[tilespmem:$0x1F000] =	vst v63  }
0x63: {  	_ =	swait.ge [sflag:s17], $0x500  }
0x64: {  	[sflag:s17] =	ssyncset.done $0x0  }
0x65: {  	[sflag:s17] =	ssyncadd.s32 $0xFFFFFB00  }
0x66: {  	[tilespmem:s16], [sflag:$0x1] =	stream.indirect.gather [hbm4b:s5+s19], $0x80, s3, s19, $0xb8;
	[tilespmem:$0x1F000] =	vst v63  }
0x67: {  	s24 =	rddreg [dreg:$0x5]  }
0x68: {  	[tilespmem:s20], [sflag:$0x2] =	stream.indirect.gather [hbm4b:s5+s19], $0x80, s24, s19, $0xb8;
	[tilespmem:$0x1F000] =	vst v63  }
0x69: {  	s14 =	rddreg [dreg:$0x6]  }
0x6a: {  	[tilespmem:s21], [sflag:$0x3] =	stream.indirect.gather [hbm4b:s5+s19], $0x80, s14, s19, $0xb8;
	[tilespmem:$0x1F000] =	vst v63  }
0x6b: {  	s24 =	rddreg [dreg:$0x7]  }
0x6c: {  	[tilespmem:s22], [sflag:$0x4] =	stream.indirect.gather [hbm4b:s5+s19], $0x80, s24, s19, $0xb8;
	[tilespmem:$0x1F000] =	vst v63  }
0x6d: {  	s14 =	rddreg [dreg:$0x8]  }
0x6e: {  	[tilespmem:s23], [sflag:$0x5] =	stream.indirect.gather [hbm4b:s5+s19], $0x80, s14, s19, $0xb8;
	[tilespmem:$0x1F000] =	vst v63  }
0x6f: {  	_ =	swait.ge [sflag:s25], $0x2000  }
0x70: {  	[sflag:s25] =	ssyncset.done $0x0  }
0x71: {  	[sflag:s25] =	ssyncadd.s32 $0xFFFFE000  }
0x72: {  	[spmem:s1] =	stream.indirect.scatter.add.f32 [tilespmem:s16], [sflag:$0x6], $0x80, s18, s19, $0xb8;
	[tilespmem:$0x1F000] =	vst v63  }
0x73: {  	_ =	swait.ge [sflag:s26], $0x2000  }
0x74: {  	[sflag:s26] =	ssyncset.done $0x0  }
0x75: {  	s15 =	rddreg [dreg:$0x9];
	[sflag:s26] =	ssyncadd.s32 $0xFFFFE000  }
0x76: {  	[tilespmem:s16], [sflag:$0x1] =	stream.indirect.gather [hbm4b:s5+s19], $0x80, s15, s19, $0xb8;
	[tilespmem:$0x1F000] =	vst v63  }
0x77: {  	_ =	swait.ge [sflag:s28], $0x2000  }
0x78: {  	[sflag:s28] =	ssyncset.done $0x0  }
0x79: {  	s24 =	rddreg [dreg:$0xa];
	[sflag:s28] =	ssyncadd.s32 $0xFFFFE000  }
0x7a: {  	[spmem:s1] =	stream.indirect.scatter.add.f32 [tilespmem:s20], [sflag:$0x7], $0x80, s24, s19, $0xb8;
	[tilespmem:$0x1F000] =	vst v63  }
0x7b: {  	_ =	swait.ge [sflag:s29], $0x2000  }
0x7c: {  	[sflag:s29] =	ssyncset.done $0x0  }
0x7d: {  	s14 =	rddreg [dreg:$0xb];
	[sflag:s29] =	ssyncadd.s32 $0xFFFFE000  }
0x7e: {  	[tilespmem:s20], [sflag:$0x2] =	stream.indirect.gather [hbm4b:s5+s19], $0x80, s14, s19, $0xb8;
	[tilespmem:$0x1F000] =	vst v63  }
0x7f: {  	_ =	swait.ge [sflag:s30], $0x2000  }
0x80: {  	[sflag:s30] =	ssyncset.done $0x0  }
0x81: {  	s15 =	rddreg [dreg:$0xc];
	[sflag:s30] =	ssyncadd.s32 $0xFFFFE000  }
0x82: {  	[spmem:s1] =	stream.indirect.scatter.add.f32 [tilespmem:s21], [sflag:$0x8], $0x80, s15, s19, $0xb8;
	[tilespmem:$0x1F000] =	vst v63  }
0x83: {  	_ =	swait.ge [sflag:s31], $0x2000  }
0x84: {  	[sflag:s31] =	ssyncset.done $0x0  }
0x85: {  	s24 =	rddreg [dreg:$0xd];
	[sflag:s31] =	ssyncadd.s32 $0xFFFFE000  }
0x86: {  	[tilespmem:s21], [sflag:$0x3] =	stream.indirect.gather [hbm4b:s5+s19], $0x80, s24, s19, $0xb8;
	[tilespmem:$0x1F000] =	vst v63  }
0x87: {  	_ =	swait.ge [sflag:s0], $0x2000  }
0x88: {  	[sflag:s0] =	ssyncset.done $0x0  }
0x89: {  	s14 =	rddreg [dreg:$0xe];
	[sflag:s0] =	ssyncadd.s32 $0xFFFFE000  }
0x8a: {  	[spmem:s1] =	stream.indirect.scatter.add.f32 [tilespmem:s22], [sflag:$0x9], $0x80, s14, s19, $0xb8;
	[tilespmem:$0x1F000] =	vst v63  }
0x8b: {  	_ =	swait.ge [sflag:s2], $0x2000  }
0x8c: {  	[sflag:s2] =	ssyncset.done $0x0  }
0x8d: {  	s15 =	rddreg [dreg:$0xf];
	[sflag:s2] =	ssyncadd.s32 $0xFFFFE000  }
0x8e: {  	[tilespmem:s22], [sflag:$0x4] =	stream.indirect.gather [hbm4b:s5+s19], $0x80, s15, s19, $0xb8;
	[tilespmem:$0x1F000] =	vst v63  }
0x8f: {  	_ =	swait.ge [sflag:s6], $0x2000  }
0x90: {  	[sflag:s6] =	ssyncset.done $0x0  }
0x91: {  	s24 =	rddreg [dreg:$0x10];
	[sflag:s6] =	ssyncadd.s32 $0xFFFFE000  }
0x92: {  	[spmem:s1] =	stream.indirect.scatter.add.f32 [tilespmem:s23], [sflag:$0xA], $0x80, s24, s19, $0xb8;
	[tilespmem:$0x1F000] =	vst v63  }
0x93: {  	_ =	swait.ge [sflag:s7], $0x2000  }
0x94: {  	[sflag:s7] =	ssyncset.done $0x0  }
0x95: {  	[sflag:s7] =	ssyncadd.s32 $0xFFFFE000  }
0x96: {  	[tilespmem:s23], [sflag:$0x5] =	stream.indirect.gather [hbm4b:s5+s19], $0x80, s8, s19, $0xb8;
	[tilespmem:$0x1F000] =	vst v63  }
0x97: {  	_ =	swait.ge [sflag:s25], $0x2000  }
0x98: {  	[sflag:s25] =	ssyncset.done $0x0  }
0x99: {  	[sflag:s25] =	ssyncadd.s32 $0xFFFFE000  }
0x9a: {  	[spmem:s1] =	stream.indirect.scatter.add.f32 [tilespmem:s16], [sflag:$0x6], $0x80, s9, s19, $0xb8;
	[tilespmem:$0x1F000] =	vst v63  }
0x9b: {  	_ =	swait.ge [sflag:s28], $0x2000  }
0x9c: {  	[sflag:s28] =	ssyncset.done $0x0  }
0x9d: {  	[sflag:s28] =	ssyncadd.s32 $0xFFFFE000  }
0x9e: {  	[spmem:s1] =	stream.indirect.scatter.add.f32 [tilespmem:s20], [sflag:$0x7], $0x80, s10, s19, $0xb8;
	[tilespmem:$0x1F000] =	vst v63  }
0x9f: {  	_ =	swait.ge [sflag:s30], $0x2000  }
0xa0: {  	[sflag:s30] =	ssyncset.done $0x0  }
0xa1: {  	[sflag:s30] =	ssyncadd.s32 $0xFFFFE000  }
0xa2: {  	[spmem:s1] =	stream.indirect.scatter.add.f32 [tilespmem:s21], [sflag:$0x8], $0x80, s11, s19, $0xb8;
	[tilespmem:$0x1F000] =	vst v63  }
0xa3: {  	_ =	swait.ge [sflag:s0], $0x2000  }
0xa4: {  	[sflag:s0] =	ssyncset.done $0x0  }
0xa5: {  	[sflag:s0] =	ssyncadd.s32 $0xFFFFE000  }
0xa6: {  	[spmem:s1] =	stream.indirect.scatter.add.f32 [tilespmem:s22], [sflag:$0x9], $0x80, s12, s19, $0xb8;
	[tilespmem:$0x1F000] =	vst v63  }
0xa7: {  	_ =	swait.ge [sflag:s6], $0x2000  }
0xa8: {  	[sflag:s6] =	ssyncset.done $0x0  }
0xa9: {  	[sflag:s6] =	ssyncadd.s32 $0xFFFFE000  }
0xaa: {  	[spmem:s1] =	stream.indirect.scatter.add.f32 [tilespmem:s23], [sflag:$0xA], $0x80, s13, s19, $0xb8;
	[tilespmem:$0x1F000] =	vst v63  }
0xab: {  	_ =	swait.ge [sflag:s26], $0x2000  }
0xac: {  	[sflag:s26] =	ssyncset.done $0x0  }
0xad: {  	[sflag:s26] =	ssyncadd.s32 $0xFFFFE000  }
0xae: {  	_ =	swait.ge [sflag:s29], $0x2000  }
0xaf: {  	[sflag:s29] =	ssyncset.done $0x0  }
0xb0: {  	[sflag:s29] =	ssyncadd.s32 $0xFFFFE000  }
0xb1: {  	_ =	swait.ge [sflag:s31], $0x2000  }
0xb2: {  	[sflag:s31] =	ssyncset.done $0x0  }
0xb3: {  	[sflag:s31] =	ssyncadd.s32 $0xFFFFE000  }
0xb4: {  	_ =	swait.ge [sflag:s2], $0x2000  }
0xb5: {  	[sflag:s2] =	ssyncset.done $0x0  }
0xb6: {  	[sflag:s2] =	ssyncadd.s32 $0xFFFFE000  }
0xb7: {  	s15 =	simm.s32 $0x100;
	_ =	swait.ge [sflag:s7], $0x2000  }
0xb8: {  	s24 =	simm.s32 $0x200;
	s4 =	rddreg [dreg:$0x3];
	[sflag:s7] =	ssyncset.done $0x0  }
.LBB2_4:
0xb9: {  	[sflag:s7] =	ssyncadd.s32 $0xFFFFE000;
	s4 =	sadd.s32 s15, s4  }
0xba: {  	[tilespmem:s3], [sflag:$0xB] =	stream.linear.gather [hbm4b:s4+s3], $0x500, $0x38;
	[tilespmem:$0x1F000] =	vst v63  }
0xbb: {  	_ =	swait.ge [sflag:s17], $0x500  }
0xbc: {  	s4 =	rddreg [dreg:$0x4];
	[sflag:s17] =	ssyncset.done $0x0  }
0xbd: {  	[sflag:s17] =	ssyncadd.s32 $0xFFFFFB00;
	s4 =	sadd.s32 s15, s4  }
0xbe: {  	[tilespmem:s18], [sflag:$0xB] =	stream.linear.gather [hbm4b:s4+s3], $0x500, $0x38;
	[tilespmem:$0x1F000] =	vst v63  }
0xbf: {  	_ =	swait.ge [sflag:s17], $0x500  }
0xc0: {  	[sflag:s17] =	ssyncset.done $0x0  }
0xc1: {  	[sflag:s17] =	ssyncadd.s32 $0xFFFFFB00  }
0xc2: {  	[tilespmem:s16], [sflag:$0x1] =	stream.indirect.gather [hbm4b:s5+s19], $0x80, s3, s19, $0xb8;
	[tilespmem:$0x1F000] =	vst v63  }
0xc3: {  	s14 =	smov.u32 s24;
	s4 =	rddreg [dreg:$0x5]  }
0xc4: {  	[tilespmem:s20], [sflag:$0x2] =	stream.indirect.gather [hbm4b:s5+s19], $0x80, s4, s19, $0xb8;
	[tilespmem:$0x1F000] =	vst v63  }
0xc5: {  	s15 =	smov.u32 s14;
	s14 =	rddreg [dreg:$0x6]  }
0xc6: {  	[tilespmem:s21], [sflag:$0x3] =	stream.indirect.gather [hbm4b:s5+s19], $0x80, s14, s19, $0xb8;
	[tilespmem:$0x1F000] =	vst v63  }
0xc7: {  	s4 =	rddreg [dreg:$0x7]  }
0xc8: {  	[tilespmem:s22], [sflag:$0x4] =	stream.indirect.gather [hbm4b:s5+s19], $0x80, s4, s19, $0xb8;
	[tilespmem:$0x1F000] =	vst v63  }
0xc9: {  	s14 =	rddreg [dreg:$0x8]  }
0xca: {  	[tilespmem:s23], [sflag:$0x5] =	stream.indirect.gather [hbm4b:s5+s19], $0x80, s14, s19, $0xb8;
	[tilespmem:$0x1F000] =	vst v63  }
0xcb: {  	_ =	swait.ge [sflag:s25], $0x2000  }
0xcc: {  	[sflag:s25] =	ssyncset.done $0x0  }
0xcd: {  	[sflag:s25] =	ssyncadd.s32 $0xFFFFE000  }
0xce: {  	[spmem:s1] =	stream.indirect.scatter.add.f32 [tilespmem:s16], [sflag:$0x6], $0x80, s18, s19, $0xb8;
	[tilespmem:$0x1F000] =	vst v63  }
0xcf: {  	_ =	swait.ge [sflag:s26], $0x2000  }
0xd0: {  	[sflag:s26] =	ssyncset.done $0x0  }
0xd1: {  	s14 =	rddreg [dreg:$0x9];
	[sflag:s26] =	ssyncadd.s32 $0xFFFFE000  }
0xd2: {  	[tilespmem:s16], [sflag:$0x1] =	stream.indirect.gather [hbm4b:s5+s19], $0x80, s14, s19, $0xb8;
	[tilespmem:$0x1F000] =	vst v63  }
0xd3: {  	_ =	swait.ge [sflag:s28], $0x2000  }
0xd4: {  	[sflag:s28] =	ssyncset.done $0x0  }
0xd5: {  	s14 =	rddreg [dreg:$0xa];
	[sflag:s28] =	ssyncadd.s32 $0xFFFFE000  }
0xd6: {  	[spmem:s1] =	stream.indirect.scatter.add.f32 [tilespmem:s20], [sflag:$0x7], $0x80, s14, s19, $0xb8;
	[tilespmem:$0x1F000] =	vst v63  }
0xd7: {  	_ =	swait.ge [sflag:s29], $0x2000  }
0xd8: {  	[sflag:s29] =	ssyncset.done $0x0  }
0xd9: {  	s14 =	rddreg [dreg:$0xb];
	[sflag:s29] =	ssyncadd.s32 $0xFFFFE000  }
0xda: {  	[tilespmem:s20], [sflag:$0x2] =	stream.indirect.gather [hbm4b:s5+s19], $0x80, s14, s19, $0xb8;
	[tilespmem:$0x1F000] =	vst v63  }
0xdb: {  	_ =	swait.ge [sflag:s30], $0x2000  }
0xdc: {  	[sflag:s30] =	ssyncset.done $0x0  }
0xdd: {  	s14 =	rddreg [dreg:$0xc];
	[sflag:s30] =	ssyncadd.s32 $0xFFFFE000  }
0xde: {  	[spmem:s1] =	stream.indirect.scatter.add.f32 [tilespmem:s21], [sflag:$0x8], $0x80, s14, s19, $0xb8;
	[tilespmem:$0x1F000] =	vst v63  }
0xdf: {  	_ =	swait.ge [sflag:s31], $0x2000  }
0xe0: {  	[sflag:s31] =	ssyncset.done $0x0  }
0xe1: {  	s14 =	rddreg [dreg:$0xd];
	[sflag:s31] =	ssyncadd.s32 $0xFFFFE000  }
0xe2: {  	[tilespmem:s21], [sflag:$0x3] =	stream.indirect.gather [hbm4b:s5+s19], $0x80, s14, s19, $0xb8;
	[tilespmem:$0x1F000] =	vst v63  }
0xe3: {  	_ =	swait.ge [sflag:s0], $0x2000  }
0xe4: {  	[sflag:s0] =	ssyncset.done $0x0  }
0xe5: {  	s14 =	rddreg [dreg:$0xe];
	[sflag:s0] =	ssyncadd.s32 $0xFFFFE000  }
0xe6: {  	[spmem:s1] =	stream.indirect.scatter.add.f32 [tilespmem:s22], [sflag:$0x9], $0x80, s14, s19, $0xb8;
	[tilespmem:$0x1F000] =	vst v63  }
0xe7: {  	_ =	swait.ge [sflag:s2], $0x2000  }
0xe8: {  	[sflag:s2] =	ssyncset.done $0x0  }
0xe9: {  	s14 =	rddreg [dreg:$0xf];
	[sflag:s2] =	ssyncadd.s32 $0xFFFFE000  }
0xea: {  	[tilespmem:s22], [sflag:$0x4] =	stream.indirect.gather [hbm4b:s5+s19], $0x80, s14, s19, $0xb8;
	[tilespmem:$0x1F000] =	vst v63  }
0xeb: {  	_ =	swait.ge [sflag:s6], $0x2000  }
0xec: {  	[sflag:s6] =	ssyncset.done $0x0  }
0xed: {  	s14 =	rddreg [dreg:$0x10];
	[sflag:s6] =	ssyncadd.s32 $0xFFFFE000  }
0xee: {  	[spmem:s1] =	stream.indirect.scatter.add.f32 [tilespmem:s23], [sflag:$0xA], $0x80, s14, s19, $0xb8;
	[tilespmem:$0x1F000] =	vst v63  }
0xef: {  	_ =	swait.ge [sflag:s7], $0x2000  }
0xf0: {  	[sflag:s7] =	ssyncset.done $0x0  }
0xf1: {  	[sflag:s7] =	ssyncadd.s32 $0xFFFFE000  }
0xf2: {  	[tilespmem:s23], [sflag:$0x5] =	stream.indirect.gather [hbm4b:s5+s19], $0x80, s8, s19, $0xb8;
	[tilespmem:$0x1F000] =	vst v63  }
0xf3: {  	_ =	swait.ge [sflag:s25], $0x2000  }
0xf4: {  	[sflag:s25] =	ssyncset.done $0x0  }
0xf5: {  	[sflag:s25] =	ssyncadd.s32 $0xFFFFE000  }
0xf6: {  	[spmem:s1] =	stream.indirect.scatter.add.f32 [tilespmem:s16], [sflag:$0x6], $0x80, s9, s19, $0xb8;
	[tilespmem:$0x1F000] =	vst v63  }
0xf7: {  	_ =	swait.ge [sflag:s28], $0x2000  }
0xf8: {  	[sflag:s28] =	ssyncset.done $0x0  }
0xf9: {  	[sflag:s28] =	ssyncadd.s32 $0xFFFFE000  }
0xfa: {  	[spmem:s1] =	stream.indirect.scatter.add.f32 [tilespmem:s20], [sflag:$0x7], $0x80, s10, s19, $0xb8;
	[tilespmem:$0x1F000] =	vst v63  }
0xfb: {  	_ =	swait.ge [sflag:s30], $0x2000  }
0xfc: {  	[sflag:s30] =	ssyncset.done $0x0  }
0xfd: {  	[sflag:s30] =	ssyncadd.s32 $0xFFFFE000  }
0xfe: {  	[spmem:s1] =	stream.indirect.scatter.add.f32 [tilespmem:s21], [sflag:$0x8], $0x80, s11, s19, $0xb8;
	[tilespmem:$0x1F000] =	vst v63  }
0xff: {  	_ =	swait.ge [sflag:s0], $0x2000  }
0x100: {  	[sflag:s0] =	ssyncset.done $0x0  }
0x101: {  	[sflag:s0] =	ssyncadd.s32 $0xFFFFE000  }
0x102: {  	[spmem:s1] =	stream.indirect.scatter.add.f32 [tilespmem:s22], [sflag:$0x9], $0x80, s12, s19, $0xb8;
	[tilespmem:$0x1F000] =	vst v63  }
0x103: {  	_ =	swait.ge [sflag:s6], $0x2000  }
0x104: {  	[sflag:s6] =	ssyncset.done $0x0  }
0x105: {  	[sflag:s6] =	ssyncadd.s32 $0xFFFFE000  }
0x106: {  	[spmem:s1] =	stream.indirect.scatter.add.f32 [tilespmem:s23], [sflag:$0xA], $0x80, s13, s19, $0xb8;
	[tilespmem:$0x1F000] =	vst v63  }
0x107: {  	_ =	swait.ge [sflag:s26], $0x2000  }
0x108: {  	[sflag:s26] =	ssyncset.done $0x0  }
0x109: {  	[sflag:s26] =	ssyncadd.s32 $0xFFFFE000  }
0x10a: {  	_ =	swait.ge [sflag:s29], $0x2000  }
0x10b: {  	[sflag:s29] =	ssyncset.done $0x0  }
0x10c: {  	[sflag:s29] =	ssyncadd.s32 $0xFFFFE000  }
0x10d: {  	_ =	swait.ge [sflag:s31], $0x2000  }
0x10e: {  	[sflag:s31] =	ssyncset.done $0x0  }
0x10f: {  	p0 =	sne.s32 s24, $0x1F00;
	[sflag:s31] =	ssyncadd.s32 $0xFFFFE000  }
.Ltmp1:
0x110: {  	_ =	swait.ge [sflag:s2], $0x2000;
	(pc) =	sbr.rel @p0 .LBB2_4-.Ltmp1, $4  }
0x111: {  	[sflag:s2] =	ssyncset.done $0x0  }
0x112: {  	[sflag:s2] =	ssyncadd.s32 $0xFFFFE000  }
0x113: {  	_ =	swait.ge [sflag:s7], $0x2000  }
0x114: {  	s24 =	sadd.s32 $0x100, s24;
	s4 =	rddreg [dreg:$0x3];
	[sflag:s7] =	ssyncset.done $0x0  }
0x115: {  	[sflag:s7] =	ssyncadd.s32 $0xFFFFE000;
	s4 =	sadd.s32 s15, s4  }
0x116: {  	[tilespmem:s3], [sflag:$0xB] =	stream.linear.gather [hbm4b:s4+s3], $0x500, $0x38;
	[tilespmem:$0x1F000] =	vst v63  }
0x117: {  	_ =	swait.ge [sflag:s17], $0x500  }
0x118: {  	s14 =	rddreg [dreg:$0x4];
	[sflag:s17] =	ssyncset.done $0x0  }
0x119: {  	[sflag:s17] =	ssyncadd.s32 $0xFFFFFB00;
	s4 =	sadd.s32 s15, s14  }
0x11a: {  	[tilespmem:s18], [sflag:$0xB] =	stream.linear.gather [hbm4b:s4+s3], $0x500, $0x38;
	[tilespmem:$0x1F000] =	vst v63  }
0x11b: {  	_ =	swait.ge [sflag:s17], $0x500  }
0x11c: {  	[sflag:s17] =	ssyncset.done $0x0  }
0x11d: {  	[sflag:s17] =	ssyncadd.s32 $0xFFFFFB00  }
0x11e: {  	[tilespmem:s16], [sflag:$0x1] =	stream.indirect.gather [hbm4b:s5+s19], $0x80, s3, s19, $0xb8;
	[tilespmem:$0x1F000] =	vst v63  }
0x11f: {  	s24 =	rddreg [dreg:$0x5]  }
0x120: {  	[tilespmem:s20], [sflag:$0x2] =	stream.indirect.gather [hbm4b:s5+s19], $0x80, s24, s19, $0xb8;
	[tilespmem:$0x1F000] =	vst v63  }
0x121: {  	s14 =	rddreg [dreg:$0x6]  }
0x122: {  	[tilespmem:s21], [sflag:$0x3] =	stream.indirect.gather [hbm4b:s5+s19], $0x80, s14, s19, $0xb8;
	[tilespmem:$0x1F000] =	vst v63  }
0x123: {  	s15 =	rddreg [dreg:$0x7]  }
0x124: {  	[tilespmem:s22], [sflag:$0x4] =	stream.indirect.gather [hbm4b:s5+s19], $0x80, s15, s19, $0xb8;
	[tilespmem:$0x1F000] =	vst v63  }
0x125: {  	s24 =	rddreg [dreg:$0x8]  }
0x126: {  	[tilespmem:s23], [sflag:$0x5] =	stream.indirect.gather [hbm4b:s5+s19], $0x80, s24, s19, $0xb8;
	[tilespmem:$0x1F000] =	vst v63  }
0x127: {  	_ =	swait.ge [sflag:s25], $0x2000  }
0x128: {  	[sflag:s25] =	ssyncset.done $0x0  }
0x129: {  	[sflag:s25] =	ssyncadd.s32 $0xFFFFE000  }
0x12a: {  	[spmem:s1] =	stream.indirect.scatter.add.f32 [tilespmem:s16], [sflag:$0x6], $0x80, s18, s19, $0xb8;
	[tilespmem:$0x1F000] =	vst v63  }
0x12b: {  	_ =	swait.ge [sflag:s26], $0x2000  }
0x12c: {  	[sflag:s26] =	ssyncset.done $0x0  }
0x12d: {  	s15 =	rddreg [dreg:$0x9];
	[sflag:s26] =	ssyncadd.s32 $0xFFFFE000  }
0x12e: {  	[tilespmem:s16], [sflag:$0x1] =	stream.indirect.gather [hbm4b:s5+s19], $0x80, s15, s19, $0xb8;
	[tilespmem:$0x1F000] =	vst v63  }
0x12f: {  	_ =	swait.ge [sflag:s28], $0x2000  }
0x130: {  	[sflag:s28] =	ssyncset.done $0x0  }
0x131: {  	s24 =	rddreg [dreg:$0xa];
	[sflag:s28] =	ssyncadd.s32 $0xFFFFE000  }
0x132: {  	[spmem:s1] =	stream.indirect.scatter.add.f32 [tilespmem:s20], [sflag:$0x7], $0x80, s24, s19, $0xb8;
	[tilespmem:$0x1F000] =	vst v63  }
0x133: {  	_ =	swait.ge [sflag:s29], $0x2000  }
0x134: {  	[sflag:s29] =	ssyncset.done $0x0  }
0x135: {  	s14 =	rddreg [dreg:$0xb];
	[sflag:s29] =	ssyncadd.s32 $0xFFFFE000  }
0x136: {  	[tilespmem:s20], [sflag:$0x2] =	stream.indirect.gather [hbm4b:s5+s19], $0x80, s14, s19, $0xb8;
	[tilespmem:$0x1F000] =	vst v63  }
0x137: {  	_ =	swait.ge [sflag:s30], $0x2000  }
0x138: {  	[sflag:s30] =	ssyncset.done $0x0  }
0x139: {  	s15 =	rddreg [dreg:$0xc];
	[sflag:s30] =	ssyncadd.s32 $0xFFFFE000  }
0x13a: {  	[spmem:s1] =	stream.indirect.scatter.add.f32 [tilespmem:s21], [sflag:$0x8], $0x80, s15, s19, $0xb8;
	[tilespmem:$0x1F000] =	vst v63  }
0x13b: {  	_ =	swait.ge [sflag:s31], $0x2000  }
0x13c: {  	[sflag:s31] =	ssyncset.done $0x0  }
0x13d: {  	s24 =	rddreg [dreg:$0xd];
	[sflag:s31] =	ssyncadd.s32 $0xFFFFE000  }
0x13e: {  	[tilespmem:s21], [sflag:$0x3] =	stream.indirect.gather [hbm4b:s5+s19], $0x80, s24, s19, $0xb8;
	[tilespmem:$0x1F000] =	vst v63  }
0x13f: {  	_ =	swait.ge [sflag:s0], $0x2000  }
0x140: {  	[sflag:s0] =	ssyncset.done $0x0  }
0x141: {  	s14 =	rddreg [dreg:$0xe];
	[sflag:s0] =	ssyncadd.s32 $0xFFFFE000  }
0x142: {  	[spmem:s1] =	stream.indirect.scatter.add.f32 [tilespmem:s22], [sflag:$0x9], $0x80, s14, s19, $0xb8;
	[tilespmem:$0x1F000] =	vst v63  }
0x143: {  	_ =	swait.ge [sflag:s2], $0x2000  }
0x144: {  	[sflag:s2] =	ssyncset.done $0x0  }
0x145: {  	s15 =	rddreg [dreg:$0xf];
	[sflag:s2] =	ssyncadd.s32 $0xFFFFE000  }
0x146: {  	[tilespmem:s22], [sflag:$0x4] =	stream.indirect.gather [hbm4b:s5+s19], $0x80, s15, s19, $0xb8;
	[tilespmem:$0x1F000] =	vst v63  }
0x147: {  	_ =	swait.ge [sflag:s6], $0x2000  }
0x148: {  	[sflag:s6] =	ssyncset.done $0x0  }
0x149: {  	s24 =	rddreg [dreg:$0x10];
	[sflag:s6] =	ssyncadd.s32 $0xFFFFE000  }
0x14a: {  	[spmem:s1] =	stream.indirect.scatter.add.f32 [tilespmem:s23], [sflag:$0xA], $0x80, s24, s19, $0xb8;
	[tilespmem:$0x1F000] =	vst v63  }
0x14b: {  	_ =	swait.ge [sflag:s7], $0x2000  }
0x14c: {  	[sflag:s7] =	ssyncset.done $0x0  }
0x14d: {  	[sflag:s7] =	ssyncadd.s32 $0xFFFFE000  }
0x14e: {  	[tilespmem:s23], [sflag:$0x5] =	stream.indirect.gather [hbm4b:s5+s19], $0x80, s8, s19, $0xb8;
	[tilespmem:$0x1F000] =	vst v63  }
0x14f: {  	_ =	swait.ge [sflag:s25], $0x2000  }
0x150: {  	[sflag:s25] =	ssyncset.done $0x0  }
0x151: {  	[sflag:s25] =	ssyncadd.s32 $0xFFFFE000  }
0x152: {  	[spmem:s1] =	stream.indirect.scatter.add.f32 [tilespmem:s16], [sflag:$0x6], $0x80, s9, s19, $0xb8;
	[tilespmem:$0x1F000] =	vst v63  }
0x153: {  	_ =	swait.ge [sflag:s28], $0x2000  }
0x154: {  	[sflag:s28] =	ssyncset.done $0x0  }
0x155: {  	[sflag:s28] =	ssyncadd.s32 $0xFFFFE000  }
0x156: {  	[spmem:s1] =	stream.indirect.scatter.add.f32 [tilespmem:s20], [sflag:$0x7], $0x80, s10, s19, $0xb8;
	[tilespmem:$0x1F000] =	vst v63  }
0x157: {  	_ =	swait.ge [sflag:s30], $0x2000  }
0x158: {  	[sflag:s30] =	ssyncset.done $0x0  }
0x159: {  	[sflag:s30] =	ssyncadd.s32 $0xFFFFE000  }
0x15a: {  	[spmem:s1] =	stream.indirect.scatter.add.f32 [tilespmem:s21], [sflag:$0x8], $0x80, s11, s19, $0xb8;
	[tilespmem:$0x1F000] =	vst v63  }
0x15b: {  	_ =	swait.ge [sflag:s0], $0x2000  }
0x15c: {  	[sflag:s0] =	ssyncset.done $0x0  }
0x15d: {  	[sflag:s0] =	ssyncadd.s32 $0xFFFFE000  }
0x15e: {  	[spmem:s1] =	stream.indirect.scatter.add.f32 [tilespmem:s22], [sflag:$0x9], $0x80, s12, s19, $0xb8;
	[tilespmem:$0x1F000] =	vst v63  }
0x15f: {  	_ =	swait.ge [sflag:s6], $0x2000  }
0x160: {  	[sflag:s6] =	ssyncset.done $0x0  }
0x161: {  	[sflag:s6] =	ssyncadd.s32 $0xFFFFE000  }
0x162: {  	[spmem:s1] =	stream.indirect.scatter.add.f32 [tilespmem:s23], [sflag:$0xA], $0x80, s13, s19, $0xb8;
	[tilespmem:$0x1F000] =	vst v63  }
0x163: {  	_ =	swait.ge [sflag:s26], $0x2000  }
0x164: {  	[sflag:s26] =	ssyncset.done $0x0  }
0x165: {  	[sflag:s26] =	ssyncadd.s32 $0xFFFFE000  }
0x166: {  	_ =	swait.ge [sflag:s29], $0x2000  }
0x167: {  	[sflag:s29] =	ssyncset.done $0x0  }
0x168: {  	[sflag:s29] =	ssyncadd.s32 $0xFFFFE000  }
0x169: {  	_ =	swait.ge [sflag:s31], $0x2000  }
0x16a: {  	[sflag:s31] =	ssyncset.done $0x0  }
0x16b: {  	[sflag:s31] =	ssyncadd.s32 $0xFFFFE000  }
0x16c: {  	_ =	swait.ge [sflag:s2], $0x2000  }
0x16d: {  	[sflag:s2] =	ssyncset.done $0x0  }
0x16e: {  	[sflag:s2] =	ssyncadd.s32 $0xFFFFE000  }
0x16f: {  	_ =	swait.ge [sflag:s7], $0x2000  }
0x170: {  	[sflag:s7] =	ssyncset.done $0x0  }
0x171: {  	[sflag:s7] =	ssyncadd.s32 $0xFFFFE000  }
0x172: {  	s14 =	stileid.u32;
	[bflag:$0x0] =	sbarrier.arrive $0xFFFF  }
0x173: {  	s4 =	sshll.u32 s14, $0x6;
	s15 =	rddreg [dreg:$0x11]  }
0x174: {  	s4 =	sor.u32 $0x1C0B, s4;
	s24 =	rddreg [dreg:$0x1c];
	s14 =	sshrl.u32 s15, $0x3  }
0x175: {  	[hbm:s24], [sflag:s4] =	dma.local [spmem:s14], $0x2800  }
0x176: {  	_ =	swait.ge [sflag:s17], $0x2800  }
0x177: {  	s15 =	rddreg [dreg:$0x1d]  }
0x178: {  	s24 =	rddreg [dreg:$0x12];
	s14 =	sadd.s32 $0x1, s15  }
0x179: {  	p0 =	sne.s32 s14, s24  }
.Ltmp2:
0x17a: {  	_ = 	snop;
	(pc) =	sbr.rel @p0 .LBB2_1-.Ltmp2, $3  }
0x17b: {  	_ =	sdelay $0x1  }
0x17c: {  	[sflag:s17] =	ssyncset.done $0x0  }
0x17d: {  	[sflag:s17] =	ssyncadd.s32 $0xFFFFD800  }
0x17e: {  	_ =	sfence.sel $0x180000  }
0x17f: {  	[bflag:$0x0] =	sbarrier.arrive $0xFFFF  }
0x180: {  	_ =	strace $0x9000004D  }
0x181: {  	s0 =	stileid.u32;
	[bflag:$0x2] =	sbarrier.arrive $0xFFFF  }
0x182: {  	p0 =	sne.s32 s0, $0x0;
	s0 =	rddreg [dreg:$0x2]  }
0x183: {  	s0 =	sadd.s32 @!p0 $0x100000, s0  }
0x184: {  	[sflag:s0] =	ssyncadd.tile.s32 @!p0 $0x1;
	_ =	shalt  }
.Lfunc_end2:
_tile_overlayer_lowered:
.L_overlay_start_2:
0x185: {  	(tag) =	ssettag $0x2  }
0x186: {  	s0 =	rddreg [dreg:$0x0];
	s2 =	stileid.u32  }
0x187: {  	s1 =	rddreg [dreg:$0x1];
	p0 =	sne.s32 s2, $0x0  }
0x188: {  	s3 =	rddreg [dreg:$0x2];
	[bflag:$0x3] =	sbarrier.arrive $0xFFFF;
	s2 =	simm.s32 @!p0 $0x1C0B  }
0x189: {  	[timem:s3], [sflag:s2] =	dma.local @!p0 [hbm:s0], s1  }
0x18a: {  	s0 =	simm.s32 @!p0 $0xB  }
0x18b: {  	_ =	swait.ge @!p0 [sflag:s0], s1  }
0x18c: {  	s1 =	ssub.s32 @!p0 $0x0, s1;
	[sflag:s0] =	ssyncset.done @!p0 $0x0  }
0x18d: {  	[sflag:s0] =	ssyncadd.s32 @!p0 s1  }
0x18e: {  	[bflag:$0x3] =	sbarrier.arrive $0xFFFF  }
0x18f: {  	_ =	shalt  }

// kernel: kernel.21.cloned.1.call-start
scs
__scs_entry_jumppad:
0x0: {  	(pc) =	sbr.rel $0x88, $3  }
0x1: {  	(tag) =	ssettag $0x0;
	lr =	simm.s32 $0x1  }
0x2: {  	[smem:$0x3F93] =	sst lr;
	_ =	strace $0xD0000000  }
0x3: {  	_ = 	snop  }
0x4: {  	_ = 	snop  }
0x5: {  	_ = 	snop  }
0x6: {  	_ = 	snop  }
0x7: {  	_ = 	snop  }
__scs_overlays_trampoline_lowered:
0x8: {  	[smem:$0x3FA2] =	sst s0  }
0x9: {  	[smem:$0x3FA3] =	sst s1  }
0xa: {  	[smem:$0x3FA4] =	sst s2  }
0xb: {  	[smem:$0x3FA5] =	sst s3  }
0xc: {  	[smem:$0x3FA6] =	sst s4  }
0xd: {  	[smem:$0x3FA7] =	sst s5  }
0xe: {  	[smem:$0x3FA8] =	sst s6  }
0xf: {  	[smem:$0x3FA9] =	sst s7  }
0x10: {  	[smem:$0x3FAA] =	sst s8  }
0x11: {  	[smem:$0x3FAB] =	sst s9;
	s0 =	simm.s32 @!p0 $0x0  }
0x12: {  	s1 =	sld [smem:$0x3F91];
	s0 =	simm.s32 @p0 $0x1  }
0x13: {  	[smem:$0x3FAC] =	sst s0;
	s0 =	simm.s32 @!p1 $0x0  }
0x14: {  	s2 =	sld [smem:$0x3F90];
	s0 =	simm.s32 @p1 $0x1  }
0x15: {  	[smem:$0x3FAD] =	sst s0;
	s0 =	simm.s32 @!p2 $0x0  }
0x16: {  	s3 =	sld [smem:$0x3FDB];
	s0 =	simm.s32 @p2 $0x1  }
0x17: {  	s4 =	simm.s32 $0x1BF5;
	[smem:$0x3FAF] =	sst s0  }
0x18: {  	s0 =	sld [smem:$0x3F92];
	_ =	swait.ge [sflag:s4], $0x0  }
0x19: {  	s7 =	sld [smem:$0x3F93]  }
0x1a: {  	s8 =	sadd.s32 $0xFFFFE003, lr  }
0x1b: {  	s9 =	sadd.s32 $0xFFFFFEF7, lr;
	s5 =	simm.s32 $0xFFFFFFFF;
	p2 =	slt.u32 s8, $0xFFFFF086  }
0x1c: {  	p1 =	slt.u32 s9, $0xF7A;
	s5 =	simm.s32 @!p2 $0x0  }
0x1d: {  	s5 =	simm.s32 @p1 $0x1;
	p0 =	seq.s32 s7, s2  }
0x1e: {  	s7 =	smul.u32 @!p0 $0xF7A, s2;
	p2 =	seq.s32 @!p0 s5, $0x0  }
0x1f: {  	s9 =	smul.u32 $0xF7A, s1;
	s8 =	simm.s32 @!p0 $0x1BF5;
	p2 =	por !p2, p0  }
0x20: {  	[sflag:s8] =	ssyncset.s32 @!p0 $0xFFFFF086;
	s6 =	sadd.s32 @!p0 s3, s7;
	s7 =	simm.s32 @!p0 $0x108  }
0x21: {  	s3 =	sadd.s32 s3, s9;
	s6 =	sadd.s32 @!p0 $0x88, s6;
	s7 =	simm.s32 @p2 $0x1082  }
0x22: {  	[simem:s7], [sflag:s8] =	dma.local @!p0 [hbm:s6], $0xF7A  }
0x23: {  	s9 =	sor.u32 $0xD0000000, s2;
	s6 =	simm.s32 $0x108;
	_ =	swait.ge @!p0 [sflag:s8], $0x0  }
0x24: {  	s3 =	sadd.s32 $0x88, s3;
	s6 =	simm.s32 @!p1 $0x1082;
	[sflag:s4] =	ssyncset.s32 $0xFFFFF086  }
0x25: {  	[simem:s6], [sflag:s4] =	dma.local [hbm:s3], $0xF7A  }
0x26: {  	[smem:$0x3F93] =	sst s1;
	(tag) =	ssettag s2;
	_ =	strace s9  }
0x27: {  	s1 =	sld [smem:$0x3FA3]  }
0x28: {  	s2 =	sld [smem:$0x3FA4]  }
0x29: {  	s4 =	sld [smem:$0x3FA6]  }
0x2a: {  	p0 =	seq.s32 s5, $0x0;
	s5 =	sld [smem:$0x3FA7]  }
0x2b: {  	s6 =	sld [smem:$0x3FA8]  }
0x2c: {  	s7 =	sld [smem:$0x3FA9]  }
0x2d: {  	s3 =	simm.s32 $0x108;
	s8 =	sld [smem:$0x3FAA]  }
0x2e: {  	s3 =	simm.s32 @!p0 $0x1082;
	s9 =	sld [smem:$0x3FAB]  }
0x2f: {  	lr =	sadd.s32 s0, s3;
	s0 =	sld [smem:$0x3FA2]  }
0x30: {  	s3 =	sld [smem:$0x3FA5]  }
0x31: {  	[smem:$0x3FAE] =	sst s10  }
0x32: {  	s10 =	sld [smem:$0x3FAC];
	_ =	sdelay $0x3  }
0x33: {  	p0 =	seq.s32 s10, $0x1;
	s10 =	sld [smem:$0x3FAE];
	_ =	sdelay $0x3  }
0x34: {  	[smem:$0x3FAE] =	sst s10  }
0x35: {  	s10 =	sld [smem:$0x3FAD];
	_ =	sdelay $0x3  }
0x36: {  	p1 =	seq.s32 s10, $0x1;
	s10 =	sld [smem:$0x3FAE];
	_ =	sdelay $0x3  }
0x37: {  	[smem:$0x3FAE] =	sst s10  }
0x38: {  	s10 =	sld [smem:$0x3FAF]  }
0x39: {  	_ = 	snop;
	(pc) =	sbr.ind lr, $3  }
0x3a: {  	_ = 	snop  }
0x3b: {  	_ = 	snop  }
0x3c: {  	p2 =	seq.s32 s10, $0x1;
	s10 =	sld [smem:$0x3FAE]  }
0x3d: {  	_ =	shalt  }
0x3e: {  	_ =	shalt  }
0x3f: {  	_ =	shalt  }
0x40: {  	_ =	shalt  }
0x41: {  	_ =	shalt  }
0x42: {  	_ =	shalt  }
0x43: {  	_ =	shalt  }
0x44: {  	_ =	shalt  }
0x45: {  	_ =	shalt  }
0x46: {  	_ =	shalt  }
0x47: {  	_ =	shalt  }
0x48: {  	_ =	shalt  }
0x49: {  	_ =	shalt  }
0x4a: {  	_ =	shalt  }
0x4b: {  	_ =	shalt  }
0x4c: {  	_ =	shalt  }
0x4d: {  	_ =	shalt  }
0x4e: {  	_ =	shalt  }
0x4f: {  	_ =	shalt  }
0x50: {  	_ =	shalt  }
0x51: {  	_ =	shalt  }
0x52: {  	_ =	shalt  }
0x53: {  	_ =	shalt  }
0x54: {  	_ =	shalt  }
0x55: {  	_ =	shalt  }
0x56: {  	_ =	shalt  }
0x57: {  	_ =	shalt  }
0x58: {  	_ =	shalt  }
0x59: {  	_ =	shalt  }
0x5a: {  	_ =	shalt  }
0x5b: {  	_ =	shalt  }
0x5c: {  	_ =	shalt  }
0x5d: {  	_ =	shalt  }
0x5e: {  	_ =	shalt  }
0x5f: {  	_ =	shalt  }
0x60: {  	_ =	shalt  }
0x61: {  	_ =	shalt  }
0x62: {  	_ =	shalt  }
0x63: {  	_ =	shalt  }
0x64: {  	_ =	shalt  }
0x65: {  	_ =	shalt  }
0x66: {  	_ =	shalt  }
0x67: {  	_ =	shalt  }
0x68: {  	_ =	shalt  }
0x69: {  	_ =	shalt  }
0x6a: {  	_ =	shalt  }
0x6b: {  	_ =	shalt  }
0x6c: {  	_ =	shalt  }
0x6d: {  	_ =	shalt  }
0x6e: {  	_ =	shalt  }
0x6f: {  	_ =	shalt  }
0x70: {  	_ =	shalt  }
0x71: {  	_ =	shalt  }
0x72: {  	_ =	shalt  }
0x73: {  	_ =	shalt  }
0x74: {  	_ =	shalt  }
0x75: {  	_ =	shalt  }
0x76: {  	_ =	shalt  }
0x77: {  	_ =	shalt  }
0x78: {  	_ =	shalt  }
0x79: {  	_ =	shalt  }
0x7a: {  	_ =	shalt  }
0x7b: {  	_ =	shalt  }
0x7c: {  	_ =	shalt  }
0x7d: {  	_ =	shalt  }
0x7e: {  	_ =	shalt  }
0x7f: {  	_ =	shalt  }
0x80: {  	_ =	shalt  }
0x81: {  	_ =	shalt  }
0x82: {  	_ =	shalt  }
0x83: {  	_ =	shalt  }
0x84: {  	_ =	shalt  }
0x85: {  	_ =	shalt  }
0x86: {  	_ =	shalt  }
0x87: {  	_ =	shalt  }
.Lfunc_end0:
.L_simem_size_0:
called_computation.3_lowered:
.L_overlay_start_0:
0x88: {  	s2 =	sld [smem:$0x3FD9]  }
0x89: {  	s3 =	sld [smem:$0x3FFE];
	_ =	sdelay $0x1  }
0x8a: {  	s1 =	srdreg.scid  }
0x8b: {  	s0 =	sand.u32 $0x1, s1  }
0x8c: {  	s16 =	sshll.u32 s0, $0xA;
	s2 =	sadd.s32 s3, s2  }
0x8d: {  	s2 =	sadd.s32 s2, s16  }
0x8e: {  	[smem:$0x3FBA] =	sst s2  }
0x8f: {  	_ = 	snop  }
0x90: {  	(tm) =	ssettm $0x1  }
0x91: {  	s17 =	sld [smem:$0x3FFB];
	_ =	sdelay $0x3  }
0x92: {  	_ =	strace s17  }
0x93: {  	s2 =	sld [smem:$0x3FFC];
	_ =	sdelay $0x3  }
0x94: {  	_ =	strace s2  }
0x95: {  	s2 =	sld [smem:$0x3FFD];
	_ =	sdelay $0x3  }
0x96: {  	_ =	strace s2  }
0x97: {  	_ =	strace $0x8FFFFFFF  }
0x98: {  	s18 =	sld [smem:$0x3FDB];
	_ =	sdelay $0x1  }
0x99: {  	s19 =	simm.s32 $_scs_section_size  }
0x9a: {  	s4 =	simm.s32 $_size__tile_overlayer_lowered;
	s5 =	simm.s32 $_tile_overlayer_lowered  }
0x9b: {  	s22 =	simm.s32 $0x1BFF;
	s21 =	sshll.u32 s5, $0x1;
	s2 =	sadd.s32 s19, s18  }
0x9c: {  	s6 =	simm.s32 $0x0;
	s20 =	sshll.u32 s4, $0x1;
	s4 =	sadd.s32 s21, s2  }
0x9d: {  	[timem:s6], [sflag:s22] =	dma.local [hbm:s4], s20  }
0x9e: {  	_ =	swait.ge [sflag:s22], s20  }
0x9f: {  	s3 =	ssub.s32 $0x0, s20;
	[sflag:s22] =	ssyncset.done $0x0  }
0xa0: {  	[sflag:s22] =	ssyncadd.s32 s3;
	_ =	sdelay $0x1  }
0xa1: {  	s23 =	simm.s32 $0x1B8B  }
0xa2: {  	_ =	swait.ge [sflag:s23], $0x1  }
0xa3: {  	[sflag:s23] =	ssyncset.done $0x0  }
0xa4: {  	s25 =	simm.s32 $0x1B8E;
	s24 =	sld [smem:$0x3FFE];
	[sflag:s23] =	ssyncadd.s32 $0xFFFFFFFF  }
0xa5: {  	s26 =	simm.s32 $execute0_lowered;
	[smem:$0x3FD2] =	sst s25  }
0xa6: {  	s4 =	sshll.u32 s26, $0x1;
	_ =	strace $0x8000004F;
	[dreg:$0x1] =	wrdreg $0xFFFFFFFF  }
0xa7: {  	s28 =	simm.s32 $_size_execute0_lowered;
	s2 =	sadd.s32 s2, s4;
	[dreg:$0x0] =	wrdreg $0x0  }
0xa8: {  	s4 =	sshll.u32 s28, $0x1;
	[dreg:$0x2] =	wrdreg s2  }
0xa9: {  	[dreg:$0x3] =	wrdreg s4  }
0xaa: {  	[dreg:$0x4] =	wrdreg $0xC0  }
0xab: {  	_ =	task [dreg:s6], $0x5FFFF  }
0xac: {  	[dreg:$0x1] =	wrdreg $0xFFFFFFFF  }
0xad: {  	[dreg:$0x0] =	wrdreg $0x60  }
0xae: {  	[dreg:$0x2] =	wrdreg s24  }
0xaf: {  	[dreg:$0x3] =	wrdreg $0xB0000  }
0xb0: {  	[dreg:$0x4] =	wrdreg $0x9  }
0xb1: {  	_ =	task.clear_ibuf [dreg:s6], $0x5FFFF;
	_ =	strace $0x9000004F  }
0xb2: {  	s29 =	simm.s32 $0x9;
	_ =	strace $0x80000051  }
0xb3: {  	_ =	swait.ge [sflag:s29], $0x1  }
0xb4: {  	[sflag:s29] =	ssyncadd.s32 $0xFFFFFFFF  }
0xb5: {  	_ =	strace $0x90000051  }
0xb6: {  	_ =	sfence  }
0xb7: {  	s30 =	sld [smem:$0x0];
	_ =	sdelay $0x2  }
0xb8: {  	s31 =	sshll.u32 s1, $0xD;
	s1 =	sshrl.u32 s1, $0x2  }
0xb9: {  	s3 =	sand.u32 $0x4000, s31;
	s1 =	sadd.s32 s1, s30  }
0xba: {  	s0 =	sor.u32 s3, s0;
	s1 =	sshll.u32 s1, $0x11  }
0xbb: {  	s0 =	sor.u32 s1, s0  }
0xbc: {  	s0 =	sadd.s32 $0x8F2B, s0  }
0xbd: {  	[sflag:s0] =	ssyncadd.remote.s32 $0x1  }
0xbe: {  	_ =	sfence.sel $0xFFFF  }
0xbf: {  	[dreg:$0x0] =	wrdreg $0xFFFFFFFF;
	(pc) =	sbr.abs _section_cstart, $3  }
0xc0: {  	[dreg:$0x1] =	wrdreg $0xFFFFFFFF  }
0xc1: {  	_ =	task.clear_ibuf [dreg:s6], $0x2FFFF;
	_ =	strace $0x9FFFFFFF  }
0xc2: {  	(tm) =	ssettm $0x7FFFFFFF  }
0xc3: {  	_ =	shalt  }
tec
execute0_lowered:
.L_overlay_start_1:
0x0: {  	(tag) =	ssettag $0x1  }
0x1: {  	s0 =	rddreg [dreg:$0x0]  }
0x2: {  	s1 =	rddreg [dreg:$0x1];
	s3 =	simm.s32 $0x0;
	s2 =	srdreg.scid  }
0x3: {  	s8 =	stileid.u32;
	s11 =	simm.s32 $0x80;
	s13 =	simm.s32 $0x100  }
0x4: {  	s15 =	simm.s32 $0x180;
	s17 =	simm.s32 $0x200;
	[smem:$0x7FF] =	sst s3  }
0x5: {  	s19 =	simm.s32 $0x280;
	_ =	strace $0x80000050;
	[dreg:$0x5] =	wrdreg s11  }
0x6: {  	s20 =	simm.s32 $0x880;
	s21 =	simm.s32 $0x300;
	[dreg:$0x6] =	wrdreg s13  }
0x7: {  	s22 =	simm.s32 $0x900;
	s23 =	simm.s32 $0x380;
	[dreg:$0x7] =	wrdreg s15  }
0x8: {  	s24 =	simm.s32 $0x980;
	s25 =	simm.s32 $0x400;
	[dreg:$0x8] =	wrdreg s17  }
0x9: {  	s28 =	simm.s32 $0x2;
	s29 =	simm.s32 $0x7;
	[dreg:$0x9] =	wrdreg s19  }
0xa: {  	s30 =	simm.s32 $0x3;
	s31 =	simm.s32 $0x8;
	[dreg:$0xa] =	wrdreg s20  }
0xb: {  	s2 =	sand.u32 $0x1, s2;
	s6 =	smul.u32 $0x50000, s8;
	[dreg:$0xb] =	wrdreg s21  }
0xc: {  	s4 =	sshll.u32 s8, $0xD;
	s5 =	smul.u32 $0x28000, s2;
	[dreg:$0xc] =	wrdreg s22  }
0xd: {  	s4 =	sadd.s32 s4, s0;
	s2 =	ssub.s32 $0x2, s2;
	[dreg:$0xd] =	wrdreg s23  }
0xe: {  	s17 =	simm.s32 $0xB;
	s19 =	simm.s32 $0x40;
	[dreg:$0xe] =	wrdreg s24  }
0xf: {  	s20 =	simm.s32 $0x3000;
	[dreg:$0xf] =	wrdreg s25;
	s7 =	sadd.s32 $0x3E00, s4  }
0x10: {  	s6 =	sshrl.u32 s6, $0x2;
	s4 =	sadd.s32 $0x23E00, s4;
	[dreg:$0x3] =	wrdreg s7  }
0x11: {  	s26 =	sshrl.u32 s2, $0x1;
	s6 =	sadd.s32 s6, s1;
	[dreg:$0x4] =	wrdreg s4  }
0x12: {  	s2 =	ssub.s32 s2, s26;
	s26 =	simm.s32 $0xA00;
	[dreg:$0x11] =	wrdreg s6  }
0x13: {  	s21 =	simm.s32 $0x5000;
	s2 =	smax.u32 s2, $0x1;
	[dreg:$0x10] =	wrdreg s26  }
0x14: {  	s22 =	simm.s32 $0x7000;
	s7 =	sadd.s32 $0x2000, s6;
	[dreg:$0x12] =	wrdreg s2  }
0x15: {  	s4 =	smul.u32 $0x2800, s8;
	s8 =	sadd.s32 $0x4000, s6;
	[dreg:$0x13] =	wrdreg s7  }
0x16: {  	s23 =	simm.s32 $0x9000;
	s9 =	sadd.s32 $0x6000, s6;
	[dreg:$0x14] =	wrdreg s8  }
0x17: {  	s25 =	simm.s32 $0x1;
	s10 =	sadd.s32 $0x8000, s6;
	[dreg:$0x15] =	wrdreg s9  }
0x18: {  	s11 =	simm.s32 $0xB80;
	s12 =	sadd.s32 $0xA000, s6;
	[dreg:$0x16] =	wrdreg s10  }
0x19: {  	s13 =	simm.s32 $0xC80;
	s14 =	sadd.s32 $0xC000, s6;
	[dreg:$0x17] =	wrdreg s12  }
0x1a: {  	s0 =	sadd.s32 s5, s0;
	s16 =	sadd.s32 $0xE000, s6;
	[dreg:$0x18] =	wrdreg s14  }
0x1b: {  	s5 =	sadd.s32 $0x43E00, s0;
	s18 =	sadd.s32 $0x10000, s6;
	[dreg:$0x19] =	wrdreg s16  }
0x1c: {  	s0 =	sadd.s32 $0x93E00, s0;
	s6 =	sadd.s32 $0x12000, s6;
	[dreg:$0x1a] =	wrdreg s18  }
0x1d: {  	s26 =	simm.s32 $0x6;
	[dreg:$0x1b] =	wrdreg s6;
	s16 =	simm.s32 $0x1000  }
0x1e: {  	s18 =	simm.s32 $0x800;
	s0 =	sadd.s32 s4, s0;
	s2 =	simm.s32 $0x9  }
0x1f: {  	s6 =	simm.s32 $0x5;
	s7 =	simm.s32 $0xA;
	s8 =	simm.s32 $0x480  }
0x20: {  	s9 =	simm.s32 $0xA80;
	s10 =	simm.s32 $0xB00;
	s12 =	simm.s32 $0xC00  }
0x21: {  	v0 =	vimm.f32 $0.0e+00;
	s14 =	simm.s32 $0x0;
	[dreg:$0x1c] =	wrdreg s0;
	s0 =	simm.s32 $0x4  }
.LBB2_1:
0x22: {  	s15 =	simm.s32 $0x0;
	s24 =	simm.s32 $0x200  }
.LBB2_2:
0x23: {  	p0 =	sne.s32 s24, $0x7E00;
	[tilespmem:s15+$0x1070] =	vst v0  }
0x24: {  	[tilespmem:s15+$0x1000] =	vst v0  }
0x25: {  	[tilespmem:s15+$0x1010] =	vst v0  }
.Ltmp0:
0x26: {  	[tilespmem:s15+$0x1020] =	vst v0;
	(pc) =	sbr.rel @p0 .LBB2_2-.Ltmp0, $4  }
0x27: {  	[tilespmem:s15+$0x1030] =	vst v0  }
0x28: {  	[tilespmem:s15+$0x1040] =	vst v0  }
0x29: {  	[tilespmem:s15+$0x1050] =	vst v0  }
0x2a: {  	[tilespmem:s15+$0x1060] =	vst v0;
	s15 =	sshra.s32 s24, $0x2;
	s24 =	sadd.s32 $0x200, s24  }
0x2b: {  	[tilespmem:s15+$0x1070] =	vst v0  }
0x2c: {  	[tilespmem:s15+$0x1000] =	vst v0  }
0x2d: {  	[tilespmem:s15+$0x1010] =	vst v0  }
0x2e: {  	[tilespmem:s15+$0x1020] =	vst v0  }
0x2f: {  	[tilespmem:s15+$0x1030] =	vst v0  }
0x30: {  	[tilespmem:s15+$0x1040] =	vst v0  }
0x31: {  	[dreg:$0x1d] =	wrdreg s14;
	[tilespmem:s15+$0x1050] =	vst v0  }
0x32: {  	[tilespmem:s15+$0x1060] =	vst v0;
	s4 =	rddreg [dreg:$0x11]  }
0x33: {  	[spmem:s4] =	stream.linear.scatter [tilespmem:s16], [sflag:$0xB], $0x2000, $0x38;
	[tilespmem:$0x1F000] =	vst v63  }
0x34: {  	_ =	swait.ge [sflag:s17], $0x2000  }
0x35: {  	[sflag:s17] =	ssyncset.done $0x0  }
0x36: {  	s14 =	rddreg [dreg:$0x13];
	[sflag:s17] =	ssyncadd.s32 $0xFFFFE000  }
0x37: {  	[spmem:s14] =	stream.linear.scatter [tilespmem:s16], [sflag:$0xB], $0x2000, $0x38;
	[tilespmem:$0x1F000] =	vst v63  }
0x38: {  	_ =	swait.ge [sflag:s17], $0x2000  }
0x39: {  	[sflag:s17] =	ssyncset.done $0x0  }
0x3a: {  	s15 =	rddreg [dreg:$0x14];
	[sflag:s17] =	ssyncadd.s32 $0xFFFFE000  }
0x3b: {  	[spmem:s15] =	stream.linear.scatter [tilespmem:s16], [sflag:$0xB], $0x2000, $0x38;
	[tilespmem:$0x1F000] =	vst v63  }
0x3c: {  	_ =	swait.ge [sflag:s17], $0x2000  }
0x3d: {  	[sflag:s17] =	ssyncset.done $0x0  }
0x3e: {  	s24 =	rddreg [dreg:$0x15];
	[sflag:s17] =	ssyncadd.s32 $0xFFFFE000  }
0x3f: {  	[spmem:s24] =	stream.linear.scatter [tilespmem:s16], [sflag:$0xB], $0x2000, $0x38;
	[tilespmem:$0x1F000] =	vst v63  }
0x40: {  	_ =	swait.ge [sflag:s17], $0x2000  }
0x41: {  	[sflag:s17] =	ssyncset.done $0x0  }
0x42: {  	s14 =	rddreg [dreg:$0x16];
	[sflag:s17] =	ssyncadd.s32 $0xFFFFE000  }
0x43: {  	[spmem:s14] =	stream.linear.scatter [tilespmem:s16], [sflag:$0xB], $0x2000, $0x38;
	[tilespmem:$0x1F000] =	vst v63  }
0x44: {  	_ =	swait.ge [sflag:s17], $0x2000  }
0x45: {  	[sflag:s17] =	ssyncset.done $0x0  }
0x46: {  	s15 =	rddreg [dreg:$0x17];
	[sflag:s17] =	ssyncadd.s32 $0xFFFFE000  }
0x47: {  	[spmem:s15] =	stream.linear.scatter [tilespmem:s16], [sflag:$0xB], $0x2000, $0x38;
	[tilespmem:$0x1F000] =	vst v63  }
0x48: {  	_ =	swait.ge [sflag:s17], $0x2000  }
0x49: {  	[sflag:s17] =	ssyncset.done $0x0  }
0x4a: {  	s24 =	rddreg [dreg:$0x18];
	[sflag:s17] =	ssyncadd.s32 $0xFFFFE000  }
0x4b: {  	[spmem:s24] =	stream.linear.scatter [tilespmem:s16], [sflag:$0xB], $0x2000, $0x38;
	[tilespmem:$0x1F000] =	vst v63  }
0x4c: {  	_ =	swait.ge [sflag:s17], $0x2000  }
0x4d: {  	[sflag:s17] =	ssyncset.done $0x0  }
0x4e: {  	s14 =	rddreg [dreg:$0x19];
	[sflag:s17] =	ssyncadd.s32 $0xFFFFE000  }
0x4f: {  	[spmem:s14] =	stream.linear.scatter [tilespmem:s16], [sflag:$0xB], $0x2000, $0x38;
	[tilespmem:$0x1F000] =	vst v63  }
0x50: {  	_ =	swait.ge [sflag:s17], $0x2000  }
0x51: {  	[sflag:s17] =	ssyncset.done $0x0  }
0x52: {  	s15 =	rddreg [dreg:$0x1a];
	[sflag:s17] =	ssyncadd.s32 $0xFFFFE000  }
0x53: {  	[spmem:s15] =	stream.linear.scatter [tilespmem:s16], [sflag:$0xB], $0x2000, $0x38;
	[tilespmem:$0x1F000] =	vst v63  }
0x54: {  	_ =	swait.ge [sflag:s17], $0x2000  }
0x55: {  	[sflag:s17] =	ssyncset.done $0x0  }
0x56: {  	s24 =	rddreg [dreg:$0x1b];
	[sflag:s17] =	ssyncadd.s32 $0xFFFFE000  }
0x57: {  	[spmem:s24] =	stream.linear.scatter [tilespmem:s16], [sflag:$0xB], $0x2000, $0x38;
	[tilespmem:$0x1F000] =	vst v63  }
0x58: {  	_ =	swait.ge [sflag:s17], $0x2000  }
0x59: {  	[sflag:s17] =	ssyncset.done $0x0  }
0x5a: {  	[sflag:s17] =	ssyncadd.s32 $0xFFFFE000  }
0x5b: {  	[bflag:$0x0] =	sbarrier.arrive $0xFFFF  }
0x5c: {  	s14 =	rddreg [dreg:$0x3]  }
0x5d: {  	s4 =	sadd.s32 $0x0, s14  }
0x5e: {  	[tilespmem:s3], [sflag:$0xB] =	stream.linear.gather [hbm4b:s4+s3], $0x500, $0x38;
	[tilespmem:$0x1F000] =	vst v63  }
0x5f: {  	_ =	swait.ge [sflag:s17], $0x500  }
0x60: {  	s15 =	rddreg [dreg:$0x4];
	[sflag:s17] =	ssyncset.done $0x0  }
0x61: {  	[sflag:s17] =	ssyncadd.s32 $0xFFFFFB00;
	s4 =	sadd.s32 $0x0, s15  }
0x62: {  	[tilespmem:s18], [sflag:$0xB] =	stream.linear.gather [hbm4b:s4+s3], $0x500, $0x38;
	[tilespmem:$0x1F000] =	vst v63  }
0x63: {  	_ =	swait.ge [sflag:s17], $0x500  }
0x64: {  	[sflag:s17] =	ssyncset.done $0x0  }
0x65: {  	[sflag:s17] =	ssyncadd.s32 $0xFFFFFB00  }
0x66: {  	[tilespmem:s16], [sflag:$0x1] =	stream.indirect.gather [hbm4b:s5+s19], $0x80, s3, s19, $0xb8;
	[tilespmem:$0x1F000] =	vst v63  }
0x67: {  	s24 =	rddreg [dreg:$0x5]  }
0x68: {  	[tilespmem:s20], [sflag:$0x2] =	stream.indirect.gather [hbm4b:s5+s19], $0x80, s24, s19, $0xb8;
	[tilespmem:$0x1F000] =	vst v63  }
0x69: {  	s14 =	rddreg [dreg:$0x6]  }
0x6a: {  	[tilespmem:s21], [sflag:$0x3] =	stream.indirect.gather [hbm4b:s5+s19], $0x80, s14, s19, $0xb8;
	[tilespmem:$0x1F000] =	vst v63  }
0x6b: {  	s24 =	rddreg [dreg:$0x7]  }
0x6c: {  	[tilespmem:s22], [sflag:$0x4] =	stream.indirect.gather [hbm4b:s5+s19], $0x80, s24, s19, $0xb8;
	[tilespmem:$0x1F000] =	vst v63  }
0x6d: {  	s14 =	rddreg [dreg:$0x8]  }
0x6e: {  	[tilespmem:s23], [sflag:$0x5] =	stream.indirect.gather [hbm4b:s5+s19], $0x80, s14, s19, $0xb8;
	[tilespmem:$0x1F000] =	vst v63  }
0x6f: {  	_ =	swait.ge [sflag:s25], $0x2000  }
0x70: {  	[sflag:s25] =	ssyncset.done $0x0  }
0x71: {  	[sflag:s25] =	ssyncadd.s32 $0xFFFFE000  }
0x72: {  	[spmem:s1] =	stream.indirect.scatter.add.f32 [tilespmem:s16], [sflag:$0x6], $0x80, s18, s19, $0xb8;
	[tilespmem:$0x1F000] =	vst v63  }
0x73: {  	_ =	swait.ge [sflag:s26], $0x2000  }
0x74: {  	[sflag:s26] =	ssyncset.done $0x0  }
0x75: {  	s15 =	rddreg [dreg:$0x9];
	[sflag:s26] =	ssyncadd.s32 $0xFFFFE000  }
0x76: {  	[tilespmem:s16], [sflag:$0x1] =	stream.indirect.gather [hbm4b:s5+s19], $0x80, s15, s19, $0xb8;
	[tilespmem:$0x1F000] =	vst v63  }
0x77: {  	_ =	swait.ge [sflag:s28], $0x2000  }
0x78: {  	[sflag:s28] =	ssyncset.done $0x0  }
0x79: {  	s24 =	rddreg [dreg:$0xa];
	[sflag:s28] =	ssyncadd.s32 $0xFFFFE000  }
0x7a: {  	[spmem:s1] =	stream.indirect.scatter.add.f32 [tilespmem:s20], [sflag:$0x7], $0x80, s24, s19, $0xb8;
	[tilespmem:$0x1F000] =	vst v63  }
0x7b: {  	_ =	swait.ge [sflag:s29], $0x2000  }
0x7c: {  	[sflag:s29] =	ssyncset.done $0x0  }
0x7d: {  	s14 =	rddreg [dreg:$0xb];
	[sflag:s29] =	ssyncadd.s32 $0xFFFFE000  }
0x7e: {  	[tilespmem:s20], [sflag:$0x2] =	stream.indirect.gather [hbm4b:s5+s19], $0x80, s14, s19, $0xb8;
	[tilespmem:$0x1F000] =	vst v63  }
0x7f: {  	_ =	swait.ge [sflag:s30], $0x2000  }
0x80: {  	[sflag:s30] =	ssyncset.done $0x0  }
0x81: {  	s15 =	rddreg [dreg:$0xc];
	[sflag:s30] =	ssyncadd.s32 $0xFFFFE000  }
0x82: {  	[spmem:s1] =	stream.indirect.scatter.add.f32 [tilespmem:s21], [sflag:$0x8], $0x80, s15, s19, $0xb8;
	[tilespmem:$0x1F000] =	vst v63  }
0x83: {  	_ =	swait.ge [sflag:s31], $0x2000  }
0x84: {  	[sflag:s31] =	ssyncset.done $0x0  }
0x85: {  	s24 =	rddreg [dreg:$0xd];
	[sflag:s31] =	ssyncadd.s32 $0xFFFFE000  }
0x86: {  	[tilespmem:s21], [sflag:$0x3] =	stream.indirect.gather [hbm4b:s5+s19], $0x80, s24, s19, $0xb8;
	[tilespmem:$0x1F000] =	vst v63  }
0x87: {  	_ =	swait.ge [sflag:s0], $0x2000  }
0x88: {  	[sflag:s0] =	ssyncset.done $0x0  }
0x89: {  	s14 =	rddreg [dreg:$0xe];
	[sflag:s0] =	ssyncadd.s32 $0xFFFFE000  }
0x8a: {  	[spmem:s1] =	stream.indirect.scatter.add.f32 [tilespmem:s22], [sflag:$0x9], $0x80, s14, s19, $0xb8;
	[tilespmem:$0x1F000] =	vst v63  }
0x8b: {  	_ =	swait.ge [sflag:s2], $0x2000  }
0x8c: {  	[sflag:s2] =	ssyncset.done $0x0  }
0x8d: {  	s15 =	rddreg [dreg:$0xf];
	[sflag:s2] =	ssyncadd.s32 $0xFFFFE000  }
0x8e: {  	[tilespmem:s22], [sflag:$0x4] =	stream.indirect.gather [hbm4b:s5+s19], $0x80, s15, s19, $0xb8;
	[tilespmem:$0x1F000] =	vst v63  }
0x8f: {  	_ =	swait.ge [sflag:s6], $0x2000  }
0x90: {  	[sflag:s6] =	ssyncset.done $0x0  }
0x91: {  	s24 =	rddreg [dreg:$0x10];
	[sflag:s6] =	ssyncadd.s32 $0xFFFFE000  }
0x92: {  	[spmem:s1] =	stream.indirect.scatter.add.f32 [tilespmem:s23], [sflag:$0xA], $0x80, s24, s19, $0xb8;
	[tilespmem:$0x1F000] =	vst v63  }
0x93: {  	_ =	swait.ge [sflag:s7], $0x2000  }
0x94: {  	[sflag:s7] =	ssyncset.done $0x0  }
0x95: {  	[sflag:s7] =	ssyncadd.s32 $0xFFFFE000  }
0x96: {  	[tilespmem:s23], [sflag:$0x5] =	stream.indirect.gather [hbm4b:s5+s19], $0x80, s8, s19, $0xb8;
	[tilespmem:$0x1F000] =	vst v63  }
0x97: {  	_ =	swait.ge [sflag:s25], $0x2000  }
0x98: {  	[sflag:s25] =	ssyncset.done $0x0  }
0x99: {  	[sflag:s25] =	ssyncadd.s32 $0xFFFFE000  }
0x9a: {  	[spmem:s1] =	stream.indirect.scatter.add.f32 [tilespmem:s16], [sflag:$0x6], $0x80, s9, s19, $0xb8;
	[tilespmem:$0x1F000] =	vst v63  }
0x9b: {  	_ =	swait.ge [sflag:s28], $0x2000  }
0x9c: {  	[sflag:s28] =	ssyncset.done $0x0  }
0x9d: {  	[sflag:s28] =	ssyncadd.s32 $0xFFFFE000  }
0x9e: {  	[spmem:s1] =	stream.indirect.scatter.add.f32 [tilespmem:s20], [sflag:$0x7], $0x80, s10, s19, $0xb8;
	[tilespmem:$0x1F000] =	vst v63  }
0x9f: {  	_ =	swait.ge [sflag:s30], $0x2000  }
0xa0: {  	[sflag:s30] =	ssyncset.done $0x0  }
0xa1: {  	[sflag:s30] =	ssyncadd.s32 $0xFFFFE000  }
0xa2: {  	[spmem:s1] =	stream.indirect.scatter.add.f32 [tilespmem:s21], [sflag:$0x8], $0x80, s11, s19, $0xb8;
	[tilespmem:$0x1F000] =	vst v63  }
0xa3: {  	_ =	swait.ge [sflag:s0], $0x2000  }
0xa4: {  	[sflag:s0] =	ssyncset.done $0x0  }
0xa5: {  	[sflag:s0] =	ssyncadd.s32 $0xFFFFE000  }
0xa6: {  	[spmem:s1] =	stream.indirect.scatter.add.f32 [tilespmem:s22], [sflag:$0x9], $0x80, s12, s19, $0xb8;
	[tilespmem:$0x1F000] =	vst v63  }
0xa7: {  	_ =	swait.ge [sflag:s6], $0x2000  }
0xa8: {  	[sflag:s6] =	ssyncset.done $0x0  }
0xa9: {  	[sflag:s6] =	ssyncadd.s32 $0xFFFFE000  }
0xaa: {  	[spmem:s1] =	stream.indirect.scatter.add.f32 [tilespmem:s23], [sflag:$0xA], $0x80, s13, s19, $0xb8;
	[tilespmem:$0x1F000] =	vst v63  }
0xab: {  	_ =	swait.ge [sflag:s26], $0x2000  }
0xac: {  	[sflag:s26] =	ssyncset.done $0x0  }
0xad: {  	[sflag:s26] =	ssyncadd.s32 $0xFFFFE000  }
0xae: {  	_ =	swait.ge [sflag:s29], $0x2000  }
0xaf: {  	[sflag:s29] =	ssyncset.done $0x0  }
0xb0: {  	[sflag:s29] =	ssyncadd.s32 $0xFFFFE000  }
0xb1: {  	_ =	swait.ge [sflag:s31], $0x2000  }
0xb2: {  	[sflag:s31] =	ssyncset.done $0x0  }
0xb3: {  	[sflag:s31] =	ssyncadd.s32 $0xFFFFE000  }
0xb4: {  	_ =	swait.ge [sflag:s2], $0x2000  }
0xb5: {  	[sflag:s2] =	ssyncset.done $0x0  }
0xb6: {  	[sflag:s2] =	ssyncadd.s32 $0xFFFFE000  }
0xb7: {  	s15 =	simm.s32 $0x100;
	_ =	swait.ge [sflag:s7], $0x2000  }
0xb8: {  	s24 =	simm.s32 $0x200;
	s4 =	rddreg [dreg:$0x3];
	[sflag:s7] =	ssyncset.done $0x0  }
.LBB2_4:
0xb9: {  	[sflag:s7] =	ssyncadd.s32 $0xFFFFE000;
	s4 =	sadd.s32 s15, s4  }
0xba: {  	[tilespmem:s3], [sflag:$0xB] =	stream.linear.gather [hbm4b:s4+s3], $0x500, $0x38;
	[tilespmem:$0x1F000] =	vst v63  }
0xbb: {  	_ =	swait.ge [sflag:s17], $0x500  }
0xbc: {  	s4 =	rddreg [dreg:$0x4];
	[sflag:s17] =	ssyncset.done $0x0  }
0xbd: {  	[sflag:s17] =	ssyncadd.s32 $0xFFFFFB00;
	s4 =	sadd.s32 s15, s4  }
0xbe: {  	[tilespmem:s18], [sflag:$0xB] =	stream.linear.gather [hbm4b:s4+s3], $0x500, $0x38;
	[tilespmem:$0x1F000] =	vst v63  }
0xbf: {  	_ =	swait.ge [sflag:s17], $0x500  }
0xc0: {  	[sflag:s17] =	ssyncset.done $0x0  }
0xc1: {  	[sflag:s17] =	ssyncadd.s32 $0xFFFFFB00  }
0xc2: {  	[tilespmem:s16], [sflag:$0x1] =	stream.indirect.gather [hbm4b:s5+s19], $0x80, s3, s19, $0xb8;
	[tilespmem:$0x1F000] =	vst v63  }
0xc3: {  	s14 =	smov.u32 s24;
	s4 =	rddreg [dreg:$0x5]  }
0xc4: {  	[tilespmem:s20], [sflag:$0x2] =	stream.indirect.gather [hbm4b:s5+s19], $0x80, s4, s19, $0xb8;
	[tilespmem:$0x1F000] =	vst v63  }
0xc5: {  	s15 =	smov.u32 s14;
	s14 =	rddreg [dreg:$0x6]  }
0xc6: {  	[tilespmem:s21], [sflag:$0x3] =	stream.indirect.gather [hbm4b:s5+s19], $0x80, s14, s19, $0xb8;
	[tilespmem:$0x1F000] =	vst v63  }
0xc7: {  	s4 =	rddreg [dreg:$0x7]  }
0xc8: {  	[tilespmem:s22], [sflag:$0x4] =	stream.indirect.gather [hbm4b:s5+s19], $0x80, s4, s19, $0xb8;
	[tilespmem:$0x1F000] =	vst v63  }
0xc9: {  	s14 =	rddreg [dreg:$0x8]  }
0xca: {  	[tilespmem:s23], [sflag:$0x5] =	stream.indirect.gather [hbm4b:s5+s19], $0x80, s14, s19, $0xb8;
	[tilespmem:$0x1F000] =	vst v63  }
0xcb: {  	_ =	swait.ge [sflag:s25], $0x2000  }
0xcc: {  	[sflag:s25] =	ssyncset.done $0x0  }
0xcd: {  	[sflag:s25] =	ssyncadd.s32 $0xFFFFE000  }
0xce: {  	[spmem:s1] =	stream.indirect.scatter.add.f32 [tilespmem:s16], [sflag:$0x6], $0x80, s18, s19, $0xb8;
	[tilespmem:$0x1F000] =	vst v63  }
0xcf: {  	_ =	swait.ge [sflag:s26], $0x2000  }
0xd0: {  	[sflag:s26] =	ssyncset.done $0x0  }
0xd1: {  	s14 =	rddreg [dreg:$0x9];
	[sflag:s26] =	ssyncadd.s32 $0xFFFFE000  }
0xd2: {  	[tilespmem:s16], [sflag:$0x1] =	stream.indirect.gather [hbm4b:s5+s19], $0x80, s14, s19, $0xb8;
	[tilespmem:$0x1F000] =	vst v63  }
0xd3: {  	_ =	swait.ge [sflag:s28], $0x2000  }
0xd4: {  	[sflag:s28] =	ssyncset.done $0x0  }
0xd5: {  	s14 =	rddreg [dreg:$0xa];
	[sflag:s28] =	ssyncadd.s32 $0xFFFFE000  }
0xd6: {  	[spmem:s1] =	stream.indirect.scatter.add.f32 [tilespmem:s20], [sflag:$0x7], $0x80, s14, s19, $0xb8;
	[tilespmem:$0x1F000] =	vst v63  }
0xd7: {  	_ =	swait.ge [sflag:s29], $0x2000  }
0xd8: {  	[sflag:s29] =	ssyncset.done $0x0  }
0xd9: {  	s14 =	rddreg [dreg:$0xb];
	[sflag:s29] =	ssyncadd.s32 $0xFFFFE000  }
0xda: {  	[tilespmem:s20], [sflag:$0x2] =	stream.indirect.gather [hbm4b:s5+s19], $0x80, s14, s19, $0xb8;
	[tilespmem:$0x1F000] =	vst v63  }
0xdb: {  	_ =	swait.ge [sflag:s30], $0x2000  }
0xdc: {  	[sflag:s30] =	ssyncset.done $0x0  }
0xdd: {  	s14 =	rddreg [dreg:$0xc];
	[sflag:s30] =	ssyncadd.s32 $0xFFFFE000  }
0xde: {  	[spmem:s1] =	stream.indirect.scatter.add.f32 [tilespmem:s21], [sflag:$0x8], $0x80, s14, s19, $0xb8;
	[tilespmem:$0x1F000] =	vst v63  }
0xdf: {  	_ =	swait.ge [sflag:s31], $0x2000  }
0xe0: {  	[sflag:s31] =	ssyncset.done $0x0  }
0xe1: {  	s14 =	rddreg [dreg:$0xd];
	[sflag:s31] =	ssyncadd.s32 $0xFFFFE000  }
0xe2: {  	[tilespmem:s21], [sflag:$0x3] =	stream.indirect.gather [hbm4b:s5+s19], $0x80, s14, s19, $0xb8;
	[tilespmem:$0x1F000] =	vst v63  }
0xe3: {  	_ =	swait.ge [sflag:s0], $0x2000  }
0xe4: {  	[sflag:s0] =	ssyncset.done $0x0  }
0xe5: {  	s14 =	rddreg [dreg:$0xe];
	[sflag:s0] =	ssyncadd.s32 $0xFFFFE000  }
0xe6: {  	[spmem:s1] =	stream.indirect.scatter.add.f32 [tilespmem:s22], [sflag:$0x9], $0x80, s14, s19, $0xb8;
	[tilespmem:$0x1F000] =	vst v63  }
0xe7: {  	_ =	swait.ge [sflag:s2], $0x2000  }
0xe8: {  	[sflag:s2] =	ssyncset.done $0x0  }
0xe9: {  	s14 =	rddreg [dreg:$0xf];
	[sflag:s2] =	ssyncadd.s32 $0xFFFFE000  }
0xea: {  	[tilespmem:s22], [sflag:$0x4] =	stream.indirect.gather [hbm4b:s5+s19], $0x80, s14, s19, $0xb8;
	[tilespmem:$0x1F000] =	vst v63  }
0xeb: {  	_ =	swait.ge [sflag:s6], $0x2000  }
0xec: {  	[sflag:s6] =	ssyncset.done $0x0  }
0xed: {  	s14 =	rddreg [dreg:$0x10];
	[sflag:s6] =	ssyncadd.s32 $0xFFFFE000  }
0xee: {  	[spmem:s1] =	stream.indirect.scatter.add.f32 [tilespmem:s23], [sflag:$0xA], $0x80, s14, s19, $0xb8;
	[tilespmem:$0x1F000] =	vst v63  }
0xef: {  	_ =	swait.ge [sflag:s7], $0x2000  }
0xf0: {  	[sflag:s7] =	ssyncset.done $0x0  }
0xf1: {  	[sflag:s7] =	ssyncadd.s32 $0xFFFFE000  }
0xf2: {  	[tilespmem:s23], [sflag:$0x5] =	stream.indirect.gather [hbm4b:s5+s19], $0x80, s8, s19, $0xb8;
	[tilespmem:$0x1F000] =	vst v63  }
0xf3: {  	_ =	swait.ge [sflag:s25], $0x2000  }
0xf4: {  	[sflag:s25] =	ssyncset.done $0x0  }
0xf5: {  	[sflag:s25] =	ssyncadd.s32 $0xFFFFE000  }
0xf6: {  	[spmem:s1] =	stream.indirect.scatter.add.f32 [tilespmem:s16], [sflag:$0x6], $0x80, s9, s19, $0xb8;
	[tilespmem:$0x1F000] =	vst v63  }
0xf7: {  	_ =	swait.ge [sflag:s28], $0x2000  }
0xf8: {  	[sflag:s28] =	ssyncset.done $0x0  }
0xf9: {  	[sflag:s28] =	ssyncadd.s32 $0xFFFFE000  }
0xfa: {  	[spmem:s1] =	stream.indirect.scatter.add.f32 [tilespmem:s20], [sflag:$0x7], $0x80, s10, s19, $0xb8;
	[tilespmem:$0x1F000] =	vst v63  }
0xfb: {  	_ =	swait.ge [sflag:s30], $0x2000  }
0xfc: {  	[sflag:s30] =	ssyncset.done $0x0  }
0xfd: {  	[sflag:s30] =	ssyncadd.s32 $0xFFFFE000  }
0xfe: {  	[spmem:s1] =	stream.indirect.scatter.add.f32 [tilespmem:s21], [sflag:$0x8], $0x80, s11, s19, $0xb8;
	[tilespmem:$0x1F000] =	vst v63  }
0xff: {  	_ =	swait.ge [sflag:s0], $0x2000  }
0x100: {  	[sflag:s0] =	ssyncset.done $0x0  }
0x101: {  	[sflag:s0] =	ssyncadd.s32 $0xFFFFE000  }
0x102: {  	[spmem:s1] =	stream.indirect.scatter.add.f32 [tilespmem:s22], [sflag:$0x9], $0x80, s12, s19, $0xb8;
	[tilespmem:$0x1F000] =	vst v63  }
0x103: {  	_ =	swait.ge [sflag:s6], $0x2000  }
0x104: {  	[sflag:s6] =	ssyncset.done $0x0  }
0x105: {  	[sflag:s6] =	ssyncadd.s32 $0xFFFFE000  }
0x106: {  	[spmem:s1] =	stream.indirect.scatter.add.f32 [tilespmem:s23], [sflag:$0xA], $0x80, s13, s19, $0xb8;
	[tilespmem:$0x1F000] =	vst v63  }
0x107: {  	_ =	swait.ge [sflag:s26], $0x2000  }
0x108: {  	[sflag:s26] =	ssyncset.done $0x0  }
0x109: {  	[sflag:s26] =	ssyncadd.s32 $0xFFFFE000  }
0x10a: {  	_ =	swait.ge [sflag:s29], $0x2000  }
0x10b: {  	[sflag:s29] =	ssyncset.done $0x0  }
0x10c: {  	[sflag:s29] =	ssyncadd.s32 $0xFFFFE000  }
0x10d: {  	_ =	swait.ge [sflag:s31], $0x2000  }
0x10e: {  	[sflag:s31] =	ssyncset.done $0x0  }
0x10f: {  	p0 =	sne.s32 s24, $0x1F00;
	[sflag:s31] =	ssyncadd.s32 $0xFFFFE000  }
.Ltmp1:
0x110: {  	_ =	swait.ge [sflag:s2], $0x2000;
	(pc) =	sbr.rel @p0 .LBB2_4-.Ltmp1, $4  }
0x111: {  	[sflag:s2] =	ssyncset.done $0x0  }
0x112: {  	[sflag:s2] =	ssyncadd.s32 $0xFFFFE000  }
0x113: {  	_ =	swait.ge [sflag:s7], $0x2000  }
0x114: {  	s24 =	sadd.s32 $0x100, s24;
	s4 =	rddreg [dreg:$0x3];
	[sflag:s7] =	ssyncset.done $0x0  }
0x115: {  	[sflag:s7] =	ssyncadd.s32 $0xFFFFE000;
	s4 =	sadd.s32 s15, s4  }
0x116: {  	[tilespmem:s3], [sflag:$0xB] =	stream.linear.gather [hbm4b:s4+s3], $0x500, $0x38;
	[tilespmem:$0x1F000] =	vst v63  }
0x117: {  	_ =	swait.ge [sflag:s17], $0x500  }
0x118: {  	s14 =	rddreg [dreg:$0x4];
	[sflag:s17] =	ssyncset.done $0x0  }
0x119: {  	[sflag:s17] =	ssyncadd.s32 $0xFFFFFB00;
	s4 =	sadd.s32 s15, s14  }
0x11a: {  	[tilespmem:s18], [sflag:$0xB] =	stream.linear.gather [hbm4b:s4+s3], $0x500, $0x38;
	[tilespmem:$0x1F000] =	vst v63  }
0x11b: {  	_ =	swait.ge [sflag:s17], $0x500  }
0x11c: {  	[sflag:s17] =	ssyncset.done $0x0  }
0x11d: {  	[sflag:s17] =	ssyncadd.s32 $0xFFFFFB00  }
0x11e: {  	[tilespmem:s16], [sflag:$0x1] =	stream.indirect.gather [hbm4b:s5+s19], $0x80, s3, s19, $0xb8;
	[tilespmem:$0x1F000] =	vst v63  }
0x11f: {  	s24 =	rddreg [dreg:$0x5]  }
0x120: {  	[tilespmem:s20], [sflag:$0x2] =	stream.indirect.gather [hbm4b:s5+s19], $0x80, s24, s19, $0xb8;
	[tilespmem:$0x1F000] =	vst v63  }
0x121: {  	s14 =	rddreg [dreg:$0x6]  }
0x122: {  	[tilespmem:s21], [sflag:$0x3] =	stream.indirect.gather [hbm4b:s5+s19], $0x80, s14, s19, $0xb8;
	[tilespmem:$0x1F000] =	vst v63  }
0x123: {  	s15 =	rddreg [dreg:$0x7]  }
0x124: {  	[tilespmem:s22], [sflag:$0x4] =	stream.indirect.gather [hbm4b:s5+s19], $0x80, s15, s19, $0xb8;
	[tilespmem:$0x1F000] =	vst v63  }
0x125: {  	s24 =	rddreg [dreg:$0x8]  }
0x126: {  	[tilespmem:s23], [sflag:$0x5] =	stream.indirect.gather [hbm4b:s5+s19], $0x80, s24, s19, $0xb8;
	[tilespmem:$0x1F000] =	vst v63  }
0x127: {  	_ =	swait.ge [sflag:s25], $0x2000  }
0x128: {  	[sflag:s25] =	ssyncset.done $0x0  }
0x129: {  	[sflag:s25] =	ssyncadd.s32 $0xFFFFE000  }
0x12a: {  	[spmem:s1] =	stream.indirect.scatter.add.f32 [tilespmem:s16], [sflag:$0x6], $0x80, s18, s19, $0xb8;
	[tilespmem:$0x1F000] =	vst v63  }
0x12b: {  	_ =	swait.ge [sflag:s26], $0x2000  }
0x12c: {  	[sflag:s26] =	ssyncset.done $0x0  }
0x12d: {  	s15 =	rddreg [dreg:$0x9];
	[sflag:s26] =	ssyncadd.s32 $0xFFFFE000  }
0x12e: {  	[tilespmem:s16], [sflag:$0x1] =	stream.indirect.gather [hbm4b:s5+s19], $0x80, s15, s19, $0xb8;
	[tilespmem:$0x1F000] =	vst v63  }
0x12f: {  	_ =	swait.ge [sflag:s28], $0x2000  }
0x130: {  	[sflag:s28] =	ssyncset.done $0x0  }
0x131: {  	s24 =	rddreg [dreg:$0xa];
	[sflag:s28] =	ssyncadd.s32 $0xFFFFE000  }
0x132: {  	[spmem:s1] =	stream.indirect.scatter.add.f32 [tilespmem:s20], [sflag:$0x7], $0x80, s24, s19, $0xb8;
	[tilespmem:$0x1F000] =	vst v63  }
0x133: {  	_ =	swait.ge [sflag:s29], $0x2000  }
0x134: {  	[sflag:s29] =	ssyncset.done $0x0  }
0x135: {  	s14 =	rddreg [dreg:$0xb];
	[sflag:s29] =	ssyncadd.s32 $0xFFFFE000  }
0x136: {  	[tilespmem:s20], [sflag:$0x2] =	stream.indirect.gather [hbm4b:s5+s19], $0x80, s14, s19, $0xb8;
	[tilespmem:$0x1F000] =	vst v63  }
0x137: {  	_ =	swait.ge [sflag:s30], $0x2000  }
0x138: {  	[sflag:s30] =	ssyncset.done $0x0  }
0x139: {  	s15 =	rddreg [dreg:$0xc];
	[sflag:s30] =	ssyncadd.s32 $0xFFFFE000  }
0x13a: {  	[spmem:s1] =	stream.indirect.scatter.add.f32 [tilespmem:s21], [sflag:$0x8], $0x80, s15, s19, $0xb8;
	[tilespmem:$0x1F000] =	vst v63  }
0x13b: {  	_ =	swait.ge [sflag:s31], $0x2000  }
0x13c: {  	[sflag:s31] =	ssyncset.done $0x0  }
0x13d: {  	s24 =	rddreg [dreg:$0xd];
	[sflag:s31] =	ssyncadd.s32 $0xFFFFE000  }
0x13e: {  	[tilespmem:s21], [sflag:$0x3] =	stream.indirect.gather [hbm4b:s5+s19], $0x80, s24, s19, $0xb8;
	[tilespmem:$0x1F000] =	vst v63  }
0x13f: {  	_ =	swait.ge [sflag:s0], $0x2000  }
0x140: {  	[sflag:s0] =	ssyncset.done $0x0  }
0x141: {  	s14 =	rddreg [dreg:$0xe];
	[sflag:s0] =	ssyncadd.s32 $0xFFFFE000  }
0x142: {  	[spmem:s1] =	stream.indirect.scatter.add.f32 [tilespmem:s22], [sflag:$0x9], $0x80, s14, s19, $0xb8;
	[tilespmem:$0x1F000] =	vst v63  }
0x143: {  	_ =	swait.ge [sflag:s2], $0x2000  }
0x144: {  	[sflag:s2] =	ssyncset.done $0x0  }
0x145: {  	s15 =	rddreg [dreg:$0xf];
	[sflag:s2] =	ssyncadd.s32 $0xFFFFE000  }
0x146: {  	[tilespmem:s22], [sflag:$0x4] =	stream.indirect.gather [hbm4b:s5+s19], $0x80, s15, s19, $0xb8;
	[tilespmem:$0x1F000] =	vst v63  }
0x147: {  	_ =	swait.ge [sflag:s6], $0x2000  }
0x148: {  	[sflag:s6] =	ssyncset.done $0x0  }
0x149: {  	s24 =	rddreg [dreg:$0x10];
	[sflag:s6] =	ssyncadd.s32 $0xFFFFE000  }
0x14a: {  	[spmem:s1] =	stream.indirect.scatter.add.f32 [tilespmem:s23], [sflag:$0xA], $0x80, s24, s19, $0xb8;
	[tilespmem:$0x1F000] =	vst v63  }
0x14b: {  	_ =	swait.ge [sflag:s7], $0x2000  }
0x14c: {  	[sflag:s7] =	ssyncset.done $0x0  }
0x14d: {  	[sflag:s7] =	ssyncadd.s32 $0xFFFFE000  }
0x14e: {  	[tilespmem:s23], [sflag:$0x5] =	stream.indirect.gather [hbm4b:s5+s19], $0x80, s8, s19, $0xb8;
	[tilespmem:$0x1F000] =	vst v63  }
0x14f: {  	_ =	swait.ge [sflag:s25], $0x2000  }
0x150: {  	[sflag:s25] =	ssyncset.done $0x0  }
0x151: {  	[sflag:s25] =	ssyncadd.s32 $0xFFFFE000  }
0x152: {  	[spmem:s1] =	stream.indirect.scatter.add.f32 [tilespmem:s16], [sflag:$0x6], $0x80, s9, s19, $0xb8;
	[tilespmem:$0x1F000] =	vst v63  }
0x153: {  	_ =	swait.ge [sflag:s28], $0x2000  }
0x154: {  	[sflag:s28] =	ssyncset.done $0x0  }
0x155: {  	[sflag:s28] =	ssyncadd.s32 $0xFFFFE000  }
0x156: {  	[spmem:s1] =	stream.indirect.scatter.add.f32 [tilespmem:s20], [sflag:$0x7], $0x80, s10, s19, $0xb8;
	[tilespmem:$0x1F000] =	vst v63  }
0x157: {  	_ =	swait.ge [sflag:s30], $0x2000  }
0x158: {  	[sflag:s30] =	ssyncset.done $0x0  }
0x159: {  	[sflag:s30] =	ssyncadd.s32 $0xFFFFE000  }
0x15a: {  	[spmem:s1] =	stream.indirect.scatter.add.f32 [tilespmem:s21], [sflag:$0x8], $0x80, s11, s19, $0xb8;
	[tilespmem:$0x1F000] =	vst v63  }
0x15b: {  	_ =	swait.ge [sflag:s0], $0x2000  }
0x15c: {  	[sflag:s0] =	ssyncset.done $0x0  }
0x15d: {  	[sflag:s0] =	ssyncadd.s32 $0xFFFFE000  }
0x15e: {  	[spmem:s1] =	stream.indirect.scatter.add.f32 [tilespmem:s22], [sflag:$0x9], $0x80, s12, s19, $0xb8;
	[tilespmem:$0x1F000] =	vst v63  }
0x15f: {  	_ =	swait.ge [sflag:s6], $0x2000  }
0x160: {  	[sflag:s6] =	ssyncset.done $0x0  }
0x161: {  	[sflag:s6] =	ssyncadd.s32 $0xFFFFE000  }
0x162: {  	[spmem:s1] =	stream.indirect.scatter.add.f32 [tilespmem:s23], [sflag:$0xA], $0x80, s13, s19, $0xb8;
	[tilespmem:$0x1F000] =	vst v63  }
0x163: {  	_ =	swait.ge [sflag:s26], $0x2000  }
0x164: {  	[sflag:s26] =	ssyncset.done $0x0  }
0x165: {  	[sflag:s26] =	ssyncadd.s32 $0xFFFFE000  }
0x166: {  	_ =	swait.ge [sflag:s29], $0x2000  }
0x167: {  	[sflag:s29] =	ssyncset.done $0x0  }
0x168: {  	[sflag:s29] =	ssyncadd.s32 $0xFFFFE000  }
0x169: {  	_ =	swait.ge [sflag:s31], $0x2000  }
0x16a: {  	[sflag:s31] =	ssyncset.done $0x0  }
0x16b: {  	[sflag:s31] =	ssyncadd.s32 $0xFFFFE000  }
0x16c: {  	_ =	swait.ge [sflag:s2], $0x2000  }
0x16d: {  	[sflag:s2] =	ssyncset.done $0x0  }
0x16e: {  	[sflag:s2] =	ssyncadd.s32 $0xFFFFE000  }
0x16f: {  	_ =	swait.ge [sflag:s7], $0x2000  }
0x170: {  	[sflag:s7] =	ssyncset.done $0x0  }
0x171: {  	[sflag:s7] =	ssyncadd.s32 $0xFFFFE000  }
0x172: {  	s14 =	stileid.u32;
	[bflag:$0x0] =	sbarrier.arrive $0xFFFF  }
0x173: {  	s4 =	sshll.u32 s14, $0x6;
	s15 =	rddreg [dreg:$0x11]  }
0x174: {  	s4 =	sor.u32 $0x1C0B, s4;
	s24 =	rddreg [dreg:$0x1c];
	s14 =	sshrl.u32 s15, $0x3  }
0x175: {  	[hbm:s24], [sflag:s4] =	dma.local [spmem:s14], $0x2800  }
0x176: {  	_ =	swait.ge [sflag:s17], $0x2800  }
0x177: {  	s15 =	rddreg [dreg:$0x1d]  }
0x178: {  	s24 =	rddreg [dreg:$0x12];
	s14 =	sadd.s32 $0x1, s15  }
0x179: {  	p0 =	sne.s32 s14, s24  }
.Ltmp2:
0x17a: {  	_ = 	snop;
	(pc) =	sbr.rel @p0 .LBB2_1-.Ltmp2, $3  }
0x17b: {  	_ =	sdelay $0x1  }
0x17c: {  	[sflag:s17] =	ssyncset.done $0x0  }
0x17d: {  	[sflag:s17] =	ssyncadd.s32 $0xFFFFD800  }
0x17e: {  	_ =	sfence.sel $0x180000  }
0x17f: {  	[bflag:$0x0] =	sbarrier.arrive $0xFFFF  }
0x180: {  	_ =	strace $0x90000050  }
0x181: {  	s0 =	stileid.u32;
	[bflag:$0x2] =	sbarrier.arrive $0xFFFF  }
0x182: {  	p0 =	sne.s32 s0, $0x0;
	s0 =	rddreg [dreg:$0x2]  }
0x183: {  	s0 =	sadd.s32 @!p0 $0x100000, s0  }
0x184: {  	[sflag:s0] =	ssyncadd.tile.s32 @!p0 $0x1;
	_ =	shalt  }
.Lfunc_end2:
_tile_overlayer_lowered:
.L_overlay_start_2:
0x185: {  	(tag) =	ssettag $0x2  }
0x186: {  	s0 =	rddreg [dreg:$0x0];
	s2 =	stileid.u32  }
0x187: {  	s1 =	rddreg [dreg:$0x1];
	p0 =	sne.s32 s2, $0x0  }
0x188: {  	s3 =	rddreg [dreg:$0x2];
	[bflag:$0x3] =	sbarrier.arrive $0xFFFF;
	s2 =	simm.s32 @!p0 $0x1C0B  }
0x189: {  	[timem:s3], [sflag:s2] =	dma.local @!p0 [hbm:s0], s1  }
0x18a: {  	s0 =	simm.s32 @!p0 $0xB  }
0x18b: {  	_ =	swait.ge @!p0 [sflag:s0], s1  }
0x18c: {  	s1 =	ssub.s32 @!p0 $0x0, s1;
	[sflag:s0] =	ssyncset.done @!p0 $0x0  }
0x18d: {  	[sflag:s0] =	ssyncadd.s32 @!p0 s1  }
0x18e: {  	[bflag:$0x3] =	sbarrier.arrive $0xFFFF  }
0x18f: {  	_ =	shalt  }

</sc_bundles>
